<compile_context>
chip_gen: v7x
topology: tpu7x:2x2x1
jax: 0.10.2.dev20260603
libtpu: 0.0.44.dev20260713+nightly
codegen_flags: <defaults>
</compile_context>

<pallas_src>
import jax
import jax.numpy as jnp
from jax import lax
from jax.experimental import pallas as pl
from jax.experimental.pallas import tpu as pltpu
from jax.experimental.pallas import tpu_sc as plsc

N = 10000
NP = 10240
E = 320000
D = 128
G = 64

NC = 2
NS = 16
NW = NC * NS
EW = E // NW
CHUNK = 80
NCHUNK = EW // CHUNK
RPT = NP // NS
IDXB = 25
DR = NP // 16
DRT = DR // NS

BLK = 1024
NBLK = NP // BLK


def _sc_body(src_hbm, dst_hbm, x_hbm, agg_out, degw_out,
             src_v, dst_v, rows0_v, rows1_v, rows2_v, deg_v, iot_v,
             agg_s, degw_s, sem, sem2, sem3, sem4, sem5, sem6):
    c = lax.axis_index("c")
    s = lax.axis_index("s")
    w = c * NS + s

    zeros = jnp.zeros((16,), jnp.float32)
    ones = jnp.ones((16,), jnp.float32)
    iota16 = lax.iota(jnp.int32, 16)

    def zrow(i, carry):
        for k in range(D // 16):
            rows0_v[i, pl.ds(k * 16, 16)] = zeros
        return carry
    lax.fori_loop(0, CHUNK, zrow, 0)

    def zdrow(i, carry):
        deg_v[i, :] = zeros
        return carry
    lax.fori_loop(0, DR, zdrow, 0)

    for r in range(DR // CHUNK):
        for g in range(CHUNK // 16):
            iot_v[r, pl.ds(g * 16, 16)] = iota16 + (r * CHUNK + g * 16)

    for t in range(RPT // CHUNK):
        pltpu.sync_copy(rows0_v, agg_s.at[pl.ds(s * RPT + t * CHUNK, CHUNK)])

    @pl.when(s == 0)
    def _zdeg():
        pltpu.sync_copy(deg_v, degw_s)
    plsc.subcore_barrier()

    def outer(t, carry):
        pltpu.sync_copy(src_hbm.at[w, pl.ds(t * IDXB, IDXB)], src_v)
        pltpu.sync_copy(dst_hbm.at[w, pl.ds(t * IDXB, IDXB)], dst_v)

        rows = (rows0_v, rows1_v, rows2_v)
        sems = (sem, sem2, sem3)
        ssems = (sem4, sem5, sem6)
        gathers = [pltpu.async_copy(x_hbm.at[src_v.at[0]], rows[0], sems[0]),
                   pltpu.async_copy(x_hbm.at[src_v.at[1]], rows[1], sems[1])]
        scat = [None, None, None]
        for j in range(IDXB):
            b = j % 3
            if j + 2 < IDXB:
                nb = (j + 2) % 3
                if scat[nb] is not None:
                    scat[nb].wait()
                gathers.append(pltpu.async_copy(
                    x_hbm.at[src_v.at[j + 2]], rows[nb], sems[nb]))
            gathers[j].wait()
            scat[b] = pltpu.async_copy(
                rows[b], agg_s.at[dst_v.at[j]], ssems[b], add=True)
            for g in range(CHUNK // 16):
                idx16 = dst_v[j, pl.ds(g * 16, 16)]
                plsc.addupdate_scatter(
                    deg_v, [lax.shift_right_logical(idx16, 4), idx16 & 15],
                    ones)
        for cp in scat:
            if cp is not None:
                cp.wait()
        return carry
    lax.fori_loop(0, NCHUNK // IDXB, outer, 0)

    for r in range(DR // CHUNK):
        pltpu.sync_copy(deg_v.at[pl.ds(r * CHUNK, CHUNK)],
                        degw_s.at[iot_v.at[r]], add=True)
    plsc.subcore_barrier()

    pltpu.sync_copy(agg_s.at[pl.ds(s * RPT, RPT)],
                    agg_out.at[c, pl.ds(s * RPT, RPT)])
    pltpu.sync_copy(degw_s.at[pl.ds(s * DRT, DRT)],
                    degw_out.at[c, pl.ds(s * DRT, DRT)])


def _sc_call(src3, dst3, x):
    mesh = plsc.VectorSubcoreMesh(core_axis_name="c", subcore_axis_name="s")
    return pl.kernel(
        _sc_body,
        out_type=(jax.ShapeDtypeStruct((NC, NP, D), jnp.float32),
                  jax.ShapeDtypeStruct((NC, DR, 16), jnp.float32)),
        mesh=mesh,
        compiler_params=pltpu.CompilerParams(use_tc_tiling_on_sc=False, needs_layout_passes=False),
        scratch_types=[
            pltpu.VMEM((IDXB, CHUNK), jnp.int32),
            pltpu.VMEM((IDXB, CHUNK), jnp.int32),
            pltpu.VMEM((CHUNK, D), jnp.float32),
            pltpu.VMEM((CHUNK, D), jnp.float32),
            pltpu.VMEM((CHUNK, D), jnp.float32),
            pltpu.VMEM((DR, 16), jnp.float32),
            pltpu.VMEM((DR // CHUNK, CHUNK), jnp.int32),
            pltpu.VMEM_SHARED((NP, D), jnp.float32),
            pltpu.VMEM_SHARED((DR, 16), jnp.float32),
            pltpu.SemaphoreType.DMA,
            pltpu.SemaphoreType.DMA,
            pltpu.SemaphoreType.DMA,
            pltpu.SemaphoreType.DMA,
            pltpu.SemaphoreType.DMA,
            pltpu.SemaphoreType.DMA,
        ],
    )(src3, dst3, x)


def _tc_body(aggp_ref, degp_ref, batch_ref, wg_ref, bg_ref, w1_ref, b1_ref,
             w2_ref, b2_ref, w3_ref, b3_ref, gr_ref, sc_ref,
             pooled_ref, counts_ref):
    i = pl.program_id(0)

    @pl.when(i == 0)
    def _init():
        pooled_ref[...] = jnp.zeros_like(pooled_ref)
        counts_ref[...] = jnp.zeros_like(counts_ref)

    aggsum = aggp_ref[0, :, :] + aggp_ref[1, :, :]
    deg = degp_ref[0, 0, 0, :] + degp_ref[1, 0, 0, :]
    agg = aggsum * (1.0 / jnp.maximum(deg, 1.0))[:, None]
    h = jnp.maximum(agg @ wg_ref[...] + bg_ref[...], 0.0)

    ids = batch_ref[0, 0, :]
    iota = lax.broadcasted_iota(jnp.int32, (BLK, 128), 1)
    onehot = (ids[:, None] == iota).astype(jnp.float32)
    pooled_ref[...] += lax.dot_general(
        onehot, h, (((0,), (0,)), ((), ())),
        precision=lax.Precision.HIGHEST,
        preferred_element_type=jnp.float32)
    counts_ref[...] += jnp.sum(onehot, axis=0, keepdims=True)

    @pl.when(i == NBLK - 1)
    def _fin():
        cnt = jnp.maximum(counts_ref[0, :], 1.0)
        gr = pooled_ref[...] * (1.0 / cnt)[:, None]
        s1 = jnp.maximum(gr @ w1_ref[...] + b1_ref[...], 0.0)
        s2 = jnp.maximum(s1 @ w2_ref[...] + b2_ref[...], 0.0)
        sc = s2 @ w3_ref[...] + b3_ref[...]
        gr_ref[...] = gr[:G, :]
        sc_ref[...] = sc[:G, :1]


def _tc_call(aggp, degp, batch3, W_gnn, bg2, W1, b12, W2, b22, W3p, b3p):
    wspec = pl.BlockSpec((D, D), lambda i: (0, 0))
    bspec = pl.BlockSpec((1, D), lambda i: (0, 0))
    return pl.pallas_call(
        _tc_body,
        grid=(NBLK,),
        in_specs=[
            pl.BlockSpec((NC, BLK, D), lambda i: (0, i, 0)),
            pl.BlockSpec((NC, 1, 1, BLK), lambda i: (0, i, 0, 0)),
            pl.BlockSpec((1, 1, BLK), lambda i: (i, 0, 0)),
            wspec, bspec, wspec, bspec, wspec, bspec, wspec, bspec,
        ],
        out_specs=[pl.BlockSpec((G, D), lambda i: (0, 0)),
                   pl.BlockSpec((G, 1), lambda i: (0, 0))],
        out_shape=[jax.ShapeDtypeStruct((G, D), jnp.float32),
                   jax.ShapeDtypeStruct((G, 1), jnp.float32)],
        scratch_shapes=[pltpu.VMEM((128, D), jnp.float32),
                        pltpu.VMEM((1, 128), jnp.float32)],
    )(aggp, degp, batch3, W_gnn, bg2, W1, b12, W2, b22, W3p, b3p)


def kernel(x, edge_index, batch, W_gnn, b_gnn, W1, b1, W2, b2, W3, b3):
    src3 = edge_index[0].reshape(NW, NCHUNK, CHUNK)
    dst3 = edge_index[1].reshape(NW, NCHUNK, CHUNK)
    aggp, degw = _sc_call(src3, dst3, x)
    degp = degw.reshape(NC, NBLK, 1, BLK)
    batch3 = jnp.concatenate(
        [batch, jnp.full((NP - N,), 127, jnp.int32)]).reshape(NBLK, 1, BLK)
    bg2 = b_gnn.reshape(1, D)
    b12 = b1.reshape(1, D)
    b22 = b2.reshape(1, D)
    W3p = jnp.pad(W3, ((0, 0), (0, D - 1)))
    b3p = jnp.pad(b3, (0, D - 1)).reshape(1, D)
    gr, sc = _tc_call(aggp, degp, batch3, W_gnn, bg2, W1, b12, W2, b22,
                      W3p, b3p)
    return gr, sc

# --- scband reference (transcript-rebuilt; emitter-appended) ---
"""Pipeline reference for scband-dsla-90649579750213 (READ-ONLY COPY).

The authoritative reference and input builder live on the scoring server;
editing this copy changes nothing except your own understanding.
"""

import jax, jax.numpy as jnp
import numpy as np

N = 10000   # nodes
E = 320000  # edges
D = 128     # emb_dim / d_feat
G = 64      # number of graphs in batch


def setup_inputs(seed: int = 0) -> dict:
    key = jax.random.key(seed)
    ks = jax.random.split(key, 12)
    x = jax.random.normal(ks[0], (N, D), dtype=jnp.float32)
    edge_index = jax.random.randint(ks[1], (2, E), 0, N, dtype=jnp.int32)
    batch = jnp.sort(jax.random.randint(ks[2], (N,), 0, G, dtype=jnp.int32))
    s = 1.0 / np.sqrt(D)
    W_gnn = jax.random.normal(ks[3], (D, D), dtype=jnp.float32) * s
    b_gnn = jnp.zeros((D,), dtype=jnp.float32)
    W1 = jax.random.normal(ks[4], (D, D), dtype=jnp.float32) * s
    b1 = jnp.zeros((D,), dtype=jnp.float32)
    W2 = jax.random.normal(ks[5], (D, D), dtype=jnp.float32) * s
    b2 = jnp.zeros((D,), dtype=jnp.float32)
    W3 = jax.random.normal(ks[6], (D, 1), dtype=jnp.float32) * s
    b3 = jnp.zeros((1,), dtype=jnp.float32)
    return {"x": x, "edge_index": edge_index, "batch": batch,
            "W_gnn": W_gnn, "b_gnn": b_gnn,
            "W1": W1, "b1": b1, "W2": W2, "b2": b2, "W3": W3, "b3": b3}


def reference(x, edge_index, batch, W_gnn, b_gnn, W1, b1, W2, b2, W3, b3):
    # --- gnn: one mean-aggregation message-passing layer ---
    src = edge_index[0]
    dst = edge_index[1]
    msg = x[src]                                   # gather  [E, D]
    agg = jax.ops.segment_sum(msg, dst, num_segments=N)   # scatter-add [N, D]
    deg = jax.ops.segment_sum(jnp.ones((E,), dtype=x.dtype), dst, num_segments=N)
    agg = agg / jnp.maximum(deg, 1.0)[:, None]
    h = jax.nn.relu(agg @ W_gnn + b_gnn)           # [N, D]
    # --- global_mean_pool over batch ids ---
    pooled = jax.ops.segment_sum(h, batch, num_segments=G)  # [G, D]
    counts = jax.ops.segment_sum(jnp.ones((N,), dtype=h.dtype), batch, num_segments=G)
    graph_rep = pooled / jnp.maximum(counts, 1.0)[:, None]
    # --- score_func: Linear-ReLU-Linear-ReLU-Linear(->1) ---
    s = jax.nn.relu(graph_rep @ W1 + b1)
    s = jax.nn.relu(s @ W2 + b2)
    scores = s @ W3 + b3                            # [G, 1]
    return graph_rep, scores

if __name__ == "__main__":
    import jax
    _d = setup_inputs()
    print(jax.jit(kernel)(*tuple(_d.values())))

</pallas_src>

<mosaic_0001>
#map = affine_map<(d0, d1) -> (0, 0, 0)>
#map1 = affine_map<(d0, d1) -> (0, 0)>
module attributes {stable_mosaic.version = 14 : i64} {
  func.func @_sc_body(%arg0: i32, %arg1: i32, %arg2: memref<32x125x80xi32, #tpu.memory_space<hbm>>, %arg3: memref<32x125x80xi32, #tpu.memory_space<hbm>>, %arg4: memref<10000x128xf32, #tpu.memory_space<hbm>>, %arg5: memref<2x10240x128xf32, #tpu.memory_space<hbm>>, %arg6: memref<2x640x16xf32, #tpu.memory_space<hbm>>, %arg7: memref<25x80xi32, #tpu.memory_space<vmem>>, %arg8: memref<25x80xi32, #tpu.memory_space<vmem>>, %arg9: memref<80x128xf32, #tpu.memory_space<vmem>>, %arg10: memref<80x128xf32, #tpu.memory_space<vmem>>, %arg11: memref<80x128xf32, #tpu.memory_space<vmem>>, %arg12: memref<640x16xf32, #tpu.memory_space<vmem>>, %arg13: memref<8x80xi32, #tpu.memory_space<vmem>>, %arg14: memref<10240x128xf32, #tpu.memory_space<vmem_shared>>, %arg15: memref<640x16xf32, #tpu.memory_space<vmem_shared>>, %arg16: memref<!tpu.dma_semaphore, #tpu.memory_space<semaphore_mem>>, %arg17: memref<!tpu.dma_semaphore, #tpu.memory_space<semaphore_mem>>, %arg18: memref<!tpu.dma_semaphore, #tpu.memory_space<semaphore_mem>>, %arg19: memref<!tpu.dma_semaphore, #tpu.memory_space<semaphore_mem>>, %arg20: memref<!tpu.dma_semaphore, #tpu.memory_space<semaphore_mem>>, %arg21: memref<!tpu.dma_semaphore, #tpu.memory_space<semaphore_mem>>) attributes {dimension_semantics = [#tpu.dimension_semantics<core_parallel>, #tpu.dimension_semantics<subcore_parallel>], iteration_bounds = array<i64: 2, 16>, scalar_prefetch = 0 : i64, scratch_operands = 15 : i64, tpu.core_type = #tpu.core_type<sc_vector_subcore>, window_params = [{transform_indices = #map}, {transform_indices = #map}, {transform_indices = #map1}, {transform_indices = #map}, {transform_indices = #map}]} {
    %mul3A = arith.constant 16 : i32
    %mul3A_0 = arith.muli %arg0, %mul3A : i32
    %add3A = arith.addi %mul3A_0, %arg1 : i32
    %broadcast_in_dim3A = arith.constant 0.000000e+00 : f32
    %broadcast_in_dim3A_1 = vector.broadcast %broadcast_in_dim3A : f32 to vector<16xf32>
    %broadcast_in_dim3A_2 = arith.constant 1.000000e+00 : f32
    %broadcast_in_dim3A_3 = vector.broadcast %broadcast_in_dim3A_2 : f32 to vector<16xf32>
    %iota3A = tpu.iota {dimensions = array<i32: 0>} : vector<16xi32>
    %scan3A = arith.constant 0 : i32
    %scan3A_4 = arith.constant 0 : i32
    %scan3A_5 = arith.constant 80 : i32
    %scan3A_6 = arith.addi %scan3A_4, %scan3A_5 : i32
    %scan3A_7 = arith.constant 1 : i32
    scf.for %scan3A_350 = %scan3A_4 to %scan3A_6 step %scan3A_7  : i32 {
      %swap3A_351 = arith.index_cast %scan3A_350 : i32 to index
      %swap3A_352 = arith.constant 0 : index
      %swap3A_353 = tpu.vector_load %arg9[%swap3A_351, %swap3A_352] {strides = array<i32>} : memref<80x128xf32, #tpu.memory_space<vmem>>, vector<16xf32>,
      tpu.vector_store %arg9[%swap3A_351, %swap3A_352], %broadcast_in_dim3A_1 {strides = array<i32>} : memref<80x128xf32, #tpu.memory_space<vmem>>, vector<16xf32>,
      %swap3A_354 = arith.index_cast %scan3A_350 : i32 to index
      %swap3A_355 = arith.constant 16 : index
      %swap3A_356 = tpu.vector_load %arg9[%swap3A_354, %swap3A_355] {strides = array<i32>} : memref<80x128xf32, #tpu.memory_space<vmem>>, vector<16xf32>,
      tpu.vector_store %arg9[%swap3A_354, %swap3A_355], %broadcast_in_dim3A_1 {strides = array<i32>} : memref<80x128xf32, #tpu.memory_space<vmem>>, vector<16xf32>,
      %swap3A_357 = arith.index_cast %scan3A_350 : i32 to index
      %swap3A_358 = arith.constant 32 : index
      %swap3A_359 = tpu.vector_load %arg9[%swap3A_357, %swap3A_358] {strides = array<i32>} : memref<80x128xf32, #tpu.memory_space<vmem>>, vector<16xf32>,
      tpu.vector_store %arg9[%swap3A_357, %swap3A_358], %broadcast_in_dim3A_1 {strides = array<i32>} : memref<80x128xf32, #tpu.memory_space<vmem>>, vector<16xf32>,
      %swap3A_360 = arith.index_cast %scan3A_350 : i32 to index
      %swap3A_361 = arith.constant 48 : index
      %swap3A_362 = tpu.vector_load %arg9[%swap3A_360, %swap3A_361] {strides = array<i32>} : memref<80x128xf32, #tpu.memory_space<vmem>>, vector<16xf32>,
      tpu.vector_store %arg9[%swap3A_360, %swap3A_361], %broadcast_in_dim3A_1 {strides = array<i32>} : memref<80x128xf32, #tpu.memory_space<vmem>>, vector<16xf32>,
      %swap3A_363 = arith.index_cast %scan3A_350 : i32 to index
      %swap3A_364 = arith.constant 64 : index
      %swap3A_365 = tpu.vector_load %arg9[%swap3A_363, %swap3A_364] {strides = array<i32>} : memref<80x128xf32, #tpu.memory_space<vmem>>, vector<16xf32>,
      tpu.vector_store %arg9[%swap3A_363, %swap3A_364], %broadcast_in_dim3A_1 {strides = array<i32>} : memref<80x128xf32, #tpu.memory_space<vmem>>, vector<16xf32>,
      %swap3A_366 = arith.index_cast %scan3A_350 : i32 to index
      %swap3A_367 = arith.constant 80 : index
      %swap3A_368 = tpu.vector_load %arg9[%swap3A_366, %swap3A_367] {strides = array<i32>} : memref<80x128xf32, #tpu.memory_space<vmem>>, vector<16xf32>,
      tpu.vector_store %arg9[%swap3A_366, %swap3A_367], %broadcast_in_dim3A_1 {strides = array<i32>} : memref<80x128xf32, #tpu.memory_space<vmem>>, vector<16xf32>,
      %swap3A_369 = arith.index_cast %scan3A_350 : i32 to index
      %swap3A_370 = arith.constant 96 : index
      %swap3A_371 = tpu.vector_load %arg9[%swap3A_369, %swap3A_370] {strides = array<i32>} : memref<80x128xf32, #tpu.memory_space<vmem>>, vector<16xf32>,
      tpu.vector_store %arg9[%swap3A_369, %swap3A_370], %broadcast_in_dim3A_1 {strides = array<i32>} : memref<80x128xf32, #tpu.memory_space<vmem>>, vector<16xf32>,
      %swap3A_372 = arith.index_cast %scan3A_350 : i32 to index
      %swap3A_373 = arith.constant 112 : index
      %swap3A_374 = tpu.vector_load %arg9[%swap3A_372, %swap3A_373] {strides = array<i32>} : memref<80x128xf32, #tpu.memory_space<vmem>>, vector<16xf32>,
      tpu.vector_store %arg9[%swap3A_372, %swap3A_373], %broadcast_in_dim3A_1 {strides = array<i32>} : memref<80x128xf32, #tpu.memory_space<vmem>>, vector<16xf32>,
    }
    %scan3A_8 = arith.constant 80 : i32
    %scan3A_9 = arith.constant 0 : i32
    %scan3A_10 = arith.constant 0 : i32
    %scan3A_11 = arith.constant 640 : i32
    %scan3A_12 = arith.addi %scan3A_10, %scan3A_11 : i32
    %scan3A_13 = arith.constant 1 : i32
    scf.for %scan3A_350 = %scan3A_10 to %scan3A_12 step %scan3A_13  : i32 {
      %swap3A_351 = arith.index_cast %scan3A_350 : i32 to index
      %swap3A_352 = arith.constant 0 : index
      %swap3A_353 = tpu.vector_load %arg12[%swap3A_351, %swap3A_352] {strides = array<i32>} : memref<640x16xf32, #tpu.memory_space<vmem>>, vector<16xf32>,
      tpu.vector_store %arg12[%swap3A_351, %swap3A_352], %broadcast_in_dim3A_1 {strides = array<i32>} : memref<640x16xf32, #tpu.memory_space<vmem>>, vector<16xf32>,
    }
    %scan3A_14 = arith.constant 640 : i32
    %add3A_15 = arith.constant 0 : i32
    %add3A_16 = vector.broadcast %add3A_15 : i32 to vector<16xi32>
    %add3A_17 = arith.addi %iota3A, %add3A_16 : vector<16xi32>
    %swap3A = arith.constant 0 : i32
    %swap3A_18 = arith.index_cast %swap3A : i32 to index
    %swap3A_19 = arith.constant 0 : index
    %swap3A_20 = tpu.vector_load %arg13[%swap3A_18, %swap3A_19] {strides = array<i32>} : memref<8x80xi32, #tpu.memory_space<vmem>>, vector<16xi32>,
    tpu.vector_store %arg13[%swap3A_18, %swap3A_19], %add3A_17 {strides = array<i32>} : memref<8x80xi32, #tpu.memory_space<vmem>>, vector<16xi32>,
    %add3A_21 = arith.constant 16 : i32
    %add3A_22 = vector.broadcast %add3A_21 : i32 to vector<16xi32>
    %add3A_23 = arith.addi %iota3A, %add3A_22 : vector<16xi32>
    %swap3A_24 = arith.constant 0 : i32
    %swap3A_25 = arith.index_cast %swap3A_24 : i32 to index
    %swap3A_26 = arith.constant 16 : index
    %swap3A_27 = tpu.vector_load %arg13[%swap3A_25, %swap3A_26] {strides = array<i32>} : memref<8x80xi32, #tpu.memory_space<vmem>>, vector<16xi32>,
    tpu.vector_store %arg13[%swap3A_25, %swap3A_26], %add3A_23 {strides = array<i32>} : memref<8x80xi32, #tpu.memory_space<vmem>>, vector<16xi32>,
    %add3A_28 = arith.constant 32 : i32
    %add3A_29 = vector.broadcast %add3A_28 : i32 to vector<16xi32>
    %add3A_30 = arith.addi %iota3A, %add3A_29 : vector<16xi32>
    %swap3A_31 = arith.constant 0 : i32
    %swap3A_32 = arith.index_cast %swap3A_31 : i32 to index
    %swap3A_33 = arith.constant 32 : index
    %swap3A_34 = tpu.vector_load %arg13[%swap3A_32, %swap3A_33] {strides = array<i32>} : memref<8x80xi32, #tpu.memory_space<vmem>>, vector<16xi32>,
    tpu.vector_store %arg13[%swap3A_32, %swap3A_33], %add3A_30 {strides = array<i32>} : memref<8x80xi32, #tpu.memory_space<vmem>>, vector<16xi32>,
    %add3A_35 = arith.constant 48 : i32
    %add3A_36 = vector.broadcast %add3A_35 : i32 to vector<16xi32>
    %add3A_37 = arith.addi %iota3A, %add3A_36 : vector<16xi32>
    %swap3A_38 = arith.constant 0 : i32
    %swap3A_39 = arith.index_cast %swap3A_38 : i32 to index
    %swap3A_40 = arith.constant 48 : index
    %swap3A_41 = tpu.vector_load %arg13[%swap3A_39, %swap3A_40] {strides = array<i32>} : memref<8x80xi32, #tpu.memory_space<vmem>>, vector<16xi32>,
    tpu.vector_store %arg13[%swap3A_39, %swap3A_40], %add3A_37 {strides = array<i32>} : memref<8x80xi32, #tpu.memory_space<vmem>>, vector<16xi32>,
    %add3A_42 = arith.constant 64 : i32
    %add3A_43 = vector.broadcast %add3A_42 : i32 to vector<16xi32>
    %add3A_44 = arith.addi %iota3A, %add3A_43 : vector<16xi32>
    %swap3A_45 = arith.constant 0 : i32
    %swap3A_46 = arith.index_cast %swap3A_45 : i32 to index
    %swap3A_47 = arith.constant 64 : index
    %swap3A_48 = tpu.vector_load %arg13[%swap3A_46, %swap3A_47] {strides = array<i32>} : memref<8x80xi32, #tpu.memory_space<vmem>>, vector<16xi32>,
    tpu.vector_store %arg13[%swap3A_46, %swap3A_47], %add3A_44 {strides = array<i32>} : memref<8x80xi32, #tpu.memory_space<vmem>>, vector<16xi32>,
    %add3A_49 = arith.constant 80 : i32
    %add3A_50 = vector.broadcast %add3A_49 : i32 to vector<16xi32>
    %add3A_51 = arith.addi %iota3A, %add3A_50 : vector<16xi32>
    %swap3A_52 = arith.constant 1 : i32
    %swap3A_53 = arith.index_cast %swap3A_52 : i32 to index
    %swap3A_54 = arith.constant 0 : index
    %swap3A_55 = tpu.vector_load %arg13[%swap3A_53, %swap3A_54] {strides = array<i32>} : memref<8x80xi32, #tpu.memory_space<vmem>>, vector<16xi32>,
    tpu.vector_store %arg13[%swap3A_53, %swap3A_54], %add3A_51 {strides = array<i32>} : memref<8x80xi32, #tpu.memory_space<vmem>>, vector<16xi32>,
    %add3A_56 = arith.constant 96 : i32
    %add3A_57 = vector.broadcast %add3A_56 : i32 to vector<16xi32>
    %add3A_58 = arith.addi %iota3A, %add3A_57 : vector<16xi32>
    %swap3A_59 = arith.constant 1 : i32
    %swap3A_60 = arith.index_cast %swap3A_59 : i32 to index
    %swap3A_61 = arith.constant 16 : index
    %swap3A_62 = tpu.vector_load %arg13[%swap3A_60, %swap3A_61] {strides = array<i32>} : memref<8x80xi32, #tpu.memory_space<vmem>>, vector<16xi32>,
    tpu.vector_store %arg13[%swap3A_60, %swap3A_61], %add3A_58 {strides = array<i32>} : memref<8x80xi32, #tpu.memory_space<vmem>>, vector<16xi32>,
    %add3A_63 = arith.constant 112 : i32
    %add3A_64 = vector.broadcast %add3A_63 : i32 to vector<16xi32>
    %add3A_65 = arith.addi %iota3A, %add3A_64 : vector<16xi32>
    %swap3A_66 = arith.constant 1 : i32
    %swap3A_67 = arith.index_cast %swap3A_66 : i32 to index
    %swap3A_68 = arith.constant 32 : index
    %swap3A_69 = tpu.vector_load %arg13[%swap3A_67, %swap3A_68] {strides = array<i32>} : memref<8x80xi32, #tpu.memory_space<vmem>>, vector<16xi32>,
    tpu.vector_store %arg13[%swap3A_67, %swap3A_68], %add3A_65 {strides = array<i32>} : memref<8x80xi32, #tpu.memory_space<vmem>>, vector<16xi32>,
    %add3A_70 = arith.constant 128 : i32
    %add3A_71 = vector.broadcast %add3A_70 : i32 to vector<16xi32>
    %add3A_72 = arith.addi %iota3A, %add3A_71 : vector<16xi32>
    %swap3A_73 = arith.constant 1 : i32
    %swap3A_74 = arith.index_cast %swap3A_73 : i32 to index
    %swap3A_75 = arith.constant 48 : index
    %swap3A_76 = tpu.vector_load %arg13[%swap3A_74, %swap3A_75] {strides = array<i32>} : memref<8x80xi32, #tpu.memory_space<vmem>>, vector<16xi32>,
    tpu.vector_store %arg13[%swap3A_74, %swap3A_75], %add3A_72 {strides = array<i32>} : memref<8x80xi32, #tpu.memory_space<vmem>>, vector<16xi32>,
    %add3A_77 = arith.constant 144 : i32
    %add3A_78 = vector.broadcast %add3A_77 : i32 to vector<16xi32>
    %add3A_79 = arith.addi %iota3A, %add3A_78 : vector<16xi32>
    %swap3A_80 = arith.constant 1 : i32
    %swap3A_81 = arith.index_cast %swap3A_80 : i32 to index
    %swap3A_82 = arith.constant 64 : index
    %swap3A_83 = tpu.vector_load %arg13[%swap3A_81, %swap3A_82] {strides = array<i32>} : memref<8x80xi32, #tpu.memory_space<vmem>>, vector<16xi32>,
    tpu.vector_store %arg13[%swap3A_81, %swap3A_82], %add3A_79 {strides = array<i32>} : memref<8x80xi32, #tpu.memory_space<vmem>>, vector<16xi32>,
    %add3A_84 = arith.constant 160 : i32
    %add3A_85 = vector.broadcast %add3A_84 : i32 to vector<16xi32>
    %add3A_86 = arith.addi %iota3A, %add3A_85 : vector<16xi32>
    %swap3A_87 = arith.constant 2 : i32
    %swap3A_88 = arith.index_cast %swap3A_87 : i32 to index
    %swap3A_89 = arith.constant 0 : index
    %swap3A_90 = tpu.vector_load %arg13[%swap3A_88, %swap3A_89] {strides = array<i32>} : memref<8x80xi32, #tpu.memory_space<vmem>>, vector<16xi32>,
    tpu.vector_store %arg13[%swap3A_88, %swap3A_89], %add3A_86 {strides = array<i32>} : memref<8x80xi32, #tpu.memory_space<vmem>>, vector<16xi32>,
    %add3A_91 = arith.constant 176 : i32
    %add3A_92 = vector.broadcast %add3A_91 : i32 to vector<16xi32>
    %add3A_93 = arith.addi %iota3A, %add3A_92 : vector<16xi32>
    %swap3A_94 = arith.constant 2 : i32
    %swap3A_95 = arith.index_cast %swap3A_94 : i32 to index
    %swap3A_96 = arith.constant 16 : index
    %swap3A_97 = tpu.vector_load %arg13[%swap3A_95, %swap3A_96] {strides = array<i32>} : memref<8x80xi32, #tpu.memory_space<vmem>>, vector<16xi32>,
    tpu.vector_store %arg13[%swap3A_95, %swap3A_96], %add3A_93 {strides = array<i32>} : memref<8x80xi32, #tpu.memory_space<vmem>>, vector<16xi32>,
    %add3A_98 = arith.constant 192 : i32
    %add3A_99 = vector.broadcast %add3A_98 : i32 to vector<16xi32>
    %add3A_100 = arith.addi %iota3A, %add3A_99 : vector<16xi32>
    %swap3A_101 = arith.constant 2 : i32
    %swap3A_102 = arith.index_cast %swap3A_101 : i32 to index
    %swap3A_103 = arith.constant 32 : index
    %swap3A_104 = tpu.vector_load %arg13[%swap3A_102, %swap3A_103] {strides = array<i32>} : memref<8x80xi32, #tpu.memory_space<vmem>>, vector<16xi32>,
    tpu.vector_store %arg13[%swap3A_102, %swap3A_103], %add3A_100 {strides = array<i32>} : memref<8x80xi32, #tpu.memory_space<vmem>>, vector<16xi32>,
    %add3A_105 = arith.constant 208 : i32
    %add3A_106 = vector.broadcast %add3A_105 : i32 to vector<16xi32>
    %add3A_107 = arith.addi %iota3A, %add3A_106 : vector<16xi32>
    %swap3A_108 = arith.constant 2 : i32
    %swap3A_109 = arith.index_cast %swap3A_108 : i32 to index
    %swap3A_110 = arith.constant 48 : index
    %swap3A_111 = tpu.vector_load %arg13[%swap3A_109, %swap3A_110] {strides = array<i32>} : memref<8x80xi32, #tpu.memory_space<vmem>>, vector<16xi32>,
    tpu.vector_store %arg13[%swap3A_109, %swap3A_110], %add3A_107 {strides = array<i32>} : memref<8x80xi32, #tpu.memory_space<vmem>>, vector<16xi32>,
    %add3A_112 = arith.constant 224 : i32
    %add3A_113 = vector.broadcast %add3A_112 : i32 to vector<16xi32>
    %add3A_114 = arith.addi %iota3A, %add3A_113 : vector<16xi32>
    %swap3A_115 = arith.constant 2 : i32
    %swap3A_116 = arith.index_cast %swap3A_115 : i32 to index
    %swap3A_117 = arith.constant 64 : index
    %swap3A_118 = tpu.vector_load %arg13[%swap3A_116, %swap3A_117] {strides = array<i32>} : memref<8x80xi32, #tpu.memory_space<vmem>>, vector<16xi32>,
    tpu.vector_store %arg13[%swap3A_116, %swap3A_117], %add3A_114 {strides = array<i32>} : memref<8x80xi32, #tpu.memory_space<vmem>>, vector<16xi32>,
    %add3A_119 = arith.constant 240 : i32
    %add3A_120 = vector.broadcast %add3A_119 : i32 to vector<16xi32>
    %add3A_121 = arith.addi %iota3A, %add3A_120 : vector<16xi32>
    %swap3A_122 = arith.constant 3 : i32
    %swap3A_123 = arith.index_cast %swap3A_122 : i32 to index
    %swap3A_124 = arith.constant 0 : index
    %swap3A_125 = tpu.vector_load %arg13[%swap3A_123, %swap3A_124] {strides = array<i32>} : memref<8x80xi32, #tpu.memory_space<vmem>>, vector<16xi32>,
    tpu.vector_store %arg13[%swap3A_123, %swap3A_124], %add3A_121 {strides = array<i32>} : memref<8x80xi32, #tpu.memory_space<vmem>>, vector<16xi32>,
    %add3A_126 = arith.constant 256 : i32
    %add3A_127 = vector.broadcast %add3A_126 : i32 to vector<16xi32>
    %add3A_128 = arith.addi %iota3A, %add3A_127 : vector<16xi32>
    %swap3A_129 = arith.constant 3 : i32
    %swap3A_130 = arith.index_cast %swap3A_129 : i32 to index
    %swap3A_131 = arith.constant 16 : index
    %swap3A_132 = tpu.vector_load %arg13[%swap3A_130, %swap3A_131] {strides = array<i32>} : memref<8x80xi32, #tpu.memory_space<vmem>>, vector<16xi32>,
    tpu.vector_store %arg13[%swap3A_130, %swap3A_131], %add3A_128 {strides = array<i32>} : memref<8x80xi32, #tpu.memory_space<vmem>>, vector<16xi32>,
    %add3A_133 = arith.constant 272 : i32
    %add3A_134 = vector.broadcast %add3A_133 : i32 to vector<16xi32>
    %add3A_135 = arith.addi %iota3A, %add3A_134 : vector<16xi32>
    %swap3A_136 = arith.constant 3 : i32
    %swap3A_137 = arith.index_cast %swap3A_136 : i32 to index
    %swap3A_138 = arith.constant 32 : index
    %swap3A_139 = tpu.vector_load %arg13[%swap3A_137, %swap3A_138] {strides = array<i32>} : memref<8x80xi32, #tpu.memory_space<vmem>>, vector<16xi32>,
    tpu.vector_store %arg13[%swap3A_137, %swap3A_138], %add3A_135 {strides = array<i32>} : memref<8x80xi32, #tpu.memory_space<vmem>>, vector<16xi32>,
    %add3A_140 = arith.constant 288 : i32
    %add3A_141 = vector.broadcast %add3A_140 : i32 to vector<16xi32>
    %add3A_142 = arith.addi %iota3A, %add3A_141 : vector<16xi32>
    %swap3A_143 = arith.constant 3 : i32
    %swap3A_144 = arith.index_cast %swap3A_143 : i32 to index
    %swap3A_145 = arith.constant 48 : index
    %swap3A_146 = tpu.vector_load %arg13[%swap3A_144, %swap3A_145] {strides = array<i32>} : memref<8x80xi32, #tpu.memory_space<vmem>>, vector<16xi32>,
    tpu.vector_store %arg13[%swap3A_144, %swap3A_145], %add3A_142 {strides = array<i32>} : memref<8x80xi32, #tpu.memory_space<vmem>>, vector<16xi32>,
    %add3A_147 = arith.constant 304 : i32
    %add3A_148 = vector.broadcast %add3A_147 : i32 to vector<16xi32>
    %add3A_149 = arith.addi %iota3A, %add3A_148 : vector<16xi32>
    %swap3A_150 = arith.constant 3 : i32
    %swap3A_151 = arith.index_cast %swap3A_150 : i32 to index
    %swap3A_152 = arith.constant 64 : index
    %swap3A_153 = tpu.vector_load %arg13[%swap3A_151, %swap3A_152] {strides = array<i32>} : memref<8x80xi32, #tpu.memory_space<vmem>>, vector<16xi32>,
    tpu.vector_store %arg13[%swap3A_151, %swap3A_152], %add3A_149 {strides = array<i32>} : memref<8x80xi32, #tpu.memory_space<vmem>>, vector<16xi32>,
    %add3A_154 = arith.constant 320 : i32
    %add3A_155 = vector.broadcast %add3A_154 : i32 to vector<16xi32>
    %add3A_156 = arith.addi %iota3A, %add3A_155 : vector<16xi32>
    %swap3A_157 = arith.constant 4 : i32
    %swap3A_158 = arith.index_cast %swap3A_157 : i32 to index
    %swap3A_159 = arith.constant 0 : index
    %swap3A_160 = tpu.vector_load %arg13[%swap3A_158, %swap3A_159] {strides = array<i32>} : memref<8x80xi32, #tpu.memory_space<vmem>>, vector<16xi32>,
    tpu.vector_store %arg13[%swap3A_158, %swap3A_159], %add3A_156 {strides = array<i32>} : memref<8x80xi32, #tpu.memory_space<vmem>>, vector<16xi32>,
    %add3A_161 = arith.constant 336 : i32
    %add3A_162 = vector.broadcast %add3A_161 : i32 to vector<16xi32>
    %add3A_163 = arith.addi %iota3A, %add3A_162 : vector<16xi32>
    %swap3A_164 = arith.constant 4 : i32
    %swap3A_165 = arith.index_cast %swap3A_164 : i32 to index
    %swap3A_166 = arith.constant 16 : index
    %swap3A_167 = tpu.vector_load %arg13[%swap3A_165, %swap3A_166] {strides = array<i32>} : memref<8x80xi32, #tpu.memory_space<vmem>>, vector<16xi32>,
    tpu.vector_store %arg13[%swap3A_165, %swap3A_166], %add3A_163 {strides = array<i32>} : memref<8x80xi32, #tpu.memory_space<vmem>>, vector<16xi32>,
    %add3A_168 = arith.constant 352 : i32
    %add3A_169 = vector.broadcast %add3A_168 : i32 to vector<16xi32>
    %add3A_170 = arith.addi %iota3A, %add3A_169 : vector<16xi32>
    %swap3A_171 = arith.constant 4 : i32
    %swap3A_172 = arith.index_cast %swap3A_171 : i32 to index
    %swap3A_173 = arith.constant 32 : index
    %swap3A_174 = tpu.vector_load %arg13[%swap3A_172, %swap3A_173] {strides = array<i32>} : memref<8x80xi32, #tpu.memory_space<vmem>>, vector<16xi32>,
    tpu.vector_store %arg13[%swap3A_172, %swap3A_173], %add3A_170 {strides = array<i32>} : memref<8x80xi32, #tpu.memory_space<vmem>>, vector<16xi32>,
    %add3A_175 = arith.constant 368 : i32
    %add3A_176 = vector.broadcast %add3A_175 : i32 to vector<16xi32>
    %add3A_177 = arith.addi %iota3A, %add3A_176 : vector<16xi32>
    %swap3A_178 = arith.constant 4 : i32
    %swap3A_179 = arith.index_cast %swap3A_178 : i32 to index
    %swap3A_180 = arith.constant 48 : index
    %swap3A_181 = tpu.vector_load %arg13[%swap3A_179, %swap3A_180] {strides = array<i32>} : memref<8x80xi32, #tpu.memory_space<vmem>>, vector<16xi32>,
    tpu.vector_store %arg13[%swap3A_179, %swap3A_180], %add3A_177 {strides = array<i32>} : memref<8x80xi32, #tpu.memory_space<vmem>>, vector<16xi32>,
    %add3A_182 = arith.constant 384 : i32
    %add3A_183 = vector.broadcast %add3A_182 : i32 to vector<16xi32>
    %add3A_184 = arith.addi %iota3A, %add3A_183 : vector<16xi32>
    %swap3A_185 = arith.constant 4 : i32
    %swap3A_186 = arith.index_cast %swap3A_185 : i32 to index
    %swap3A_187 = arith.constant 64 : index
    %swap3A_188 = tpu.vector_load %arg13[%swap3A_186, %swap3A_187] {strides = array<i32>} : memref<8x80xi32, #tpu.memory_space<vmem>>, vector<16xi32>,
    tpu.vector_store %arg13[%swap3A_186, %swap3A_187], %add3A_184 {strides = array<i32>} : memref<8x80xi32, #tpu.memory_space<vmem>>, vector<16xi32>,
    %add3A_189 = arith.constant 400 : i32
    %add3A_190 = vector.broadcast %add3A_189 : i32 to vector<16xi32>
    %add3A_191 = arith.addi %iota3A, %add3A_190 : vector<16xi32>
    %swap3A_192 = arith.constant 5 : i32
    %swap3A_193 = arith.index_cast %swap3A_192 : i32 to index
    %swap3A_194 = arith.constant 0 : index
    %swap3A_195 = tpu.vector_load %arg13[%swap3A_193, %swap3A_194] {strides = array<i32>} : memref<8x80xi32, #tpu.memory_space<vmem>>, vector<16xi32>,
    tpu.vector_store %arg13[%swap3A_193, %swap3A_194], %add3A_191 {strides = array<i32>} : memref<8x80xi32, #tpu.memory_space<vmem>>, vector<16xi32>,
    %add3A_196 = arith.constant 416 : i32
    %add3A_197 = vector.broadcast %add3A_196 : i32 to vector<16xi32>
    %add3A_198 = arith.addi %iota3A, %add3A_197 : vector<16xi32>
    %swap3A_199 = arith.constant 5 : i32
    %swap3A_200 = arith.index_cast %swap3A_199 : i32 to index
    %swap3A_201 = arith.constant 16 : index
    %swap3A_202 = tpu.vector_load %arg13[%swap3A_200, %swap3A_201] {strides = array<i32>} : memref<8x80xi32, #tpu.memory_space<vmem>>, vector<16xi32>,
    tpu.vector_store %arg13[%swap3A_200, %swap3A_201], %add3A_198 {strides = array<i32>} : memref<8x80xi32, #tpu.memory_space<vmem>>, vector<16xi32>,
    %add3A_203 = arith.constant 432 : i32
    %add3A_204 = vector.broadcast %add3A_203 : i32 to vector<16xi32>
    %add3A_205 = arith.addi %iota3A, %add3A_204 : vector<16xi32>
    %swap3A_206 = arith.constant 5 : i32
    %swap3A_207 = arith.index_cast %swap3A_206 : i32 to index
    %swap3A_208 = arith.constant 32 : index
    %swap3A_209 = tpu.vector_load %arg13[%swap3A_207, %swap3A_208] {strides = array<i32>} : memref<8x80xi32, #tpu.memory_space<vmem>>, vector<16xi32>,
    tpu.vector_store %arg13[%swap3A_207, %swap3A_208], %add3A_205 {strides = array<i32>} : memref<8x80xi32, #tpu.memory_space<vmem>>, vector<16xi32>,
    %add3A_210 = arith.constant 448 : i32
    %add3A_211 = vector.broadcast %add3A_210 : i32 to vector<16xi32>
    %add3A_212 = arith.addi %iota3A, %add3A_211 : vector<16xi32>
    %swap3A_213 = arith.constant 5 : i32
    %swap3A_214 = arith.index_cast %swap3A_213 : i32 to index
    %swap3A_215 = arith.constant 48 : index
    %swap3A_216 = tpu.vector_load %arg13[%swap3A_214, %swap3A_215] {strides = array<i32>} : memref<8x80xi32, #tpu.memory_space<vmem>>, vector<16xi32>,
    tpu.vector_store %arg13[%swap3A_214, %swap3A_215], %add3A_212 {strides = array<i32>} : memref<8x80xi32, #tpu.memory_space<vmem>>, vector<16xi32>,
    %add3A_217 = arith.constant 464 : i32
    %add3A_218 = vector.broadcast %add3A_217 : i32 to vector<16xi32>
    %add3A_219 = arith.addi %iota3A, %add3A_218 : vector<16xi32>
    %swap3A_220 = arith.constant 5 : i32
    %swap3A_221 = arith.index_cast %swap3A_220 : i32 to index
    %swap3A_222 = arith.constant 64 : index
    %swap3A_223 = tpu.vector_load %arg13[%swap3A_221, %swap3A_222] {strides = array<i32>} : memref<8x80xi32, #tpu.memory_space<vmem>>, vector<16xi32>,
    tpu.vector_store %arg13[%swap3A_221, %swap3A_222], %add3A_219 {strides = array<i32>} : memref<8x80xi32, #tpu.memory_space<vmem>>, vector<16xi32>,
    %add3A_224 = arith.constant 480 : i32
    %add3A_225 = vector.broadcast %add3A_224 : i32 to vector<16xi32>
    %add3A_226 = arith.addi %iota3A, %add3A_225 : vector<16xi32>
    %swap3A_227 = arith.constant 6 : i32
    %swap3A_228 = arith.index_cast %swap3A_227 : i32 to index
    %swap3A_229 = arith.constant 0 : index
    %swap3A_230 = tpu.vector_load %arg13[%swap3A_228, %swap3A_229] {strides = array<i32>} : memref<8x80xi32, #tpu.memory_space<vmem>>, vector<16xi32>,
    tpu.vector_store %arg13[%swap3A_228, %swap3A_229], %add3A_226 {strides = array<i32>} : memref<8x80xi32, #tpu.memory_space<vmem>>, vector<16xi32>,
    %add3A_231 = arith.constant 496 : i32
    %add3A_232 = vector.broadcast %add3A_231 : i32 to vector<16xi32>
    %add3A_233 = arith.addi %iota3A, %add3A_232 : vector<16xi32>
    %swap3A_234 = arith.constant 6 : i32
    %swap3A_235 = arith.index_cast %swap3A_234 : i32 to index
    %swap3A_236 = arith.constant 16 : index
    %swap3A_237 = tpu.vector_load %arg13[%swap3A_235, %swap3A_236] {strides = array<i32>} : memref<8x80xi32, #tpu.memory_space<vmem>>, vector<16xi32>,
    tpu.vector_store %arg13[%swap3A_235, %swap3A_236], %add3A_233 {strides = array<i32>} : memref<8x80xi32, #tpu.memory_space<vmem>>, vector<16xi32>,
    %add3A_238 = arith.constant 512 : i32
    %add3A_239 = vector.broadcast %add3A_238 : i32 to vector<16xi32>
    %add3A_240 = arith.addi %iota3A, %add3A_239 : vector<16xi32>
    %swap3A_241 = arith.constant 6 : i32
    %swap3A_242 = arith.index_cast %swap3A_241 : i32 to index
    %swap3A_243 = arith.constant 32 : index
    %swap3A_244 = tpu.vector_load %arg13[%swap3A_242, %swap3A_243] {strides = array<i32>} : memref<8x80xi32, #tpu.memory_space<vmem>>, vector<16xi32>,
    tpu.vector_store %arg13[%swap3A_242, %swap3A_243], %add3A_240 {strides = array<i32>} : memref<8x80xi32, #tpu.memory_space<vmem>>, vector<16xi32>,
    %add3A_245 = arith.constant 528 : i32
    %add3A_246 = vector.broadcast %add3A_245 : i32 to vector<16xi32>
    %add3A_247 = arith.addi %iota3A, %add3A_246 : vector<16xi32>
    %swap3A_248 = arith.constant 6 : i32
    %swap3A_249 = arith.index_cast %swap3A_248 : i32 to index
    %swap3A_250 = arith.constant 48 : index
    %swap3A_251 = tpu.vector_load %arg13[%swap3A_249, %swap3A_250] {strides = array<i32>} : memref<8x80xi32, #tpu.memory_space<vmem>>, vector<16xi32>,
    tpu.vector_store %arg13[%swap3A_249, %swap3A_250], %add3A_247 {strides = array<i32>} : memref<8x80xi32, #tpu.memory_space<vmem>>, vector<16xi32>,
    %add3A_252 = arith.constant 544 : i32
    %add3A_253 = vector.broadcast %add3A_252 : i32 to vector<16xi32>
    %add3A_254 = arith.addi %iota3A, %add3A_253 : vector<16xi32>
    %swap3A_255 = arith.constant 6 : i32
    %swap3A_256 = arith.index_cast %swap3A_255 : i32 to index
    %swap3A_257 = arith.constant 64 : index
    %swap3A_258 = tpu.vector_load %arg13[%swap3A_256, %swap3A_257] {strides = array<i32>} : memref<8x80xi32, #tpu.memory_space<vmem>>, vector<16xi32>,
    tpu.vector_store %arg13[%swap3A_256, %swap3A_257], %add3A_254 {strides = array<i32>} : memref<8x80xi32, #tpu.memory_space<vmem>>, vector<16xi32>,
    %add3A_259 = arith.constant 560 : i32
    %add3A_260 = vector.broadcast %add3A_259 : i32 to vector<16xi32>
    %add3A_261 = arith.addi %iota3A, %add3A_260 : vector<16xi32>
    %swap3A_262 = arith.constant 7 : i32
    %swap3A_263 = arith.index_cast %swap3A_262 : i32 to index
    %swap3A_264 = arith.constant 0 : index
    %swap3A_265 = tpu.vector_load %arg13[%swap3A_263, %swap3A_264] {strides = array<i32>} : memref<8x80xi32, #tpu.memory_space<vmem>>, vector<16xi32>,
    tpu.vector_store %arg13[%swap3A_263, %swap3A_264], %add3A_261 {strides = array<i32>} : memref<8x80xi32, #tpu.memory_space<vmem>>, vector<16xi32>,
    %add3A_266 = arith.constant 576 : i32
    %add3A_267 = vector.broadcast %add3A_266 : i32 to vector<16xi32>
    %add3A_268 = arith.addi %iota3A, %add3A_267 : vector<16xi32>
    %swap3A_269 = arith.constant 7 : i32
    %swap3A_270 = arith.index_cast %swap3A_269 : i32 to index
    %swap3A_271 = arith.constant 16 : index
    %swap3A_272 = tpu.vector_load %arg13[%swap3A_270, %swap3A_271] {strides = array<i32>} : memref<8x80xi32, #tpu.memory_space<vmem>>, vector<16xi32>,
    tpu.vector_store %arg13[%swap3A_270, %swap3A_271], %add3A_268 {strides = array<i32>} : memref<8x80xi32, #tpu.memory_space<vmem>>, vector<16xi32>,
    %add3A_273 = arith.constant 592 : i32
    %add3A_274 = vector.broadcast %add3A_273 : i32 to vector<16xi32>
    %add3A_275 = arith.addi %iota3A, %add3A_274 : vector<16xi32>
    %swap3A_276 = arith.constant 7 : i32
    %swap3A_277 = arith.index_cast %swap3A_276 : i32 to index
    %swap3A_278 = arith.constant 32 : index
    %swap3A_279 = tpu.vector_load %arg13[%swap3A_277, %swap3A_278] {strides = array<i32>} : memref<8x80xi32, #tpu.memory_space<vmem>>, vector<16xi32>,
    tpu.vector_store %arg13[%swap3A_277, %swap3A_278], %add3A_275 {strides = array<i32>} : memref<8x80xi32, #tpu.memory_space<vmem>>, vector<16xi32>,
    %add3A_280 = arith.constant 608 : i32
    %add3A_281 = vector.broadcast %add3A_280 : i32 to vector<16xi32>
    %add3A_282 = arith.addi %iota3A, %add3A_281 : vector<16xi32>
    %swap3A_283 = arith.constant 7 : i32
    %swap3A_284 = arith.index_cast %swap3A_283 : i32 to index
    %swap3A_285 = arith.constant 48 : index
    %swap3A_286 = tpu.vector_load %arg13[%swap3A_284, %swap3A_285] {strides = array<i32>} : memref<8x80xi32, #tpu.memory_space<vmem>>, vector<16xi32>,
    tpu.vector_store %arg13[%swap3A_284, %swap3A_285], %add3A_282 {strides = array<i32>} : memref<8x80xi32, #tpu.memory_space<vmem>>, vector<16xi32>,
    %add3A_287 = arith.constant 624 : i32
    %add3A_288 = vector.broadcast %add3A_287 : i32 to vector<16xi32>
    %add3A_289 = arith.addi %iota3A, %add3A_288 : vector<16xi32>
    %swap3A_290 = arith.constant 7 : i32
    %swap3A_291 = arith.index_cast %swap3A_290 : i32 to index
    %swap3A_292 = arith.constant 64 : index
    %swap3A_293 = tpu.vector_load %arg13[%swap3A_291, %swap3A_292] {strides = array<i32>} : memref<8x80xi32, #tpu.memory_space<vmem>>, vector<16xi32>,
    tpu.vector_store %arg13[%swap3A_291, %swap3A_292], %add3A_289 {strides = array<i32>} : memref<8x80xi32, #tpu.memory_space<vmem>>, vector<16xi32>,
    %mul3A_294 = arith.constant 640 : i32
    %mul3A_295 = arith.muli %arg1, %mul3A_294 : i32
    %add3A_296 = arith.constant 0 : i32
    %add3A_297 = arith.addi %mul3A_295, %add3A_296 : i32
    "tpu.region"() ({
      %run_scoped3A_350 = tpu.sem_alloc : memref<!tpu.dma_semaphore, #tpu.memory_space<semaphore_mem>>
      %dma_start3A = arith.constant 0 : i32
      %dma_start3A_351 = tpu.memref_slice %arg14[%add3A_297, %dma_start3A] : memref<10240x128xf32, #tpu.memory_space<vmem_shared>> -> memref<80x128xf32, #tpu.memory_space<vmem_shared>>
      %dma_start3A_352 = arith.constant 0 : i32
      %dma_start3A_353 = tpu.memref_slice %arg14[%add3A_297, %dma_start3A_352] : memref<10240x128xf32, #tpu.memory_space<vmem_shared>> -> memref<80x128xf32, #tpu.memory_space<vmem_shared>>
      tpu.enqueue_dma source(%arg9 : memref<80x128xf32, #tpu.memory_space<vmem>>) target(%dma_start3A_353 : memref<80x128xf32, #tpu.memory_space<vmem_shared>>) target_semaphore(%run_scoped3A_350 : memref<!tpu.dma_semaphore, #tpu.memory_space<semaphore_mem>>)
      %dma_wait3A = arith.constant 0 : i32
      %dma_wait3A_354 = tpu.memref_slice %arg14[%add3A_297, %dma_wait3A] : memref<10240x128xf32, #tpu.memory_space<vmem_shared>> -> memref<80x128xf32, #tpu.memory_space<vmem_shared>>
      %dma_wait3A_355 = arith.constant 0 : i32
      %dma_wait3A_356 = tpu.memref_slice %arg14[%add3A_297, %dma_wait3A_355] : memref<10240x128xf32, #tpu.memory_space<vmem_shared>> -> memref<80x128xf32, #tpu.memory_space<vmem_shared>>
      tpu.wait_dma2 semaphore(%run_scoped3A_350 : memref<!tpu.dma_semaphore, #tpu.memory_space<semaphore_mem>>) src(%arg9 : memref<80x128xf32, #tpu.memory_space<vmem>>) dst(%dma_wait3A_356 : memref<80x128xf32, #tpu.memory_space<vmem_shared>>)
      tpu.yield
    }) : () -> ()
    %mul3A_298 = arith.constant 640 : i32
    %mul3A_299 = arith.muli %arg1, %mul3A_298 : i32
    %add3A_300 = arith.constant 80 : i32
    %add3A_301 = arith.addi %mul3A_299, %add3A_300 : i32
    "tpu.region"() ({
      %run_scoped3A_350 = tpu.sem_alloc : memref<!tpu.dma_semaphore, #tpu.memory_space<semaphore_mem>>
      %dma_start3A = arith.constant 0 : i32
      %dma_start3A_351 = tpu.memref_slice %arg14[%add3A_301, %dma_start3A] : memref<10240x128xf32, #tpu.memory_space<vmem_shared>> -> memref<80x128xf32, #tpu.memory_space<vmem_shared>>
      %dma_start3A_352 = arith.constant 0 : i32
      %dma_start3A_353 = tpu.memref_slice %arg14[%add3A_301, %dma_start3A_352] : memref<10240x128xf32, #tpu.memory_space<vmem_shared>> -> memref<80x128xf32, #tpu.memory_space<vmem_shared>>
      tpu.enqueue_dma source(%arg9 : memref<80x128xf32, #tpu.memory_space<vmem>>) target(%dma_start3A_353 : memref<80x128xf32, #tpu.memory_space<vmem_shared>>) target_semaphore(%run_scoped3A_350 : memref<!tpu.dma_semaphore, #tpu.memory_space<semaphore_mem>>)
      %dma_wait3A = arith.constant 0 : i32
      %dma_wait3A_354 = tpu.memref_slice %arg14[%add3A_301, %dma_wait3A] : memref<10240x128xf32, #tpu.memory_space<vmem_shared>> -> memref<80x128xf32, #tpu.memory_space<vmem_shared>>
      %dma_wait3A_355 = arith.constant 0 : i32
      %dma_wait3A_356 = tpu.memref_slice %arg14[%add3A_301, %dma_wait3A_355] : memref<10240x128xf32, #tpu.memory_space<vmem_shared>> -> memref<80x128xf32, #tpu.memory_space<vmem_shared>>
      tpu.wait_dma2 semaphore(%run_scoped3A_350 : memref<!tpu.dma_semaphore, #tpu.memory_space<semaphore_mem>>) src(%arg9 : memref<80x128xf32, #tpu.memory_space<vmem>>) dst(%dma_wait3A_356 : memref<80x128xf32, #tpu.memory_space<vmem_shared>>)
      tpu.yield
    }) : () -> ()
    %mul3A_302 = arith.constant 640 : i32
    %mul3A_303 = arith.muli %arg1, %mul3A_302 : i32
    %add3A_304 = arith.constant 160 : i32
    %add3A_305 = arith.addi %mul3A_303, %add3A_304 : i32
    "tpu.region"() ({
      %run_scoped3A_350 = tpu.sem_alloc : memref<!tpu.dma_semaphore, #tpu.memory_space<semaphore_mem>>
      %dma_start3A = arith.constant 0 : i32
      %dma_start3A_351 = tpu.memref_slice %arg14[%add3A_305, %dma_start3A] : memref<10240x128xf32, #tpu.memory_space<vmem_shared>> -> memref<80x128xf32, #tpu.memory_space<vmem_shared>>
      %dma_start3A_352 = arith.constant 0 : i32
      %dma_start3A_353 = tpu.memref_slice %arg14[%add3A_305, %dma_start3A_352] : memref<10240x128xf32, #tpu.memory_space<vmem_shared>> -> memref<80x128xf32, #tpu.memory_space<vmem_shared>>
      tpu.enqueue_dma source(%arg9 : memref<80x128xf32, #tpu.memory_space<vmem>>) target(%dma_start3A_353 : memref<80x128xf32, #tpu.memory_space<vmem_shared>>) target_semaphore(%run_scoped3A_350 : memref<!tpu.dma_semaphore, #tpu.memory_space<semaphore_mem>>)
      %dma_wait3A = arith.constant 0 : i32
      %dma_wait3A_354 = tpu.memref_slice %arg14[%add3A_305, %dma_wait3A] : memref<10240x128xf32, #tpu.memory_space<vmem_shared>> -> memref<80x128xf32, #tpu.memory_space<vmem_shared>>
      %dma_wait3A_355 = arith.constant 0 : i32
      %dma_wait3A_356 = tpu.memref_slice %arg14[%add3A_305, %dma_wait3A_355] : memref<10240x128xf32, #tpu.memory_space<vmem_shared>> -> memref<80x128xf32, #tpu.memory_space<vmem_shared>>
      tpu.wait_dma2 semaphore(%run_scoped3A_350 : memref<!tpu.dma_semaphore, #tpu.memory_space<semaphore_mem>>) src(%arg9 : memref<80x128xf32, #tpu.memory_space<vmem>>) dst(%dma_wait3A_356 : memref<80x128xf32, #tpu.memory_space<vmem_shared>>)
      tpu.yield
    }) : () -> ()
    %mul3A_306 = arith.constant 640 : i32
    %mul3A_307 = arith.muli %arg1, %mul3A_306 : i32
    %add3A_308 = arith.constant 240 : i32
    %add3A_309 = arith.addi %mul3A_307, %add3A_308 : i32
    "tpu.region"() ({
      %run_scoped3A_350 = tpu.sem_alloc : memref<!tpu.dma_semaphore, #tpu.memory_space<semaphore_mem>>
      %dma_start3A = arith.constant 0 : i32
      %dma_start3A_351 = tpu.memref_slice %arg14[%add3A_309, %dma_start3A] : memref<10240x128xf32, #tpu.memory_space<vmem_shared>> -> memref<80x128xf32, #tpu.memory_space<vmem_shared>>
      %dma_start3A_352 = arith.constant 0 : i32
      %dma_start3A_353 = tpu.memref_slice %arg14[%add3A_309, %dma_start3A_352] : memref<10240x128xf32, #tpu.memory_space<vmem_shared>> -> memref<80x128xf32, #tpu.memory_space<vmem_shared>>
      tpu.enqueue_dma source(%arg9 : memref<80x128xf32, #tpu.memory_space<vmem>>) target(%dma_start3A_353 : memref<80x128xf32, #tpu.memory_space<vmem_shared>>) target_semaphore(%run_scoped3A_350 : memref<!tpu.dma_semaphore, #tpu.memory_space<semaphore_mem>>)
      %dma_wait3A = arith.constant 0 : i32
      %dma_wait3A_354 = tpu.memref_slice %arg14[%add3A_309, %dma_wait3A] : memref<10240x128xf32, #tpu.memory_space<vmem_shared>> -> memref<80x128xf32, #tpu.memory_space<vmem_shared>>
      %dma_wait3A_355 = arith.constant 0 : i32
      %dma_wait3A_356 = tpu.memref_slice %arg14[%add3A_309, %dma_wait3A_355] : memref<10240x128xf32, #tpu.memory_space<vmem_shared>> -> memref<80x128xf32, #tpu.memory_space<vmem_shared>>
      tpu.wait_dma2 semaphore(%run_scoped3A_350 : memref<!tpu.dma_semaphore, #tpu.memory_space<semaphore_mem>>) src(%arg9 : memref<80x128xf32, #tpu.memory_space<vmem>>) dst(%dma_wait3A_356 : memref<80x128xf32, #tpu.memory_space<vmem_shared>>)
      tpu.yield
    }) : () -> ()
    %mul3A_310 = arith.constant 640 : i32
    %mul3A_311 = arith.muli %arg1, %mul3A_310 : i32
    %add3A_312 = arith.constant 320 : i32
    %add3A_313 = arith.addi %mul3A_311, %add3A_312 : i32
    "tpu.region"() ({
      %run_scoped3A_350 = tpu.sem_alloc : memref<!tpu.dma_semaphore, #tpu.memory_space<semaphore_mem>>
      %dma_start3A = arith.constant 0 : i32
      %dma_start3A_351 = tpu.memref_slice %arg14[%add3A_313, %dma_start3A] : memref<10240x128xf32, #tpu.memory_space<vmem_shared>> -> memref<80x128xf32, #tpu.memory_space<vmem_shared>>
      %dma_start3A_352 = arith.constant 0 : i32
      %dma_start3A_353 = tpu.memref_slice %arg14[%add3A_313, %dma_start3A_352] : memref<10240x128xf32, #tpu.memory_space<vmem_shared>> -> memref<80x128xf32, #tpu.memory_space<vmem_shared>>
      tpu.enqueue_dma source(%arg9 : memref<80x128xf32, #tpu.memory_space<vmem>>) target(%dma_start3A_353 : memref<80x128xf32, #tpu.memory_space<vmem_shared>>) target_semaphore(%run_scoped3A_350 : memref<!tpu.dma_semaphore, #tpu.memory_space<semaphore_mem>>)
      %dma_wait3A = arith.constant 0 : i32
      %dma_wait3A_354 = tpu.memref_slice %arg14[%add3A_313, %dma_wait3A] : memref<10240x128xf32, #tpu.memory_space<vmem_shared>> -> memref<80x128xf32, #tpu.memory_space<vmem_shared>>
      %dma_wait3A_355 = arith.constant 0 : i32
      %dma_wait3A_356 = tpu.memref_slice %arg14[%add3A_313, %dma_wait3A_355] : memref<10240x128xf32, #tpu.memory_space<vmem_shared>> -> memref<80x128xf32, #tpu.memory_space<vmem_shared>>
      tpu.wait_dma2 semaphore(%run_scoped3A_350 : memref<!tpu.dma_semaphore, #tpu.memory_space<semaphore_mem>>) src(%arg9 : memref<80x128xf32, #tpu.memory_space<vmem>>) dst(%dma_wait3A_356 : memref<80x128xf32, #tpu.memory_space<vmem_shared>>)
      tpu.yield
    }) : () -> ()
    %mul3A_314 = arith.constant 640 : i32
    %mul3A_315 = arith.muli %arg1, %mul3A_314 : i32
    %add3A_316 = arith.constant 400 : i32
    %add3A_317 = arith.addi %mul3A_315, %add3A_316 : i32
    "tpu.region"() ({
      %run_scoped3A_350 = tpu.sem_alloc : memref<!tpu.dma_semaphore, #tpu.memory_space<semaphore_mem>>
      %dma_start3A = arith.constant 0 : i32
      %dma_start3A_351 = tpu.memref_slice %arg14[%add3A_317, %dma_start3A] : memref<10240x128xf32, #tpu.memory_space<vmem_shared>> -> memref<80x128xf32, #tpu.memory_space<vmem_shared>>
      %dma_start3A_352 = arith.constant 0 : i32
      %dma_start3A_353 = tpu.memref_slice %arg14[%add3A_317, %dma_start3A_352] : memref<10240x128xf32, #tpu.memory_space<vmem_shared>> -> memref<80x128xf32, #tpu.memory_space<vmem_shared>>
      tpu.enqueue_dma source(%arg9 : memref<80x128xf32, #tpu.memory_space<vmem>>) target(%dma_start3A_353 : memref<80x128xf32, #tpu.memory_space<vmem_shared>>) target_semaphore(%run_scoped3A_350 : memref<!tpu.dma_semaphore, #tpu.memory_space<semaphore_mem>>)
      %dma_wait3A = arith.constant 0 : i32
      %dma_wait3A_354 = tpu.memref_slice %arg14[%add3A_317, %dma_wait3A] : memref<10240x128xf32, #tpu.memory_space<vmem_shared>> -> memref<80x128xf32, #tpu.memory_space<vmem_shared>>
      %dma_wait3A_355 = arith.constant 0 : i32
      %dma_wait3A_356 = tpu.memref_slice %arg14[%add3A_317, %dma_wait3A_355] : memref<10240x128xf32, #tpu.memory_space<vmem_shared>> -> memref<80x128xf32, #tpu.memory_space<vmem_shared>>
      tpu.wait_dma2 semaphore(%run_scoped3A_350 : memref<!tpu.dma_semaphore, #tpu.memory_space<semaphore_mem>>) src(%arg9 : memref<80x128xf32, #tpu.memory_space<vmem>>) dst(%dma_wait3A_356 : memref<80x128xf32, #tpu.memory_space<vmem_shared>>)
      tpu.yield
    }) : () -> ()
    %mul3A_318 = arith.constant 640 : i32
    %mul3A_319 = arith.muli %arg1, %mul3A_318 : i32
    %add3A_320 = arith.constant 480 : i32
    %add3A_321 = arith.addi %mul3A_319, %add3A_320 : i32
    "tpu.region"() ({
      %run_scoped3A_350 = tpu.sem_alloc : memref<!tpu.dma_semaphore, #tpu.memory_space<semaphore_mem>>
      %dma_start3A = arith.constant 0 : i32
      %dma_start3A_351 = tpu.memref_slice %arg14[%add3A_321, %dma_start3A] : memref<10240x128xf32, #tpu.memory_space<vmem_shared>> -> memref<80x128xf32, #tpu.memory_space<vmem_shared>>
      %dma_start3A_352 = arith.constant 0 : i32
      %dma_start3A_353 = tpu.memref_slice %arg14[%add3A_321, %dma_start3A_352] : memref<10240x128xf32, #tpu.memory_space<vmem_shared>> -> memref<80x128xf32, #tpu.memory_space<vmem_shared>>
      tpu.enqueue_dma source(%arg9 : memref<80x128xf32, #tpu.memory_space<vmem>>) target(%dma_start3A_353 : memref<80x128xf32, #tpu.memory_space<vmem_shared>>) target_semaphore(%run_scoped3A_350 : memref<!tpu.dma_semaphore, #tpu.memory_space<semaphore_mem>>)
      %dma_wait3A = arith.constant 0 : i32
      %dma_wait3A_354 = tpu.memref_slice %arg14[%add3A_321, %dma_wait3A] : memref<10240x128xf32, #tpu.memory_space<vmem_shared>> -> memref<80x128xf32, #tpu.memory_space<vmem_shared>>
      %dma_wait3A_355 = arith.constant 0 : i32
      %dma_wait3A_356 = tpu.memref_slice %arg14[%add3A_321, %dma_wait3A_355] : memref<10240x128xf32, #tpu.memory_space<vmem_shared>> -> memref<80x128xf32, #tpu.memory_space<vmem_shared>>
      tpu.wait_dma2 semaphore(%run_scoped3A_350 : memref<!tpu.dma_semaphore, #tpu.memory_space<semaphore_mem>>) src(%arg9 : memref<80x128xf32, #tpu.memory_space<vmem>>) dst(%dma_wait3A_356 : memref<80x128xf32, #tpu.memory_space<vmem_shared>>)
      tpu.yield
    }) : () -> ()
    %mul3A_322 = arith.constant 640 : i32
    %mul3A_323 = arith.muli %arg1, %mul3A_322 : i32
    %add3A_324 = arith.constant 560 : i32
    %add3A_325 = arith.addi %mul3A_323, %add3A_324 : i32
    "tpu.region"() ({
      %run_scoped3A_350 = tpu.sem_alloc : memref<!tpu.dma_semaphore, #tpu.memory_space<semaphore_mem>>
      %dma_start3A = arith.constant 0 : i32
      %dma_start3A_351 = tpu.memref_slice %arg14[%add3A_325, %dma_start3A] : memref<10240x128xf32, #tpu.memory_space<vmem_shared>> -> memref<80x128xf32, #tpu.memory_space<vmem_shared>>
      %dma_start3A_352 = arith.constant 0 : i32
      %dma_start3A_353 = tpu.memref_slice %arg14[%add3A_325, %dma_start3A_352] : memref<10240x128xf32, #tpu.memory_space<vmem_shared>> -> memref<80x128xf32, #tpu.memory_space<vmem_shared>>
      tpu.enqueue_dma source(%arg9 : memref<80x128xf32, #tpu.memory_space<vmem>>) target(%dma_start3A_353 : memref<80x128xf32, #tpu.memory_space<vmem_shared>>) target_semaphore(%run_scoped3A_350 : memref<!tpu.dma_semaphore, #tpu.memory_space<semaphore_mem>>)
      %dma_wait3A = arith.constant 0 : i32
      %dma_wait3A_354 = tpu.memref_slice %arg14[%add3A_325, %dma_wait3A] : memref<10240x128xf32, #tpu.memory_space<vmem_shared>> -> memref<80x128xf32, #tpu.memory_space<vmem_shared>>
      %dma_wait3A_355 = arith.constant 0 : i32
      %dma_wait3A_356 = tpu.memref_slice %arg14[%add3A_325, %dma_wait3A_355] : memref<10240x128xf32, #tpu.memory_space<vmem_shared>> -> memref<80x128xf32, #tpu.memory_space<vmem_shared>>
      tpu.wait_dma2 semaphore(%run_scoped3A_350 : memref<!tpu.dma_semaphore, #tpu.memory_space<semaphore_mem>>) src(%arg9 : memref<80x128xf32, #tpu.memory_space<vmem>>) dst(%dma_wait3A_356 : memref<80x128xf32, #tpu.memory_space<vmem_shared>>)
      tpu.yield
    }) : () -> ()
    %eq3A = arith.constant 0 : i32
    %eq3A_326 = arith.cmpi eq, %arg1, %eq3A : i32
    %convert_element_type3A = arith.extui %eq3A_326 : i1 to i32
    %cond3A = arith.constant 0 : i32
    %cond3A_327 = arith.cmpi ne, %convert_element_type3A, %cond3A : i32
    scf.if %cond3A_327 {
      "tpu.region"() ({
        %run_scoped3A_350 = tpu.sem_alloc : memref<!tpu.dma_semaphore, #tpu.memory_space<semaphore_mem>>
        tpu.enqueue_dma source(%arg12 : memref<640x16xf32, #tpu.memory_space<vmem>>) target(%arg15 : memref<640x16xf32, #tpu.memory_space<vmem_shared>>) target_semaphore(%run_scoped3A_350 : memref<!tpu.dma_semaphore, #tpu.memory_space<semaphore_mem>>)
        tpu.wait_dma2 semaphore(%run_scoped3A_350 : memref<!tpu.dma_semaphore, #tpu.memory_space<semaphore_mem>>) src(%arg12 : memref<640x16xf32, #tpu.memory_space<vmem>>) dst(%arg15 : memref<640x16xf32, #tpu.memory_space<vmem_shared>>)
        tpu.yield
      }) : () -> ()
    } else {
    }
    %barrier3A = arith.constant 0 : index
    tpu.barrier barrier_id(%barrier3A)
    %scan3A_328 = arith.constant 0 : i32
    %scan3A_329 = arith.constant 0 : i32
    %scan3A_330 = arith.constant 5 : i32
    %scan3A_331 = arith.addi %scan3A_329, %scan3A_330 : i32
    %scan3A_332 = arith.constant 1 : i32
    scf.for %scan3A_350 = %scan3A_329 to %scan3A_331 step %scan3A_332  : i32 {
      %mul3A_351 = arith.constant 25 : i32
      %mul3A_352 = arith.muli %scan3A_350, %mul3A_351 : i32
      "tpu.region"() ({
        %run_scoped3A_2300 = tpu.sem_alloc : memref<!tpu.dma_semaphore, #tpu.memory_space<semaphore_mem>>
        %dma_start3A_2301 = arith.constant 0 : i32
        %dma_start3A_2302 = tpu.memref_slice %arg2[%add3A, %mul3A_352, %dma_start3A_2301] : memref<32x125x80xi32, #tpu.memory_space<hbm>> -> memref<1x25x80xi32, #tpu.memory_space<hbm>>
        %dma_start3A_2303 = tpu.memref_squeeze %dma_start3A_2302 : memref<1x25x80xi32, #tpu.memory_space<hbm>> -> memref<25x80xi32, #tpu.memory_space<hbm>>
        %dma_start3A_2304 = arith.constant 0 : i32
        %dma_start3A_2305 = tpu.memref_slice %arg2[%add3A, %mul3A_352, %dma_start3A_2304] : memref<32x125x80xi32, #tpu.memory_space<hbm>> -> memref<1x25x80xi32, #tpu.memory_space<hbm>>
        %dma_start3A_2306 = tpu.memref_squeeze %dma_start3A_2305 : memref<1x25x80xi32, #tpu.memory_space<hbm>> -> memref<25x80xi32, #tpu.memory_space<hbm>>
        tpu.enqueue_dma source(%dma_start3A_2306 : memref<25x80xi32, #tpu.memory_space<hbm>>) target(%arg7 : memref<25x80xi32, #tpu.memory_space<vmem>>) target_semaphore(%run_scoped3A_2300 : memref<!tpu.dma_semaphore, #tpu.memory_space<semaphore_mem>>)
        %dma_wait3A_2307 = arith.constant 0 : i32
        %dma_wait3A_2308 = tpu.memref_slice %arg2[%add3A, %mul3A_352, %dma_wait3A_2307] : memref<32x125x80xi32, #tpu.memory_space<hbm>> -> memref<1x25x80xi32, #tpu.memory_space<hbm>>
        %dma_wait3A_2309 = tpu.memref_squeeze %dma_wait3A_2308 : memref<1x25x80xi32, #tpu.memory_space<hbm>> -> memref<25x80xi32, #tpu.memory_space<hbm>>
        %dma_wait3A_2310 = arith.constant 0 : i32
        %dma_wait3A_2311 = tpu.memref_slice %arg2[%add3A, %mul3A_352, %dma_wait3A_2310] : memref<32x125x80xi32, #tpu.memory_space<hbm>> -> memref<1x25x80xi32, #tpu.memory_space<hbm>>
        %dma_wait3A_2312 = tpu.memref_squeeze %dma_wait3A_2311 : memref<1x25x80xi32, #tpu.memory_space<hbm>> -> memref<25x80xi32, #tpu.memory_space<hbm>>
        tpu.wait_dma2 semaphore(%run_scoped3A_2300 : memref<!tpu.dma_semaphore, #tpu.memory_space<semaphore_mem>>) src(%dma_wait3A_2312 : memref<25x80xi32, #tpu.memory_space<hbm>>) dst(%arg7 : memref<25x80xi32, #tpu.memory_space<vmem>>)
        tpu.yield
      }) : () -> ()
      %mul3A_353 = arith.constant 25 : i32
      %mul3A_354 = arith.muli %scan3A_350, %mul3A_353 : i32
      "tpu.region"() ({
        %run_scoped3A_2300 = tpu.sem_alloc : memref<!tpu.dma_semaphore, #tpu.memory_space<semaphore_mem>>
        %dma_start3A_2301 = arith.constant 0 : i32
        %dma_start3A_2302 = tpu.memref_slice %arg3[%add3A, %mul3A_354, %dma_start3A_2301] : memref<32x125x80xi32, #tpu.memory_space<hbm>> -> memref<1x25x80xi32, #tpu.memory_space<hbm>>
        %dma_start3A_2303 = tpu.memref_squeeze %dma_start3A_2302 : memref<1x25x80xi32, #tpu.memory_space<hbm>> -> memref<25x80xi32, #tpu.memory_space<hbm>>
        %dma_start3A_2304 = arith.constant 0 : i32
        %dma_start3A_2305 = tpu.memref_slice %arg3[%add3A, %mul3A_354, %dma_start3A_2304] : memref<32x125x80xi32, #tpu.memory_space<hbm>> -> memref<1x25x80xi32, #tpu.memory_space<hbm>>
        %dma_start3A_2306 = tpu.memref_squeeze %dma_start3A_2305 : memref<1x25x80xi32, #tpu.memory_space<hbm>> -> memref<25x80xi32, #tpu.memory_space<hbm>>
        tpu.enqueue_dma source(%dma_start3A_2306 : memref<25x80xi32, #tpu.memory_space<hbm>>) target(%arg8 : memref<25x80xi32, #tpu.memory_space<vmem>>) target_semaphore(%run_scoped3A_2300 : memref<!tpu.dma_semaphore, #tpu.memory_space<semaphore_mem>>)
        %dma_wait3A_2307 = arith.constant 0 : i32
        %dma_wait3A_2308 = tpu.memref_slice %arg3[%add3A, %mul3A_354, %dma_wait3A_2307] : memref<32x125x80xi32, #tpu.memory_space<hbm>> -> memref<1x25x80xi32, #tpu.memory_space<hbm>>
        %dma_wait3A_2309 = tpu.memref_squeeze %dma_wait3A_2308 : memref<1x25x80xi32, #tpu.memory_space<hbm>> -> memref<25x80xi32, #tpu.memory_space<hbm>>
        %dma_wait3A_2310 = arith.constant 0 : i32
        %dma_wait3A_2311 = tpu.memref_slice %arg3[%add3A, %mul3A_354, %dma_wait3A_2310] : memref<32x125x80xi32, #tpu.memory_space<hbm>> -> memref<1x25x80xi32, #tpu.memory_space<hbm>>
        %dma_wait3A_2312 = tpu.memref_squeeze %dma_wait3A_2311 : memref<1x25x80xi32, #tpu.memory_space<hbm>> -> memref<25x80xi32, #tpu.memory_space<hbm>>
        tpu.wait_dma2 semaphore(%run_scoped3A_2300 : memref<!tpu.dma_semaphore, #tpu.memory_space<semaphore_mem>>) src(%dma_wait3A_2312 : memref<25x80xi32, #tpu.memory_space<hbm>>) dst(%arg8 : memref<25x80xi32, #tpu.memory_space<vmem>>)
        tpu.yield
      }) : () -> ()
      %dma_start3A = arith.constant 0 : i32
      %dma_start3A_355 = arith.constant 0 : i32
      %dma_start3A_356 = tpu.memref_slice %arg7[%dma_start3A, %dma_start3A_355] : memref<25x80xi32, #tpu.memory_space<vmem>> -> memref<1x80xi32, #tpu.memory_space<vmem>>
      %dma_start3A_357 = tpu.memref_squeeze %dma_start3A_356 : memref<1x80xi32, #tpu.memory_space<vmem>> -> memref<80xi32, #tpu.memory_space<vmem>>
      %dma_start3A_358 = arith.constant 0 : i32
      %dma_start3A_359 = arith.constant 0 : i32
      %dma_start3A_360 = tpu.memref_slice %arg4[%dma_start3A_358, %dma_start3A_359] : memref<10000x128xf32, #tpu.memory_space<hbm>> -> memref<10000x128xf32, #tpu.memory_space<hbm>>
      tpu.enqueue_indirect_dma source(%dma_start3A_360 : memref<10000x128xf32, #tpu.memory_space<hbm>>) target(%arg9 : memref<80x128xf32, #tpu.memory_space<vmem>>) offsets(%dma_start3A_357 : memref<80xi32, #tpu.memory_space<vmem>>) semaphore(%arg16 : memref<!tpu.dma_semaphore, #tpu.memory_space<semaphore_mem>>)
      %dma_start3A_361 = arith.constant 1 : i32
      %dma_start3A_362 = arith.constant 0 : i32
      %dma_start3A_363 = tpu.memref_slice %arg7[%dma_start3A_361, %dma_start3A_362] : memref<25x80xi32, #tpu.memory_space<vmem>> -> memref<1x80xi32, #tpu.memory_space<vmem>>
      %dma_start3A_364 = tpu.memref_squeeze %dma_start3A_363 : memref<1x80xi32, #tpu.memory_space<vmem>> -> memref<80xi32, #tpu.memory_space<vmem>>
      %dma_start3A_365 = arith.constant 0 : i32
      %dma_start3A_366 = arith.constant 0 : i32
      %dma_start3A_367 = tpu.memref_slice %arg4[%dma_start3A_365, %dma_start3A_366] : memref<10000x128xf32, #tpu.memory_space<hbm>> -> memref<10000x128xf32, #tpu.memory_space<hbm>>
      tpu.enqueue_indirect_dma source(%dma_start3A_367 : memref<10000x128xf32, #tpu.memory_space<hbm>>) target(%arg10 : memref<80x128xf32, #tpu.memory_space<vmem>>) offsets(%dma_start3A_364 : memref<80xi32, #tpu.memory_space<vmem>>) semaphore(%arg17 : memref<!tpu.dma_semaphore, #tpu.memory_space<semaphore_mem>>)
      %dma_start3A_368 = arith.constant 2 : i32
      %dma_start3A_369 = arith.constant 0 : i32
      %dma_start3A_370 = tpu.memref_slice %arg7[%dma_start3A_368, %dma_start3A_369] : memref<25x80xi32, #tpu.memory_space<vmem>> -> memref<1x80xi32, #tpu.memory_space<vmem>>
      %dma_start3A_371 = tpu.memref_squeeze %dma_start3A_370 : memref<1x80xi32, #tpu.memory_space<vmem>> -> memref<80xi32, #tpu.memory_space<vmem>>
      %dma_start3A_372 = arith.constant 0 : i32
      %dma_start3A_373 = arith.constant 0 : i32
      %dma_start3A_374 = tpu.memref_slice %arg4[%dma_start3A_372, %dma_start3A_373] : memref<10000x128xf32, #tpu.memory_space<hbm>> -> memref<10000x128xf32, #tpu.memory_space<hbm>>
      tpu.enqueue_indirect_dma source(%dma_start3A_374 : memref<10000x128xf32, #tpu.memory_space<hbm>>) target(%arg11 : memref<80x128xf32, #tpu.memory_space<vmem>>) offsets(%dma_start3A_371 : memref<80xi32, #tpu.memory_space<vmem>>) semaphore(%arg18 : memref<!tpu.dma_semaphore, #tpu.memory_space<semaphore_mem>>)
      %dma_wait3A = arith.constant 0 : i32
      %dma_wait3A_375 = arith.constant 0 : i32
      %dma_wait3A_376 = tpu.memref_slice %arg7[%dma_wait3A, %dma_wait3A_375] : memref<25x80xi32, #tpu.memory_space<vmem>> -> memref<1x80xi32, #tpu.memory_space<vmem>>
      %dma_wait3A_377 = tpu.memref_squeeze %dma_wait3A_376 : memref<1x80xi32, #tpu.memory_space<vmem>> -> memref<80xi32, #tpu.memory_space<vmem>>
      %dma_wait3A_378 = arith.constant 0 : i32
      %dma_wait3A_379 = arith.constant 0 : i32
      %dma_wait3A_380 = tpu.memref_slice %arg4[%dma_wait3A_378, %dma_wait3A_379] : memref<10000x128xf32, #tpu.memory_space<hbm>> -> memref<10000x128xf32, #tpu.memory_space<hbm>>
      tpu.wait_indirect_dma semaphore(%arg16 : memref<!tpu.dma_semaphore, #tpu.memory_space<semaphore_mem>>) src(%dma_wait3A_380 : memref<10000x128xf32, #tpu.memory_space<hbm>>) dst(%arg9 : memref<80x128xf32, #tpu.memory_space<vmem>>)
      %dma_start3A_381 = arith.constant 0 : i32
      %dma_start3A_382 = arith.constant 0 : i32
      %dma_start3A_383 = tpu.memref_slice %arg8[%dma_start3A_381, %dma_start3A_382] : memref<25x80xi32, #tpu.memory_space<vmem>> -> memref<1x80xi32, #tpu.memory_space<vmem>>
      %dma_start3A_384 = tpu.memref_squeeze %dma_start3A_383 : memref<1x80xi32, #tpu.memory_space<vmem>> -> memref<80xi32, #tpu.memory_space<vmem>>
      %dma_start3A_385 = arith.constant 0 : i32
      %dma_start3A_386 = arith.constant 0 : i32
      %dma_start3A_387 = tpu.memref_slice %arg14[%dma_start3A_385, %dma_start3A_386] : memref<10240x128xf32, #tpu.memory_space<vmem_shared>> -> memref<10240x128xf32, #tpu.memory_space<vmem_shared>>
      tpu.enqueue_indirect_dma source(%arg9 : memref<80x128xf32, #tpu.memory_space<vmem>>) target(%dma_start3A_387 : memref<10240x128xf32, #tpu.memory_space<vmem_shared>>) offsets(%dma_start3A_384 : memref<80xi32, #tpu.memory_space<vmem>>) semaphore(%arg19 : memref<!tpu.dma_semaphore, #tpu.memory_space<semaphore_mem>>) {add = true}
      %get3A = arith.constant 0 : i32
      %get3A_388 = arith.index_cast %get3A : i32 to index
      %get3A_389 = arith.constant 0 : index
      %get3A_390 = tpu.vector_load %arg8[%get3A_388, %get3A_389] {strides = array<i32>} : memref<25x80xi32, #tpu.memory_space<vmem>>, vector<16xi32>,
      %shift_right_logical3A = arith.constant 4 : i32
      %shift_right_logical3A_391 = vector.broadcast %shift_right_logical3A : i32 to vector<16xi32>
      %shift_right_logical3A_392 = arith.shrui %get3A_390, %shift_right_logical3A_391 : vector<16xi32>
      %and3A = arith.constant 15 : i32
      %and3A_393 = vector.broadcast %and3A : i32 to vector<16xi32>
      %and3A_394 = arith.andi %get3A_390, %and3A_393 : vector<16xi32>
      tpu.vector_store_idx %arg12[%shift_right_logical3A_392, %and3A_394], %broadcast_in_dim3A_3 {add = true} : memref<640x16xf32, #tpu.memory_space<vmem>>[vector<16xi32>, vector<16xi32>], vector<16xf32>,
      %get3A_395 = arith.constant 0 : i32
      %get3A_396 = arith.index_cast %get3A_395 : i32 to index
      %get3A_397 = arith.constant 16 : index
      %get3A_398 = tpu.vector_load %arg8[%get3A_396, %get3A_397] {strides = array<i32>} : memref<25x80xi32, #tpu.memory_space<vmem>>, vector<16xi32>,
      %shift_right_logical3A_399 = arith.constant 4 : i32
      %shift_right_logical3A_400 = vector.broadcast %shift_right_logical3A_399 : i32 to vector<16xi32>
      %shift_right_logical3A_401 = arith.shrui %get3A_398, %shift_right_logical3A_400 : vector<16xi32>
      %and3A_402 = arith.constant 15 : i32
      %and3A_403 = vector.broadcast %and3A_402 : i32 to vector<16xi32>
      %and3A_404 = arith.andi %get3A_398, %and3A_403 : vector<16xi32>
      tpu.vector_store_idx %arg12[%shift_right_logical3A_401, %and3A_404], %broadcast_in_dim3A_3 {add = true} : memref<640x16xf32, #tpu.memory_space<vmem>>[vector<16xi32>, vector<16xi32>], vector<16xf32>,
      %get3A_405 = arith.constant 0 : i32
      %get3A_406 = arith.index_cast %get3A_405 : i32 to index
      %get3A_407 = arith.constant 32 : index
      %get3A_408 = tpu.vector_load %arg8[%get3A_406, %get3A_407] {strides = array<i32>} : memref<25x80xi32, #tpu.memory_space<vmem>>, vector<16xi32>,
      %shift_right_logical3A_409 = arith.constant 4 : i32
      %shift_right_logical3A_410 = vector.broadcast %shift_right_logical3A_409 : i32 to vector<16xi32>
      %shift_right_logical3A_411 = arith.shrui %get3A_408, %shift_right_logical3A_410 : vector<16xi32>
      %and3A_412 = arith.constant 15 : i32
      %and3A_413 = vector.broadcast %and3A_412 : i32 to vector<16xi32>
      %and3A_414 = arith.andi %get3A_408, %and3A_413 : vector<16xi32>
      tpu.vector_store_idx %arg12[%shift_right_logical3A_411, %and3A_414], %broadcast_in_dim3A_3 {add = true} : memref<640x16xf32, #tpu.memory_space<vmem>>[vector<16xi32>, vector<16xi32>], vector<16xf32>,
      %get3A_415 = arith.constant 0 : i32
      %get3A_416 = arith.index_cast %get3A_415 : i32 to index
      %get3A_417 = arith.constant 48 : index
      %get3A_418 = tpu.vector_load %arg8[%get3A_416, %get3A_417] {strides = array<i32>} : memref<25x80xi32, #tpu.memory_space<vmem>>, vector<16xi32>,
      %shift_right_logical3A_419 = arith.constant 4 : i32
      %shift_right_logical3A_420 = vector.broadcast %shift_right_logical3A_419 : i32 to vector<16xi32>
      %shift_right_logical3A_421 = arith.shrui %get3A_418, %shift_right_logical3A_420 : vector<16xi32>
      %and3A_422 = arith.constant 15 : i32
      %and3A_423 = vector.broadcast %and3A_422 : i32 to vector<16xi32>
      %and3A_424 = arith.andi %get3A_418, %and3A_423 : vector<16xi32>
      tpu.vector_store_idx %arg12[%shift_right_logical3A_421, %and3A_424], %broadcast_in_dim3A_3 {add = true} : memref<640x16xf32, #tpu.memory_space<vmem>>[vector<16xi32>, vector<16xi32>], vector<16xf32>,
      %get3A_425 = arith.constant 0 : i32
      %get3A_426 = arith.index_cast %get3A_425 : i32 to index
      %get3A_427 = arith.constant 64 : index
      %get3A_428 = tpu.vector_load %arg8[%get3A_426, %get3A_427] {strides = array<i32>} : memref<25x80xi32, #tpu.memory_space<vmem>>, vector<16xi32>,
      %shift_right_logical3A_429 = arith.constant 4 : i32
      %shift_right_logical3A_430 = vector.broadcast %shift_right_logical3A_429 : i32 to vector<16xi32>
      %shift_right_logical3A_431 = arith.shrui %get3A_428, %shift_right_logical3A_430 : vector<16xi32>
      %and3A_432 = arith.constant 15 : i32
      %and3A_433 = vector.broadcast %and3A_432 : i32 to vector<16xi32>
      %and3A_434 = arith.andi %get3A_428, %and3A_433 : vector<16xi32>
      tpu.vector_store_idx %arg12[%shift_right_logical3A_431, %and3A_434], %broadcast_in_dim3A_3 {add = true} : memref<640x16xf32, #tpu.memory_space<vmem>>[vector<16xi32>, vector<16xi32>], vector<16xf32>,
      %dma_wait3A_435 = arith.constant 0 : i32
      %dma_wait3A_436 = arith.constant 0 : i32
      %dma_wait3A_437 = tpu.memref_slice %arg8[%dma_wait3A_435, %dma_wait3A_436] : memref<25x80xi32, #tpu.memory_space<vmem>> -> memref<1x80xi32, #tpu.memory_space<vmem>>
      %dma_wait3A_438 = tpu.memref_squeeze %dma_wait3A_437 : memref<1x80xi32, #tpu.memory_space<vmem>> -> memref<80xi32, #tpu.memory_space<vmem>>
      %dma_wait3A_439 = arith.constant 0 : i32
      %dma_wait3A_440 = arith.constant 0 : i32
      %dma_wait3A_441 = tpu.memref_slice %arg14[%dma_wait3A_439, %dma_wait3A_440] : memref<10240x128xf32, #tpu.memory_space<vmem_shared>> -> memref<10240x128xf32, #tpu.memory_space<vmem_shared>>
      tpu.wait_indirect_dma semaphore(%arg19 : memref<!tpu.dma_semaphore, #tpu.memory_space<semaphore_mem>>) src(%arg9 : memref<80x128xf32, #tpu.memory_space<vmem>>) dst(%dma_wait3A_441 : memref<10240x128xf32, #tpu.memory_space<vmem_shared>>)
      %dma_start3A_442 = arith.constant 3 : i32
      %dma_start3A_443 = arith.constant 0 : i32
      %dma_start3A_444 = tpu.memref_slice %arg7[%dma_start3A_442, %dma_start3A_443] : memref<25x80xi32, #tpu.memory_space<vmem>> -> memref<1x80xi32, #tpu.memory_space<vmem>>
      %dma_start3A_445 = tpu.memref_squeeze %dma_start3A_444 : memref<1x80xi32, #tpu.memory_space<vmem>> -> memref<80xi32, #tpu.memory_space<vmem>>
      %dma_start3A_446 = arith.constant 0 : i32
      %dma_start3A_447 = arith.constant 0 : i32
      %dma_start3A_448 = tpu.memref_slice %arg4[%dma_start3A_446, %dma_start3A_447] : memref<10000x128xf32, #tpu.memory_space<hbm>> -> memref<10000x128xf32, #tpu.memory_space<hbm>>
      tpu.enqueue_indirect_dma source(%dma_start3A_448 : memref<10000x128xf32, #tpu.memory_space<hbm>>) target(%arg9 : memref<80x128xf32, #tpu.memory_space<vmem>>) offsets(%dma_start3A_445 : memref<80xi32, #tpu.memory_space<vmem>>) semaphore(%arg16 : memref<!tpu.dma_semaphore, #tpu.memory_space<semaphore_mem>>)
      %dma_wait3A_449 = arith.constant 1 : i32
      %dma_wait3A_450 = arith.constant 0 : i32
      %dma_wait3A_451 = tpu.memref_slice %arg7[%dma_wait3A_449, %dma_wait3A_450] : memref<25x80xi32, #tpu.memory_space<vmem>> -> memref<1x80xi32, #tpu.memory_space<vmem>>
      %dma_wait3A_452 = tpu.memref_squeeze %dma_wait3A_451 : memref<1x80xi32, #tpu.memory_space<vmem>> -> memref<80xi32, #tpu.memory_space<vmem>>
      %dma_wait3A_453 = arith.constant 0 : i32
      %dma_wait3A_454 = arith.constant 0 : i32
      %dma_wait3A_455 = tpu.memref_slice %arg4[%dma_wait3A_453, %dma_wait3A_454] : memref<10000x128xf32, #tpu.memory_space<hbm>> -> memref<10000x128xf32, #tpu.memory_space<hbm>>
      tpu.wait_indirect_dma semaphore(%arg17 : memref<!tpu.dma_semaphore, #tpu.memory_space<semaphore_mem>>) src(%dma_wait3A_455 : memref<10000x128xf32, #tpu.memory_space<hbm>>) dst(%arg10 : memref<80x128xf32, #tpu.memory_space<vmem>>)
      %dma_start3A_456 = arith.constant 1 : i32
      %dma_start3A_457 = arith.constant 0 : i32
      %dma_start3A_458 = tpu.memref_slice %arg8[%dma_start3A_456, %dma_start3A_457] : memref<25x80xi32, #tpu.memory_space<vmem>> -> memref<1x80xi32, #tpu.memory_space<vmem>>
      %dma_start3A_459 = tpu.memref_squeeze %dma_start3A_458 : memref<1x80xi32, #tpu.memory_space<vmem>> -> memref<80xi32, #tpu.memory_space<vmem>>
      %dma_start3A_460 = arith.constant 0 : i32
      %dma_start3A_461 = arith.constant 0 : i32
      %dma_start3A_462 = tpu.memref_slice %arg14[%dma_start3A_460, %dma_start3A_461] : memref<10240x128xf32, #tpu.memory_space<vmem_shared>> -> memref<10240x128xf32, #tpu.memory_space<vmem_shared>>
      tpu.enqueue_indirect_dma source(%arg10 : memref<80x128xf32, #tpu.memory_space<vmem>>) target(%dma_start3A_462 : memref<10240x128xf32, #tpu.memory_space<vmem_shared>>) offsets(%dma_start3A_459 : memref<80xi32, #tpu.memory_space<vmem>>) semaphore(%arg20 : memref<!tpu.dma_semaphore, #tpu.memory_space<semaphore_mem>>) {add = true}
      %get3A_463 = arith.constant 1 : i32
      %get3A_464 = arith.index_cast %get3A_463 : i32 to index
      %get3A_465 = arith.constant 0 : index
      %get3A_466 = tpu.vector_load %arg8[%get3A_464, %get3A_465] {strides = array<i32>} : memref<25x80xi32, #tpu.memory_space<vmem>>, vector<16xi32>,
      %shift_right_logical3A_467 = arith.constant 4 : i32
      %shift_right_logical3A_468 = vector.broadcast %shift_right_logical3A_467 : i32 to vector<16xi32>
      %shift_right_logical3A_469 = arith.shrui %get3A_466, %shift_right_logical3A_468 : vector<16xi32>
      %and3A_470 = arith.constant 15 : i32
      %and3A_471 = vector.broadcast %and3A_470 : i32 to vector<16xi32>
      %and3A_472 = arith.andi %get3A_466, %and3A_471 : vector<16xi32>
      tpu.vector_store_idx %arg12[%shift_right_logical3A_469, %and3A_472], %broadcast_in_dim3A_3 {add = true} : memref<640x16xf32, #tpu.memory_space<vmem>>[vector<16xi32>, vector<16xi32>], vector<16xf32>,
      %get3A_473 = arith.constant 1 : i32
      %get3A_474 = arith.index_cast %get3A_473 : i32 to index
      %get3A_475 = arith.constant 16 : index
      %get3A_476 = tpu.vector_load %arg8[%get3A_474, %get3A_475] {strides = array<i32>} : memref<25x80xi32, #tpu.memory_space<vmem>>, vector<16xi32>,
      %shift_right_logical3A_477 = arith.constant 4 : i32
      %shift_right_logical3A_478 = vector.broadcast %shift_right_logical3A_477 : i32 to vector<16xi32>
      %shift_right_logical3A_479 = arith.shrui %get3A_476, %shift_right_logical3A_478 : vector<16xi32>
      %and3A_480 = arith.constant 15 : i32
      %and3A_481 = vector.broadcast %and3A_480 : i32 to vector<16xi32>
      %and3A_482 = arith.andi %get3A_476, %and3A_481 : vector<16xi32>
      tpu.vector_store_idx %arg12[%shift_right_logical3A_479, %and3A_482], %broadcast_in_dim3A_3 {add = true} : memref<640x16xf32, #tpu.memory_space<vmem>>[vector<16xi32>, vector<16xi32>], vector<16xf32>,
      %get3A_483 = arith.constant 1 : i32
      %get3A_484 = arith.index_cast %get3A_483 : i32 to index
      %get3A_485 = arith.constant 32 : index
      %get3A_486 = tpu.vector_load %arg8[%get3A_484, %get3A_485] {strides = array<i32>} : memref<25x80xi32, #tpu.memory_space<vmem>>, vector<16xi32>,
      %shift_right_logical3A_487 = arith.constant 4 : i32
      %shift_right_logical3A_488 = vector.broadcast %shift_right_logical3A_487 : i32 to vector<16xi32>
      %shift_right_logical3A_489 = arith.shrui %get3A_486, %shift_right_logical3A_488 : vector<16xi32>
      %and3A_490 = arith.constant 15 : i32
      %and3A_491 = vector.broadcast %and3A_490 : i32 to vector<16xi32>
      %and3A_492 = arith.andi %get3A_486, %and3A_491 : vector<16xi32>
      tpu.vector_store_idx %arg12[%shift_right_logical3A_489, %and3A_492], %broadcast_in_dim3A_3 {add = true} : memref<640x16xf32, #tpu.memory_space<vmem>>[vector<16xi32>, vector<16xi32>], vector<16xf32>,
      %get3A_493 = arith.constant 1 : i32
      %get3A_494 = arith.index_cast %get3A_493 : i32 to index
      %get3A_495 = arith.constant 48 : index
      %get3A_496 = tpu.vector_load %arg8[%get3A_494, %get3A_495] {strides = array<i32>} : memref<25x80xi32, #tpu.memory_space<vmem>>, vector<16xi32>,
      %shift_right_logical3A_497 = arith.constant 4 : i32
      %shift_right_logical3A_498 = vector.broadcast %shift_right_logical3A_497 : i32 to vector<16xi32>
      %shift_right_logical3A_499 = arith.shrui %get3A_496, %shift_right_logical3A_498 : vector<16xi32>
      %and3A_500 = arith.constant 15 : i32
      %and3A_501 = vector.broadcast %and3A_500 : i32 to vector<16xi32>
      %and3A_502 = arith.andi %get3A_496, %and3A_501 : vector<16xi32>
      tpu.vector_store_idx %arg12[%shift_right_logical3A_499, %and3A_502], %broadcast_in_dim3A_3 {add = true} : memref<640x16xf32, #tpu.memory_space<vmem>>[vector<16xi32>, vector<16xi32>], vector<16xf32>,
      %get3A_503 = arith.constant 1 : i32
      %get3A_504 = arith.index_cast %get3A_503 : i32 to index
      %get3A_505 = arith.constant 64 : index
      %get3A_506 = tpu.vector_load %arg8[%get3A_504, %get3A_505] {strides = array<i32>} : memref<25x80xi32, #tpu.memory_space<vmem>>, vector<16xi32>,
      %shift_right_logical3A_507 = arith.constant 4 : i32
      %shift_right_logical3A_508 = vector.broadcast %shift_right_logical3A_507 : i32 to vector<16xi32>
      %shift_right_logical3A_509 = arith.shrui %get3A_506, %shift_right_logical3A_508 : vector<16xi32>
      %and3A_510 = arith.constant 15 : i32
      %and3A_511 = vector.broadcast %and3A_510 : i32 to vector<16xi32>
      %and3A_512 = arith.andi %get3A_506, %and3A_511 : vector<16xi32>
      tpu.vector_store_idx %arg12[%shift_right_logical3A_509, %and3A_512], %broadcast_in_dim3A_3 {add = true} : memref<640x16xf32, #tpu.memory_space<vmem>>[vector<16xi32>, vector<16xi32>], vector<16xf32>,
      %dma_wait3A_513 = arith.constant 1 : i32
      %dma_wait3A_514 = arith.constant 0 : i32
      %dma_wait3A_515 = tpu.memref_slice %arg8[%dma_wait3A_513, %dma_wait3A_514] : memref<25x80xi32, #tpu.memory_space<vmem>> -> memref<1x80xi32, #tpu.memory_space<vmem>>
      %dma_wait3A_516 = tpu.memref_squeeze %dma_wait3A_515 : memref<1x80xi32, #tpu.memory_space<vmem>> -> memref<80xi32, #tpu.memory_space<vmem>>
      %dma_wait3A_517 = arith.constant 0 : i32
      %dma_wait3A_518 = arith.constant 0 : i32
      %dma_wait3A_519 = tpu.memref_slice %arg14[%dma_wait3A_517, %dma_wait3A_518] : memref<10240x128xf32, #tpu.memory_space<vmem_shared>> -> memref<10240x128xf32, #tpu.memory_space<vmem_shared>>
      tpu.wait_indirect_dma semaphore(%arg20 : memref<!tpu.dma_semaphore, #tpu.memory_space<semaphore_mem>>) src(%arg10 : memref<80x128xf32, #tpu.memory_space<vmem>>) dst(%dma_wait3A_519 : memref<10240x128xf32, #tpu.memory_space<vmem_shared>>)
      %dma_start3A_520 = arith.constant 4 : i32
      %dma_start3A_521 = arith.constant 0 : i32
      %dma_start3A_522 = tpu.memref_slice %arg7[%dma_start3A_520, %dma_start3A_521] : memref<25x80xi32, #tpu.memory_space<vmem>> -> memref<1x80xi32, #tpu.memory_space<vmem>>
      %dma_start3A_523 = tpu.memref_squeeze %dma_start3A_522 : memref<1x80xi32, #tpu.memory_space<vmem>> -> memref<80xi32, #tpu.memory_space<vmem>>
      %dma_start3A_524 = arith.constant 0 : i32
      %dma_start3A_525 = arith.constant 0 : i32
      %dma_start3A_526 = tpu.memref_slice %arg4[%dma_start3A_524, %dma_start3A_525] : memref<10000x128xf32, #tpu.memory_space<hbm>> -> memref<10000x128xf32, #tpu.memory_space<hbm>>
      tpu.enqueue_indirect_dma source(%dma_start3A_526 : memref<10000x128xf32, #tpu.memory_space<hbm>>) target(%arg10 : memref<80x128xf32, #tpu.memory_space<vmem>>) offsets(%dma_start3A_523 : memref<80xi32, #tpu.memory_space<vmem>>) semaphore(%arg17 : memref<!tpu.dma_semaphore, #tpu.memory_space<semaphore_mem>>)
      %dma_wait3A_527 = arith.constant 2 : i32
      %dma_wait3A_528 = arith.constant 0 : i32
      %dma_wait3A_529 = tpu.memref_slice %arg7[%dma_wait3A_527, %dma_wait3A_528] : memref<25x80xi32, #tpu.memory_space<vmem>> -> memref<1x80xi32, #tpu.memory_space<vmem>>
      %dma_wait3A_530 = tpu.memref_squeeze %dma_wait3A_529 : memref<1x80xi32, #tpu.memory_space<vmem>> -> memref<80xi32, #tpu.memory_space<vmem>>
      %dma_wait3A_531 = arith.constant 0 : i32
      %dma_wait3A_532 = arith.constant 0 : i32
      %dma_wait3A_533 = tpu.memref_slice %arg4[%dma_wait3A_531, %dma_wait3A_532] : memref<10000x128xf32, #tpu.memory_space<hbm>> -> memref<10000x128xf32, #tpu.memory_space<hbm>>
      tpu.wait_indirect_dma semaphore(%arg18 : memref<!tpu.dma_semaphore, #tpu.memory_space<semaphore_mem>>) src(%dma_wait3A_533 : memref<10000x128xf32, #tpu.memory_space<hbm>>) dst(%arg11 : memref<80x128xf32, #tpu.memory_space<vmem>>)
      %dma_start3A_534 = arith.constant 2 : i32
      %dma_start3A_535 = arith.constant 0 : i32
      %dma_start3A_536 = tpu.memref_slice %arg8[%dma_start3A_534, %dma_start3A_535] : memref<25x80xi32, #tpu.memory_space<vmem>> -> memref<1x80xi32, #tpu.memory_space<vmem>>
      %dma_start3A_537 = tpu.memref_squeeze %dma_start3A_536 : memref<1x80xi32, #tpu.memory_space<vmem>> -> memref<80xi32, #tpu.memory_space<vmem>>
      %dma_start3A_538 = arith.constant 0 : i32
      %dma_start3A_539 = arith.constant 0 : i32
      %dma_start3A_540 = tpu.memref_slice %arg14[%dma_start3A_538, %dma_start3A_539] : memref<10240x128xf32, #tpu.memory_space<vmem_shared>> -> memref<10240x128xf32, #tpu.memory_space<vmem_shared>>
      tpu.enqueue_indirect_dma source(%arg11 : memref<80x128xf32, #tpu.memory_space<vmem>>) target(%dma_start3A_540 : memref<10240x128xf32, #tpu.memory_space<vmem_shared>>) offsets(%dma_start3A_537 : memref<80xi32, #tpu.memory_space<vmem>>) semaphore(%arg21 : memref<!tpu.dma_semaphore, #tpu.memory_space<semaphore_mem>>) {add = true}
      %get3A_541 = arith.constant 2 : i32
      %get3A_542 = arith.index_cast %get3A_541 : i32 to index
      %get3A_543 = arith.constant 0 : index
      %get3A_544 = tpu.vector_load %arg8[%get3A_542, %get3A_543] {strides = array<i32>} : memref<25x80xi32, #tpu.memory_space<vmem>>, vector<16xi32>,
      %shift_right_logical3A_545 = arith.constant 4 : i32
      %shift_right_logical3A_546 = vector.broadcast %shift_right_logical3A_545 : i32 to vector<16xi32>
      %shift_right_logical3A_547 = arith.shrui %get3A_544, %shift_right_logical3A_546 : vector<16xi32>
      %and3A_548 = arith.constant 15 : i32
      %and3A_549 = vector.broadcast %and3A_548 : i32 to vector<16xi32>
      %and3A_550 = arith.andi %get3A_544, %and3A_549 : vector<16xi32>
      tpu.vector_store_idx %arg12[%shift_right_logical3A_547, %and3A_550], %broadcast_in_dim3A_3 {add = true} : memref<640x16xf32, #tpu.memory_space<vmem>>[vector<16xi32>, vector<16xi32>], vector<16xf32>,
      %get3A_551 = arith.constant 2 : i32
      %get3A_552 = arith.index_cast %get3A_551 : i32 to index
      %get3A_553 = arith.constant 16 : index
      %get3A_554 = tpu.vector_load %arg8[%get3A_552, %get3A_553] {strides = array<i32>} : memref<25x80xi32, #tpu.memory_space<vmem>>, vector<16xi32>,
      %shift_right_logical3A_555 = arith.constant 4 : i32
      %shift_right_logical3A_556 = vector.broadcast %shift_right_logical3A_555 : i32 to vector<16xi32>
      %shift_right_logical3A_557 = arith.shrui %get3A_554, %shift_right_logical3A_556 : vector<16xi32>
      %and3A_558 = arith.constant 15 : i32
      %and3A_559 = vector.broadcast %and3A_558 : i32 to vector<16xi32>
      %and3A_560 = arith.andi %get3A_554, %and3A_559 : vector<16xi32>
      tpu.vector_store_idx %arg12[%shift_right_logical3A_557, %and3A_560], %broadcast_in_dim3A_3 {add = true} : memref<640x16xf32, #tpu.memory_space<vmem>>[vector<16xi32>, vector<16xi32>], vector<16xf32>,
      %get3A_561 = arith.constant 2 : i32
      %get3A_562 = arith.index_cast %get3A_561 : i32 to index
      %get3A_563 = arith.constant 32 : index
      %get3A_564 = tpu.vector_load %arg8[%get3A_562, %get3A_563] {strides = array<i32>} : memref<25x80xi32, #tpu.memory_space<vmem>>, vector<16xi32>,
      %shift_right_logical3A_565 = arith.constant 4 : i32
      %shift_right_logical3A_566 = vector.broadcast %shift_right_logical3A_565 : i32 to vector<16xi32>
      %shift_right_logical3A_567 = arith.shrui %get3A_564, %shift_right_logical3A_566 : vector<16xi32>
      %and3A_568 = arith.constant 15 : i32
      %and3A_569 = vector.broadcast %and3A_568 : i32 to vector<16xi32>
      %and3A_570 = arith.andi %get3A_564, %and3A_569 : vector<16xi32>
      tpu.vector_store_idx %arg12[%shift_right_logical3A_567, %and3A_570], %broadcast_in_dim3A_3 {add = true} : memref<640x16xf32, #tpu.memory_space<vmem>>[vector<16xi32>, vector<16xi32>], vector<16xf32>,
      %get3A_571 = arith.constant 2 : i32
      %get3A_572 = arith.index_cast %get3A_571 : i32 to index
      %get3A_573 = arith.constant 48 : index
      %get3A_574 = tpu.vector_load %arg8[%get3A_572, %get3A_573] {strides = array<i32>} : memref<25x80xi32, #tpu.memory_space<vmem>>, vector<16xi32>,
      %shift_right_logical3A_575 = arith.constant 4 : i32
      %shift_right_logical3A_576 = vector.broadcast %shift_right_logical3A_575 : i32 to vector<16xi32>
      %shift_right_logical3A_577 = arith.shrui %get3A_574, %shift_right_logical3A_576 : vector<16xi32>
      %and3A_578 = arith.constant 15 : i32
      %and3A_579 = vector.broadcast %and3A_578 : i32 to vector<16xi32>
      %and3A_580 = arith.andi %get3A_574, %and3A_579 : vector<16xi32>
      tpu.vector_store_idx %arg12[%shift_right_logical3A_577, %and3A_580], %broadcast_in_dim3A_3 {add = true} : memref<640x16xf32, #tpu.memory_space<vmem>>[vector<16xi32>, vector<16xi32>], vector<16xf32>,
      %get3A_581 = arith.constant 2 : i32
      %get3A_582 = arith.index_cast %get3A_581 : i32 to index
      %get3A_583 = arith.constant 64 : index
      %get3A_584 = tpu.vector_load %arg8[%get3A_582, %get3A_583] {strides = array<i32>} : memref<25x80xi32, #tpu.memory_space<vmem>>, vector<16xi32>,
      %shift_right_logical3A_585 = arith.constant 4 : i32
      %shift_right_logical3A_586 = vector.broadcast %shift_right_logical3A_585 : i32 to vector<16xi32>
      %shift_right_logical3A_587 = arith.shrui %get3A_584, %shift_right_logical3A_586 : vector<16xi32>
      %and3A_588 = arith.constant 15 : i32
      %and3A_589 = vector.broadcast %and3A_588 : i32 to vector<16xi32>
      %and3A_590 = arith.andi %get3A_584, %and3A_589 : vector<16xi32>
      tpu.vector_store_idx %arg12[%shift_right_logical3A_587, %and3A_590], %broadcast_in_dim3A_3 {add = true} : memref<640x16xf32, #tpu.memory_space<vmem>>[vector<16xi32>, vector<16xi32>], vector<16xf32>,
      %dma_wait3A_591 = arith.constant 2 : i32
      %dma_wait3A_592 = arith.constant 0 : i32
      %dma_wait3A_593 = tpu.memref_slice %arg8[%dma_wait3A_591, %dma_wait3A_592] : memref<25x80xi32, #tpu.memory_space<vmem>> -> memref<1x80xi32, #tpu.memory_space<vmem>>
      %dma_wait3A_594 = tpu.memref_squeeze %dma_wait3A_593 : memref<1x80xi32, #tpu.memory_space<vmem>> -> memref<80xi32, #tpu.memory_space<vmem>>
      %dma_wait3A_595 = arith.constant 0 : i32
      %dma_wait3A_596 = arith.constant 0 : i32
      %dma_wait3A_597 = tpu.memref_slice %arg14[%dma_wait3A_595, %dma_wait3A_596] : memref<10240x128xf32, #tpu.memory_space<vmem_shared>> -> memref<10240x128xf32, #tpu.memory_space<vmem_shared>>
      tpu.wait_indirect_dma semaphore(%arg21 : memref<!tpu.dma_semaphore, #tpu.memory_space<semaphore_mem>>) src(%arg11 : memref<80x128xf32, #tpu.memory_space<vmem>>) dst(%dma_wait3A_597 : memref<10240x128xf32, #tpu.memory_space<vmem_shared>>)
      %dma_start3A_598 = arith.constant 5 : i32
      %dma_start3A_599 = arith.constant 0 : i32
      %dma_start3A_600 = tpu.memref_slice %arg7[%dma_start3A_598, %dma_start3A_599] : memref<25x80xi32, #tpu.memory_space<vmem>> -> memref<1x80xi32, #tpu.memory_space<vmem>>
      %dma_start3A_601 = tpu.memref_squeeze %dma_start3A_600 : memref<1x80xi32, #tpu.memory_space<vmem>> -> memref<80xi32, #tpu.memory_space<vmem>>
      %dma_start3A_602 = arith.constant 0 : i32
      %dma_start3A_603 = arith.constant 0 : i32
      %dma_start3A_604 = tpu.memref_slice %arg4[%dma_start3A_602, %dma_start3A_603] : memref<10000x128xf32, #tpu.memory_space<hbm>> -> memref<10000x128xf32, #tpu.memory_space<hbm>>
      tpu.enqueue_indirect_dma source(%dma_start3A_604 : memref<10000x128xf32, #tpu.memory_space<hbm>>) target(%arg11 : memref<80x128xf32, #tpu.memory_space<vmem>>) offsets(%dma_start3A_601 : memref<80xi32, #tpu.memory_space<vmem>>) semaphore(%arg18 : memref<!tpu.dma_semaphore, #tpu.memory_space<semaphore_mem>>)
      %dma_wait3A_605 = arith.constant 3 : i32
      %dma_wait3A_606 = arith.constant 0 : i32
      %dma_wait3A_607 = tpu.memref_slice %arg7[%dma_wait3A_605, %dma_wait3A_606] : memref<25x80xi32, #tpu.memory_space<vmem>> -> memref<1x80xi32, #tpu.memory_space<vmem>>
      %dma_wait3A_608 = tpu.memref_squeeze %dma_wait3A_607 : memref<1x80xi32, #tpu.memory_space<vmem>> -> memref<80xi32, #tpu.memory_space<vmem>>
      %dma_wait3A_609 = arith.constant 0 : i32
      %dma_wait3A_610 = arith.constant 0 : i32
      %dma_wait3A_611 = tpu.memref_slice %arg4[%dma_wait3A_609, %dma_wait3A_610] : memref<10000x128xf32, #tpu.memory_space<hbm>> -> memref<10000x128xf32, #tpu.memory_space<hbm>>
      tpu.wait_indirect_dma semaphore(%arg16 : memref<!tpu.dma_semaphore, #tpu.memory_space<semaphore_mem>>) src(%dma_wait3A_611 : memref<10000x128xf32, #tpu.memory_space<hbm>>) dst(%arg9 : memref<80x128xf32, #tpu.memory_space<vmem>>)
      %dma_start3A_612 = arith.constant 3 : i32
      %dma_start3A_613 = arith.constant 0 : i32
      %dma_start3A_614 = tpu.memref_slice %arg8[%dma_start3A_612, %dma_start3A_613] : memref<25x80xi32, #tpu.memory_space<vmem>> -> memref<1x80xi32, #tpu.memory_space<vmem>>
      %dma_start3A_615 = tpu.memref_squeeze %dma_start3A_614 : memref<1x80xi32, #tpu.memory_space<vmem>> -> memref<80xi32, #tpu.memory_space<vmem>>
      %dma_start3A_616 = arith.constant 0 : i32
      %dma_start3A_617 = arith.constant 0 : i32
      %dma_start3A_618 = tpu.memref_slice %arg14[%dma_start3A_616, %dma_start3A_617] : memref<10240x128xf32, #tpu.memory_space<vmem_shared>> -> memref<10240x128xf32, #tpu.memory_space<vmem_shared>>
      tpu.enqueue_indirect_dma source(%arg9 : memref<80x128xf32, #tpu.memory_space<vmem>>) target(%dma_start3A_618 : memref<10240x128xf32, #tpu.memory_space<vmem_shared>>) offsets(%dma_start3A_615 : memref<80xi32, #tpu.memory_space<vmem>>) semaphore(%arg19 : memref<!tpu.dma_semaphore, #tpu.memory_space<semaphore_mem>>) {add = true}
      %get3A_619 = arith.constant 3 : i32
      %get3A_620 = arith.index_cast %get3A_619 : i32 to index
      %get3A_621 = arith.constant 0 : index
      %get3A_622 = tpu.vector_load %arg8[%get3A_620, %get3A_621] {strides = array<i32>} : memref<25x80xi32, #tpu.memory_space<vmem>>, vector<16xi32>,
      %shift_right_logical3A_623 = arith.constant 4 : i32
      %shift_right_logical3A_624 = vector.broadcast %shift_right_logical3A_623 : i32 to vector<16xi32>
      %shift_right_logical3A_625 = arith.shrui %get3A_622, %shift_right_logical3A_624 : vector<16xi32>
      %and3A_626 = arith.constant 15 : i32
      %and3A_627 = vector.broadcast %and3A_626 : i32 to vector<16xi32>
      %and3A_628 = arith.andi %get3A_622, %and3A_627 : vector<16xi32>
      tpu.vector_store_idx %arg12[%shift_right_logical3A_625, %and3A_628], %broadcast_in_dim3A_3 {add = true} : memref<640x16xf32, #tpu.memory_space<vmem>>[vector<16xi32>, vector<16xi32>], vector<16xf32>,
      %get3A_629 = arith.constant 3 : i32
      %get3A_630 = arith.index_cast %get3A_629 : i32 to index
      %get3A_631 = arith.constant 16 : index
      %get3A_632 = tpu.vector_load %arg8[%get3A_630, %get3A_631] {strides = array<i32>} : memref<25x80xi32, #tpu.memory_space<vmem>>, vector<16xi32>,
      %shift_right_logical3A_633 = arith.constant 4 : i32
      %shift_right_logical3A_634 = vector.broadcast %shift_right_logical3A_633 : i32 to vector<16xi32>
      %shift_right_logical3A_635 = arith.shrui %get3A_632, %shift_right_logical3A_634 : vector<16xi32>
      %and3A_636 = arith.constant 15 : i32
      %and3A_637 = vector.broadcast %and3A_636 : i32 to vector<16xi32>
      %and3A_638 = arith.andi %get3A_632, %and3A_637 : vector<16xi32>
      tpu.vector_store_idx %arg12[%shift_right_logical3A_635, %and3A_638], %broadcast_in_dim3A_3 {add = true} : memref<640x16xf32, #tpu.memory_space<vmem>>[vector<16xi32>, vector<16xi32>], vector<16xf32>,
      %get3A_639 = arith.constant 3 : i32
      %get3A_640 = arith.index_cast %get3A_639 : i32 to index
      %get3A_641 = arith.constant 32 : index
      %get3A_642 = tpu.vector_load %arg8[%get3A_640, %get3A_641] {strides = array<i32>} : memref<25x80xi32, #tpu.memory_space<vmem>>, vector<16xi32>,
      %shift_right_logical3A_643 = arith.constant 4 : i32
      %shift_right_logical3A_644 = vector.broadcast %shift_right_logical3A_643 : i32 to vector<16xi32>
      %shift_right_logical3A_645 = arith.shrui %get3A_642, %shift_right_logical3A_644 : vector<16xi32>
      %and3A_646 = arith.constant 15 : i32
      %and3A_647 = vector.broadcast %and3A_646 : i32 to vector<16xi32>
      %and3A_648 = arith.andi %get3A_642, %and3A_647 : vector<16xi32>
      tpu.vector_store_idx %arg12[%shift_right_logical3A_645, %and3A_648], %broadcast_in_dim3A_3 {add = true} : memref<640x16xf32, #tpu.memory_space<vmem>>[vector<16xi32>, vector<16xi32>], vector<16xf32>,
      %get3A_649 = arith.constant 3 : i32
      %get3A_650 = arith.index_cast %get3A_649 : i32 to index
      %get3A_651 = arith.constant 48 : index
      %get3A_652 = tpu.vector_load %arg8[%get3A_650, %get3A_651] {strides = array<i32>} : memref<25x80xi32, #tpu.memory_space<vmem>>, vector<16xi32>,
      %shift_right_logical3A_653 = arith.constant 4 : i32
      %shift_right_logical3A_654 = vector.broadcast %shift_right_logical3A_653 : i32 to vector<16xi32>
      %shift_right_logical3A_655 = arith.shrui %get3A_652, %shift_right_logical3A_654 : vector<16xi32>
      %and3A_656 = arith.constant 15 : i32
      %and3A_657 = vector.broadcast %and3A_656 : i32 to vector<16xi32>
      %and3A_658 = arith.andi %get3A_652, %and3A_657 : vector<16xi32>
      tpu.vector_store_idx %arg12[%shift_right_logical3A_655, %and3A_658], %broadcast_in_dim3A_3 {add = true} : memref<640x16xf32, #tpu.memory_space<vmem>>[vector<16xi32>, vector<16xi32>], vector<16xf32>,
      %get3A_659 = arith.constant 3 : i32
      %get3A_660 = arith.index_cast %get3A_659 : i32 to index
      %get3A_661 = arith.constant 64 : index
      %get3A_662 = tpu.vector_load %arg8[%get3A_660, %get3A_661] {strides = array<i32>} : memref<25x80xi32, #tpu.memory_space<vmem>>, vector<16xi32>,
      %shift_right_logical3A_663 = arith.constant 4 : i32
      %shift_right_logical3A_664 = vector.broadcast %shift_right_logical3A_663 : i32 to vector<16xi32>
      %shift_right_logical3A_665 = arith.shrui %get3A_662, %shift_right_logical3A_664 : vector<16xi32>
      %and3A_666 = arith.constant 15 : i32
      %and3A_667 = vector.broadcast %and3A_666 : i32 to vector<16xi32>
      %and3A_668 = arith.andi %get3A_662, %and3A_667 : vector<16xi32>
      tpu.vector_store_idx %arg12[%shift_right_logical3A_665, %and3A_668], %broadcast_in_dim3A_3 {add = true} : memref<640x16xf32, #tpu.memory_space<vmem>>[vector<16xi32>, vector<16xi32>], vector<16xf32>,
      %dma_wait3A_669 = arith.constant 3 : i32
      %dma_wait3A_670 = arith.constant 0 : i32
      %dma_wait3A_671 = tpu.memref_slice %arg8[%dma_wait3A_669, %dma_wait3A_670] : memref<25x80xi32, #tpu.memory_space<vmem>> -> memref<1x80xi32, #tpu.memory_space<vmem>>
      %dma_wait3A_672 = tpu.memref_squeeze %dma_wait3A_671 : memref<1x80xi32, #tpu.memory_space<vmem>> -> memref<80xi32, #tpu.memory_space<vmem>>
      %dma_wait3A_673 = arith.constant 0 : i32
      %dma_wait3A_674 = arith.constant 0 : i32
      %dma_wait3A_675 = tpu.memref_slice %arg14[%dma_wait3A_673, %dma_wait3A_674] : memref<10240x128xf32, #tpu.memory_space<vmem_shared>> -> memref<10240x128xf32, #tpu.memory_space<vmem_shared>>
      tpu.wait_indirect_dma semaphore(%arg19 : memref<!tpu.dma_semaphore, #tpu.memory_space<semaphore_mem>>) src(%arg9 : memref<80x128xf32, #tpu.memory_space<vmem>>) dst(%dma_wait3A_675 : memref<10240x128xf32, #tpu.memory_space<vmem_shared>>)
      %dma_start3A_676 = arith.constant 6 : i32
      %dma_start3A_677 = arith.constant 0 : i32
      %dma_start3A_678 = tpu.memref_slice %arg7[%dma_start3A_676, %dma_start3A_677] : memref<25x80xi32, #tpu.memory_space<vmem>> -> memref<1x80xi32, #tpu.memory_space<vmem>>
      %dma_start3A_679 = tpu.memref_squeeze %dma_start3A_678 : memref<1x80xi32, #tpu.memory_space<vmem>> -> memref<80xi32, #tpu.memory_space<vmem>>
      %dma_start3A_680 = arith.constant 0 : i32
      %dma_start3A_681 = arith.constant 0 : i32
      %dma_start3A_682 = tpu.memref_slice %arg4[%dma_start3A_680, %dma_start3A_681] : memref<10000x128xf32, #tpu.memory_space<hbm>> -> memref<10000x128xf32, #tpu.memory_space<hbm>>
      tpu.enqueue_indirect_dma source(%dma_start3A_682 : memref<10000x128xf32, #tpu.memory_space<hbm>>) target(%arg9 : memref<80x128xf32, #tpu.memory_space<vmem>>) offsets(%dma_start3A_679 : memref<80xi32, #tpu.memory_space<vmem>>) semaphore(%arg16 : memref<!tpu.dma_semaphore, #tpu.memory_space<semaphore_mem>>)
      %dma_wait3A_683 = arith.constant 4 : i32
      %dma_wait3A_684 = arith.constant 0 : i32
      %dma_wait3A_685 = tpu.memref_slice %arg7[%dma_wait3A_683, %dma_wait3A_684] : memref<25x80xi32, #tpu.memory_space<vmem>> -> memref<1x80xi32, #tpu.memory_space<vmem>>
      %dma_wait3A_686 = tpu.memref_squeeze %dma_wait3A_685 : memref<1x80xi32, #tpu.memory_space<vmem>> -> memref<80xi32, #tpu.memory_space<vmem>>
      %dma_wait3A_687 = arith.constant 0 : i32
      %dma_wait3A_688 = arith.constant 0 : i32
      %dma_wait3A_689 = tpu.memref_slice %arg4[%dma_wait3A_687, %dma_wait3A_688] : memref<10000x128xf32, #tpu.memory_space<hbm>> -> memref<10000x128xf32, #tpu.memory_space<hbm>>
      tpu.wait_indirect_dma semaphore(%arg17 : memref<!tpu.dma_semaphore, #tpu.memory_space<semaphore_mem>>) src(%dma_wait3A_689 : memref<10000x128xf32, #tpu.memory_space<hbm>>) dst(%arg10 : memref<80x128xf32, #tpu.memory_space<vmem>>)
      %dma_start3A_690 = arith.constant 4 : i32
      %dma_start3A_691 = arith.constant 0 : i32
      %dma_start3A_692 = tpu.memref_slice %arg8[%dma_start3A_690, %dma_start3A_691] : memref<25x80xi32, #tpu.memory_space<vmem>> -> memref<1x80xi32, #tpu.memory_space<vmem>>
      %dma_start3A_693 = tpu.memref_squeeze %dma_start3A_692 : memref<1x80xi32, #tpu.memory_space<vmem>> -> memref<80xi32, #tpu.memory_space<vmem>>
      %dma_start3A_694 = arith.constant 0 : i32
      %dma_start3A_695 = arith.constant 0 : i32
      %dma_start3A_696 = tpu.memref_slice %arg14[%dma_start3A_694, %dma_start3A_695] : memref<10240x128xf32, #tpu.memory_space<vmem_shared>> -> memref<10240x128xf32, #tpu.memory_space<vmem_shared>>
      tpu.enqueue_indirect_dma source(%arg10 : memref<80x128xf32, #tpu.memory_space<vmem>>) target(%dma_start3A_696 : memref<10240x128xf32, #tpu.memory_space<vmem_shared>>) offsets(%dma_start3A_693 : memref<80xi32, #tpu.memory_space<vmem>>) semaphore(%arg20 : memref<!tpu.dma_semaphore, #tpu.memory_space<semaphore_mem>>) {add = true}
      %get3A_697 = arith.constant 4 : i32
      %get3A_698 = arith.index_cast %get3A_697 : i32 to index
      %get3A_699 = arith.constant 0 : index
      %get3A_700 = tpu.vector_load %arg8[%get3A_698, %get3A_699] {strides = array<i32>} : memref<25x80xi32, #tpu.memory_space<vmem>>, vector<16xi32>,
      %shift_right_logical3A_701 = arith.constant 4 : i32
      %shift_right_logical3A_702 = vector.broadcast %shift_right_logical3A_701 : i32 to vector<16xi32>
      %shift_right_logical3A_703 = arith.shrui %get3A_700, %shift_right_logical3A_702 : vector<16xi32>
      %and3A_704 = arith.constant 15 : i32
      %and3A_705 = vector.broadcast %and3A_704 : i32 to vector<16xi32>
      %and3A_706 = arith.andi %get3A_700, %and3A_705 : vector<16xi32>
      tpu.vector_store_idx %arg12[%shift_right_logical3A_703, %and3A_706], %broadcast_in_dim3A_3 {add = true} : memref<640x16xf32, #tpu.memory_space<vmem>>[vector<16xi32>, vector<16xi32>], vector<16xf32>,
      %get3A_707 = arith.constant 4 : i32
      %get3A_708 = arith.index_cast %get3A_707 : i32 to index
      %get3A_709 = arith.constant 16 : index
      %get3A_710 = tpu.vector_load %arg8[%get3A_708, %get3A_709] {strides = array<i32>} : memref<25x80xi32, #tpu.memory_space<vmem>>, vector<16xi32>,
      %shift_right_logical3A_711 = arith.constant 4 : i32
      %shift_right_logical3A_712 = vector.broadcast %shift_right_logical3A_711 : i32 to vector<16xi32>
      %shift_right_logical3A_713 = arith.shrui %get3A_710, %shift_right_logical3A_712 : vector<16xi32>
      %and3A_714 = arith.constant 15 : i32
      %and3A_715 = vector.broadcast %and3A_714 : i32 to vector<16xi32>
      %and3A_716 = arith.andi %get3A_710, %and3A_715 : vector<16xi32>
      tpu.vector_store_idx %arg12[%shift_right_logical3A_713, %and3A_716], %broadcast_in_dim3A_3 {add = true} : memref<640x16xf32, #tpu.memory_space<vmem>>[vector<16xi32>, vector<16xi32>], vector<16xf32>,
      %get3A_717 = arith.constant 4 : i32
      %get3A_718 = arith.index_cast %get3A_717 : i32 to index
      %get3A_719 = arith.constant 32 : index
      %get3A_720 = tpu.vector_load %arg8[%get3A_718, %get3A_719] {strides = array<i32>} : memref<25x80xi32, #tpu.memory_space<vmem>>, vector<16xi32>,
      %shift_right_logical3A_721 = arith.constant 4 : i32
      %shift_right_logical3A_722 = vector.broadcast %shift_right_logical3A_721 : i32 to vector<16xi32>
      %shift_right_logical3A_723 = arith.shrui %get3A_720, %shift_right_logical3A_722 : vector<16xi32>
      %and3A_724 = arith.constant 15 : i32
      %and3A_725 = vector.broadcast %and3A_724 : i32 to vector<16xi32>
      %and3A_726 = arith.andi %get3A_720, %and3A_725 : vector<16xi32>
      tpu.vector_store_idx %arg12[%shift_right_logical3A_723, %and3A_726], %broadcast_in_dim3A_3 {add = true} : memref<640x16xf32, #tpu.memory_space<vmem>>[vector<16xi32>, vector<16xi32>], vector<16xf32>,
      %get3A_727 = arith.constant 4 : i32
      %get3A_728 = arith.index_cast %get3A_727 : i32 to index
      %get3A_729 = arith.constant 48 : index
      %get3A_730 = tpu.vector_load %arg8[%get3A_728, %get3A_729] {strides = array<i32>} : memref<25x80xi32, #tpu.memory_space<vmem>>, vector<16xi32>,
      %shift_right_logical3A_731 = arith.constant 4 : i32
      %shift_right_logical3A_732 = vector.broadcast %shift_right_logical3A_731 : i32 to vector<16xi32>
      %shift_right_logical3A_733 = arith.shrui %get3A_730, %shift_right_logical3A_732 : vector<16xi32>
      %and3A_734 = arith.constant 15 : i32
      %and3A_735 = vector.broadcast %and3A_734 : i32 to vector<16xi32>
      %and3A_736 = arith.andi %get3A_730, %and3A_735 : vector<16xi32>
      tpu.vector_store_idx %arg12[%shift_right_logical3A_733, %and3A_736], %broadcast_in_dim3A_3 {add = true} : memref<640x16xf32, #tpu.memory_space<vmem>>[vector<16xi32>, vector<16xi32>], vector<16xf32>,
      %get3A_737 = arith.constant 4 : i32
      %get3A_738 = arith.index_cast %get3A_737 : i32 to index
      %get3A_739 = arith.constant 64 : index
      %get3A_740 = tpu.vector_load %arg8[%get3A_738, %get3A_739] {strides = array<i32>} : memref<25x80xi32, #tpu.memory_space<vmem>>, vector<16xi32>,
      %shift_right_logical3A_741 = arith.constant 4 : i32
      %shift_right_logical3A_742 = vector.broadcast %shift_right_logical3A_741 : i32 to vector<16xi32>
      %shift_right_logical3A_743 = arith.shrui %get3A_740, %shift_right_logical3A_742 : vector<16xi32>
      %and3A_744 = arith.constant 15 : i32
      %and3A_745 = vector.broadcast %and3A_744 : i32 to vector<16xi32>
      %and3A_746 = arith.andi %get3A_740, %and3A_745 : vector<16xi32>
      tpu.vector_store_idx %arg12[%shift_right_logical3A_743, %and3A_746], %broadcast_in_dim3A_3 {add = true} : memref<640x16xf32, #tpu.memory_space<vmem>>[vector<16xi32>, vector<16xi32>], vector<16xf32>,
      %dma_wait3A_747 = arith.constant 4 : i32
      %dma_wait3A_748 = arith.constant 0 : i32
      %dma_wait3A_749 = tpu.memref_slice %arg8[%dma_wait3A_747, %dma_wait3A_748] : memref<25x80xi32, #tpu.memory_space<vmem>> -> memref<1x80xi32, #tpu.memory_space<vmem>>
      %dma_wait3A_750 = tpu.memref_squeeze %dma_wait3A_749 : memref<1x80xi32, #tpu.memory_space<vmem>> -> memref<80xi32, #tpu.memory_space<vmem>>
      %dma_wait3A_751 = arith.constant 0 : i32
      %dma_wait3A_752 = arith.constant 0 : i32
      %dma_wait3A_753 = tpu.memref_slice %arg14[%dma_wait3A_751, %dma_wait3A_752] : memref<10240x128xf32, #tpu.memory_space<vmem_shared>> -> memref<10240x128xf32, #tpu.memory_space<vmem_shared>>
      tpu.wait_indirect_dma semaphore(%arg20 : memref<!tpu.dma_semaphore, #tpu.memory_space<semaphore_mem>>) src(%arg10 : memref<80x128xf32, #tpu.memory_space<vmem>>) dst(%dma_wait3A_753 : memref<10240x128xf32, #tpu.memory_space<vmem_shared>>)
      %dma_start3A_754 = arith.constant 7 : i32
      %dma_start3A_755 = arith.constant 0 : i32
      %dma_start3A_756 = tpu.memref_slice %arg7[%dma_start3A_754, %dma_start3A_755] : memref<25x80xi32, #tpu.memory_space<vmem>> -> memref<1x80xi32, #tpu.memory_space<vmem>>
      %dma_start3A_757 = tpu.memref_squeeze %dma_start3A_756 : memref<1x80xi32, #tpu.memory_space<vmem>> -> memref<80xi32, #tpu.memory_space<vmem>>
      %dma_start3A_758 = arith.constant 0 : i32
      %dma_start3A_759 = arith.constant 0 : i32
      %dma_start3A_760 = tpu.memref_slice %arg4[%dma_start3A_758, %dma_start3A_759] : memref<10000x128xf32, #tpu.memory_space<hbm>> -> memref<10000x128xf32, #tpu.memory_space<hbm>>
      tpu.enqueue_indirect_dma source(%dma_start3A_760 : memref<10000x128xf32, #tpu.memory_space<hbm>>) target(%arg10 : memref<80x128xf32, #tpu.memory_space<vmem>>) offsets(%dma_start3A_757 : memref<80xi32, #tpu.memory_space<vmem>>) semaphore(%arg17 : memref<!tpu.dma_semaphore, #tpu.memory_space<semaphore_mem>>)
      %dma_wait3A_761 = arith.constant 5 : i32
      %dma_wait3A_762 = arith.constant 0 : i32
      %dma_wait3A_763 = tpu.memref_slice %arg7[%dma_wait3A_761, %dma_wait3A_762] : memref<25x80xi32, #tpu.memory_space<vmem>> -> memref<1x80xi32, #tpu.memory_space<vmem>>
      %dma_wait3A_764 = tpu.memref_squeeze %dma_wait3A_763 : memref<1x80xi32, #tpu.memory_space<vmem>> -> memref<80xi32, #tpu.memory_space<vmem>>
      %dma_wait3A_765 = arith.constant 0 : i32
      %dma_wait3A_766 = arith.constant 0 : i32
      %dma_wait3A_767 = tpu.memref_slice %arg4[%dma_wait3A_765, %dma_wait3A_766] : memref<10000x128xf32, #tpu.memory_space<hbm>> -> memref<10000x128xf32, #tpu.memory_space<hbm>>
      tpu.wait_indirect_dma semaphore(%arg18 : memref<!tpu.dma_semaphore, #tpu.memory_space<semaphore_mem>>) src(%dma_wait3A_767 : memref<10000x128xf32, #tpu.memory_space<hbm>>) dst(%arg11 : memref<80x128xf32, #tpu.memory_space<vmem>>)
      %dma_start3A_768 = arith.constant 5 : i32
      %dma_start3A_769 = arith.constant 0 : i32
      %dma_start3A_770 = tpu.memref_slice %arg8[%dma_start3A_768, %dma_start3A_769] : memref<25x80xi32, #tpu.memory_space<vmem>> -> memref<1x80xi32, #tpu.memory_space<vmem>>
      %dma_start3A_771 = tpu.memref_squeeze %dma_start3A_770 : memref<1x80xi32, #tpu.memory_space<vmem>> -> memref<80xi32, #tpu.memory_space<vmem>>
      %dma_start3A_772 = arith.constant 0 : i32
      %dma_start3A_773 = arith.constant 0 : i32
      %dma_start3A_774 = tpu.memref_slice %arg14[%dma_start3A_772, %dma_start3A_773] : memref<10240x128xf32, #tpu.memory_space<vmem_shared>> -> memref<10240x128xf32, #tpu.memory_space<vmem_shared>>
      tpu.enqueue_indirect_dma source(%arg11 : memref<80x128xf32, #tpu.memory_space<vmem>>) target(%dma_start3A_774 : memref<10240x128xf32, #tpu.memory_space<vmem_shared>>) offsets(%dma_start3A_771 : memref<80xi32, #tpu.memory_space<vmem>>) semaphore(%arg21 : memref<!tpu.dma_semaphore, #tpu.memory_space<semaphore_mem>>) {add = true}
      %get3A_775 = arith.constant 5 : i32
      %get3A_776 = arith.index_cast %get3A_775 : i32 to index
      %get3A_777 = arith.constant 0 : index
      %get3A_778 = tpu.vector_load %arg8[%get3A_776, %get3A_777] {strides = array<i32>} : memref<25x80xi32, #tpu.memory_space<vmem>>, vector<16xi32>,
      %shift_right_logical3A_779 = arith.constant 4 : i32
      %shift_right_logical3A_780 = vector.broadcast %shift_right_logical3A_779 : i32 to vector<16xi32>
      %shift_right_logical3A_781 = arith.shrui %get3A_778, %shift_right_logical3A_780 : vector<16xi32>
      %and3A_782 = arith.constant 15 : i32
      %and3A_783 = vector.broadcast %and3A_782 : i32 to vector<16xi32>
      %and3A_784 = arith.andi %get3A_778, %and3A_783 : vector<16xi32>
      tpu.vector_store_idx %arg12[%shift_right_logical3A_781, %and3A_784], %broadcast_in_dim3A_3 {add = true} : memref<640x16xf32, #tpu.memory_space<vmem>>[vector<16xi32>, vector<16xi32>], vector<16xf32>,
      %get3A_785 = arith.constant 5 : i32
      %get3A_786 = arith.index_cast %get3A_785 : i32 to index
      %get3A_787 = arith.constant 16 : index
      %get3A_788 = tpu.vector_load %arg8[%get3A_786, %get3A_787] {strides = array<i32>} : memref<25x80xi32, #tpu.memory_space<vmem>>, vector<16xi32>,
      %shift_right_logical3A_789 = arith.constant 4 : i32
      %shift_right_logical3A_790 = vector.broadcast %shift_right_logical3A_789 : i32 to vector<16xi32>
      %shift_right_logical3A_791 = arith.shrui %get3A_788, %shift_right_logical3A_790 : vector<16xi32>
      %and3A_792 = arith.constant 15 : i32
      %and3A_793 = vector.broadcast %and3A_792 : i32 to vector<16xi32>
      %and3A_794 = arith.andi %get3A_788, %and3A_793 : vector<16xi32>
      tpu.vector_store_idx %arg12[%shift_right_logical3A_791, %and3A_794], %broadcast_in_dim3A_3 {add = true} : memref<640x16xf32, #tpu.memory_space<vmem>>[vector<16xi32>, vector<16xi32>], vector<16xf32>,
      %get3A_795 = arith.constant 5 : i32
      %get3A_796 = arith.index_cast %get3A_795 : i32 to index
      %get3A_797 = arith.constant 32 : index
      %get3A_798 = tpu.vector_load %arg8[%get3A_796, %get3A_797] {strides = array<i32>} : memref<25x80xi32, #tpu.memory_space<vmem>>, vector<16xi32>,
      %shift_right_logical3A_799 = arith.constant 4 : i32
      %shift_right_logical3A_800 = vector.broadcast %shift_right_logical3A_799 : i32 to vector<16xi32>
      %shift_right_logical3A_801 = arith.shrui %get3A_798, %shift_right_logical3A_800 : vector<16xi32>
      %and3A_802 = arith.constant 15 : i32
      %and3A_803 = vector.broadcast %and3A_802 : i32 to vector<16xi32>
      %and3A_804 = arith.andi %get3A_798, %and3A_803 : vector<16xi32>
      tpu.vector_store_idx %arg12[%shift_right_logical3A_801, %and3A_804], %broadcast_in_dim3A_3 {add = true} : memref<640x16xf32, #tpu.memory_space<vmem>>[vector<16xi32>, vector<16xi32>], vector<16xf32>,
      %get3A_805 = arith.constant 5 : i32
      %get3A_806 = arith.index_cast %get3A_805 : i32 to index
      %get3A_807 = arith.constant 48 : index
      %get3A_808 = tpu.vector_load %arg8[%get3A_806, %get3A_807] {strides = array<i32>} : memref<25x80xi32, #tpu.memory_space<vmem>>, vector<16xi32>,
      %shift_right_logical3A_809 = arith.constant 4 : i32
      %shift_right_logical3A_810 = vector.broadcast %shift_right_logical3A_809 : i32 to vector<16xi32>
      %shift_right_logical3A_811 = arith.shrui %get3A_808, %shift_right_logical3A_810 : vector<16xi32>
      %and3A_812 = arith.constant 15 : i32
      %and3A_813 = vector.broadcast %and3A_812 : i32 to vector<16xi32>
      %and3A_814 = arith.andi %get3A_808, %and3A_813 : vector<16xi32>
      tpu.vector_store_idx %arg12[%shift_right_logical3A_811, %and3A_814], %broadcast_in_dim3A_3 {add = true} : memref<640x16xf32, #tpu.memory_space<vmem>>[vector<16xi32>, vector<16xi32>], vector<16xf32>,
      %get3A_815 = arith.constant 5 : i32
      %get3A_816 = arith.index_cast %get3A_815 : i32 to index
      %get3A_817 = arith.constant 64 : index
      %get3A_818 = tpu.vector_load %arg8[%get3A_816, %get3A_817] {strides = array<i32>} : memref<25x80xi32, #tpu.memory_space<vmem>>, vector<16xi32>,
      %shift_right_logical3A_819 = arith.constant 4 : i32
      %shift_right_logical3A_820 = vector.broadcast %shift_right_logical3A_819 : i32 to vector<16xi32>
      %shift_right_logical3A_821 = arith.shrui %get3A_818, %shift_right_logical3A_820 : vector<16xi32>
      %and3A_822 = arith.constant 15 : i32
      %and3A_823 = vector.broadcast %and3A_822 : i32 to vector<16xi32>
      %and3A_824 = arith.andi %get3A_818, %and3A_823 : vector<16xi32>
      tpu.vector_store_idx %arg12[%shift_right_logical3A_821, %and3A_824], %broadcast_in_dim3A_3 {add = true} : memref<640x16xf32, #tpu.memory_space<vmem>>[vector<16xi32>, vector<16xi32>], vector<16xf32>,
      %dma_wait3A_825 = arith.constant 5 : i32
      %dma_wait3A_826 = arith.constant 0 : i32
      %dma_wait3A_827 = tpu.memref_slice %arg8[%dma_wait3A_825, %dma_wait3A_826] : memref<25x80xi32, #tpu.memory_space<vmem>> -> memref<1x80xi32, #tpu.memory_space<vmem>>
      %dma_wait3A_828 = tpu.memref_squeeze %dma_wait3A_827 : memref<1x80xi32, #tpu.memory_space<vmem>> -> memref<80xi32, #tpu.memory_space<vmem>>
      %dma_wait3A_829 = arith.constant 0 : i32
      %dma_wait3A_830 = arith.constant 0 : i32
      %dma_wait3A_831 = tpu.memref_slice %arg14[%dma_wait3A_829, %dma_wait3A_830] : memref<10240x128xf32, #tpu.memory_space<vmem_shared>> -> memref<10240x128xf32, #tpu.memory_space<vmem_shared>>
      tpu.wait_indirect_dma semaphore(%arg21 : memref<!tpu.dma_semaphore, #tpu.memory_space<semaphore_mem>>) src(%arg11 : memref<80x128xf32, #tpu.memory_space<vmem>>) dst(%dma_wait3A_831 : memref<10240x128xf32, #tpu.memory_space<vmem_shared>>)
      %dma_start3A_832 = arith.constant 8 : i32
      %dma_start3A_833 = arith.constant 0 : i32
      %dma_start3A_834 = tpu.memref_slice %arg7[%dma_start3A_832, %dma_start3A_833] : memref<25x80xi32, #tpu.memory_space<vmem>> -> memref<1x80xi32, #tpu.memory_space<vmem>>
      %dma_start3A_835 = tpu.memref_squeeze %dma_start3A_834 : memref<1x80xi32, #tpu.memory_space<vmem>> -> memref<80xi32, #tpu.memory_space<vmem>>
      %dma_start3A_836 = arith.constant 0 : i32
      %dma_start3A_837 = arith.constant 0 : i32
      %dma_start3A_838 = tpu.memref_slice %arg4[%dma_start3A_836, %dma_start3A_837] : memref<10000x128xf32, #tpu.memory_space<hbm>> -> memref<10000x128xf32, #tpu.memory_space<hbm>>
      tpu.enqueue_indirect_dma source(%dma_start3A_838 : memref<10000x128xf32, #tpu.memory_space<hbm>>) target(%arg11 : memref<80x128xf32, #tpu.memory_space<vmem>>) offsets(%dma_start3A_835 : memref<80xi32, #tpu.memory_space<vmem>>) semaphore(%arg18 : memref<!tpu.dma_semaphore, #tpu.memory_space<semaphore_mem>>)
      %dma_wait3A_839 = arith.constant 6 : i32
      %dma_wait3A_840 = arith.constant 0 : i32
      %dma_wait3A_841 = tpu.memref_slice %arg7[%dma_wait3A_839, %dma_wait3A_840] : memref<25x80xi32, #tpu.memory_space<vmem>> -> memref<1x80xi32, #tpu.memory_space<vmem>>
      %dma_wait3A_842 = tpu.memref_squeeze %dma_wait3A_841 : memref<1x80xi32, #tpu.memory_space<vmem>> -> memref<80xi32, #tpu.memory_space<vmem>>
      %dma_wait3A_843 = arith.constant 0 : i32
      %dma_wait3A_844 = arith.constant 0 : i32
      %dma_wait3A_845 = tpu.memref_slice %arg4[%dma_wait3A_843, %dma_wait3A_844] : memref<10000x128xf32, #tpu.memory_space<hbm>> -> memref<10000x128xf32, #tpu.memory_space<hbm>>
      tpu.wait_indirect_dma semaphore(%arg16 : memref<!tpu.dma_semaphore, #tpu.memory_space<semaphore_mem>>) src(%dma_wait3A_845 : memref<10000x128xf32, #tpu.memory_space<hbm>>) dst(%arg9 : memref<80x128xf32, #tpu.memory_space<vmem>>)
      %dma_start3A_846 = arith.constant 6 : i32
      %dma_start3A_847 = arith.constant 0 : i32
      %dma_start3A_848 = tpu.memref_slice %arg8[%dma_start3A_846, %dma_start3A_847] : memref<25x80xi32, #tpu.memory_space<vmem>> -> memref<1x80xi32, #tpu.memory_space<vmem>>
      %dma_start3A_849 = tpu.memref_squeeze %dma_start3A_848 : memref<1x80xi32, #tpu.memory_space<vmem>> -> memref<80xi32, #tpu.memory_space<vmem>>
      %dma_start3A_850 = arith.constant 0 : i32
      %dma_start3A_851 = arith.constant 0 : i32
      %dma_start3A_852 = tpu.memref_slice %arg14[%dma_start3A_850, %dma_start3A_851] : memref<10240x128xf32, #tpu.memory_space<vmem_shared>> -> memref<10240x128xf32, #tpu.memory_space<vmem_shared>>
      tpu.enqueue_indirect_dma source(%arg9 : memref<80x128xf32, #tpu.memory_space<vmem>>) target(%dma_start3A_852 : memref<10240x128xf32, #tpu.memory_space<vmem_shared>>) offsets(%dma_start3A_849 : memref<80xi32, #tpu.memory_space<vmem>>) semaphore(%arg19 : memref<!tpu.dma_semaphore, #tpu.memory_space<semaphore_mem>>) {add = true}
      %get3A_853 = arith.constant 6 : i32
      %get3A_854 = arith.index_cast %get3A_853 : i32 to index
      %get3A_855 = arith.constant 0 : index
      %get3A_856 = tpu.vector_load %arg8[%get3A_854, %get3A_855] {strides = array<i32>} : memref<25x80xi32, #tpu.memory_space<vmem>>, vector<16xi32>,
      %shift_right_logical3A_857 = arith.constant 4 : i32
      %shift_right_logical3A_858 = vector.broadcast %shift_right_logical3A_857 : i32 to vector<16xi32>
      %shift_right_logical3A_859 = arith.shrui %get3A_856, %shift_right_logical3A_858 : vector<16xi32>
      %and3A_860 = arith.constant 15 : i32
      %and3A_861 = vector.broadcast %and3A_860 : i32 to vector<16xi32>
      %and3A_862 = arith.andi %get3A_856, %and3A_861 : vector<16xi32>
      tpu.vector_store_idx %arg12[%shift_right_logical3A_859, %and3A_862], %broadcast_in_dim3A_3 {add = true} : memref<640x16xf32, #tpu.memory_space<vmem>>[vector<16xi32>, vector<16xi32>], vector<16xf32>,
      %get3A_863 = arith.constant 6 : i32
      %get3A_864 = arith.index_cast %get3A_863 : i32 to index
      %get3A_865 = arith.constant 16 : index
      %get3A_866 = tpu.vector_load %arg8[%get3A_864, %get3A_865] {strides = array<i32>} : memref<25x80xi32, #tpu.memory_space<vmem>>, vector<16xi32>,
      %shift_right_logical3A_867 = arith.constant 4 : i32
      %shift_right_logical3A_868 = vector.broadcast %shift_right_logical3A_867 : i32 to vector<16xi32>
      %shift_right_logical3A_869 = arith.shrui %get3A_866, %shift_right_logical3A_868 : vector<16xi32>
      %and3A_870 = arith.constant 15 : i32
      %and3A_871 = vector.broadcast %and3A_870 : i32 to vector<16xi32>
      %and3A_872 = arith.andi %get3A_866, %and3A_871 : vector<16xi32>
      tpu.vector_store_idx %arg12[%shift_right_logical3A_869, %and3A_872], %broadcast_in_dim3A_3 {add = true} : memref<640x16xf32, #tpu.memory_space<vmem>>[vector<16xi32>, vector<16xi32>], vector<16xf32>,
      %get3A_873 = arith.constant 6 : i32
      %get3A_874 = arith.index_cast %get3A_873 : i32 to index
      %get3A_875 = arith.constant 32 : index
      %get3A_876 = tpu.vector_load %arg8[%get3A_874, %get3A_875] {strides = array<i32>} : memref<25x80xi32, #tpu.memory_space<vmem>>, vector<16xi32>,
      %shift_right_logical3A_877 = arith.constant 4 : i32
      %shift_right_logical3A_878 = vector.broadcast %shift_right_logical3A_877 : i32 to vector<16xi32>
      %shift_right_logical3A_879 = arith.shrui %get3A_876, %shift_right_logical3A_878 : vector<16xi32>
      %and3A_880 = arith.constant 15 : i32
      %and3A_881 = vector.broadcast %and3A_880 : i32 to vector<16xi32>
      %and3A_882 = arith.andi %get3A_876, %and3A_881 : vector<16xi32>
      tpu.vector_store_idx %arg12[%shift_right_logical3A_879, %and3A_882], %broadcast_in_dim3A_3 {add = true} : memref<640x16xf32, #tpu.memory_space<vmem>>[vector<16xi32>, vector<16xi32>], vector<16xf32>,
      %get3A_883 = arith.constant 6 : i32
      %get3A_884 = arith.index_cast %get3A_883 : i32 to index
      %get3A_885 = arith.constant 48 : index
      %get3A_886 = tpu.vector_load %arg8[%get3A_884, %get3A_885] {strides = array<i32>} : memref<25x80xi32, #tpu.memory_space<vmem>>, vector<16xi32>,
      %shift_right_logical3A_887 = arith.constant 4 : i32
      %shift_right_logical3A_888 = vector.broadcast %shift_right_logical3A_887 : i32 to vector<16xi32>
      %shift_right_logical3A_889 = arith.shrui %get3A_886, %shift_right_logical3A_888 : vector<16xi32>
      %and3A_890 = arith.constant 15 : i32
      %and3A_891 = vector.broadcast %and3A_890 : i32 to vector<16xi32>
      %and3A_892 = arith.andi %get3A_886, %and3A_891 : vector<16xi32>
      tpu.vector_store_idx %arg12[%shift_right_logical3A_889, %and3A_892], %broadcast_in_dim3A_3 {add = true} : memref<640x16xf32, #tpu.memory_space<vmem>>[vector<16xi32>, vector<16xi32>], vector<16xf32>,
      %get3A_893 = arith.constant 6 : i32
      %get3A_894 = arith.index_cast %get3A_893 : i32 to index
      %get3A_895 = arith.constant 64 : index
      %get3A_896 = tpu.vector_load %arg8[%get3A_894, %get3A_895] {strides = array<i32>} : memref<25x80xi32, #tpu.memory_space<vmem>>, vector<16xi32>,
      %shift_right_logical3A_897 = arith.constant 4 : i32
      %shift_right_logical3A_898 = vector.broadcast %shift_right_logical3A_897 : i32 to vector<16xi32>
      %shift_right_logical3A_899 = arith.shrui %get3A_896, %shift_right_logical3A_898 : vector<16xi32>
      %and3A_900 = arith.constant 15 : i32
      %and3A_901 = vector.broadcast %and3A_900 : i32 to vector<16xi32>
      %and3A_902 = arith.andi %get3A_896, %and3A_901 : vector<16xi32>
      tpu.vector_store_idx %arg12[%shift_right_logical3A_899, %and3A_902], %broadcast_in_dim3A_3 {add = true} : memref<640x16xf32, #tpu.memory_space<vmem>>[vector<16xi32>, vector<16xi32>], vector<16xf32>,
      %dma_wait3A_903 = arith.constant 6 : i32
      %dma_wait3A_904 = arith.constant 0 : i32
      %dma_wait3A_905 = tpu.memref_slice %arg8[%dma_wait3A_903, %dma_wait3A_904] : memref<25x80xi32, #tpu.memory_space<vmem>> -> memref<1x80xi32, #tpu.memory_space<vmem>>
      %dma_wait3A_906 = tpu.memref_squeeze %dma_wait3A_905 : memref<1x80xi32, #tpu.memory_space<vmem>> -> memref<80xi32, #tpu.memory_space<vmem>>
      %dma_wait3A_907 = arith.constant 0 : i32
      %dma_wait3A_908 = arith.constant 0 : i32
      %dma_wait3A_909 = tpu.memref_slice %arg14[%dma_wait3A_907, %dma_wait3A_908] : memref<10240x128xf32, #tpu.memory_space<vmem_shared>> -> memref<10240x128xf32, #tpu.memory_space<vmem_shared>>
      tpu.wait_indirect_dma semaphore(%arg19 : memref<!tpu.dma_semaphore, #tpu.memory_space<semaphore_mem>>) src(%arg9 : memref<80x128xf32, #tpu.memory_space<vmem>>) dst(%dma_wait3A_909 : memref<10240x128xf32, #tpu.memory_space<vmem_shared>>)
      %dma_start3A_910 = arith.constant 9 : i32
      %dma_start3A_911 = arith.constant 0 : i32
      %dma_start3A_912 = tpu.memref_slice %arg7[%dma_start3A_910, %dma_start3A_911] : memref<25x80xi32, #tpu.memory_space<vmem>> -> memref<1x80xi32, #tpu.memory_space<vmem>>
      %dma_start3A_913 = tpu.memref_squeeze %dma_start3A_912 : memref<1x80xi32, #tpu.memory_space<vmem>> -> memref<80xi32, #tpu.memory_space<vmem>>
      %dma_start3A_914 = arith.constant 0 : i32
      %dma_start3A_915 = arith.constant 0 : i32
      %dma_start3A_916 = tpu.memref_slice %arg4[%dma_start3A_914, %dma_start3A_915] : memref<10000x128xf32, #tpu.memory_space<hbm>> -> memref<10000x128xf32, #tpu.memory_space<hbm>>
      tpu.enqueue_indirect_dma source(%dma_start3A_916 : memref<10000x128xf32, #tpu.memory_space<hbm>>) target(%arg9 : memref<80x128xf32, #tpu.memory_space<vmem>>) offsets(%dma_start3A_913 : memref<80xi32, #tpu.memory_space<vmem>>) semaphore(%arg16 : memref<!tpu.dma_semaphore, #tpu.memory_space<semaphore_mem>>)
      %dma_wait3A_917 = arith.constant 7 : i32
      %dma_wait3A_918 = arith.constant 0 : i32
      %dma_wait3A_919 = tpu.memref_slice %arg7[%dma_wait3A_917, %dma_wait3A_918] : memref<25x80xi32, #tpu.memory_space<vmem>> -> memref<1x80xi32, #tpu.memory_space<vmem>>
      %dma_wait3A_920 = tpu.memref_squeeze %dma_wait3A_919 : memref<1x80xi32, #tpu.memory_space<vmem>> -> memref<80xi32, #tpu.memory_space<vmem>>
      %dma_wait3A_921 = arith.constant 0 : i32
      %dma_wait3A_922 = arith.constant 0 : i32
      %dma_wait3A_923 = tpu.memref_slice %arg4[%dma_wait3A_921, %dma_wait3A_922] : memref<10000x128xf32, #tpu.memory_space<hbm>> -> memref<10000x128xf32, #tpu.memory_space<hbm>>
      tpu.wait_indirect_dma semaphore(%arg17 : memref<!tpu.dma_semaphore, #tpu.memory_space<semaphore_mem>>) src(%dma_wait3A_923 : memref<10000x128xf32, #tpu.memory_space<hbm>>) dst(%arg10 : memref<80x128xf32, #tpu.memory_space<vmem>>)
      %dma_start3A_924 = arith.constant 7 : i32
      %dma_start3A_925 = arith.constant 0 : i32
      %dma_start3A_926 = tpu.memref_slice %arg8[%dma_start3A_924, %dma_start3A_925] : memref<25x80xi32, #tpu.memory_space<vmem>> -> memref<1x80xi32, #tpu.memory_space<vmem>>
      %dma_start3A_927 = tpu.memref_squeeze %dma_start3A_926 : memref<1x80xi32, #tpu.memory_space<vmem>> -> memref<80xi32, #tpu.memory_space<vmem>>
      %dma_start3A_928 = arith.constant 0 : i32
      %dma_start3A_929 = arith.constant 0 : i32
      %dma_start3A_930 = tpu.memref_slice %arg14[%dma_start3A_928, %dma_start3A_929] : memref<10240x128xf32, #tpu.memory_space<vmem_shared>> -> memref<10240x128xf32, #tpu.memory_space<vmem_shared>>
      tpu.enqueue_indirect_dma source(%arg10 : memref<80x128xf32, #tpu.memory_space<vmem>>) target(%dma_start3A_930 : memref<10240x128xf32, #tpu.memory_space<vmem_shared>>) offsets(%dma_start3A_927 : memref<80xi32, #tpu.memory_space<vmem>>) semaphore(%arg20 : memref<!tpu.dma_semaphore, #tpu.memory_space<semaphore_mem>>) {add = true}
      %get3A_931 = arith.constant 7 : i32
      %get3A_932 = arith.index_cast %get3A_931 : i32 to index
      %get3A_933 = arith.constant 0 : index
      %get3A_934 = tpu.vector_load %arg8[%get3A_932, %get3A_933] {strides = array<i32>} : memref<25x80xi32, #tpu.memory_space<vmem>>, vector<16xi32>,
      %shift_right_logical3A_935 = arith.constant 4 : i32
      %shift_right_logical3A_936 = vector.broadcast %shift_right_logical3A_935 : i32 to vector<16xi32>
      %shift_right_logical3A_937 = arith.shrui %get3A_934, %shift_right_logical3A_936 : vector<16xi32>
      %and3A_938 = arith.constant 15 : i32
      %and3A_939 = vector.broadcast %and3A_938 : i32 to vector<16xi32>
      %and3A_940 = arith.andi %get3A_934, %and3A_939 : vector<16xi32>
      tpu.vector_store_idx %arg12[%shift_right_logical3A_937, %and3A_940], %broadcast_in_dim3A_3 {add = true} : memref<640x16xf32, #tpu.memory_space<vmem>>[vector<16xi32>, vector<16xi32>], vector<16xf32>,
      %get3A_941 = arith.constant 7 : i32
      %get3A_942 = arith.index_cast %get3A_941 : i32 to index
      %get3A_943 = arith.constant 16 : index
      %get3A_944 = tpu.vector_load %arg8[%get3A_942, %get3A_943] {strides = array<i32>} : memref<25x80xi32, #tpu.memory_space<vmem>>, vector<16xi32>,
      %shift_right_logical3A_945 = arith.constant 4 : i32
      %shift_right_logical3A_946 = vector.broadcast %shift_right_logical3A_945 : i32 to vector<16xi32>
      %shift_right_logical3A_947 = arith.shrui %get3A_944, %shift_right_logical3A_946 : vector<16xi32>
      %and3A_948 = arith.constant 15 : i32
      %and3A_949 = vector.broadcast %and3A_948 : i32 to vector<16xi32>
      %and3A_950 = arith.andi %get3A_944, %and3A_949 : vector<16xi32>
      tpu.vector_store_idx %arg12[%shift_right_logical3A_947, %and3A_950], %broadcast_in_dim3A_3 {add = true} : memref<640x16xf32, #tpu.memory_space<vmem>>[vector<16xi32>, vector<16xi32>], vector<16xf32>,
      %get3A_951 = arith.constant 7 : i32
      %get3A_952 = arith.index_cast %get3A_951 : i32 to index
      %get3A_953 = arith.constant 32 : index
      %get3A_954 = tpu.vector_load %arg8[%get3A_952, %get3A_953] {strides = array<i32>} : memref<25x80xi32, #tpu.memory_space<vmem>>, vector<16xi32>,
      %shift_right_logical3A_955 = arith.constant 4 : i32
      %shift_right_logical3A_956 = vector.broadcast %shift_right_logical3A_955 : i32 to vector<16xi32>
      %shift_right_logical3A_957 = arith.shrui %get3A_954, %shift_right_logical3A_956 : vector<16xi32>
      %and3A_958 = arith.constant 15 : i32
      %and3A_959 = vector.broadcast %and3A_958 : i32 to vector<16xi32>
      %and3A_960 = arith.andi %get3A_954, %and3A_959 : vector<16xi32>
      tpu.vector_store_idx %arg12[%shift_right_logical3A_957, %and3A_960], %broadcast_in_dim3A_3 {add = true} : memref<640x16xf32, #tpu.memory_space<vmem>>[vector<16xi32>, vector<16xi32>], vector<16xf32>,
      %get3A_961 = arith.constant 7 : i32
      %get3A_962 = arith.index_cast %get3A_961 : i32 to index
      %get3A_963 = arith.constant 48 : index
      %get3A_964 = tpu.vector_load %arg8[%get3A_962, %get3A_963] {strides = array<i32>} : memref<25x80xi32, #tpu.memory_space<vmem>>, vector<16xi32>,
      %shift_right_logical3A_965 = arith.constant 4 : i32
      %shift_right_logical3A_966 = vector.broadcast %shift_right_logical3A_965 : i32 to vector<16xi32>
      %shift_right_logical3A_967 = arith.shrui %get3A_964, %shift_right_logical3A_966 : vector<16xi32>
      %and3A_968 = arith.constant 15 : i32
      %and3A_969 = vector.broadcast %and3A_968 : i32 to vector<16xi32>
      %and3A_970 = arith.andi %get3A_964, %and3A_969 : vector<16xi32>
      tpu.vector_store_idx %arg12[%shift_right_logical3A_967, %and3A_970], %broadcast_in_dim3A_3 {add = true} : memref<640x16xf32, #tpu.memory_space<vmem>>[vector<16xi32>, vector<16xi32>], vector<16xf32>,
      %get3A_971 = arith.constant 7 : i32
      %get3A_972 = arith.index_cast %get3A_971 : i32 to index
      %get3A_973 = arith.constant 64 : index
      %get3A_974 = tpu.vector_load %arg8[%get3A_972, %get3A_973] {strides = array<i32>} : memref<25x80xi32, #tpu.memory_space<vmem>>, vector<16xi32>,
      %shift_right_logical3A_975 = arith.constant 4 : i32
      %shift_right_logical3A_976 = vector.broadcast %shift_right_logical3A_975 : i32 to vector<16xi32>
      %shift_right_logical3A_977 = arith.shrui %get3A_974, %shift_right_logical3A_976 : vector<16xi32>
      %and3A_978 = arith.constant 15 : i32
      %and3A_979 = vector.broadcast %and3A_978 : i32 to vector<16xi32>
      %and3A_980 = arith.andi %get3A_974, %and3A_979 : vector<16xi32>
      tpu.vector_store_idx %arg12[%shift_right_logical3A_977, %and3A_980], %broadcast_in_dim3A_3 {add = true} : memref<640x16xf32, #tpu.memory_space<vmem>>[vector<16xi32>, vector<16xi32>], vector<16xf32>,
      %dma_wait3A_981 = arith.constant 7 : i32
      %dma_wait3A_982 = arith.constant 0 : i32
      %dma_wait3A_983 = tpu.memref_slice %arg8[%dma_wait3A_981, %dma_wait3A_982] : memref<25x80xi32, #tpu.memory_space<vmem>> -> memref<1x80xi32, #tpu.memory_space<vmem>>
      %dma_wait3A_984 = tpu.memref_squeeze %dma_wait3A_983 : memref<1x80xi32, #tpu.memory_space<vmem>> -> memref<80xi32, #tpu.memory_space<vmem>>
      %dma_wait3A_985 = arith.constant 0 : i32
      %dma_wait3A_986 = arith.constant 0 : i32
      %dma_wait3A_987 = tpu.memref_slice %arg14[%dma_wait3A_985, %dma_wait3A_986] : memref<10240x128xf32, #tpu.memory_space<vmem_shared>> -> memref<10240x128xf32, #tpu.memory_space<vmem_shared>>
      tpu.wait_indirect_dma semaphore(%arg20 : memref<!tpu.dma_semaphore, #tpu.memory_space<semaphore_mem>>) src(%arg10 : memref<80x128xf32, #tpu.memory_space<vmem>>) dst(%dma_wait3A_987 : memref<10240x128xf32, #tpu.memory_space<vmem_shared>>)
      %dma_start3A_988 = arith.constant 10 : i32
      %dma_start3A_989 = arith.constant 0 : i32
      %dma_start3A_990 = tpu.memref_slice %arg7[%dma_start3A_988, %dma_start3A_989] : memref<25x80xi32, #tpu.memory_space<vmem>> -> memref<1x80xi32, #tpu.memory_space<vmem>>
      %dma_start3A_991 = tpu.memref_squeeze %dma_start3A_990 : memref<1x80xi32, #tpu.memory_space<vmem>> -> memref<80xi32, #tpu.memory_space<vmem>>
      %dma_start3A_992 = arith.constant 0 : i32
      %dma_start3A_993 = arith.constant 0 : i32
      %dma_start3A_994 = tpu.memref_slice %arg4[%dma_start3A_992, %dma_start3A_993] : memref<10000x128xf32, #tpu.memory_space<hbm>> -> memref<10000x128xf32, #tpu.memory_space<hbm>>
      tpu.enqueue_indirect_dma source(%dma_start3A_994 : memref<10000x128xf32, #tpu.memory_space<hbm>>) target(%arg10 : memref<80x128xf32, #tpu.memory_space<vmem>>) offsets(%dma_start3A_991 : memref<80xi32, #tpu.memory_space<vmem>>) semaphore(%arg17 : memref<!tpu.dma_semaphore, #tpu.memory_space<semaphore_mem>>)
      %dma_wait3A_995 = arith.constant 8 : i32
      %dma_wait3A_996 = arith.constant 0 : i32
      %dma_wait3A_997 = tpu.memref_slice %arg7[%dma_wait3A_995, %dma_wait3A_996] : memref<25x80xi32, #tpu.memory_space<vmem>> -> memref<1x80xi32, #tpu.memory_space<vmem>>
      %dma_wait3A_998 = tpu.memref_squeeze %dma_wait3A_997 : memref<1x80xi32, #tpu.memory_space<vmem>> -> memref<80xi32, #tpu.memory_space<vmem>>
      %dma_wait3A_999 = arith.constant 0 : i32
      %dma_wait3A_1000 = arith.constant 0 : i32
      %dma_wait3A_1001 = tpu.memref_slice %arg4[%dma_wait3A_999, %dma_wait3A_1000] : memref<10000x128xf32, #tpu.memory_space<hbm>> -> memref<10000x128xf32, #tpu.memory_space<hbm>>
      tpu.wait_indirect_dma semaphore(%arg18 : memref<!tpu.dma_semaphore, #tpu.memory_space<semaphore_mem>>) src(%dma_wait3A_1001 : memref<10000x128xf32, #tpu.memory_space<hbm>>) dst(%arg11 : memref<80x128xf32, #tpu.memory_space<vmem>>)
      %dma_start3A_1002 = arith.constant 8 : i32
      %dma_start3A_1003 = arith.constant 0 : i32
      %dma_start3A_1004 = tpu.memref_slice %arg8[%dma_start3A_1002, %dma_start3A_1003] : memref<25x80xi32, #tpu.memory_space<vmem>> -> memref<1x80xi32, #tpu.memory_space<vmem>>
      %dma_start3A_1005 = tpu.memref_squeeze %dma_start3A_1004 : memref<1x80xi32, #tpu.memory_space<vmem>> -> memref<80xi32, #tpu.memory_space<vmem>>
      %dma_start3A_1006 = arith.constant 0 : i32
      %dma_start3A_1007 = arith.constant 0 : i32
      %dma_start3A_1008 = tpu.memref_slice %arg14[%dma_start3A_1006, %dma_start3A_1007] : memref<10240x128xf32, #tpu.memory_space<vmem_shared>> -> memref<10240x128xf32, #tpu.memory_space<vmem_shared>>
      tpu.enqueue_indirect_dma source(%arg11 : memref<80x128xf32, #tpu.memory_space<vmem>>) target(%dma_start3A_1008 : memref<10240x128xf32, #tpu.memory_space<vmem_shared>>) offsets(%dma_start3A_1005 : memref<80xi32, #tpu.memory_space<vmem>>) semaphore(%arg21 : memref<!tpu.dma_semaphore, #tpu.memory_space<semaphore_mem>>) {add = true}
      %get3A_1009 = arith.constant 8 : i32
      %get3A_1010 = arith.index_cast %get3A_1009 : i32 to index
      %get3A_1011 = arith.constant 0 : index
      %get3A_1012 = tpu.vector_load %arg8[%get3A_1010, %get3A_1011] {strides = array<i32>} : memref<25x80xi32, #tpu.memory_space<vmem>>, vector<16xi32>,
      %shift_right_logical3A_1013 = arith.constant 4 : i32
      %shift_right_logical3A_1014 = vector.broadcast %shift_right_logical3A_1013 : i32 to vector<16xi32>
      %shift_right_logical3A_1015 = arith.shrui %get3A_1012, %shift_right_logical3A_1014 : vector<16xi32>
      %and3A_1016 = arith.constant 15 : i32
      %and3A_1017 = vector.broadcast %and3A_1016 : i32 to vector<16xi32>
      %and3A_1018 = arith.andi %get3A_1012, %and3A_1017 : vector<16xi32>
      tpu.vector_store_idx %arg12[%shift_right_logical3A_1015, %and3A_1018], %broadcast_in_dim3A_3 {add = true} : memref<640x16xf32, #tpu.memory_space<vmem>>[vector<16xi32>, vector<16xi32>], vector<16xf32>,
      %get3A_1019 = arith.constant 8 : i32
      %get3A_1020 = arith.index_cast %get3A_1019 : i32 to index
      %get3A_1021 = arith.constant 16 : index
      %get3A_1022 = tpu.vector_load %arg8[%get3A_1020, %get3A_1021] {strides = array<i32>} : memref<25x80xi32, #tpu.memory_space<vmem>>, vector<16xi32>,
      %shift_right_logical3A_1023 = arith.constant 4 : i32
      %shift_right_logical3A_1024 = vector.broadcast %shift_right_logical3A_1023 : i32 to vector<16xi32>
      %shift_right_logical3A_1025 = arith.shrui %get3A_1022, %shift_right_logical3A_1024 : vector<16xi32>
      %and3A_1026 = arith.constant 15 : i32
      %and3A_1027 = vector.broadcast %and3A_1026 : i32 to vector<16xi32>
      %and3A_1028 = arith.andi %get3A_1022, %and3A_1027 : vector<16xi32>
      tpu.vector_store_idx %arg12[%shift_right_logical3A_1025, %and3A_1028], %broadcast_in_dim3A_3 {add = true} : memref<640x16xf32, #tpu.memory_space<vmem>>[vector<16xi32>, vector<16xi32>], vector<16xf32>,
      %get3A_1029 = arith.constant 8 : i32
      %get3A_1030 = arith.index_cast %get3A_1029 : i32 to index
      %get3A_1031 = arith.constant 32 : index
      %get3A_1032 = tpu.vector_load %arg8[%get3A_1030, %get3A_1031] {strides = array<i32>} : memref<25x80xi32, #tpu.memory_space<vmem>>, vector<16xi32>,
      %shift_right_logical3A_1033 = arith.constant 4 : i32
      %shift_right_logical3A_1034 = vector.broadcast %shift_right_logical3A_1033 : i32 to vector<16xi32>
      %shift_right_logical3A_1035 = arith.shrui %get3A_1032, %shift_right_logical3A_1034 : vector<16xi32>
      %and3A_1036 = arith.constant 15 : i32
      %and3A_1037 = vector.broadcast %and3A_1036 : i32 to vector<16xi32>
      %and3A_1038 = arith.andi %get3A_1032, %and3A_1037 : vector<16xi32>
      tpu.vector_store_idx %arg12[%shift_right_logical3A_1035, %and3A_1038], %broadcast_in_dim3A_3 {add = true} : memref<640x16xf32, #tpu.memory_space<vmem>>[vector<16xi32>, vector<16xi32>], vector<16xf32>,
      %get3A_1039 = arith.constant 8 : i32
      %get3A_1040 = arith.index_cast %get3A_1039 : i32 to index
      %get3A_1041 = arith.constant 48 : index
      %get3A_1042 = tpu.vector_load %arg8[%get3A_1040, %get3A_1041] {strides = array<i32>} : memref<25x80xi32, #tpu.memory_space<vmem>>, vector<16xi32>,
      %shift_right_logical3A_1043 = arith.constant 4 : i32
      %shift_right_logical3A_1044 = vector.broadcast %shift_right_logical3A_1043 : i32 to vector<16xi32>
      %shift_right_logical3A_1045 = arith.shrui %get3A_1042, %shift_right_logical3A_1044 : vector<16xi32>
      %and3A_1046 = arith.constant 15 : i32
      %and3A_1047 = vector.broadcast %and3A_1046 : i32 to vector<16xi32>
      %and3A_1048 = arith.andi %get3A_1042, %and3A_1047 : vector<16xi32>
      tpu.vector_store_idx %arg12[%shift_right_logical3A_1045, %and3A_1048], %broadcast_in_dim3A_3 {add = true} : memref<640x16xf32, #tpu.memory_space<vmem>>[vector<16xi32>, vector<16xi32>], vector<16xf32>,
      %get3A_1049 = arith.constant 8 : i32
      %get3A_1050 = arith.index_cast %get3A_1049 : i32 to index
      %get3A_1051 = arith.constant 64 : index
      %get3A_1052 = tpu.vector_load %arg8[%get3A_1050, %get3A_1051] {strides = array<i32>} : memref<25x80xi32, #tpu.memory_space<vmem>>, vector<16xi32>,
      %shift_right_logical3A_1053 = arith.constant 4 : i32
      %shift_right_logical3A_1054 = vector.broadcast %shift_right_logical3A_1053 : i32 to vector<16xi32>
      %shift_right_logical3A_1055 = arith.shrui %get3A_1052, %shift_right_logical3A_1054 : vector<16xi32>
      %and3A_1056 = arith.constant 15 : i32
      %and3A_1057 = vector.broadcast %and3A_1056 : i32 to vector<16xi32>
      %and3A_1058 = arith.andi %get3A_1052, %and3A_1057 : vector<16xi32>
      tpu.vector_store_idx %arg12[%shift_right_logical3A_1055, %and3A_1058], %broadcast_in_dim3A_3 {add = true} : memref<640x16xf32, #tpu.memory_space<vmem>>[vector<16xi32>, vector<16xi32>], vector<16xf32>,
      %dma_wait3A_1059 = arith.constant 8 : i32
      %dma_wait3A_1060 = arith.constant 0 : i32
      %dma_wait3A_1061 = tpu.memref_slice %arg8[%dma_wait3A_1059, %dma_wait3A_1060] : memref<25x80xi32, #tpu.memory_space<vmem>> -> memref<1x80xi32, #tpu.memory_space<vmem>>
      %dma_wait3A_1062 = tpu.memref_squeeze %dma_wait3A_1061 : memref<1x80xi32, #tpu.memory_space<vmem>> -> memref<80xi32, #tpu.memory_space<vmem>>
      %dma_wait3A_1063 = arith.constant 0 : i32
      %dma_wait3A_1064 = arith.constant 0 : i32
      %dma_wait3A_1065 = tpu.memref_slice %arg14[%dma_wait3A_1063, %dma_wait3A_1064] : memref<10240x128xf32, #tpu.memory_space<vmem_shared>> -> memref<10240x128xf32, #tpu.memory_space<vmem_shared>>
      tpu.wait_indirect_dma semaphore(%arg21 : memref<!tpu.dma_semaphore, #tpu.memory_space<semaphore_mem>>) src(%arg11 : memref<80x128xf32, #tpu.memory_space<vmem>>) dst(%dma_wait3A_1065 : memref<10240x128xf32, #tpu.memory_space<vmem_shared>>)
      %dma_start3A_1066 = arith.constant 11 : i32
      %dma_start3A_1067 = arith.constant 0 : i32
      %dma_start3A_1068 = tpu.memref_slice %arg7[%dma_start3A_1066, %dma_start3A_1067] : memref<25x80xi32, #tpu.memory_space<vmem>> -> memref<1x80xi32, #tpu.memory_space<vmem>>
      %dma_start3A_1069 = tpu.memref_squeeze %dma_start3A_1068 : memref<1x80xi32, #tpu.memory_space<vmem>> -> memref<80xi32, #tpu.memory_space<vmem>>
      %dma_start3A_1070 = arith.constant 0 : i32
      %dma_start3A_1071 = arith.constant 0 : i32
      %dma_start3A_1072 = tpu.memref_slice %arg4[%dma_start3A_1070, %dma_start3A_1071] : memref<10000x128xf32, #tpu.memory_space<hbm>> -> memref<10000x128xf32, #tpu.memory_space<hbm>>
      tpu.enqueue_indirect_dma source(%dma_start3A_1072 : memref<10000x128xf32, #tpu.memory_space<hbm>>) target(%arg11 : memref<80x128xf32, #tpu.memory_space<vmem>>) offsets(%dma_start3A_1069 : memref<80xi32, #tpu.memory_space<vmem>>) semaphore(%arg18 : memref<!tpu.dma_semaphore, #tpu.memory_space<semaphore_mem>>)
      %dma_wait3A_1073 = arith.constant 9 : i32
      %dma_wait3A_1074 = arith.constant 0 : i32
      %dma_wait3A_1075 = tpu.memref_slice %arg7[%dma_wait3A_1073, %dma_wait3A_1074] : memref<25x80xi32, #tpu.memory_space<vmem>> -> memref<1x80xi32, #tpu.memory_space<vmem>>
      %dma_wait3A_1076 = tpu.memref_squeeze %dma_wait3A_1075 : memref<1x80xi32, #tpu.memory_space<vmem>> -> memref<80xi32, #tpu.memory_space<vmem>>
      %dma_wait3A_1077 = arith.constant 0 : i32
      %dma_wait3A_1078 = arith.constant 0 : i32
      %dma_wait3A_1079 = tpu.memref_slice %arg4[%dma_wait3A_1077, %dma_wait3A_1078] : memref<10000x128xf32, #tpu.memory_space<hbm>> -> memref<10000x128xf32, #tpu.memory_space<hbm>>
      tpu.wait_indirect_dma semaphore(%arg16 : memref<!tpu.dma_semaphore, #tpu.memory_space<semaphore_mem>>) src(%dma_wait3A_1079 : memref<10000x128xf32, #tpu.memory_space<hbm>>) dst(%arg9 : memref<80x128xf32, #tpu.memory_space<vmem>>)
      %dma_start3A_1080 = arith.constant 9 : i32
      %dma_start3A_1081 = arith.constant 0 : i32
      %dma_start3A_1082 = tpu.memref_slice %arg8[%dma_start3A_1080, %dma_start3A_1081] : memref<25x80xi32, #tpu.memory_space<vmem>> -> memref<1x80xi32, #tpu.memory_space<vmem>>
      %dma_start3A_1083 = tpu.memref_squeeze %dma_start3A_1082 : memref<1x80xi32, #tpu.memory_space<vmem>> -> memref<80xi32, #tpu.memory_space<vmem>>
      %dma_start3A_1084 = arith.constant 0 : i32
      %dma_start3A_1085 = arith.constant 0 : i32
      %dma_start3A_1086 = tpu.memref_slice %arg14[%dma_start3A_1084, %dma_start3A_1085] : memref<10240x128xf32, #tpu.memory_space<vmem_shared>> -> memref<10240x128xf32, #tpu.memory_space<vmem_shared>>
      tpu.enqueue_indirect_dma source(%arg9 : memref<80x128xf32, #tpu.memory_space<vmem>>) target(%dma_start3A_1086 : memref<10240x128xf32, #tpu.memory_space<vmem_shared>>) offsets(%dma_start3A_1083 : memref<80xi32, #tpu.memory_space<vmem>>) semaphore(%arg19 : memref<!tpu.dma_semaphore, #tpu.memory_space<semaphore_mem>>) {add = true}
      %get3A_1087 = arith.constant 9 : i32
      %get3A_1088 = arith.index_cast %get3A_1087 : i32 to index
      %get3A_1089 = arith.constant 0 : index
      %get3A_1090 = tpu.vector_load %arg8[%get3A_1088, %get3A_1089] {strides = array<i32>} : memref<25x80xi32, #tpu.memory_space<vmem>>, vector<16xi32>,
      %shift_right_logical3A_1091 = arith.constant 4 : i32
      %shift_right_logical3A_1092 = vector.broadcast %shift_right_logical3A_1091 : i32 to vector<16xi32>
      %shift_right_logical3A_1093 = arith.shrui %get3A_1090, %shift_right_logical3A_1092 : vector<16xi32>
      %and3A_1094 = arith.constant 15 : i32
      %and3A_1095 = vector.broadcast %and3A_1094 : i32 to vector<16xi32>
      %and3A_1096 = arith.andi %get3A_1090, %and3A_1095 : vector<16xi32>
      tpu.vector_store_idx %arg12[%shift_right_logical3A_1093, %and3A_1096], %broadcast_in_dim3A_3 {add = true} : memref<640x16xf32, #tpu.memory_space<vmem>>[vector<16xi32>, vector<16xi32>], vector<16xf32>,
      %get3A_1097 = arith.constant 9 : i32
      %get3A_1098 = arith.index_cast %get3A_1097 : i32 to index
      %get3A_1099 = arith.constant 16 : index
      %get3A_1100 = tpu.vector_load %arg8[%get3A_1098, %get3A_1099] {strides = array<i32>} : memref<25x80xi32, #tpu.memory_space<vmem>>, vector<16xi32>,
      %shift_right_logical3A_1101 = arith.constant 4 : i32
      %shift_right_logical3A_1102 = vector.broadcast %shift_right_logical3A_1101 : i32 to vector<16xi32>
      %shift_right_logical3A_1103 = arith.shrui %get3A_1100, %shift_right_logical3A_1102 : vector<16xi32>
      %and3A_1104 = arith.constant 15 : i32
      %and3A_1105 = vector.broadcast %and3A_1104 : i32 to vector<16xi32>
      %and3A_1106 = arith.andi %get3A_1100, %and3A_1105 : vector<16xi32>
      tpu.vector_store_idx %arg12[%shift_right_logical3A_1103, %and3A_1106], %broadcast_in_dim3A_3 {add = true} : memref<640x16xf32, #tpu.memory_space<vmem>>[vector<16xi32>, vector<16xi32>], vector<16xf32>,
      %get3A_1107 = arith.constant 9 : i32
      %get3A_1108 = arith.index_cast %get3A_1107 : i32 to index
      %get3A_1109 = arith.constant 32 : index
      %get3A_1110 = tpu.vector_load %arg8[%get3A_1108, %get3A_1109] {strides = array<i32>} : memref<25x80xi32, #tpu.memory_space<vmem>>, vector<16xi32>,
      %shift_right_logical3A_1111 = arith.constant 4 : i32
      %shift_right_logical3A_1112 = vector.broadcast %shift_right_logical3A_1111 : i32 to vector<16xi32>
      %shift_right_logical3A_1113 = arith.shrui %get3A_1110, %shift_right_logical3A_1112 : vector<16xi32>
      %and3A_1114 = arith.constant 15 : i32
      %and3A_1115 = vector.broadcast %and3A_1114 : i32 to vector<16xi32>
      %and3A_1116 = arith.andi %get3A_1110, %and3A_1115 : vector<16xi32>
      tpu.vector_store_idx %arg12[%shift_right_logical3A_1113, %and3A_1116], %broadcast_in_dim3A_3 {add = true} : memref<640x16xf32, #tpu.memory_space<vmem>>[vector<16xi32>, vector<16xi32>], vector<16xf32>,
      %get3A_1117 = arith.constant 9 : i32
      %get3A_1118 = arith.index_cast %get3A_1117 : i32 to index
      %get3A_1119 = arith.constant 48 : index
      %get3A_1120 = tpu.vector_load %arg8[%get3A_1118, %get3A_1119] {strides = array<i32>} : memref<25x80xi32, #tpu.memory_space<vmem>>, vector<16xi32>,
      %shift_right_logical3A_1121 = arith.constant 4 : i32
      %shift_right_logical3A_1122 = vector.broadcast %shift_right_logical3A_1121 : i32 to vector<16xi32>
      %shift_right_logical3A_1123 = arith.shrui %get3A_1120, %shift_right_logical3A_1122 : vector<16xi32>
      %and3A_1124 = arith.constant 15 : i32
      %and3A_1125 = vector.broadcast %and3A_1124 : i32 to vector<16xi32>
      %and3A_1126 = arith.andi %get3A_1120, %and3A_1125 : vector<16xi32>
      tpu.vector_store_idx %arg12[%shift_right_logical3A_1123, %and3A_1126], %broadcast_in_dim3A_3 {add = true} : memref<640x16xf32, #tpu.memory_space<vmem>>[vector<16xi32>, vector<16xi32>], vector<16xf32>,
      %get3A_1127 = arith.constant 9 : i32
      %get3A_1128 = arith.index_cast %get3A_1127 : i32 to index
      %get3A_1129 = arith.constant 64 : index
      %get3A_1130 = tpu.vector_load %arg8[%get3A_1128, %get3A_1129] {strides = array<i32>} : memref<25x80xi32, #tpu.memory_space<vmem>>, vector<16xi32>,
      %shift_right_logical3A_1131 = arith.constant 4 : i32
      %shift_right_logical3A_1132 = vector.broadcast %shift_right_logical3A_1131 : i32 to vector<16xi32>
      %shift_right_logical3A_1133 = arith.shrui %get3A_1130, %shift_right_logical3A_1132 : vector<16xi32>
      %and3A_1134 = arith.constant 15 : i32
      %and3A_1135 = vector.broadcast %and3A_1134 : i32 to vector<16xi32>
      %and3A_1136 = arith.andi %get3A_1130, %and3A_1135 : vector<16xi32>
      tpu.vector_store_idx %arg12[%shift_right_logical3A_1133, %and3A_1136], %broadcast_in_dim3A_3 {add = true} : memref<640x16xf32, #tpu.memory_space<vmem>>[vector<16xi32>, vector<16xi32>], vector<16xf32>,
      %dma_wait3A_1137 = arith.constant 9 : i32
      %dma_wait3A_1138 = arith.constant 0 : i32
      %dma_wait3A_1139 = tpu.memref_slice %arg8[%dma_wait3A_1137, %dma_wait3A_1138] : memref<25x80xi32, #tpu.memory_space<vmem>> -> memref<1x80xi32, #tpu.memory_space<vmem>>
      %dma_wait3A_1140 = tpu.memref_squeeze %dma_wait3A_1139 : memref<1x80xi32, #tpu.memory_space<vmem>> -> memref<80xi32, #tpu.memory_space<vmem>>
      %dma_wait3A_1141 = arith.constant 0 : i32
      %dma_wait3A_1142 = arith.constant 0 : i32
      %dma_wait3A_1143 = tpu.memref_slice %arg14[%dma_wait3A_1141, %dma_wait3A_1142] : memref<10240x128xf32, #tpu.memory_space<vmem_shared>> -> memref<10240x128xf32, #tpu.memory_space<vmem_shared>>
      tpu.wait_indirect_dma semaphore(%arg19 : memref<!tpu.dma_semaphore, #tpu.memory_space<semaphore_mem>>) src(%arg9 : memref<80x128xf32, #tpu.memory_space<vmem>>) dst(%dma_wait3A_1143 : memref<10240x128xf32, #tpu.memory_space<vmem_shared>>)
      %dma_start3A_1144 = arith.constant 12 : i32
      %dma_start3A_1145 = arith.constant 0 : i32
      %dma_start3A_1146 = tpu.memref_slice %arg7[%dma_start3A_1144, %dma_start3A_1145] : memref<25x80xi32, #tpu.memory_space<vmem>> -> memref<1x80xi32, #tpu.memory_space<vmem>>
      %dma_start3A_1147 = tpu.memref_squeeze %dma_start3A_1146 : memref<1x80xi32, #tpu.memory_space<vmem>> -> memref<80xi32, #tpu.memory_space<vmem>>
      %dma_start3A_1148 = arith.constant 0 : i32
      %dma_start3A_1149 = arith.constant 0 : i32
      %dma_start3A_1150 = tpu.memref_slice %arg4[%dma_start3A_1148, %dma_start3A_1149] : memref<10000x128xf32, #tpu.memory_space<hbm>> -> memref<10000x128xf32, #tpu.memory_space<hbm>>
      tpu.enqueue_indirect_dma source(%dma_start3A_1150 : memref<10000x128xf32, #tpu.memory_space<hbm>>) target(%arg9 : memref<80x128xf32, #tpu.memory_space<vmem>>) offsets(%dma_start3A_1147 : memref<80xi32, #tpu.memory_space<vmem>>) semaphore(%arg16 : memref<!tpu.dma_semaphore, #tpu.memory_space<semaphore_mem>>)
      %dma_wait3A_1151 = arith.constant 10 : i32
      %dma_wait3A_1152 = arith.constant 0 : i32
      %dma_wait3A_1153 = tpu.memref_slice %arg7[%dma_wait3A_1151, %dma_wait3A_1152] : memref<25x80xi32, #tpu.memory_space<vmem>> -> memref<1x80xi32, #tpu.memory_space<vmem>>
      %dma_wait3A_1154 = tpu.memref_squeeze %dma_wait3A_1153 : memref<1x80xi32, #tpu.memory_space<vmem>> -> memref<80xi32, #tpu.memory_space<vmem>>
      %dma_wait3A_1155 = arith.constant 0 : i32
      %dma_wait3A_1156 = arith.constant 0 : i32
      %dma_wait3A_1157 = tpu.memref_slice %arg4[%dma_wait3A_1155, %dma_wait3A_1156] : memref<10000x128xf32, #tpu.memory_space<hbm>> -> memref<10000x128xf32, #tpu.memory_space<hbm>>
      tpu.wait_indirect_dma semaphore(%arg17 : memref<!tpu.dma_semaphore, #tpu.memory_space<semaphore_mem>>) src(%dma_wait3A_1157 : memref<10000x128xf32, #tpu.memory_space<hbm>>) dst(%arg10 : memref<80x128xf32, #tpu.memory_space<vmem>>)
      %dma_start3A_1158 = arith.constant 10 : i32
      %dma_start3A_1159 = arith.constant 0 : i32
      %dma_start3A_1160 = tpu.memref_slice %arg8[%dma_start3A_1158, %dma_start3A_1159] : memref<25x80xi32, #tpu.memory_space<vmem>> -> memref<1x80xi32, #tpu.memory_space<vmem>>
      %dma_start3A_1161 = tpu.memref_squeeze %dma_start3A_1160 : memref<1x80xi32, #tpu.memory_space<vmem>> -> memref<80xi32, #tpu.memory_space<vmem>>
      %dma_start3A_1162 = arith.constant 0 : i32
      %dma_start3A_1163 = arith.constant 0 : i32
      %dma_start3A_1164 = tpu.memref_slice %arg14[%dma_start3A_1162, %dma_start3A_1163] : memref<10240x128xf32, #tpu.memory_space<vmem_shared>> -> memref<10240x128xf32, #tpu.memory_space<vmem_shared>>
      tpu.enqueue_indirect_dma source(%arg10 : memref<80x128xf32, #tpu.memory_space<vmem>>) target(%dma_start3A_1164 : memref<10240x128xf32, #tpu.memory_space<vmem_shared>>) offsets(%dma_start3A_1161 : memref<80xi32, #tpu.memory_space<vmem>>) semaphore(%arg20 : memref<!tpu.dma_semaphore, #tpu.memory_space<semaphore_mem>>) {add = true}
      %get3A_1165 = arith.constant 10 : i32
      %get3A_1166 = arith.index_cast %get3A_1165 : i32 to index
      %get3A_1167 = arith.constant 0 : index
      %get3A_1168 = tpu.vector_load %arg8[%get3A_1166, %get3A_1167] {strides = array<i32>} : memref<25x80xi32, #tpu.memory_space<vmem>>, vector<16xi32>,
      %shift_right_logical3A_1169 = arith.constant 4 : i32
      %shift_right_logical3A_1170 = vector.broadcast %shift_right_logical3A_1169 : i32 to vector<16xi32>
      %shift_right_logical3A_1171 = arith.shrui %get3A_1168, %shift_right_logical3A_1170 : vector<16xi32>
      %and3A_1172 = arith.constant 15 : i32
      %and3A_1173 = vector.broadcast %and3A_1172 : i32 to vector<16xi32>
      %and3A_1174 = arith.andi %get3A_1168, %and3A_1173 : vector<16xi32>
      tpu.vector_store_idx %arg12[%shift_right_logical3A_1171, %and3A_1174], %broadcast_in_dim3A_3 {add = true} : memref<640x16xf32, #tpu.memory_space<vmem>>[vector<16xi32>, vector<16xi32>], vector<16xf32>,
      %get3A_1175 = arith.constant 10 : i32
      %get3A_1176 = arith.index_cast %get3A_1175 : i32 to index
      %get3A_1177 = arith.constant 16 : index
      %get3A_1178 = tpu.vector_load %arg8[%get3A_1176, %get3A_1177] {strides = array<i32>} : memref<25x80xi32, #tpu.memory_space<vmem>>, vector<16xi32>,
      %shift_right_logical3A_1179 = arith.constant 4 : i32
      %shift_right_logical3A_1180 = vector.broadcast %shift_right_logical3A_1179 : i32 to vector<16xi32>
      %shift_right_logical3A_1181 = arith.shrui %get3A_1178, %shift_right_logical3A_1180 : vector<16xi32>
      %and3A_1182 = arith.constant 15 : i32
      %and3A_1183 = vector.broadcast %and3A_1182 : i32 to vector<16xi32>
      %and3A_1184 = arith.andi %get3A_1178, %and3A_1183 : vector<16xi32>
      tpu.vector_store_idx %arg12[%shift_right_logical3A_1181, %and3A_1184], %broadcast_in_dim3A_3 {add = true} : memref<640x16xf32, #tpu.memory_space<vmem>>[vector<16xi32>, vector<16xi32>], vector<16xf32>,
      %get3A_1185 = arith.constant 10 : i32
      %get3A_1186 = arith.index_cast %get3A_1185 : i32 to index
      %get3A_1187 = arith.constant 32 : index
      %get3A_1188 = tpu.vector_load %arg8[%get3A_1186, %get3A_1187] {strides = array<i32>} : memref<25x80xi32, #tpu.memory_space<vmem>>, vector<16xi32>,
      %shift_right_logical3A_1189 = arith.constant 4 : i32
      %shift_right_logical3A_1190 = vector.broadcast %shift_right_logical3A_1189 : i32 to vector<16xi32>
      %shift_right_logical3A_1191 = arith.shrui %get3A_1188, %shift_right_logical3A_1190 : vector<16xi32>
      %and3A_1192 = arith.constant 15 : i32
      %and3A_1193 = vector.broadcast %and3A_1192 : i32 to vector<16xi32>
      %and3A_1194 = arith.andi %get3A_1188, %and3A_1193 : vector<16xi32>
      tpu.vector_store_idx %arg12[%shift_right_logical3A_1191, %and3A_1194], %broadcast_in_dim3A_3 {add = true} : memref<640x16xf32, #tpu.memory_space<vmem>>[vector<16xi32>, vector<16xi32>], vector<16xf32>,
      %get3A_1195 = arith.constant 10 : i32
      %get3A_1196 = arith.index_cast %get3A_1195 : i32 to index
      %get3A_1197 = arith.constant 48 : index
      %get3A_1198 = tpu.vector_load %arg8[%get3A_1196, %get3A_1197] {strides = array<i32>} : memref<25x80xi32, #tpu.memory_space<vmem>>, vector<16xi32>,
      %shift_right_logical3A_1199 = arith.constant 4 : i32
      %shift_right_logical3A_1200 = vector.broadcast %shift_right_logical3A_1199 : i32 to vector<16xi32>
      %shift_right_logical3A_1201 = arith.shrui %get3A_1198, %shift_right_logical3A_1200 : vector<16xi32>
      %and3A_1202 = arith.constant 15 : i32
      %and3A_1203 = vector.broadcast %and3A_1202 : i32 to vector<16xi32>
      %and3A_1204 = arith.andi %get3A_1198, %and3A_1203 : vector<16xi32>
      tpu.vector_store_idx %arg12[%shift_right_logical3A_1201, %and3A_1204], %broadcast_in_dim3A_3 {add = true} : memref<640x16xf32, #tpu.memory_space<vmem>>[vector<16xi32>, vector<16xi32>], vector<16xf32>,
      %get3A_1205 = arith.constant 10 : i32
      %get3A_1206 = arith.index_cast %get3A_1205 : i32 to index
      %get3A_1207 = arith.constant 64 : index
      %get3A_1208 = tpu.vector_load %arg8[%get3A_1206, %get3A_1207] {strides = array<i32>} : memref<25x80xi32, #tpu.memory_space<vmem>>, vector<16xi32>,
      %shift_right_logical3A_1209 = arith.constant 4 : i32
      %shift_right_logical3A_1210 = vector.broadcast %shift_right_logical3A_1209 : i32 to vector<16xi32>
      %shift_right_logical3A_1211 = arith.shrui %get3A_1208, %shift_right_logical3A_1210 : vector<16xi32>
      %and3A_1212 = arith.constant 15 : i32
      %and3A_1213 = vector.broadcast %and3A_1212 : i32 to vector<16xi32>
      %and3A_1214 = arith.andi %get3A_1208, %and3A_1213 : vector<16xi32>
      tpu.vector_store_idx %arg12[%shift_right_logical3A_1211, %and3A_1214], %broadcast_in_dim3A_3 {add = true} : memref<640x16xf32, #tpu.memory_space<vmem>>[vector<16xi32>, vector<16xi32>], vector<16xf32>,
      %dma_wait3A_1215 = arith.constant 10 : i32
      %dma_wait3A_1216 = arith.constant 0 : i32
      %dma_wait3A_1217 = tpu.memref_slice %arg8[%dma_wait3A_1215, %dma_wait3A_1216] : memref<25x80xi32, #tpu.memory_space<vmem>> -> memref<1x80xi32, #tpu.memory_space<vmem>>
      %dma_wait3A_1218 = tpu.memref_squeeze %dma_wait3A_1217 : memref<1x80xi32, #tpu.memory_space<vmem>> -> memref<80xi32, #tpu.memory_space<vmem>>
      %dma_wait3A_1219 = arith.constant 0 : i32
      %dma_wait3A_1220 = arith.constant 0 : i32
      %dma_wait3A_1221 = tpu.memref_slice %arg14[%dma_wait3A_1219, %dma_wait3A_1220] : memref<10240x128xf32, #tpu.memory_space<vmem_shared>> -> memref<10240x128xf32, #tpu.memory_space<vmem_shared>>
      tpu.wait_indirect_dma semaphore(%arg20 : memref<!tpu.dma_semaphore, #tpu.memory_space<semaphore_mem>>) src(%arg10 : memref<80x128xf32, #tpu.memory_space<vmem>>) dst(%dma_wait3A_1221 : memref<10240x128xf32, #tpu.memory_space<vmem_shared>>)
      %dma_start3A_1222 = arith.constant 13 : i32
      %dma_start3A_1223 = arith.constant 0 : i32
      %dma_start3A_1224 = tpu.memref_slice %arg7[%dma_start3A_1222, %dma_start3A_1223] : memref<25x80xi32, #tpu.memory_space<vmem>> -> memref<1x80xi32, #tpu.memory_space<vmem>>
      %dma_start3A_1225 = tpu.memref_squeeze %dma_start3A_1224 : memref<1x80xi32, #tpu.memory_space<vmem>> -> memref<80xi32, #tpu.memory_space<vmem>>
      %dma_start3A_1226 = arith.constant 0 : i32
      %dma_start3A_1227 = arith.constant 0 : i32
      %dma_start3A_1228 = tpu.memref_slice %arg4[%dma_start3A_1226, %dma_start3A_1227] : memref<10000x128xf32, #tpu.memory_space<hbm>> -> memref<10000x128xf32, #tpu.memory_space<hbm>>
      tpu.enqueue_indirect_dma source(%dma_start3A_1228 : memref<10000x128xf32, #tpu.memory_space<hbm>>) target(%arg10 : memref<80x128xf32, #tpu.memory_space<vmem>>) offsets(%dma_start3A_1225 : memref<80xi32, #tpu.memory_space<vmem>>) semaphore(%arg17 : memref<!tpu.dma_semaphore, #tpu.memory_space<semaphore_mem>>)
      %dma_wait3A_1229 = arith.constant 11 : i32
      %dma_wait3A_1230 = arith.constant 0 : i32
      %dma_wait3A_1231 = tpu.memref_slice %arg7[%dma_wait3A_1229, %dma_wait3A_1230] : memref<25x80xi32, #tpu.memory_space<vmem>> -> memref<1x80xi32, #tpu.memory_space<vmem>>
      %dma_wait3A_1232 = tpu.memref_squeeze %dma_wait3A_1231 : memref<1x80xi32, #tpu.memory_space<vmem>> -> memref<80xi32, #tpu.memory_space<vmem>>
      %dma_wait3A_1233 = arith.constant 0 : i32
      %dma_wait3A_1234 = arith.constant 0 : i32
      %dma_wait3A_1235 = tpu.memref_slice %arg4[%dma_wait3A_1233, %dma_wait3A_1234] : memref<10000x128xf32, #tpu.memory_space<hbm>> -> memref<10000x128xf32, #tpu.memory_space<hbm>>
      tpu.wait_indirect_dma semaphore(%arg18 : memref<!tpu.dma_semaphore, #tpu.memory_space<semaphore_mem>>) src(%dma_wait3A_1235 : memref<10000x128xf32, #tpu.memory_space<hbm>>) dst(%arg11 : memref<80x128xf32, #tpu.memory_space<vmem>>)
      %dma_start3A_1236 = arith.constant 11 : i32
      %dma_start3A_1237 = arith.constant 0 : i32
      %dma_start3A_1238 = tpu.memref_slice %arg8[%dma_start3A_1236, %dma_start3A_1237] : memref<25x80xi32, #tpu.memory_space<vmem>> -> memref<1x80xi32, #tpu.memory_space<vmem>>
      %dma_start3A_1239 = tpu.memref_squeeze %dma_start3A_1238 : memref<1x80xi32, #tpu.memory_space<vmem>> -> memref<80xi32, #tpu.memory_space<vmem>>
      %dma_start3A_1240 = arith.constant 0 : i32
      %dma_start3A_1241 = arith.constant 0 : i32
      %dma_start3A_1242 = tpu.memref_slice %arg14[%dma_start3A_1240, %dma_start3A_1241] : memref<10240x128xf32, #tpu.memory_space<vmem_shared>> -> memref<10240x128xf32, #tpu.memory_space<vmem_shared>>
      tpu.enqueue_indirect_dma source(%arg11 : memref<80x128xf32, #tpu.memory_space<vmem>>) target(%dma_start3A_1242 : memref<10240x128xf32, #tpu.memory_space<vmem_shared>>) offsets(%dma_start3A_1239 : memref<80xi32, #tpu.memory_space<vmem>>) semaphore(%arg21 : memref<!tpu.dma_semaphore, #tpu.memory_space<semaphore_mem>>) {add = true}
      %get3A_1243 = arith.constant 11 : i32
      %get3A_1244 = arith.index_cast %get3A_1243 : i32 to index
      %get3A_1245 = arith.constant 0 : index
      %get3A_1246 = tpu.vector_load %arg8[%get3A_1244, %get3A_1245] {strides = array<i32>} : memref<25x80xi32, #tpu.memory_space<vmem>>, vector<16xi32>,
      %shift_right_logical3A_1247 = arith.constant 4 : i32
      %shift_right_logical3A_1248 = vector.broadcast %shift_right_logical3A_1247 : i32 to vector<16xi32>
      %shift_right_logical3A_1249 = arith.shrui %get3A_1246, %shift_right_logical3A_1248 : vector<16xi32>
      %and3A_1250 = arith.constant 15 : i32
      %and3A_1251 = vector.broadcast %and3A_1250 : i32 to vector<16xi32>
      %and3A_1252 = arith.andi %get3A_1246, %and3A_1251 : vector<16xi32>
      tpu.vector_store_idx %arg12[%shift_right_logical3A_1249, %and3A_1252], %broadcast_in_dim3A_3 {add = true} : memref<640x16xf32, #tpu.memory_space<vmem>>[vector<16xi32>, vector<16xi32>], vector<16xf32>,
      %get3A_1253 = arith.constant 11 : i32
      %get3A_1254 = arith.index_cast %get3A_1253 : i32 to index
      %get3A_1255 = arith.constant 16 : index
      %get3A_1256 = tpu.vector_load %arg8[%get3A_1254, %get3A_1255] {strides = array<i32>} : memref<25x80xi32, #tpu.memory_space<vmem>>, vector<16xi32>,
      %shift_right_logical3A_1257 = arith.constant 4 : i32
      %shift_right_logical3A_1258 = vector.broadcast %shift_right_logical3A_1257 : i32 to vector<16xi32>
      %shift_right_logical3A_1259 = arith.shrui %get3A_1256, %shift_right_logical3A_1258 : vector<16xi32>
      %and3A_1260 = arith.constant 15 : i32
      %and3A_1261 = vector.broadcast %and3A_1260 : i32 to vector<16xi32>
      %and3A_1262 = arith.andi %get3A_1256, %and3A_1261 : vector<16xi32>
      tpu.vector_store_idx %arg12[%shift_right_logical3A_1259, %and3A_1262], %broadcast_in_dim3A_3 {add = true} : memref<640x16xf32, #tpu.memory_space<vmem>>[vector<16xi32>, vector<16xi32>], vector<16xf32>,
      %get3A_1263 = arith.constant 11 : i32
      %get3A_1264 = arith.index_cast %get3A_1263 : i32 to index
      %get3A_1265 = arith.constant 32 : index
      %get3A_1266 = tpu.vector_load %arg8[%get3A_1264, %get3A_1265] {strides = array<i32>} : memref<25x80xi32, #tpu.memory_space<vmem>>, vector<16xi32>,
      %shift_right_logical3A_1267 = arith.constant 4 : i32
      %shift_right_logical3A_1268 = vector.broadcast %shift_right_logical3A_1267 : i32 to vector<16xi32>
      %shift_right_logical3A_1269 = arith.shrui %get3A_1266, %shift_right_logical3A_1268 : vector<16xi32>
      %and3A_1270 = arith.constant 15 : i32
      %and3A_1271 = vector.broadcast %and3A_1270 : i32 to vector<16xi32>
      %and3A_1272 = arith.andi %get3A_1266, %and3A_1271 : vector<16xi32>
      tpu.vector_store_idx %arg12[%shift_right_logical3A_1269, %and3A_1272], %broadcast_in_dim3A_3 {add = true} : memref<640x16xf32, #tpu.memory_space<vmem>>[vector<16xi32>, vector<16xi32>], vector<16xf32>,
      %get3A_1273 = arith.constant 11 : i32
      %get3A_1274 = arith.index_cast %get3A_1273 : i32 to index
      %get3A_1275 = arith.constant 48 : index
      %get3A_1276 = tpu.vector_load %arg8[%get3A_1274, %get3A_1275] {strides = array<i32>} : memref<25x80xi32, #tpu.memory_space<vmem>>, vector<16xi32>,
      %shift_right_logical3A_1277 = arith.constant 4 : i32
      %shift_right_logical3A_1278 = vector.broadcast %shift_right_logical3A_1277 : i32 to vector<16xi32>
      %shift_right_logical3A_1279 = arith.shrui %get3A_1276, %shift_right_logical3A_1278 : vector<16xi32>
      %and3A_1280 = arith.constant 15 : i32
      %and3A_1281 = vector.broadcast %and3A_1280 : i32 to vector<16xi32>
      %and3A_1282 = arith.andi %get3A_1276, %and3A_1281 : vector<16xi32>
      tpu.vector_store_idx %arg12[%shift_right_logical3A_1279, %and3A_1282], %broadcast_in_dim3A_3 {add = true} : memref<640x16xf32, #tpu.memory_space<vmem>>[vector<16xi32>, vector<16xi32>], vector<16xf32>,
      %get3A_1283 = arith.constant 11 : i32
      %get3A_1284 = arith.index_cast %get3A_1283 : i32 to index
      %get3A_1285 = arith.constant 64 : index
      %get3A_1286 = tpu.vector_load %arg8[%get3A_1284, %get3A_1285] {strides = array<i32>} : memref<25x80xi32, #tpu.memory_space<vmem>>, vector<16xi32>,
      %shift_right_logical3A_1287 = arith.constant 4 : i32
      %shift_right_logical3A_1288 = vector.broadcast %shift_right_logical3A_1287 : i32 to vector<16xi32>
      %shift_right_logical3A_1289 = arith.shrui %get3A_1286, %shift_right_logical3A_1288 : vector<16xi32>
      %and3A_1290 = arith.constant 15 : i32
      %and3A_1291 = vector.broadcast %and3A_1290 : i32 to vector<16xi32>
      %and3A_1292 = arith.andi %get3A_1286, %and3A_1291 : vector<16xi32>
      tpu.vector_store_idx %arg12[%shift_right_logical3A_1289, %and3A_1292], %broadcast_in_dim3A_3 {add = true} : memref<640x16xf32, #tpu.memory_space<vmem>>[vector<16xi32>, vector<16xi32>], vector<16xf32>,
      %dma_wait3A_1293 = arith.constant 11 : i32
      %dma_wait3A_1294 = arith.constant 0 : i32
      %dma_wait3A_1295 = tpu.memref_slice %arg8[%dma_wait3A_1293, %dma_wait3A_1294] : memref<25x80xi32, #tpu.memory_space<vmem>> -> memref<1x80xi32, #tpu.memory_space<vmem>>
      %dma_wait3A_1296 = tpu.memref_squeeze %dma_wait3A_1295 : memref<1x80xi32, #tpu.memory_space<vmem>> -> memref<80xi32, #tpu.memory_space<vmem>>
      %dma_wait3A_1297 = arith.constant 0 : i32
      %dma_wait3A_1298 = arith.constant 0 : i32
      %dma_wait3A_1299 = tpu.memref_slice %arg14[%dma_wait3A_1297, %dma_wait3A_1298] : memref<10240x128xf32, #tpu.memory_space<vmem_shared>> -> memref<10240x128xf32, #tpu.memory_space<vmem_shared>>
      tpu.wait_indirect_dma semaphore(%arg21 : memref<!tpu.dma_semaphore, #tpu.memory_space<semaphore_mem>>) src(%arg11 : memref<80x128xf32, #tpu.memory_space<vmem>>) dst(%dma_wait3A_1299 : memref<10240x128xf32, #tpu.memory_space<vmem_shared>>)
      %dma_start3A_1300 = arith.constant 14 : i32
      %dma_start3A_1301 = arith.constant 0 : i32
      %dma_start3A_1302 = tpu.memref_slice %arg7[%dma_start3A_1300, %dma_start3A_1301] : memref<25x80xi32, #tpu.memory_space<vmem>> -> memref<1x80xi32, #tpu.memory_space<vmem>>
      %dma_start3A_1303 = tpu.memref_squeeze %dma_start3A_1302 : memref<1x80xi32, #tpu.memory_space<vmem>> -> memref<80xi32, #tpu.memory_space<vmem>>
      %dma_start3A_1304 = arith.constant 0 : i32
      %dma_start3A_1305 = arith.constant 0 : i32
      %dma_start3A_1306 = tpu.memref_slice %arg4[%dma_start3A_1304, %dma_start3A_1305] : memref<10000x128xf32, #tpu.memory_space<hbm>> -> memref<10000x128xf32, #tpu.memory_space<hbm>>
      tpu.enqueue_indirect_dma source(%dma_start3A_1306 : memref<10000x128xf32, #tpu.memory_space<hbm>>) target(%arg11 : memref<80x128xf32, #tpu.memory_space<vmem>>) offsets(%dma_start3A_1303 : memref<80xi32, #tpu.memory_space<vmem>>) semaphore(%arg18 : memref<!tpu.dma_semaphore, #tpu.memory_space<semaphore_mem>>)
      %dma_wait3A_1307 = arith.constant 12 : i32
      %dma_wait3A_1308 = arith.constant 0 : i32
      %dma_wait3A_1309 = tpu.memref_slice %arg7[%dma_wait3A_1307, %dma_wait3A_1308] : memref<25x80xi32, #tpu.memory_space<vmem>> -> memref<1x80xi32, #tpu.memory_space<vmem>>
      %dma_wait3A_1310 = tpu.memref_squeeze %dma_wait3A_1309 : memref<1x80xi32, #tpu.memory_space<vmem>> -> memref<80xi32, #tpu.memory_space<vmem>>
      %dma_wait3A_1311 = arith.constant 0 : i32
      %dma_wait3A_1312 = arith.constant 0 : i32
      %dma_wait3A_1313 = tpu.memref_slice %arg4[%dma_wait3A_1311, %dma_wait3A_1312] : memref<10000x128xf32, #tpu.memory_space<hbm>> -> memref<10000x128xf32, #tpu.memory_space<hbm>>
      tpu.wait_indirect_dma semaphore(%arg16 : memref<!tpu.dma_semaphore, #tpu.memory_space<semaphore_mem>>) src(%dma_wait3A_1313 : memref<10000x128xf32, #tpu.memory_space<hbm>>) dst(%arg9 : memref<80x128xf32, #tpu.memory_space<vmem>>)
      %dma_start3A_1314 = arith.constant 12 : i32
      %dma_start3A_1315 = arith.constant 0 : i32
      %dma_start3A_1316 = tpu.memref_slice %arg8[%dma_start3A_1314, %dma_start3A_1315] : memref<25x80xi32, #tpu.memory_space<vmem>> -> memref<1x80xi32, #tpu.memory_space<vmem>>
      %dma_start3A_1317 = tpu.memref_squeeze %dma_start3A_1316 : memref<1x80xi32, #tpu.memory_space<vmem>> -> memref<80xi32, #tpu.memory_space<vmem>>
      %dma_start3A_1318 = arith.constant 0 : i32
      %dma_start3A_1319 = arith.constant 0 : i32
      %dma_start3A_1320 = tpu.memref_slice %arg14[%dma_start3A_1318, %dma_start3A_1319] : memref<10240x128xf32, #tpu.memory_space<vmem_shared>> -> memref<10240x128xf32, #tpu.memory_space<vmem_shared>>
      tpu.enqueue_indirect_dma source(%arg9 : memref<80x128xf32, #tpu.memory_space<vmem>>) target(%dma_start3A_1320 : memref<10240x128xf32, #tpu.memory_space<vmem_shared>>) offsets(%dma_start3A_1317 : memref<80xi32, #tpu.memory_space<vmem>>) semaphore(%arg19 : memref<!tpu.dma_semaphore, #tpu.memory_space<semaphore_mem>>) {add = true}
      %get3A_1321 = arith.constant 12 : i32
      %get3A_1322 = arith.index_cast %get3A_1321 : i32 to index
      %get3A_1323 = arith.constant 0 : index
      %get3A_1324 = tpu.vector_load %arg8[%get3A_1322, %get3A_1323] {strides = array<i32>} : memref<25x80xi32, #tpu.memory_space<vmem>>, vector<16xi32>,
      %shift_right_logical3A_1325 = arith.constant 4 : i32
      %shift_right_logical3A_1326 = vector.broadcast %shift_right_logical3A_1325 : i32 to vector<16xi32>
      %shift_right_logical3A_1327 = arith.shrui %get3A_1324, %shift_right_logical3A_1326 : vector<16xi32>
      %and3A_1328 = arith.constant 15 : i32
      %and3A_1329 = vector.broadcast %and3A_1328 : i32 to vector<16xi32>
      %and3A_1330 = arith.andi %get3A_1324, %and3A_1329 : vector<16xi32>
      tpu.vector_store_idx %arg12[%shift_right_logical3A_1327, %and3A_1330], %broadcast_in_dim3A_3 {add = true} : memref<640x16xf32, #tpu.memory_space<vmem>>[vector<16xi32>, vector<16xi32>], vector<16xf32>,
      %get3A_1331 = arith.constant 12 : i32
      %get3A_1332 = arith.index_cast %get3A_1331 : i32 to index
      %get3A_1333 = arith.constant 16 : index
      %get3A_1334 = tpu.vector_load %arg8[%get3A_1332, %get3A_1333] {strides = array<i32>} : memref<25x80xi32, #tpu.memory_space<vmem>>, vector<16xi32>,
      %shift_right_logical3A_1335 = arith.constant 4 : i32
      %shift_right_logical3A_1336 = vector.broadcast %shift_right_logical3A_1335 : i32 to vector<16xi32>
      %shift_right_logical3A_1337 = arith.shrui %get3A_1334, %shift_right_logical3A_1336 : vector<16xi32>
      %and3A_1338 = arith.constant 15 : i32
      %and3A_1339 = vector.broadcast %and3A_1338 : i32 to vector<16xi32>
      %and3A_1340 = arith.andi %get3A_1334, %and3A_1339 : vector<16xi32>
      tpu.vector_store_idx %arg12[%shift_right_logical3A_1337, %and3A_1340], %broadcast_in_dim3A_3 {add = true} : memref<640x16xf32, #tpu.memory_space<vmem>>[vector<16xi32>, vector<16xi32>], vector<16xf32>,
      %get3A_1341 = arith.constant 12 : i32
      %get3A_1342 = arith.index_cast %get3A_1341 : i32 to index
      %get3A_1343 = arith.constant 32 : index
      %get3A_1344 = tpu.vector_load %arg8[%get3A_1342, %get3A_1343] {strides = array<i32>} : memref<25x80xi32, #tpu.memory_space<vmem>>, vector<16xi32>,
      %shift_right_logical3A_1345 = arith.constant 4 : i32
      %shift_right_logical3A_1346 = vector.broadcast %shift_right_logical3A_1345 : i32 to vector<16xi32>
      %shift_right_logical3A_1347 = arith.shrui %get3A_1344, %shift_right_logical3A_1346 : vector<16xi32>
      %and3A_1348 = arith.constant 15 : i32
      %and3A_1349 = vector.broadcast %and3A_1348 : i32 to vector<16xi32>
      %and3A_1350 = arith.andi %get3A_1344, %and3A_1349 : vector<16xi32>
      tpu.vector_store_idx %arg12[%shift_right_logical3A_1347, %and3A_1350], %broadcast_in_dim3A_3 {add = true} : memref<640x16xf32, #tpu.memory_space<vmem>>[vector<16xi32>, vector<16xi32>], vector<16xf32>,
      %get3A_1351 = arith.constant 12 : i32
      %get3A_1352 = arith.index_cast %get3A_1351 : i32 to index
      %get3A_1353 = arith.constant 48 : index
      %get3A_1354 = tpu.vector_load %arg8[%get3A_1352, %get3A_1353] {strides = array<i32>} : memref<25x80xi32, #tpu.memory_space<vmem>>, vector<16xi32>,
      %shift_right_logical3A_1355 = arith.constant 4 : i32
      %shift_right_logical3A_1356 = vector.broadcast %shift_right_logical3A_1355 : i32 to vector<16xi32>
      %shift_right_logical3A_1357 = arith.shrui %get3A_1354, %shift_right_logical3A_1356 : vector<16xi32>
      %and3A_1358 = arith.constant 15 : i32
      %and3A_1359 = vector.broadcast %and3A_1358 : i32 to vector<16xi32>
      %and3A_1360 = arith.andi %get3A_1354, %and3A_1359 : vector<16xi32>
      tpu.vector_store_idx %arg12[%shift_right_logical3A_1357, %and3A_1360], %broadcast_in_dim3A_3 {add = true} : memref<640x16xf32, #tpu.memory_space<vmem>>[vector<16xi32>, vector<16xi32>], vector<16xf32>,
      %get3A_1361 = arith.constant 12 : i32
      %get3A_1362 = arith.index_cast %get3A_1361 : i32 to index
      %get3A_1363 = arith.constant 64 : index
      %get3A_1364 = tpu.vector_load %arg8[%get3A_1362, %get3A_1363] {strides = array<i32>} : memref<25x80xi32, #tpu.memory_space<vmem>>, vector<16xi32>,
      %shift_right_logical3A_1365 = arith.constant 4 : i32
      %shift_right_logical3A_1366 = vector.broadcast %shift_right_logical3A_1365 : i32 to vector<16xi32>
      %shift_right_logical3A_1367 = arith.shrui %get3A_1364, %shift_right_logical3A_1366 : vector<16xi32>
      %and3A_1368 = arith.constant 15 : i32
      %and3A_1369 = vector.broadcast %and3A_1368 : i32 to vector<16xi32>
      %and3A_1370 = arith.andi %get3A_1364, %and3A_1369 : vector<16xi32>
      tpu.vector_store_idx %arg12[%shift_right_logical3A_1367, %and3A_1370], %broadcast_in_dim3A_3 {add = true} : memref<640x16xf32, #tpu.memory_space<vmem>>[vector<16xi32>, vector<16xi32>], vector<16xf32>,
      %dma_wait3A_1371 = arith.constant 12 : i32
      %dma_wait3A_1372 = arith.constant 0 : i32
      %dma_wait3A_1373 = tpu.memref_slice %arg8[%dma_wait3A_1371, %dma_wait3A_1372] : memref<25x80xi32, #tpu.memory_space<vmem>> -> memref<1x80xi32, #tpu.memory_space<vmem>>
      %dma_wait3A_1374 = tpu.memref_squeeze %dma_wait3A_1373 : memref<1x80xi32, #tpu.memory_space<vmem>> -> memref<80xi32, #tpu.memory_space<vmem>>
      %dma_wait3A_1375 = arith.constant 0 : i32
      %dma_wait3A_1376 = arith.constant 0 : i32
      %dma_wait3A_1377 = tpu.memref_slice %arg14[%dma_wait3A_1375, %dma_wait3A_1376] : memref<10240x128xf32, #tpu.memory_space<vmem_shared>> -> memref<10240x128xf32, #tpu.memory_space<vmem_shared>>
      tpu.wait_indirect_dma semaphore(%arg19 : memref<!tpu.dma_semaphore, #tpu.memory_space<semaphore_mem>>) src(%arg9 : memref<80x128xf32, #tpu.memory_space<vmem>>) dst(%dma_wait3A_1377 : memref<10240x128xf32, #tpu.memory_space<vmem_shared>>)
      %dma_start3A_1378 = arith.constant 15 : i32
      %dma_start3A_1379 = arith.constant 0 : i32
      %dma_start3A_1380 = tpu.memref_slice %arg7[%dma_start3A_1378, %dma_start3A_1379] : memref<25x80xi32, #tpu.memory_space<vmem>> -> memref<1x80xi32, #tpu.memory_space<vmem>>
      %dma_start3A_1381 = tpu.memref_squeeze %dma_start3A_1380 : memref<1x80xi32, #tpu.memory_space<vmem>> -> memref<80xi32, #tpu.memory_space<vmem>>
      %dma_start3A_1382 = arith.constant 0 : i32
      %dma_start3A_1383 = arith.constant 0 : i32
      %dma_start3A_1384 = tpu.memref_slice %arg4[%dma_start3A_1382, %dma_start3A_1383] : memref<10000x128xf32, #tpu.memory_space<hbm>> -> memref<10000x128xf32, #tpu.memory_space<hbm>>
      tpu.enqueue_indirect_dma source(%dma_start3A_1384 : memref<10000x128xf32, #tpu.memory_space<hbm>>) target(%arg9 : memref<80x128xf32, #tpu.memory_space<vmem>>) offsets(%dma_start3A_1381 : memref<80xi32, #tpu.memory_space<vmem>>) semaphore(%arg16 : memref<!tpu.dma_semaphore, #tpu.memory_space<semaphore_mem>>)
      %dma_wait3A_1385 = arith.constant 13 : i32
      %dma_wait3A_1386 = arith.constant 0 : i32
      %dma_wait3A_1387 = tpu.memref_slice %arg7[%dma_wait3A_1385, %dma_wait3A_1386] : memref<25x80xi32, #tpu.memory_space<vmem>> -> memref<1x80xi32, #tpu.memory_space<vmem>>
      %dma_wait3A_1388 = tpu.memref_squeeze %dma_wait3A_1387 : memref<1x80xi32, #tpu.memory_space<vmem>> -> memref<80xi32, #tpu.memory_space<vmem>>
      %dma_wait3A_1389 = arith.constant 0 : i32
      %dma_wait3A_1390 = arith.constant 0 : i32
      %dma_wait3A_1391 = tpu.memref_slice %arg4[%dma_wait3A_1389, %dma_wait3A_1390] : memref<10000x128xf32, #tpu.memory_space<hbm>> -> memref<10000x128xf32, #tpu.memory_space<hbm>>
      tpu.wait_indirect_dma semaphore(%arg17 : memref<!tpu.dma_semaphore, #tpu.memory_space<semaphore_mem>>) src(%dma_wait3A_1391 : memref<10000x128xf32, #tpu.memory_space<hbm>>) dst(%arg10 : memref<80x128xf32, #tpu.memory_space<vmem>>)
      %dma_start3A_1392 = arith.constant 13 : i32
      %dma_start3A_1393 = arith.constant 0 : i32
      %dma_start3A_1394 = tpu.memref_slice %arg8[%dma_start3A_1392, %dma_start3A_1393] : memref<25x80xi32, #tpu.memory_space<vmem>> -> memref<1x80xi32, #tpu.memory_space<vmem>>
      %dma_start3A_1395 = tpu.memref_squeeze %dma_start3A_1394 : memref<1x80xi32, #tpu.memory_space<vmem>> -> memref<80xi32, #tpu.memory_space<vmem>>
      %dma_start3A_1396 = arith.constant 0 : i32
      %dma_start3A_1397 = arith.constant 0 : i32
      %dma_start3A_1398 = tpu.memref_slice %arg14[%dma_start3A_1396, %dma_start3A_1397] : memref<10240x128xf32, #tpu.memory_space<vmem_shared>> -> memref<10240x128xf32, #tpu.memory_space<vmem_shared>>
      tpu.enqueue_indirect_dma source(%arg10 : memref<80x128xf32, #tpu.memory_space<vmem>>) target(%dma_start3A_1398 : memref<10240x128xf32, #tpu.memory_space<vmem_shared>>) offsets(%dma_start3A_1395 : memref<80xi32, #tpu.memory_space<vmem>>) semaphore(%arg20 : memref<!tpu.dma_semaphore, #tpu.memory_space<semaphore_mem>>) {add = true}
      %get3A_1399 = arith.constant 13 : i32
      %get3A_1400 = arith.index_cast %get3A_1399 : i32 to index
      %get3A_1401 = arith.constant 0 : index
      %get3A_1402 = tpu.vector_load %arg8[%get3A_1400, %get3A_1401] {strides = array<i32>} : memref<25x80xi32, #tpu.memory_space<vmem>>, vector<16xi32>,
      %shift_right_logical3A_1403 = arith.constant 4 : i32
      %shift_right_logical3A_1404 = vector.broadcast %shift_right_logical3A_1403 : i32 to vector<16xi32>
      %shift_right_logical3A_1405 = arith.shrui %get3A_1402, %shift_right_logical3A_1404 : vector<16xi32>
      %and3A_1406 = arith.constant 15 : i32
      %and3A_1407 = vector.broadcast %and3A_1406 : i32 to vector<16xi32>
      %and3A_1408 = arith.andi %get3A_1402, %and3A_1407 : vector<16xi32>
      tpu.vector_store_idx %arg12[%shift_right_logical3A_1405, %and3A_1408], %broadcast_in_dim3A_3 {add = true} : memref<640x16xf32, #tpu.memory_space<vmem>>[vector<16xi32>, vector<16xi32>], vector<16xf32>,
      %get3A_1409 = arith.constant 13 : i32
      %get3A_1410 = arith.index_cast %get3A_1409 : i32 to index
      %get3A_1411 = arith.constant 16 : index
      %get3A_1412 = tpu.vector_load %arg8[%get3A_1410, %get3A_1411] {strides = array<i32>} : memref<25x80xi32, #tpu.memory_space<vmem>>, vector<16xi32>,
      %shift_right_logical3A_1413 = arith.constant 4 : i32
      %shift_right_logical3A_1414 = vector.broadcast %shift_right_logical3A_1413 : i32 to vector<16xi32>
      %shift_right_logical3A_1415 = arith.shrui %get3A_1412, %shift_right_logical3A_1414 : vector<16xi32>
      %and3A_1416 = arith.constant 15 : i32
      %and3A_1417 = vector.broadcast %and3A_1416 : i32 to vector<16xi32>
      %and3A_1418 = arith.andi %get3A_1412, %and3A_1417 : vector<16xi32>
      tpu.vector_store_idx %arg12[%shift_right_logical3A_1415, %and3A_1418], %broadcast_in_dim3A_3 {add = true} : memref<640x16xf32, #tpu.memory_space<vmem>>[vector<16xi32>, vector<16xi32>], vector<16xf32>,
      %get3A_1419 = arith.constant 13 : i32
      %get3A_1420 = arith.index_cast %get3A_1419 : i32 to index
      %get3A_1421 = arith.constant 32 : index
      %get3A_1422 = tpu.vector_load %arg8[%get3A_1420, %get3A_1421] {strides = array<i32>} : memref<25x80xi32, #tpu.memory_space<vmem>>, vector<16xi32>,
      %shift_right_logical3A_1423 = arith.constant 4 : i32
      %shift_right_logical3A_1424 = vector.broadcast %shift_right_logical3A_1423 : i32 to vector<16xi32>
      %shift_right_logical3A_1425 = arith.shrui %get3A_1422, %shift_right_logical3A_1424 : vector<16xi32>
      %and3A_1426 = arith.constant 15 : i32
      %and3A_1427 = vector.broadcast %and3A_1426 : i32 to vector<16xi32>
      %and3A_1428 = arith.andi %get3A_1422, %and3A_1427 : vector<16xi32>
      tpu.vector_store_idx %arg12[%shift_right_logical3A_1425, %and3A_1428], %broadcast_in_dim3A_3 {add = true} : memref<640x16xf32, #tpu.memory_space<vmem>>[vector<16xi32>, vector<16xi32>], vector<16xf32>,
      %get3A_1429 = arith.constant 13 : i32
      %get3A_1430 = arith.index_cast %get3A_1429 : i32 to index
      %get3A_1431 = arith.constant 48 : index
      %get3A_1432 = tpu.vector_load %arg8[%get3A_1430, %get3A_1431] {strides = array<i32>} : memref<25x80xi32, #tpu.memory_space<vmem>>, vector<16xi32>,
      %shift_right_logical3A_1433 = arith.constant 4 : i32
      %shift_right_logical3A_1434 = vector.broadcast %shift_right_logical3A_1433 : i32 to vector<16xi32>
      %shift_right_logical3A_1435 = arith.shrui %get3A_1432, %shift_right_logical3A_1434 : vector<16xi32>
      %and3A_1436 = arith.constant 15 : i32
      %and3A_1437 = vector.broadcast %and3A_1436 : i32 to vector<16xi32>
      %and3A_1438 = arith.andi %get3A_1432, %and3A_1437 : vector<16xi32>
      tpu.vector_store_idx %arg12[%shift_right_logical3A_1435, %and3A_1438], %broadcast_in_dim3A_3 {add = true} : memref<640x16xf32, #tpu.memory_space<vmem>>[vector<16xi32>, vector<16xi32>], vector<16xf32>,
      %get3A_1439 = arith.constant 13 : i32
      %get3A_1440 = arith.index_cast %get3A_1439 : i32 to index
      %get3A_1441 = arith.constant 64 : index
      %get3A_1442 = tpu.vector_load %arg8[%get3A_1440, %get3A_1441] {strides = array<i32>} : memref<25x80xi32, #tpu.memory_space<vmem>>, vector<16xi32>,
      %shift_right_logical3A_1443 = arith.constant 4 : i32
      %shift_right_logical3A_1444 = vector.broadcast %shift_right_logical3A_1443 : i32 to vector<16xi32>
      %shift_right_logical3A_1445 = arith.shrui %get3A_1442, %shift_right_logical3A_1444 : vector<16xi32>
      %and3A_1446 = arith.constant 15 : i32
      %and3A_1447 = vector.broadcast %and3A_1446 : i32 to vector<16xi32>
      %and3A_1448 = arith.andi %get3A_1442, %and3A_1447 : vector<16xi32>
      tpu.vector_store_idx %arg12[%shift_right_logical3A_1445, %and3A_1448], %broadcast_in_dim3A_3 {add = true} : memref<640x16xf32, #tpu.memory_space<vmem>>[vector<16xi32>, vector<16xi32>], vector<16xf32>,
      %dma_wait3A_1449 = arith.constant 13 : i32
      %dma_wait3A_1450 = arith.constant 0 : i32
      %dma_wait3A_1451 = tpu.memref_slice %arg8[%dma_wait3A_1449, %dma_wait3A_1450] : memref<25x80xi32, #tpu.memory_space<vmem>> -> memref<1x80xi32, #tpu.memory_space<vmem>>
      %dma_wait3A_1452 = tpu.memref_squeeze %dma_wait3A_1451 : memref<1x80xi32, #tpu.memory_space<vmem>> -> memref<80xi32, #tpu.memory_space<vmem>>
      %dma_wait3A_1453 = arith.constant 0 : i32
      %dma_wait3A_1454 = arith.constant 0 : i32
      %dma_wait3A_1455 = tpu.memref_slice %arg14[%dma_wait3A_1453, %dma_wait3A_1454] : memref<10240x128xf32, #tpu.memory_space<vmem_shared>> -> memref<10240x128xf32, #tpu.memory_space<vmem_shared>>
      tpu.wait_indirect_dma semaphore(%arg20 : memref<!tpu.dma_semaphore, #tpu.memory_space<semaphore_mem>>) src(%arg10 : memref<80x128xf32, #tpu.memory_space<vmem>>) dst(%dma_wait3A_1455 : memref<10240x128xf32, #tpu.memory_space<vmem_shared>>)
      %dma_start3A_1456 = arith.constant 16 : i32
      %dma_start3A_1457 = arith.constant 0 : i32
      %dma_start3A_1458 = tpu.memref_slice %arg7[%dma_start3A_1456, %dma_start3A_1457] : memref<25x80xi32, #tpu.memory_space<vmem>> -> memref<1x80xi32, #tpu.memory_space<vmem>>
      %dma_start3A_1459 = tpu.memref_squeeze %dma_start3A_1458 : memref<1x80xi32, #tpu.memory_space<vmem>> -> memref<80xi32, #tpu.memory_space<vmem>>
      %dma_start3A_1460 = arith.constant 0 : i32
      %dma_start3A_1461 = arith.constant 0 : i32
      %dma_start3A_1462 = tpu.memref_slice %arg4[%dma_start3A_1460, %dma_start3A_1461] : memref<10000x128xf32, #tpu.memory_space<hbm>> -> memref<10000x128xf32, #tpu.memory_space<hbm>>
      tpu.enqueue_indirect_dma source(%dma_start3A_1462 : memref<10000x128xf32, #tpu.memory_space<hbm>>) target(%arg10 : memref<80x128xf32, #tpu.memory_space<vmem>>) offsets(%dma_start3A_1459 : memref<80xi32, #tpu.memory_space<vmem>>) semaphore(%arg17 : memref<!tpu.dma_semaphore, #tpu.memory_space<semaphore_mem>>)
      %dma_wait3A_1463 = arith.constant 14 : i32
      %dma_wait3A_1464 = arith.constant 0 : i32
      %dma_wait3A_1465 = tpu.memref_slice %arg7[%dma_wait3A_1463, %dma_wait3A_1464] : memref<25x80xi32, #tpu.memory_space<vmem>> -> memref<1x80xi32, #tpu.memory_space<vmem>>
      %dma_wait3A_1466 = tpu.memref_squeeze %dma_wait3A_1465 : memref<1x80xi32, #tpu.memory_space<vmem>> -> memref<80xi32, #tpu.memory_space<vmem>>
      %dma_wait3A_1467 = arith.constant 0 : i32
      %dma_wait3A_1468 = arith.constant 0 : i32
      %dma_wait3A_1469 = tpu.memref_slice %arg4[%dma_wait3A_1467, %dma_wait3A_1468] : memref<10000x128xf32, #tpu.memory_space<hbm>> -> memref<10000x128xf32, #tpu.memory_space<hbm>>
      tpu.wait_indirect_dma semaphore(%arg18 : memref<!tpu.dma_semaphore, #tpu.memory_space<semaphore_mem>>) src(%dma_wait3A_1469 : memref<10000x128xf32, #tpu.memory_space<hbm>>) dst(%arg11 : memref<80x128xf32, #tpu.memory_space<vmem>>)
      %dma_start3A_1470 = arith.constant 14 : i32
      %dma_start3A_1471 = arith.constant 0 : i32
      %dma_start3A_1472 = tpu.memref_slice %arg8[%dma_start3A_1470, %dma_start3A_1471] : memref<25x80xi32, #tpu.memory_space<vmem>> -> memref<1x80xi32, #tpu.memory_space<vmem>>
      %dma_start3A_1473 = tpu.memref_squeeze %dma_start3A_1472 : memref<1x80xi32, #tpu.memory_space<vmem>> -> memref<80xi32, #tpu.memory_space<vmem>>
      %dma_start3A_1474 = arith.constant 0 : i32
      %dma_start3A_1475 = arith.constant 0 : i32
      %dma_start3A_1476 = tpu.memref_slice %arg14[%dma_start3A_1474, %dma_start3A_1475] : memref<10240x128xf32, #tpu.memory_space<vmem_shared>> -> memref<10240x128xf32, #tpu.memory_space<vmem_shared>>
      tpu.enqueue_indirect_dma source(%arg11 : memref<80x128xf32, #tpu.memory_space<vmem>>) target(%dma_start3A_1476 : memref<10240x128xf32, #tpu.memory_space<vmem_shared>>) offsets(%dma_start3A_1473 : memref<80xi32, #tpu.memory_space<vmem>>) semaphore(%arg21 : memref<!tpu.dma_semaphore, #tpu.memory_space<semaphore_mem>>) {add = true}
      %get3A_1477 = arith.constant 14 : i32
      %get3A_1478 = arith.index_cast %get3A_1477 : i32 to index
      %get3A_1479 = arith.constant 0 : index
      %get3A_1480 = tpu.vector_load %arg8[%get3A_1478, %get3A_1479] {strides = array<i32>} : memref<25x80xi32, #tpu.memory_space<vmem>>, vector<16xi32>,
      %shift_right_logical3A_1481 = arith.constant 4 : i32
      %shift_right_logical3A_1482 = vector.broadcast %shift_right_logical3A_1481 : i32 to vector<16xi32>
      %shift_right_logical3A_1483 = arith.shrui %get3A_1480, %shift_right_logical3A_1482 : vector<16xi32>
      %and3A_1484 = arith.constant 15 : i32
      %and3A_1485 = vector.broadcast %and3A_1484 : i32 to vector<16xi32>
      %and3A_1486 = arith.andi %get3A_1480, %and3A_1485 : vector<16xi32>
      tpu.vector_store_idx %arg12[%shift_right_logical3A_1483, %and3A_1486], %broadcast_in_dim3A_3 {add = true} : memref<640x16xf32, #tpu.memory_space<vmem>>[vector<16xi32>, vector<16xi32>], vector<16xf32>,
      %get3A_1487 = arith.constant 14 : i32
      %get3A_1488 = arith.index_cast %get3A_1487 : i32 to index
      %get3A_1489 = arith.constant 16 : index
      %get3A_1490 = tpu.vector_load %arg8[%get3A_1488, %get3A_1489] {strides = array<i32>} : memref<25x80xi32, #tpu.memory_space<vmem>>, vector<16xi32>,
      %shift_right_logical3A_1491 = arith.constant 4 : i32
      %shift_right_logical3A_1492 = vector.broadcast %shift_right_logical3A_1491 : i32 to vector<16xi32>
      %shift_right_logical3A_1493 = arith.shrui %get3A_1490, %shift_right_logical3A_1492 : vector<16xi32>
      %and3A_1494 = arith.constant 15 : i32
      %and3A_1495 = vector.broadcast %and3A_1494 : i32 to vector<16xi32>
      %and3A_1496 = arith.andi %get3A_1490, %and3A_1495 : vector<16xi32>
      tpu.vector_store_idx %arg12[%shift_right_logical3A_1493, %and3A_1496], %broadcast_in_dim3A_3 {add = true} : memref<640x16xf32, #tpu.memory_space<vmem>>[vector<16xi32>, vector<16xi32>], vector<16xf32>,
      %get3A_1497 = arith.constant 14 : i32
      %get3A_1498 = arith.index_cast %get3A_1497 : i32 to index
      %get3A_1499 = arith.constant 32 : index
      %get3A_1500 = tpu.vector_load %arg8[%get3A_1498, %get3A_1499] {strides = array<i32>} : memref<25x80xi32, #tpu.memory_space<vmem>>, vector<16xi32>,
      %shift_right_logical3A_1501 = arith.constant 4 : i32
      %shift_right_logical3A_1502 = vector.broadcast %shift_right_logical3A_1501 : i32 to vector<16xi32>
      %shift_right_logical3A_1503 = arith.shrui %get3A_1500, %shift_right_logical3A_1502 : vector<16xi32>
      %and3A_1504 = arith.constant 15 : i32
      %and3A_1505 = vector.broadcast %and3A_1504 : i32 to vector<16xi32>
      %and3A_1506 = arith.andi %get3A_1500, %and3A_1505 : vector<16xi32>
      tpu.vector_store_idx %arg12[%shift_right_logical3A_1503, %and3A_1506], %broadcast_in_dim3A_3 {add = true} : memref<640x16xf32, #tpu.memory_space<vmem>>[vector<16xi32>, vector<16xi32>], vector<16xf32>,
      %get3A_1507 = arith.constant 14 : i32
      %get3A_1508 = arith.index_cast %get3A_1507 : i32 to index
      %get3A_1509 = arith.constant 48 : index
      %get3A_1510 = tpu.vector_load %arg8[%get3A_1508, %get3A_1509] {strides = array<i32>} : memref<25x80xi32, #tpu.memory_space<vmem>>, vector<16xi32>,
      %shift_right_logical3A_1511 = arith.constant 4 : i32
      %shift_right_logical3A_1512 = vector.broadcast %shift_right_logical3A_1511 : i32 to vector<16xi32>
      %shift_right_logical3A_1513 = arith.shrui %get3A_1510, %shift_right_logical3A_1512 : vector<16xi32>
      %and3A_1514 = arith.constant 15 : i32
      %and3A_1515 = vector.broadcast %and3A_1514 : i32 to vector<16xi32>
      %and3A_1516 = arith.andi %get3A_1510, %and3A_1515 : vector<16xi32>
      tpu.vector_store_idx %arg12[%shift_right_logical3A_1513, %and3A_1516], %broadcast_in_dim3A_3 {add = true} : memref<640x16xf32, #tpu.memory_space<vmem>>[vector<16xi32>, vector<16xi32>], vector<16xf32>,
      %get3A_1517 = arith.constant 14 : i32
      %get3A_1518 = arith.index_cast %get3A_1517 : i32 to index
      %get3A_1519 = arith.constant 64 : index
      %get3A_1520 = tpu.vector_load %arg8[%get3A_1518, %get3A_1519] {strides = array<i32>} : memref<25x80xi32, #tpu.memory_space<vmem>>, vector<16xi32>,
      %shift_right_logical3A_1521 = arith.constant 4 : i32
      %shift_right_logical3A_1522 = vector.broadcast %shift_right_logical3A_1521 : i32 to vector<16xi32>
      %shift_right_logical3A_1523 = arith.shrui %get3A_1520, %shift_right_logical3A_1522 : vector<16xi32>
      %and3A_1524 = arith.constant 15 : i32
      %and3A_1525 = vector.broadcast %and3A_1524 : i32 to vector<16xi32>
      %and3A_1526 = arith.andi %get3A_1520, %and3A_1525 : vector<16xi32>
      tpu.vector_store_idx %arg12[%shift_right_logical3A_1523, %and3A_1526], %broadcast_in_dim3A_3 {add = true} : memref<640x16xf32, #tpu.memory_space<vmem>>[vector<16xi32>, vector<16xi32>], vector<16xf32>,
      %dma_wait3A_1527 = arith.constant 14 : i32
      %dma_wait3A_1528 = arith.constant 0 : i32
      %dma_wait3A_1529 = tpu.memref_slice %arg8[%dma_wait3A_1527, %dma_wait3A_1528] : memref<25x80xi32, #tpu.memory_space<vmem>> -> memref<1x80xi32, #tpu.memory_space<vmem>>
      %dma_wait3A_1530 = tpu.memref_squeeze %dma_wait3A_1529 : memref<1x80xi32, #tpu.memory_space<vmem>> -> memref<80xi32, #tpu.memory_space<vmem>>
      %dma_wait3A_1531 = arith.constant 0 : i32
      %dma_wait3A_1532 = arith.constant 0 : i32
      %dma_wait3A_1533 = tpu.memref_slice %arg14[%dma_wait3A_1531, %dma_wait3A_1532] : memref<10240x128xf32, #tpu.memory_space<vmem_shared>> -> memref<10240x128xf32, #tpu.memory_space<vmem_shared>>
      tpu.wait_indirect_dma semaphore(%arg21 : memref<!tpu.dma_semaphore, #tpu.memory_space<semaphore_mem>>) src(%arg11 : memref<80x128xf32, #tpu.memory_space<vmem>>) dst(%dma_wait3A_1533 : memref<10240x128xf32, #tpu.memory_space<vmem_shared>>)
      %dma_start3A_1534 = arith.constant 17 : i32
      %dma_start3A_1535 = arith.constant 0 : i32
      %dma_start3A_1536 = tpu.memref_slice %arg7[%dma_start3A_1534, %dma_start3A_1535] : memref<25x80xi32, #tpu.memory_space<vmem>> -> memref<1x80xi32, #tpu.memory_space<vmem>>
      %dma_start3A_1537 = tpu.memref_squeeze %dma_start3A_1536 : memref<1x80xi32, #tpu.memory_space<vmem>> -> memref<80xi32, #tpu.memory_space<vmem>>
      %dma_start3A_1538 = arith.constant 0 : i32
      %dma_start3A_1539 = arith.constant 0 : i32
      %dma_start3A_1540 = tpu.memref_slice %arg4[%dma_start3A_1538, %dma_start3A_1539] : memref<10000x128xf32, #tpu.memory_space<hbm>> -> memref<10000x128xf32, #tpu.memory_space<hbm>>
      tpu.enqueue_indirect_dma source(%dma_start3A_1540 : memref<10000x128xf32, #tpu.memory_space<hbm>>) target(%arg11 : memref<80x128xf32, #tpu.memory_space<vmem>>) offsets(%dma_start3A_1537 : memref<80xi32, #tpu.memory_space<vmem>>) semaphore(%arg18 : memref<!tpu.dma_semaphore, #tpu.memory_space<semaphore_mem>>)
      %dma_wait3A_1541 = arith.constant 15 : i32
      %dma_wait3A_1542 = arith.constant 0 : i32
      %dma_wait3A_1543 = tpu.memref_slice %arg7[%dma_wait3A_1541, %dma_wait3A_1542] : memref<25x80xi32, #tpu.memory_space<vmem>> -> memref<1x80xi32, #tpu.memory_space<vmem>>
      %dma_wait3A_1544 = tpu.memref_squeeze %dma_wait3A_1543 : memref<1x80xi32, #tpu.memory_space<vmem>> -> memref<80xi32, #tpu.memory_space<vmem>>
      %dma_wait3A_1545 = arith.constant 0 : i32
      %dma_wait3A_1546 = arith.constant 0 : i32
      %dma_wait3A_1547 = tpu.memref_slice %arg4[%dma_wait3A_1545, %dma_wait3A_1546] : memref<10000x128xf32, #tpu.memory_space<hbm>> -> memref<10000x128xf32, #tpu.memory_space<hbm>>
      tpu.wait_indirect_dma semaphore(%arg16 : memref<!tpu.dma_semaphore, #tpu.memory_space<semaphore_mem>>) src(%dma_wait3A_1547 : memref<10000x128xf32, #tpu.memory_space<hbm>>) dst(%arg9 : memref<80x128xf32, #tpu.memory_space<vmem>>)
      %dma_start3A_1548 = arith.constant 15 : i32
      %dma_start3A_1549 = arith.constant 0 : i32
      %dma_start3A_1550 = tpu.memref_slice %arg8[%dma_start3A_1548, %dma_start3A_1549] : memref<25x80xi32, #tpu.memory_space<vmem>> -> memref<1x80xi32, #tpu.memory_space<vmem>>
      %dma_start3A_1551 = tpu.memref_squeeze %dma_start3A_1550 : memref<1x80xi32, #tpu.memory_space<vmem>> -> memref<80xi32, #tpu.memory_space<vmem>>
      %dma_start3A_1552 = arith.constant 0 : i32
      %dma_start3A_1553 = arith.constant 0 : i32
      %dma_start3A_1554 = tpu.memref_slice %arg14[%dma_start3A_1552, %dma_start3A_1553] : memref<10240x128xf32, #tpu.memory_space<vmem_shared>> -> memref<10240x128xf32, #tpu.memory_space<vmem_shared>>
      tpu.enqueue_indirect_dma source(%arg9 : memref<80x128xf32, #tpu.memory_space<vmem>>) target(%dma_start3A_1554 : memref<10240x128xf32, #tpu.memory_space<vmem_shared>>) offsets(%dma_start3A_1551 : memref<80xi32, #tpu.memory_space<vmem>>) semaphore(%arg19 : memref<!tpu.dma_semaphore, #tpu.memory_space<semaphore_mem>>) {add = true}
      %get3A_1555 = arith.constant 15 : i32
      %get3A_1556 = arith.index_cast %get3A_1555 : i32 to index
      %get3A_1557 = arith.constant 0 : index
      %get3A_1558 = tpu.vector_load %arg8[%get3A_1556, %get3A_1557] {strides = array<i32>} : memref<25x80xi32, #tpu.memory_space<vmem>>, vector<16xi32>,
      %shift_right_logical3A_1559 = arith.constant 4 : i32
      %shift_right_logical3A_1560 = vector.broadcast %shift_right_logical3A_1559 : i32 to vector<16xi32>
      %shift_right_logical3A_1561 = arith.shrui %get3A_1558, %shift_right_logical3A_1560 : vector<16xi32>
      %and3A_1562 = arith.constant 15 : i32
      %and3A_1563 = vector.broadcast %and3A_1562 : i32 to vector<16xi32>
      %and3A_1564 = arith.andi %get3A_1558, %and3A_1563 : vector<16xi32>
      tpu.vector_store_idx %arg12[%shift_right_logical3A_1561, %and3A_1564], %broadcast_in_dim3A_3 {add = true} : memref<640x16xf32, #tpu.memory_space<vmem>>[vector<16xi32>, vector<16xi32>], vector<16xf32>,
      %get3A_1565 = arith.constant 15 : i32
      %get3A_1566 = arith.index_cast %get3A_1565 : i32 to index
      %get3A_1567 = arith.constant 16 : index
      %get3A_1568 = tpu.vector_load %arg8[%get3A_1566, %get3A_1567] {strides = array<i32>} : memref<25x80xi32, #tpu.memory_space<vmem>>, vector<16xi32>,
      %shift_right_logical3A_1569 = arith.constant 4 : i32
      %shift_right_logical3A_1570 = vector.broadcast %shift_right_logical3A_1569 : i32 to vector<16xi32>
      %shift_right_logical3A_1571 = arith.shrui %get3A_1568, %shift_right_logical3A_1570 : vector<16xi32>
      %and3A_1572 = arith.constant 15 : i32
      %and3A_1573 = vector.broadcast %and3A_1572 : i32 to vector<16xi32>
      %and3A_1574 = arith.andi %get3A_1568, %and3A_1573 : vector<16xi32>
      tpu.vector_store_idx %arg12[%shift_right_logical3A_1571, %and3A_1574], %broadcast_in_dim3A_3 {add = true} : memref<640x16xf32, #tpu.memory_space<vmem>>[vector<16xi32>, vector<16xi32>], vector<16xf32>,
      %get3A_1575 = arith.constant 15 : i32
      %get3A_1576 = arith.index_cast %get3A_1575 : i32 to index
      %get3A_1577 = arith.constant 32 : index
      %get3A_1578 = tpu.vector_load %arg8[%get3A_1576, %get3A_1577] {strides = array<i32>} : memref<25x80xi32, #tpu.memory_space<vmem>>, vector<16xi32>,
      %shift_right_logical3A_1579 = arith.constant 4 : i32
      %shift_right_logical3A_1580 = vector.broadcast %shift_right_logical3A_1579 : i32 to vector<16xi32>
      %shift_right_logical3A_1581 = arith.shrui %get3A_1578, %shift_right_logical3A_1580 : vector<16xi32>
      %and3A_1582 = arith.constant 15 : i32
      %and3A_1583 = vector.broadcast %and3A_1582 : i32 to vector<16xi32>
      %and3A_1584 = arith.andi %get3A_1578, %and3A_1583 : vector<16xi32>
      tpu.vector_store_idx %arg12[%shift_right_logical3A_1581, %and3A_1584], %broadcast_in_dim3A_3 {add = true} : memref<640x16xf32, #tpu.memory_space<vmem>>[vector<16xi32>, vector<16xi32>], vector<16xf32>,
      %get3A_1585 = arith.constant 15 : i32
      %get3A_1586 = arith.index_cast %get3A_1585 : i32 to index
      %get3A_1587 = arith.constant 48 : index
      %get3A_1588 = tpu.vector_load %arg8[%get3A_1586, %get3A_1587] {strides = array<i32>} : memref<25x80xi32, #tpu.memory_space<vmem>>, vector<16xi32>,
      %shift_right_logical3A_1589 = arith.constant 4 : i32
      %shift_right_logical3A_1590 = vector.broadcast %shift_right_logical3A_1589 : i32 to vector<16xi32>
      %shift_right_logical3A_1591 = arith.shrui %get3A_1588, %shift_right_logical3A_1590 : vector<16xi32>
      %and3A_1592 = arith.constant 15 : i32
      %and3A_1593 = vector.broadcast %and3A_1592 : i32 to vector<16xi32>
      %and3A_1594 = arith.andi %get3A_1588, %and3A_1593 : vector<16xi32>
      tpu.vector_store_idx %arg12[%shift_right_logical3A_1591, %and3A_1594], %broadcast_in_dim3A_3 {add = true} : memref<640x16xf32, #tpu.memory_space<vmem>>[vector<16xi32>, vector<16xi32>], vector<16xf32>,
      %get3A_1595 = arith.constant 15 : i32
      %get3A_1596 = arith.index_cast %get3A_1595 : i32 to index
      %get3A_1597 = arith.constant 64 : index
      %get3A_1598 = tpu.vector_load %arg8[%get3A_1596, %get3A_1597] {strides = array<i32>} : memref<25x80xi32, #tpu.memory_space<vmem>>, vector<16xi32>,
      %shift_right_logical3A_1599 = arith.constant 4 : i32
      %shift_right_logical3A_1600 = vector.broadcast %shift_right_logical3A_1599 : i32 to vector<16xi32>
      %shift_right_logical3A_1601 = arith.shrui %get3A_1598, %shift_right_logical3A_1600 : vector<16xi32>
      %and3A_1602 = arith.constant 15 : i32
      %and3A_1603 = vector.broadcast %and3A_1602 : i32 to vector<16xi32>
      %and3A_1604 = arith.andi %get3A_1598, %and3A_1603 : vector<16xi32>
      tpu.vector_store_idx %arg12[%shift_right_logical3A_1601, %and3A_1604], %broadcast_in_dim3A_3 {add = true} : memref<640x16xf32, #tpu.memory_space<vmem>>[vector<16xi32>, vector<16xi32>], vector<16xf32>,
      %dma_wait3A_1605 = arith.constant 15 : i32
      %dma_wait3A_1606 = arith.constant 0 : i32
      %dma_wait3A_1607 = tpu.memref_slice %arg8[%dma_wait3A_1605, %dma_wait3A_1606] : memref<25x80xi32, #tpu.memory_space<vmem>> -> memref<1x80xi32, #tpu.memory_space<vmem>>
      %dma_wait3A_1608 = tpu.memref_squeeze %dma_wait3A_1607 : memref<1x80xi32, #tpu.memory_space<vmem>> -> memref<80xi32, #tpu.memory_space<vmem>>
      %dma_wait3A_1609 = arith.constant 0 : i32
      %dma_wait3A_1610 = arith.constant 0 : i32
      %dma_wait3A_1611 = tpu.memref_slice %arg14[%dma_wait3A_1609, %dma_wait3A_1610] : memref<10240x128xf32, #tpu.memory_space<vmem_shared>> -> memref<10240x128xf32, #tpu.memory_space<vmem_shared>>
      tpu.wait_indirect_dma semaphore(%arg19 : memref<!tpu.dma_semaphore, #tpu.memory_space<semaphore_mem>>) src(%arg9 : memref<80x128xf32, #tpu.memory_space<vmem>>) dst(%dma_wait3A_1611 : memref<10240x128xf32, #tpu.memory_space<vmem_shared>>)
      %dma_start3A_1612 = arith.constant 18 : i32
      %dma_start3A_1613 = arith.constant 0 : i32
      %dma_start3A_1614 = tpu.memref_slice %arg7[%dma_start3A_1612, %dma_start3A_1613] : memref<25x80xi32, #tpu.memory_space<vmem>> -> memref<1x80xi32, #tpu.memory_space<vmem>>
      %dma_start3A_1615 = tpu.memref_squeeze %dma_start3A_1614 : memref<1x80xi32, #tpu.memory_space<vmem>> -> memref<80xi32, #tpu.memory_space<vmem>>
      %dma_start3A_1616 = arith.constant 0 : i32
      %dma_start3A_1617 = arith.constant 0 : i32
      %dma_start3A_1618 = tpu.memref_slice %arg4[%dma_start3A_1616, %dma_start3A_1617] : memref<10000x128xf32, #tpu.memory_space<hbm>> -> memref<10000x128xf32, #tpu.memory_space<hbm>>
      tpu.enqueue_indirect_dma source(%dma_start3A_1618 : memref<10000x128xf32, #tpu.memory_space<hbm>>) target(%arg9 : memref<80x128xf32, #tpu.memory_space<vmem>>) offsets(%dma_start3A_1615 : memref<80xi32, #tpu.memory_space<vmem>>) semaphore(%arg16 : memref<!tpu.dma_semaphore, #tpu.memory_space<semaphore_mem>>)
      %dma_wait3A_1619 = arith.constant 16 : i32
      %dma_wait3A_1620 = arith.constant 0 : i32
      %dma_wait3A_1621 = tpu.memref_slice %arg7[%dma_wait3A_1619, %dma_wait3A_1620] : memref<25x80xi32, #tpu.memory_space<vmem>> -> memref<1x80xi32, #tpu.memory_space<vmem>>
      %dma_wait3A_1622 = tpu.memref_squeeze %dma_wait3A_1621 : memref<1x80xi32, #tpu.memory_space<vmem>> -> memref<80xi32, #tpu.memory_space<vmem>>
      %dma_wait3A_1623 = arith.constant 0 : i32
      %dma_wait3A_1624 = arith.constant 0 : i32
      %dma_wait3A_1625 = tpu.memref_slice %arg4[%dma_wait3A_1623, %dma_wait3A_1624] : memref<10000x128xf32, #tpu.memory_space<hbm>> -> memref<10000x128xf32, #tpu.memory_space<hbm>>
      tpu.wait_indirect_dma semaphore(%arg17 : memref<!tpu.dma_semaphore, #tpu.memory_space<semaphore_mem>>) src(%dma_wait3A_1625 : memref<10000x128xf32, #tpu.memory_space<hbm>>) dst(%arg10 : memref<80x128xf32, #tpu.memory_space<vmem>>)
      %dma_start3A_1626 = arith.constant 16 : i32
      %dma_start3A_1627 = arith.constant 0 : i32
      %dma_start3A_1628 = tpu.memref_slice %arg8[%dma_start3A_1626, %dma_start3A_1627] : memref<25x80xi32, #tpu.memory_space<vmem>> -> memref<1x80xi32, #tpu.memory_space<vmem>>
      %dma_start3A_1629 = tpu.memref_squeeze %dma_start3A_1628 : memref<1x80xi32, #tpu.memory_space<vmem>> -> memref<80xi32, #tpu.memory_space<vmem>>
      %dma_start3A_1630 = arith.constant 0 : i32
      %dma_start3A_1631 = arith.constant 0 : i32
      %dma_start3A_1632 = tpu.memref_slice %arg14[%dma_start3A_1630, %dma_start3A_1631] : memref<10240x128xf32, #tpu.memory_space<vmem_shared>> -> memref<10240x128xf32, #tpu.memory_space<vmem_shared>>
      tpu.enqueue_indirect_dma source(%arg10 : memref<80x128xf32, #tpu.memory_space<vmem>>) target(%dma_start3A_1632 : memref<10240x128xf32, #tpu.memory_space<vmem_shared>>) offsets(%dma_start3A_1629 : memref<80xi32, #tpu.memory_space<vmem>>) semaphore(%arg20 : memref<!tpu.dma_semaphore, #tpu.memory_space<semaphore_mem>>) {add = true}
      %get3A_1633 = arith.constant 16 : i32
      %get3A_1634 = arith.index_cast %get3A_1633 : i32 to index
      %get3A_1635 = arith.constant 0 : index
      %get3A_1636 = tpu.vector_load %arg8[%get3A_1634, %get3A_1635] {strides = array<i32>} : memref<25x80xi32, #tpu.memory_space<vmem>>, vector<16xi32>,
      %shift_right_logical3A_1637 = arith.constant 4 : i32
      %shift_right_logical3A_1638 = vector.broadcast %shift_right_logical3A_1637 : i32 to vector<16xi32>
      %shift_right_logical3A_1639 = arith.shrui %get3A_1636, %shift_right_logical3A_1638 : vector<16xi32>
      %and3A_1640 = arith.constant 15 : i32
      %and3A_1641 = vector.broadcast %and3A_1640 : i32 to vector<16xi32>
      %and3A_1642 = arith.andi %get3A_1636, %and3A_1641 : vector<16xi32>
      tpu.vector_store_idx %arg12[%shift_right_logical3A_1639, %and3A_1642], %broadcast_in_dim3A_3 {add = true} : memref<640x16xf32, #tpu.memory_space<vmem>>[vector<16xi32>, vector<16xi32>], vector<16xf32>,
      %get3A_1643 = arith.constant 16 : i32
      %get3A_1644 = arith.index_cast %get3A_1643 : i32 to index
      %get3A_1645 = arith.constant 16 : index
      %get3A_1646 = tpu.vector_load %arg8[%get3A_1644, %get3A_1645] {strides = array<i32>} : memref<25x80xi32, #tpu.memory_space<vmem>>, vector<16xi32>,
      %shift_right_logical3A_1647 = arith.constant 4 : i32
      %shift_right_logical3A_1648 = vector.broadcast %shift_right_logical3A_1647 : i32 to vector<16xi32>
      %shift_right_logical3A_1649 = arith.shrui %get3A_1646, %shift_right_logical3A_1648 : vector<16xi32>
      %and3A_1650 = arith.constant 15 : i32
      %and3A_1651 = vector.broadcast %and3A_1650 : i32 to vector<16xi32>
      %and3A_1652 = arith.andi %get3A_1646, %and3A_1651 : vector<16xi32>
      tpu.vector_store_idx %arg12[%shift_right_logical3A_1649, %and3A_1652], %broadcast_in_dim3A_3 {add = true} : memref<640x16xf32, #tpu.memory_space<vmem>>[vector<16xi32>, vector<16xi32>], vector<16xf32>,
      %get3A_1653 = arith.constant 16 : i32
      %get3A_1654 = arith.index_cast %get3A_1653 : i32 to index
      %get3A_1655 = arith.constant 32 : index
      %get3A_1656 = tpu.vector_load %arg8[%get3A_1654, %get3A_1655] {strides = array<i32>} : memref<25x80xi32, #tpu.memory_space<vmem>>, vector<16xi32>,
      %shift_right_logical3A_1657 = arith.constant 4 : i32
      %shift_right_logical3A_1658 = vector.broadcast %shift_right_logical3A_1657 : i32 to vector<16xi32>
      %shift_right_logical3A_1659 = arith.shrui %get3A_1656, %shift_right_logical3A_1658 : vector<16xi32>
      %and3A_1660 = arith.constant 15 : i32
      %and3A_1661 = vector.broadcast %and3A_1660 : i32 to vector<16xi32>
      %and3A_1662 = arith.andi %get3A_1656, %and3A_1661 : vector<16xi32>
      tpu.vector_store_idx %arg12[%shift_right_logical3A_1659, %and3A_1662], %broadcast_in_dim3A_3 {add = true} : memref<640x16xf32, #tpu.memory_space<vmem>>[vector<16xi32>, vector<16xi32>], vector<16xf32>,
      %get3A_1663 = arith.constant 16 : i32
      %get3A_1664 = arith.index_cast %get3A_1663 : i32 to index
      %get3A_1665 = arith.constant 48 : index
      %get3A_1666 = tpu.vector_load %arg8[%get3A_1664, %get3A_1665] {strides = array<i32>} : memref<25x80xi32, #tpu.memory_space<vmem>>, vector<16xi32>,
      %shift_right_logical3A_1667 = arith.constant 4 : i32
      %shift_right_logical3A_1668 = vector.broadcast %shift_right_logical3A_1667 : i32 to vector<16xi32>
      %shift_right_logical3A_1669 = arith.shrui %get3A_1666, %shift_right_logical3A_1668 : vector<16xi32>
      %and3A_1670 = arith.constant 15 : i32
      %and3A_1671 = vector.broadcast %and3A_1670 : i32 to vector<16xi32>
      %and3A_1672 = arith.andi %get3A_1666, %and3A_1671 : vector<16xi32>
      tpu.vector_store_idx %arg12[%shift_right_logical3A_1669, %and3A_1672], %broadcast_in_dim3A_3 {add = true} : memref<640x16xf32, #tpu.memory_space<vmem>>[vector<16xi32>, vector<16xi32>], vector<16xf32>,
      %get3A_1673 = arith.constant 16 : i32
      %get3A_1674 = arith.index_cast %get3A_1673 : i32 to index
      %get3A_1675 = arith.constant 64 : index
      %get3A_1676 = tpu.vector_load %arg8[%get3A_1674, %get3A_1675] {strides = array<i32>} : memref<25x80xi32, #tpu.memory_space<vmem>>, vector<16xi32>,
      %shift_right_logical3A_1677 = arith.constant 4 : i32
      %shift_right_logical3A_1678 = vector.broadcast %shift_right_logical3A_1677 : i32 to vector<16xi32>
      %shift_right_logical3A_1679 = arith.shrui %get3A_1676, %shift_right_logical3A_1678 : vector<16xi32>
      %and3A_1680 = arith.constant 15 : i32
      %and3A_1681 = vector.broadcast %and3A_1680 : i32 to vector<16xi32>
      %and3A_1682 = arith.andi %get3A_1676, %and3A_1681 : vector<16xi32>
      tpu.vector_store_idx %arg12[%shift_right_logical3A_1679, %and3A_1682], %broadcast_in_dim3A_3 {add = true} : memref<640x16xf32, #tpu.memory_space<vmem>>[vector<16xi32>, vector<16xi32>], vector<16xf32>,
      %dma_wait3A_1683 = arith.constant 16 : i32
      %dma_wait3A_1684 = arith.constant 0 : i32
      %dma_wait3A_1685 = tpu.memref_slice %arg8[%dma_wait3A_1683, %dma_wait3A_1684] : memref<25x80xi32, #tpu.memory_space<vmem>> -> memref<1x80xi32, #tpu.memory_space<vmem>>
      %dma_wait3A_1686 = tpu.memref_squeeze %dma_wait3A_1685 : memref<1x80xi32, #tpu.memory_space<vmem>> -> memref<80xi32, #tpu.memory_space<vmem>>
      %dma_wait3A_1687 = arith.constant 0 : i32
      %dma_wait3A_1688 = arith.constant 0 : i32
      %dma_wait3A_1689 = tpu.memref_slice %arg14[%dma_wait3A_1687, %dma_wait3A_1688] : memref<10240x128xf32, #tpu.memory_space<vmem_shared>> -> memref<10240x128xf32, #tpu.memory_space<vmem_shared>>
      tpu.wait_indirect_dma semaphore(%arg20 : memref<!tpu.dma_semaphore, #tpu.memory_space<semaphore_mem>>) src(%arg10 : memref<80x128xf32, #tpu.memory_space<vmem>>) dst(%dma_wait3A_1689 : memref<10240x128xf32, #tpu.memory_space<vmem_shared>>)
      %dma_start3A_1690 = arith.constant 19 : i32
      %dma_start3A_1691 = arith.constant 0 : i32
      %dma_start3A_1692 = tpu.memref_slice %arg7[%dma_start3A_1690, %dma_start3A_1691] : memref<25x80xi32, #tpu.memory_space<vmem>> -> memref<1x80xi32, #tpu.memory_space<vmem>>
      %dma_start3A_1693 = tpu.memref_squeeze %dma_start3A_1692 : memref<1x80xi32, #tpu.memory_space<vmem>> -> memref<80xi32, #tpu.memory_space<vmem>>
      %dma_start3A_1694 = arith.constant 0 : i32
      %dma_start3A_1695 = arith.constant 0 : i32
      %dma_start3A_1696 = tpu.memref_slice %arg4[%dma_start3A_1694, %dma_start3A_1695] : memref<10000x128xf32, #tpu.memory_space<hbm>> -> memref<10000x128xf32, #tpu.memory_space<hbm>>
      tpu.enqueue_indirect_dma source(%dma_start3A_1696 : memref<10000x128xf32, #tpu.memory_space<hbm>>) target(%arg10 : memref<80x128xf32, #tpu.memory_space<vmem>>) offsets(%dma_start3A_1693 : memref<80xi32, #tpu.memory_space<vmem>>) semaphore(%arg17 : memref<!tpu.dma_semaphore, #tpu.memory_space<semaphore_mem>>)
      %dma_wait3A_1697 = arith.constant 17 : i32
      %dma_wait3A_1698 = arith.constant 0 : i32
      %dma_wait3A_1699 = tpu.memref_slice %arg7[%dma_wait3A_1697, %dma_wait3A_1698] : memref<25x80xi32, #tpu.memory_space<vmem>> -> memref<1x80xi32, #tpu.memory_space<vmem>>
      %dma_wait3A_1700 = tpu.memref_squeeze %dma_wait3A_1699 : memref<1x80xi32, #tpu.memory_space<vmem>> -> memref<80xi32, #tpu.memory_space<vmem>>
      %dma_wait3A_1701 = arith.constant 0 : i32
      %dma_wait3A_1702 = arith.constant 0 : i32
      %dma_wait3A_1703 = tpu.memref_slice %arg4[%dma_wait3A_1701, %dma_wait3A_1702] : memref<10000x128xf32, #tpu.memory_space<hbm>> -> memref<10000x128xf32, #tpu.memory_space<hbm>>
      tpu.wait_indirect_dma semaphore(%arg18 : memref<!tpu.dma_semaphore, #tpu.memory_space<semaphore_mem>>) src(%dma_wait3A_1703 : memref<10000x128xf32, #tpu.memory_space<hbm>>) dst(%arg11 : memref<80x128xf32, #tpu.memory_space<vmem>>)
      %dma_start3A_1704 = arith.constant 17 : i32
      %dma_start3A_1705 = arith.constant 0 : i32
      %dma_start3A_1706 = tpu.memref_slice %arg8[%dma_start3A_1704, %dma_start3A_1705] : memref<25x80xi32, #tpu.memory_space<vmem>> -> memref<1x80xi32, #tpu.memory_space<vmem>>
      %dma_start3A_1707 = tpu.memref_squeeze %dma_start3A_1706 : memref<1x80xi32, #tpu.memory_space<vmem>> -> memref<80xi32, #tpu.memory_space<vmem>>
      %dma_start3A_1708 = arith.constant 0 : i32
      %dma_start3A_1709 = arith.constant 0 : i32
      %dma_start3A_1710 = tpu.memref_slice %arg14[%dma_start3A_1708, %dma_start3A_1709] : memref<10240x128xf32, #tpu.memory_space<vmem_shared>> -> memref<10240x128xf32, #tpu.memory_space<vmem_shared>>
      tpu.enqueue_indirect_dma source(%arg11 : memref<80x128xf32, #tpu.memory_space<vmem>>) target(%dma_start3A_1710 : memref<10240x128xf32, #tpu.memory_space<vmem_shared>>) offsets(%dma_start3A_1707 : memref<80xi32, #tpu.memory_space<vmem>>) semaphore(%arg21 : memref<!tpu.dma_semaphore, #tpu.memory_space<semaphore_mem>>) {add = true}
      %get3A_1711 = arith.constant 17 : i32
      %get3A_1712 = arith.index_cast %get3A_1711 : i32 to index
      %get3A_1713 = arith.constant 0 : index
      %get3A_1714 = tpu.vector_load %arg8[%get3A_1712, %get3A_1713] {strides = array<i32>} : memref<25x80xi32, #tpu.memory_space<vmem>>, vector<16xi32>,
      %shift_right_logical3A_1715 = arith.constant 4 : i32
      %shift_right_logical3A_1716 = vector.broadcast %shift_right_logical3A_1715 : i32 to vector<16xi32>
      %shift_right_logical3A_1717 = arith.shrui %get3A_1714, %shift_right_logical3A_1716 : vector<16xi32>
      %and3A_1718 = arith.constant 15 : i32
      %and3A_1719 = vector.broadcast %and3A_1718 : i32 to vector<16xi32>
      %and3A_1720 = arith.andi %get3A_1714, %and3A_1719 : vector<16xi32>
      tpu.vector_store_idx %arg12[%shift_right_logical3A_1717, %and3A_1720], %broadcast_in_dim3A_3 {add = true} : memref<640x16xf32, #tpu.memory_space<vmem>>[vector<16xi32>, vector<16xi32>], vector<16xf32>,
      %get3A_1721 = arith.constant 17 : i32
      %get3A_1722 = arith.index_cast %get3A_1721 : i32 to index
      %get3A_1723 = arith.constant 16 : index
      %get3A_1724 = tpu.vector_load %arg8[%get3A_1722, %get3A_1723] {strides = array<i32>} : memref<25x80xi32, #tpu.memory_space<vmem>>, vector<16xi32>,
      %shift_right_logical3A_1725 = arith.constant 4 : i32
      %shift_right_logical3A_1726 = vector.broadcast %shift_right_logical3A_1725 : i32 to vector<16xi32>
      %shift_right_logical3A_1727 = arith.shrui %get3A_1724, %shift_right_logical3A_1726 : vector<16xi32>
      %and3A_1728 = arith.constant 15 : i32
      %and3A_1729 = vector.broadcast %and3A_1728 : i32 to vector<16xi32>
      %and3A_1730 = arith.andi %get3A_1724, %and3A_1729 : vector<16xi32>
      tpu.vector_store_idx %arg12[%shift_right_logical3A_1727, %and3A_1730], %broadcast_in_dim3A_3 {add = true} : memref<640x16xf32, #tpu.memory_space<vmem>>[vector<16xi32>, vector<16xi32>], vector<16xf32>,
      %get3A_1731 = arith.constant 17 : i32
      %get3A_1732 = arith.index_cast %get3A_1731 : i32 to index
      %get3A_1733 = arith.constant 32 : index
      %get3A_1734 = tpu.vector_load %arg8[%get3A_1732, %get3A_1733] {strides = array<i32>} : memref<25x80xi32, #tpu.memory_space<vmem>>, vector<16xi32>,
      %shift_right_logical3A_1735 = arith.constant 4 : i32
      %shift_right_logical3A_1736 = vector.broadcast %shift_right_logical3A_1735 : i32 to vector<16xi32>
      %shift_right_logical3A_1737 = arith.shrui %get3A_1734, %shift_right_logical3A_1736 : vector<16xi32>
      %and3A_1738 = arith.constant 15 : i32
      %and3A_1739 = vector.broadcast %and3A_1738 : i32 to vector<16xi32>
      %and3A_1740 = arith.andi %get3A_1734, %and3A_1739 : vector<16xi32>
      tpu.vector_store_idx %arg12[%shift_right_logical3A_1737, %and3A_1740], %broadcast_in_dim3A_3 {add = true} : memref<640x16xf32, #tpu.memory_space<vmem>>[vector<16xi32>, vector<16xi32>], vector<16xf32>,
      %get3A_1741 = arith.constant 17 : i32
      %get3A_1742 = arith.index_cast %get3A_1741 : i32 to index
      %get3A_1743 = arith.constant 48 : index
      %get3A_1744 = tpu.vector_load %arg8[%get3A_1742, %get3A_1743] {strides = array<i32>} : memref<25x80xi32, #tpu.memory_space<vmem>>, vector<16xi32>,
      %shift_right_logical3A_1745 = arith.constant 4 : i32
      %shift_right_logical3A_1746 = vector.broadcast %shift_right_logical3A_1745 : i32 to vector<16xi32>
      %shift_right_logical3A_1747 = arith.shrui %get3A_1744, %shift_right_logical3A_1746 : vector<16xi32>
      %and3A_1748 = arith.constant 15 : i32
      %and3A_1749 = vector.broadcast %and3A_1748 : i32 to vector<16xi32>
      %and3A_1750 = arith.andi %get3A_1744, %and3A_1749 : vector<16xi32>
      tpu.vector_store_idx %arg12[%shift_right_logical3A_1747, %and3A_1750], %broadcast_in_dim3A_3 {add = true} : memref<640x16xf32, #tpu.memory_space<vmem>>[vector<16xi32>, vector<16xi32>], vector<16xf32>,
      %get3A_1751 = arith.constant 17 : i32
      %get3A_1752 = arith.index_cast %get3A_1751 : i32 to index
      %get3A_1753 = arith.constant 64 : index
      %get3A_1754 = tpu.vector_load %arg8[%get3A_1752, %get3A_1753] {strides = array<i32>} : memref<25x80xi32, #tpu.memory_space<vmem>>, vector<16xi32>,
      %shift_right_logical3A_1755 = arith.constant 4 : i32
      %shift_right_logical3A_1756 = vector.broadcast %shift_right_logical3A_1755 : i32 to vector<16xi32>
      %shift_right_logical3A_1757 = arith.shrui %get3A_1754, %shift_right_logical3A_1756 : vector<16xi32>
      %and3A_1758 = arith.constant 15 : i32
      %and3A_1759 = vector.broadcast %and3A_1758 : i32 to vector<16xi32>
      %and3A_1760 = arith.andi %get3A_1754, %and3A_1759 : vector<16xi32>
      tpu.vector_store_idx %arg12[%shift_right_logical3A_1757, %and3A_1760], %broadcast_in_dim3A_3 {add = true} : memref<640x16xf32, #tpu.memory_space<vmem>>[vector<16xi32>, vector<16xi32>], vector<16xf32>,
      %dma_wait3A_1761 = arith.constant 17 : i32
      %dma_wait3A_1762 = arith.constant 0 : i32
      %dma_wait3A_1763 = tpu.memref_slice %arg8[%dma_wait3A_1761, %dma_wait3A_1762] : memref<25x80xi32, #tpu.memory_space<vmem>> -> memref<1x80xi32, #tpu.memory_space<vmem>>
      %dma_wait3A_1764 = tpu.memref_squeeze %dma_wait3A_1763 : memref<1x80xi32, #tpu.memory_space<vmem>> -> memref<80xi32, #tpu.memory_space<vmem>>
      %dma_wait3A_1765 = arith.constant 0 : i32
      %dma_wait3A_1766 = arith.constant 0 : i32
      %dma_wait3A_1767 = tpu.memref_slice %arg14[%dma_wait3A_1765, %dma_wait3A_1766] : memref<10240x128xf32, #tpu.memory_space<vmem_shared>> -> memref<10240x128xf32, #tpu.memory_space<vmem_shared>>
      tpu.wait_indirect_dma semaphore(%arg21 : memref<!tpu.dma_semaphore, #tpu.memory_space<semaphore_mem>>) src(%arg11 : memref<80x128xf32, #tpu.memory_space<vmem>>) dst(%dma_wait3A_1767 : memref<10240x128xf32, #tpu.memory_space<vmem_shared>>)
      %dma_start3A_1768 = arith.constant 20 : i32
      %dma_start3A_1769 = arith.constant 0 : i32
      %dma_start3A_1770 = tpu.memref_slice %arg7[%dma_start3A_1768, %dma_start3A_1769] : memref<25x80xi32, #tpu.memory_space<vmem>> -> memref<1x80xi32, #tpu.memory_space<vmem>>
      %dma_start3A_1771 = tpu.memref_squeeze %dma_start3A_1770 : memref<1x80xi32, #tpu.memory_space<vmem>> -> memref<80xi32, #tpu.memory_space<vmem>>
      %dma_start3A_1772 = arith.constant 0 : i32
      %dma_start3A_1773 = arith.constant 0 : i32
      %dma_start3A_1774 = tpu.memref_slice %arg4[%dma_start3A_1772, %dma_start3A_1773] : memref<10000x128xf32, #tpu.memory_space<hbm>> -> memref<10000x128xf32, #tpu.memory_space<hbm>>
      tpu.enqueue_indirect_dma source(%dma_start3A_1774 : memref<10000x128xf32, #tpu.memory_space<hbm>>) target(%arg11 : memref<80x128xf32, #tpu.memory_space<vmem>>) offsets(%dma_start3A_1771 : memref<80xi32, #tpu.memory_space<vmem>>) semaphore(%arg18 : memref<!tpu.dma_semaphore, #tpu.memory_space<semaphore_mem>>)
      %dma_wait3A_1775 = arith.constant 18 : i32
      %dma_wait3A_1776 = arith.constant 0 : i32
      %dma_wait3A_1777 = tpu.memref_slice %arg7[%dma_wait3A_1775, %dma_wait3A_1776] : memref<25x80xi32, #tpu.memory_space<vmem>> -> memref<1x80xi32, #tpu.memory_space<vmem>>
      %dma_wait3A_1778 = tpu.memref_squeeze %dma_wait3A_1777 : memref<1x80xi32, #tpu.memory_space<vmem>> -> memref<80xi32, #tpu.memory_space<vmem>>
      %dma_wait3A_1779 = arith.constant 0 : i32
      %dma_wait3A_1780 = arith.constant 0 : i32
      %dma_wait3A_1781 = tpu.memref_slice %arg4[%dma_wait3A_1779, %dma_wait3A_1780] : memref<10000x128xf32, #tpu.memory_space<hbm>> -> memref<10000x128xf32, #tpu.memory_space<hbm>>
      tpu.wait_indirect_dma semaphore(%arg16 : memref<!tpu.dma_semaphore, #tpu.memory_space<semaphore_mem>>) src(%dma_wait3A_1781 : memref<10000x128xf32, #tpu.memory_space<hbm>>) dst(%arg9 : memref<80x128xf32, #tpu.memory_space<vmem>>)
      %dma_start3A_1782 = arith.constant 18 : i32
      %dma_start3A_1783 = arith.constant 0 : i32
      %dma_start3A_1784 = tpu.memref_slice %arg8[%dma_start3A_1782, %dma_start3A_1783] : memref<25x80xi32, #tpu.memory_space<vmem>> -> memref<1x80xi32, #tpu.memory_space<vmem>>
      %dma_start3A_1785 = tpu.memref_squeeze %dma_start3A_1784 : memref<1x80xi32, #tpu.memory_space<vmem>> -> memref<80xi32, #tpu.memory_space<vmem>>
      %dma_start3A_1786 = arith.constant 0 : i32
      %dma_start3A_1787 = arith.constant 0 : i32
      %dma_start3A_1788 = tpu.memref_slice %arg14[%dma_start3A_1786, %dma_start3A_1787] : memref<10240x128xf32, #tpu.memory_space<vmem_shared>> -> memref<10240x128xf32, #tpu.memory_space<vmem_shared>>
      tpu.enqueue_indirect_dma source(%arg9 : memref<80x128xf32, #tpu.memory_space<vmem>>) target(%dma_start3A_1788 : memref<10240x128xf32, #tpu.memory_space<vmem_shared>>) offsets(%dma_start3A_1785 : memref<80xi32, #tpu.memory_space<vmem>>) semaphore(%arg19 : memref<!tpu.dma_semaphore, #tpu.memory_space<semaphore_mem>>) {add = true}
      %get3A_1789 = arith.constant 18 : i32
      %get3A_1790 = arith.index_cast %get3A_1789 : i32 to index
      %get3A_1791 = arith.constant 0 : index
      %get3A_1792 = tpu.vector_load %arg8[%get3A_1790, %get3A_1791] {strides = array<i32>} : memref<25x80xi32, #tpu.memory_space<vmem>>, vector<16xi32>,
      %shift_right_logical3A_1793 = arith.constant 4 : i32
      %shift_right_logical3A_1794 = vector.broadcast %shift_right_logical3A_1793 : i32 to vector<16xi32>
      %shift_right_logical3A_1795 = arith.shrui %get3A_1792, %shift_right_logical3A_1794 : vector<16xi32>
      %and3A_1796 = arith.constant 15 : i32
      %and3A_1797 = vector.broadcast %and3A_1796 : i32 to vector<16xi32>
      %and3A_1798 = arith.andi %get3A_1792, %and3A_1797 : vector<16xi32>
      tpu.vector_store_idx %arg12[%shift_right_logical3A_1795, %and3A_1798], %broadcast_in_dim3A_3 {add = true} : memref<640x16xf32, #tpu.memory_space<vmem>>[vector<16xi32>, vector<16xi32>], vector<16xf32>,
      %get3A_1799 = arith.constant 18 : i32
      %get3A_1800 = arith.index_cast %get3A_1799 : i32 to index
      %get3A_1801 = arith.constant 16 : index
      %get3A_1802 = tpu.vector_load %arg8[%get3A_1800, %get3A_1801] {strides = array<i32>} : memref<25x80xi32, #tpu.memory_space<vmem>>, vector<16xi32>,
      %shift_right_logical3A_1803 = arith.constant 4 : i32
      %shift_right_logical3A_1804 = vector.broadcast %shift_right_logical3A_1803 : i32 to vector<16xi32>
      %shift_right_logical3A_1805 = arith.shrui %get3A_1802, %shift_right_logical3A_1804 : vector<16xi32>
      %and3A_1806 = arith.constant 15 : i32
      %and3A_1807 = vector.broadcast %and3A_1806 : i32 to vector<16xi32>
      %and3A_1808 = arith.andi %get3A_1802, %and3A_1807 : vector<16xi32>
      tpu.vector_store_idx %arg12[%shift_right_logical3A_1805, %and3A_1808], %broadcast_in_dim3A_3 {add = true} : memref<640x16xf32, #tpu.memory_space<vmem>>[vector<16xi32>, vector<16xi32>], vector<16xf32>,
      %get3A_1809 = arith.constant 18 : i32
      %get3A_1810 = arith.index_cast %get3A_1809 : i32 to index
      %get3A_1811 = arith.constant 32 : index
      %get3A_1812 = tpu.vector_load %arg8[%get3A_1810, %get3A_1811] {strides = array<i32>} : memref<25x80xi32, #tpu.memory_space<vmem>>, vector<16xi32>,
      %shift_right_logical3A_1813 = arith.constant 4 : i32
      %shift_right_logical3A_1814 = vector.broadcast %shift_right_logical3A_1813 : i32 to vector<16xi32>
      %shift_right_logical3A_1815 = arith.shrui %get3A_1812, %shift_right_logical3A_1814 : vector<16xi32>
      %and3A_1816 = arith.constant 15 : i32
      %and3A_1817 = vector.broadcast %and3A_1816 : i32 to vector<16xi32>
      %and3A_1818 = arith.andi %get3A_1812, %and3A_1817 : vector<16xi32>
      tpu.vector_store_idx %arg12[%shift_right_logical3A_1815, %and3A_1818], %broadcast_in_dim3A_3 {add = true} : memref<640x16xf32, #tpu.memory_space<vmem>>[vector<16xi32>, vector<16xi32>], vector<16xf32>,
      %get3A_1819 = arith.constant 18 : i32
      %get3A_1820 = arith.index_cast %get3A_1819 : i32 to index
      %get3A_1821 = arith.constant 48 : index
      %get3A_1822 = tpu.vector_load %arg8[%get3A_1820, %get3A_1821] {strides = array<i32>} : memref<25x80xi32, #tpu.memory_space<vmem>>, vector<16xi32>,
      %shift_right_logical3A_1823 = arith.constant 4 : i32
      %shift_right_logical3A_1824 = vector.broadcast %shift_right_logical3A_1823 : i32 to vector<16xi32>
      %shift_right_logical3A_1825 = arith.shrui %get3A_1822, %shift_right_logical3A_1824 : vector<16xi32>
      %and3A_1826 = arith.constant 15 : i32
      %and3A_1827 = vector.broadcast %and3A_1826 : i32 to vector<16xi32>
      %and3A_1828 = arith.andi %get3A_1822, %and3A_1827 : vector<16xi32>
      tpu.vector_store_idx %arg12[%shift_right_logical3A_1825, %and3A_1828], %broadcast_in_dim3A_3 {add = true} : memref<640x16xf32, #tpu.memory_space<vmem>>[vector<16xi32>, vector<16xi32>], vector<16xf32>,
      %get3A_1829 = arith.constant 18 : i32
      %get3A_1830 = arith.index_cast %get3A_1829 : i32 to index
      %get3A_1831 = arith.constant 64 : index
      %get3A_1832 = tpu.vector_load %arg8[%get3A_1830, %get3A_1831] {strides = array<i32>} : memref<25x80xi32, #tpu.memory_space<vmem>>, vector<16xi32>,
      %shift_right_logical3A_1833 = arith.constant 4 : i32
      %shift_right_logical3A_1834 = vector.broadcast %shift_right_logical3A_1833 : i32 to vector<16xi32>
      %shift_right_logical3A_1835 = arith.shrui %get3A_1832, %shift_right_logical3A_1834 : vector<16xi32>
      %and3A_1836 = arith.constant 15 : i32
      %and3A_1837 = vector.broadcast %and3A_1836 : i32 to vector<16xi32>
      %and3A_1838 = arith.andi %get3A_1832, %and3A_1837 : vector<16xi32>
      tpu.vector_store_idx %arg12[%shift_right_logical3A_1835, %and3A_1838], %broadcast_in_dim3A_3 {add = true} : memref<640x16xf32, #tpu.memory_space<vmem>>[vector<16xi32>, vector<16xi32>], vector<16xf32>,
      %dma_wait3A_1839 = arith.constant 18 : i32
      %dma_wait3A_1840 = arith.constant 0 : i32
      %dma_wait3A_1841 = tpu.memref_slice %arg8[%dma_wait3A_1839, %dma_wait3A_1840] : memref<25x80xi32, #tpu.memory_space<vmem>> -> memref<1x80xi32, #tpu.memory_space<vmem>>
      %dma_wait3A_1842 = tpu.memref_squeeze %dma_wait3A_1841 : memref<1x80xi32, #tpu.memory_space<vmem>> -> memref<80xi32, #tpu.memory_space<vmem>>
      %dma_wait3A_1843 = arith.constant 0 : i32
      %dma_wait3A_1844 = arith.constant 0 : i32
      %dma_wait3A_1845 = tpu.memref_slice %arg14[%dma_wait3A_1843, %dma_wait3A_1844] : memref<10240x128xf32, #tpu.memory_space<vmem_shared>> -> memref<10240x128xf32, #tpu.memory_space<vmem_shared>>
      tpu.wait_indirect_dma semaphore(%arg19 : memref<!tpu.dma_semaphore, #tpu.memory_space<semaphore_mem>>) src(%arg9 : memref<80x128xf32, #tpu.memory_space<vmem>>) dst(%dma_wait3A_1845 : memref<10240x128xf32, #tpu.memory_space<vmem_shared>>)
      %dma_start3A_1846 = arith.constant 21 : i32
      %dma_start3A_1847 = arith.constant 0 : i32
      %dma_start3A_1848 = tpu.memref_slice %arg7[%dma_start3A_1846, %dma_start3A_1847] : memref<25x80xi32, #tpu.memory_space<vmem>> -> memref<1x80xi32, #tpu.memory_space<vmem>>
      %dma_start3A_1849 = tpu.memref_squeeze %dma_start3A_1848 : memref<1x80xi32, #tpu.memory_space<vmem>> -> memref<80xi32, #tpu.memory_space<vmem>>
      %dma_start3A_1850 = arith.constant 0 : i32
      %dma_start3A_1851 = arith.constant 0 : i32
      %dma_start3A_1852 = tpu.memref_slice %arg4[%dma_start3A_1850, %dma_start3A_1851] : memref<10000x128xf32, #tpu.memory_space<hbm>> -> memref<10000x128xf32, #tpu.memory_space<hbm>>
      tpu.enqueue_indirect_dma source(%dma_start3A_1852 : memref<10000x128xf32, #tpu.memory_space<hbm>>) target(%arg9 : memref<80x128xf32, #tpu.memory_space<vmem>>) offsets(%dma_start3A_1849 : memref<80xi32, #tpu.memory_space<vmem>>) semaphore(%arg16 : memref<!tpu.dma_semaphore, #tpu.memory_space<semaphore_mem>>)
      %dma_wait3A_1853 = arith.constant 19 : i32
      %dma_wait3A_1854 = arith.constant 0 : i32
      %dma_wait3A_1855 = tpu.memref_slice %arg7[%dma_wait3A_1853, %dma_wait3A_1854] : memref<25x80xi32, #tpu.memory_space<vmem>> -> memref<1x80xi32, #tpu.memory_space<vmem>>
      %dma_wait3A_1856 = tpu.memref_squeeze %dma_wait3A_1855 : memref<1x80xi32, #tpu.memory_space<vmem>> -> memref<80xi32, #tpu.memory_space<vmem>>
      %dma_wait3A_1857 = arith.constant 0 : i32
      %dma_wait3A_1858 = arith.constant 0 : i32
      %dma_wait3A_1859 = tpu.memref_slice %arg4[%dma_wait3A_1857, %dma_wait3A_1858] : memref<10000x128xf32, #tpu.memory_space<hbm>> -> memref<10000x128xf32, #tpu.memory_space<hbm>>
      tpu.wait_indirect_dma semaphore(%arg17 : memref<!tpu.dma_semaphore, #tpu.memory_space<semaphore_mem>>) src(%dma_wait3A_1859 : memref<10000x128xf32, #tpu.memory_space<hbm>>) dst(%arg10 : memref<80x128xf32, #tpu.memory_space<vmem>>)
      %dma_start3A_1860 = arith.constant 19 : i32
      %dma_start3A_1861 = arith.constant 0 : i32
      %dma_start3A_1862 = tpu.memref_slice %arg8[%dma_start3A_1860, %dma_start3A_1861] : memref<25x80xi32, #tpu.memory_space<vmem>> -> memref<1x80xi32, #tpu.memory_space<vmem>>
      %dma_start3A_1863 = tpu.memref_squeeze %dma_start3A_1862 : memref<1x80xi32, #tpu.memory_space<vmem>> -> memref<80xi32, #tpu.memory_space<vmem>>
      %dma_start3A_1864 = arith.constant 0 : i32
      %dma_start3A_1865 = arith.constant 0 : i32
      %dma_start3A_1866 = tpu.memref_slice %arg14[%dma_start3A_1864, %dma_start3A_1865] : memref<10240x128xf32, #tpu.memory_space<vmem_shared>> -> memref<10240x128xf32, #tpu.memory_space<vmem_shared>>
      tpu.enqueue_indirect_dma source(%arg10 : memref<80x128xf32, #tpu.memory_space<vmem>>) target(%dma_start3A_1866 : memref<10240x128xf32, #tpu.memory_space<vmem_shared>>) offsets(%dma_start3A_1863 : memref<80xi32, #tpu.memory_space<vmem>>) semaphore(%arg20 : memref<!tpu.dma_semaphore, #tpu.memory_space<semaphore_mem>>) {add = true}
      %get3A_1867 = arith.constant 19 : i32
      %get3A_1868 = arith.index_cast %get3A_1867 : i32 to index
      %get3A_1869 = arith.constant 0 : index
      %get3A_1870 = tpu.vector_load %arg8[%get3A_1868, %get3A_1869] {strides = array<i32>} : memref<25x80xi32, #tpu.memory_space<vmem>>, vector<16xi32>,
      %shift_right_logical3A_1871 = arith.constant 4 : i32
      %shift_right_logical3A_1872 = vector.broadcast %shift_right_logical3A_1871 : i32 to vector<16xi32>
      %shift_right_logical3A_1873 = arith.shrui %get3A_1870, %shift_right_logical3A_1872 : vector<16xi32>
      %and3A_1874 = arith.constant 15 : i32
      %and3A_1875 = vector.broadcast %and3A_1874 : i32 to vector<16xi32>
      %and3A_1876 = arith.andi %get3A_1870, %and3A_1875 : vector<16xi32>
      tpu.vector_store_idx %arg12[%shift_right_logical3A_1873, %and3A_1876], %broadcast_in_dim3A_3 {add = true} : memref<640x16xf32, #tpu.memory_space<vmem>>[vector<16xi32>, vector<16xi32>], vector<16xf32>,
      %get3A_1877 = arith.constant 19 : i32
      %get3A_1878 = arith.index_cast %get3A_1877 : i32 to index
      %get3A_1879 = arith.constant 16 : index
      %get3A_1880 = tpu.vector_load %arg8[%get3A_1878, %get3A_1879] {strides = array<i32>} : memref<25x80xi32, #tpu.memory_space<vmem>>, vector<16xi32>,
      %shift_right_logical3A_1881 = arith.constant 4 : i32
      %shift_right_logical3A_1882 = vector.broadcast %shift_right_logical3A_1881 : i32 to vector<16xi32>
      %shift_right_logical3A_1883 = arith.shrui %get3A_1880, %shift_right_logical3A_1882 : vector<16xi32>
      %and3A_1884 = arith.constant 15 : i32
      %and3A_1885 = vector.broadcast %and3A_1884 : i32 to vector<16xi32>
      %and3A_1886 = arith.andi %get3A_1880, %and3A_1885 : vector<16xi32>
      tpu.vector_store_idx %arg12[%shift_right_logical3A_1883, %and3A_1886], %broadcast_in_dim3A_3 {add = true} : memref<640x16xf32, #tpu.memory_space<vmem>>[vector<16xi32>, vector<16xi32>], vector<16xf32>,
      %get3A_1887 = arith.constant 19 : i32
      %get3A_1888 = arith.index_cast %get3A_1887 : i32 to index
      %get3A_1889 = arith.constant 32 : index
      %get3A_1890 = tpu.vector_load %arg8[%get3A_1888, %get3A_1889] {strides = array<i32>} : memref<25x80xi32, #tpu.memory_space<vmem>>, vector<16xi32>,
      %shift_right_logical3A_1891 = arith.constant 4 : i32
      %shift_right_logical3A_1892 = vector.broadcast %shift_right_logical3A_1891 : i32 to vector<16xi32>
      %shift_right_logical3A_1893 = arith.shrui %get3A_1890, %shift_right_logical3A_1892 : vector<16xi32>
      %and3A_1894 = arith.constant 15 : i32
      %and3A_1895 = vector.broadcast %and3A_1894 : i32 to vector<16xi32>
      %and3A_1896 = arith.andi %get3A_1890, %and3A_1895 : vector<16xi32>
      tpu.vector_store_idx %arg12[%shift_right_logical3A_1893, %and3A_1896], %broadcast_in_dim3A_3 {add = true} : memref<640x16xf32, #tpu.memory_space<vmem>>[vector<16xi32>, vector<16xi32>], vector<16xf32>,
      %get3A_1897 = arith.constant 19 : i32
      %get3A_1898 = arith.index_cast %get3A_1897 : i32 to index
      %get3A_1899 = arith.constant 48 : index
      %get3A_1900 = tpu.vector_load %arg8[%get3A_1898, %get3A_1899] {strides = array<i32>} : memref<25x80xi32, #tpu.memory_space<vmem>>, vector<16xi32>,
      %shift_right_logical3A_1901 = arith.constant 4 : i32
      %shift_right_logical3A_1902 = vector.broadcast %shift_right_logical3A_1901 : i32 to vector<16xi32>
      %shift_right_logical3A_1903 = arith.shrui %get3A_1900, %shift_right_logical3A_1902 : vector<16xi32>
      %and3A_1904 = arith.constant 15 : i32
      %and3A_1905 = vector.broadcast %and3A_1904 : i32 to vector<16xi32>
      %and3A_1906 = arith.andi %get3A_1900, %and3A_1905 : vector<16xi32>
      tpu.vector_store_idx %arg12[%shift_right_logical3A_1903, %and3A_1906], %broadcast_in_dim3A_3 {add = true} : memref<640x16xf32, #tpu.memory_space<vmem>>[vector<16xi32>, vector<16xi32>], vector<16xf32>,
      %get3A_1907 = arith.constant 19 : i32
      %get3A_1908 = arith.index_cast %get3A_1907 : i32 to index
      %get3A_1909 = arith.constant 64 : index
      %get3A_1910 = tpu.vector_load %arg8[%get3A_1908, %get3A_1909] {strides = array<i32>} : memref<25x80xi32, #tpu.memory_space<vmem>>, vector<16xi32>,
      %shift_right_logical3A_1911 = arith.constant 4 : i32
      %shift_right_logical3A_1912 = vector.broadcast %shift_right_logical3A_1911 : i32 to vector<16xi32>
      %shift_right_logical3A_1913 = arith.shrui %get3A_1910, %shift_right_logical3A_1912 : vector<16xi32>
      %and3A_1914 = arith.constant 15 : i32
      %and3A_1915 = vector.broadcast %and3A_1914 : i32 to vector<16xi32>
      %and3A_1916 = arith.andi %get3A_1910, %and3A_1915 : vector<16xi32>
      tpu.vector_store_idx %arg12[%shift_right_logical3A_1913, %and3A_1916], %broadcast_in_dim3A_3 {add = true} : memref<640x16xf32, #tpu.memory_space<vmem>>[vector<16xi32>, vector<16xi32>], vector<16xf32>,
      %dma_wait3A_1917 = arith.constant 19 : i32
      %dma_wait3A_1918 = arith.constant 0 : i32
      %dma_wait3A_1919 = tpu.memref_slice %arg8[%dma_wait3A_1917, %dma_wait3A_1918] : memref<25x80xi32, #tpu.memory_space<vmem>> -> memref<1x80xi32, #tpu.memory_space<vmem>>
      %dma_wait3A_1920 = tpu.memref_squeeze %dma_wait3A_1919 : memref<1x80xi32, #tpu.memory_space<vmem>> -> memref<80xi32, #tpu.memory_space<vmem>>
      %dma_wait3A_1921 = arith.constant 0 : i32
      %dma_wait3A_1922 = arith.constant 0 : i32
      %dma_wait3A_1923 = tpu.memref_slice %arg14[%dma_wait3A_1921, %dma_wait3A_1922] : memref<10240x128xf32, #tpu.memory_space<vmem_shared>> -> memref<10240x128xf32, #tpu.memory_space<vmem_shared>>
      tpu.wait_indirect_dma semaphore(%arg20 : memref<!tpu.dma_semaphore, #tpu.memory_space<semaphore_mem>>) src(%arg10 : memref<80x128xf32, #tpu.memory_space<vmem>>) dst(%dma_wait3A_1923 : memref<10240x128xf32, #tpu.memory_space<vmem_shared>>)
      %dma_start3A_1924 = arith.constant 22 : i32
      %dma_start3A_1925 = arith.constant 0 : i32
      %dma_start3A_1926 = tpu.memref_slice %arg7[%dma_start3A_1924, %dma_start3A_1925] : memref<25x80xi32, #tpu.memory_space<vmem>> -> memref<1x80xi32, #tpu.memory_space<vmem>>
      %dma_start3A_1927 = tpu.memref_squeeze %dma_start3A_1926 : memref<1x80xi32, #tpu.memory_space<vmem>> -> memref<80xi32, #tpu.memory_space<vmem>>
      %dma_start3A_1928 = arith.constant 0 : i32
      %dma_start3A_1929 = arith.constant 0 : i32
      %dma_start3A_1930 = tpu.memref_slice %arg4[%dma_start3A_1928, %dma_start3A_1929] : memref<10000x128xf32, #tpu.memory_space<hbm>> -> memref<10000x128xf32, #tpu.memory_space<hbm>>
      tpu.enqueue_indirect_dma source(%dma_start3A_1930 : memref<10000x128xf32, #tpu.memory_space<hbm>>) target(%arg10 : memref<80x128xf32, #tpu.memory_space<vmem>>) offsets(%dma_start3A_1927 : memref<80xi32, #tpu.memory_space<vmem>>) semaphore(%arg17 : memref<!tpu.dma_semaphore, #tpu.memory_space<semaphore_mem>>)
      %dma_wait3A_1931 = arith.constant 20 : i32
      %dma_wait3A_1932 = arith.constant 0 : i32
      %dma_wait3A_1933 = tpu.memref_slice %arg7[%dma_wait3A_1931, %dma_wait3A_1932] : memref<25x80xi32, #tpu.memory_space<vmem>> -> memref<1x80xi32, #tpu.memory_space<vmem>>
      %dma_wait3A_1934 = tpu.memref_squeeze %dma_wait3A_1933 : memref<1x80xi32, #tpu.memory_space<vmem>> -> memref<80xi32, #tpu.memory_space<vmem>>
      %dma_wait3A_1935 = arith.constant 0 : i32
      %dma_wait3A_1936 = arith.constant 0 : i32
      %dma_wait3A_1937 = tpu.memref_slice %arg4[%dma_wait3A_1935, %dma_wait3A_1936] : memref<10000x128xf32, #tpu.memory_space<hbm>> -> memref<10000x128xf32, #tpu.memory_space<hbm>>
      tpu.wait_indirect_dma semaphore(%arg18 : memref<!tpu.dma_semaphore, #tpu.memory_space<semaphore_mem>>) src(%dma_wait3A_1937 : memref<10000x128xf32, #tpu.memory_space<hbm>>) dst(%arg11 : memref<80x128xf32, #tpu.memory_space<vmem>>)
      %dma_start3A_1938 = arith.constant 20 : i32
      %dma_start3A_1939 = arith.constant 0 : i32
      %dma_start3A_1940 = tpu.memref_slice %arg8[%dma_start3A_1938, %dma_start3A_1939] : memref<25x80xi32, #tpu.memory_space<vmem>> -> memref<1x80xi32, #tpu.memory_space<vmem>>
      %dma_start3A_1941 = tpu.memref_squeeze %dma_start3A_1940 : memref<1x80xi32, #tpu.memory_space<vmem>> -> memref<80xi32, #tpu.memory_space<vmem>>
      %dma_start3A_1942 = arith.constant 0 : i32
      %dma_start3A_1943 = arith.constant 0 : i32
      %dma_start3A_1944 = tpu.memref_slice %arg14[%dma_start3A_1942, %dma_start3A_1943] : memref<10240x128xf32, #tpu.memory_space<vmem_shared>> -> memref<10240x128xf32, #tpu.memory_space<vmem_shared>>
      tpu.enqueue_indirect_dma source(%arg11 : memref<80x128xf32, #tpu.memory_space<vmem>>) target(%dma_start3A_1944 : memref<10240x128xf32, #tpu.memory_space<vmem_shared>>) offsets(%dma_start3A_1941 : memref<80xi32, #tpu.memory_space<vmem>>) semaphore(%arg21 : memref<!tpu.dma_semaphore, #tpu.memory_space<semaphore_mem>>) {add = true}
      %get3A_1945 = arith.constant 20 : i32
      %get3A_1946 = arith.index_cast %get3A_1945 : i32 to index
      %get3A_1947 = arith.constant 0 : index
      %get3A_1948 = tpu.vector_load %arg8[%get3A_1946, %get3A_1947] {strides = array<i32>} : memref<25x80xi32, #tpu.memory_space<vmem>>, vector<16xi32>,
      %shift_right_logical3A_1949 = arith.constant 4 : i32
      %shift_right_logical3A_1950 = vector.broadcast %shift_right_logical3A_1949 : i32 to vector<16xi32>
      %shift_right_logical3A_1951 = arith.shrui %get3A_1948, %shift_right_logical3A_1950 : vector<16xi32>
      %and3A_1952 = arith.constant 15 : i32
      %and3A_1953 = vector.broadcast %and3A_1952 : i32 to vector<16xi32>
      %and3A_1954 = arith.andi %get3A_1948, %and3A_1953 : vector<16xi32>
      tpu.vector_store_idx %arg12[%shift_right_logical3A_1951, %and3A_1954], %broadcast_in_dim3A_3 {add = true} : memref<640x16xf32, #tpu.memory_space<vmem>>[vector<16xi32>, vector<16xi32>], vector<16xf32>,
      %get3A_1955 = arith.constant 20 : i32
      %get3A_1956 = arith.index_cast %get3A_1955 : i32 to index
      %get3A_1957 = arith.constant 16 : index
      %get3A_1958 = tpu.vector_load %arg8[%get3A_1956, %get3A_1957] {strides = array<i32>} : memref<25x80xi32, #tpu.memory_space<vmem>>, vector<16xi32>,
      %shift_right_logical3A_1959 = arith.constant 4 : i32
      %shift_right_logical3A_1960 = vector.broadcast %shift_right_logical3A_1959 : i32 to vector<16xi32>
      %shift_right_logical3A_1961 = arith.shrui %get3A_1958, %shift_right_logical3A_1960 : vector<16xi32>
      %and3A_1962 = arith.constant 15 : i32
      %and3A_1963 = vector.broadcast %and3A_1962 : i32 to vector<16xi32>
      %and3A_1964 = arith.andi %get3A_1958, %and3A_1963 : vector<16xi32>
      tpu.vector_store_idx %arg12[%shift_right_logical3A_1961, %and3A_1964], %broadcast_in_dim3A_3 {add = true} : memref<640x16xf32, #tpu.memory_space<vmem>>[vector<16xi32>, vector<16xi32>], vector<16xf32>,
      %get3A_1965 = arith.constant 20 : i32
      %get3A_1966 = arith.index_cast %get3A_1965 : i32 to index
      %get3A_1967 = arith.constant 32 : index
      %get3A_1968 = tpu.vector_load %arg8[%get3A_1966, %get3A_1967] {strides = array<i32>} : memref<25x80xi32, #tpu.memory_space<vmem>>, vector<16xi32>,
      %shift_right_logical3A_1969 = arith.constant 4 : i32
      %shift_right_logical3A_1970 = vector.broadcast %shift_right_logical3A_1969 : i32 to vector<16xi32>
      %shift_right_logical3A_1971 = arith.shrui %get3A_1968, %shift_right_logical3A_1970 : vector<16xi32>
      %and3A_1972 = arith.constant 15 : i32
      %and3A_1973 = vector.broadcast %and3A_1972 : i32 to vector<16xi32>
      %and3A_1974 = arith.andi %get3A_1968, %and3A_1973 : vector<16xi32>
      tpu.vector_store_idx %arg12[%shift_right_logical3A_1971, %and3A_1974], %broadcast_in_dim3A_3 {add = true} : memref<640x16xf32, #tpu.memory_space<vmem>>[vector<16xi32>, vector<16xi32>], vector<16xf32>,
      %get3A_1975 = arith.constant 20 : i32
      %get3A_1976 = arith.index_cast %get3A_1975 : i32 to index
      %get3A_1977 = arith.constant 48 : index
      %get3A_1978 = tpu.vector_load %arg8[%get3A_1976, %get3A_1977] {strides = array<i32>} : memref<25x80xi32, #tpu.memory_space<vmem>>, vector<16xi32>,
      %shift_right_logical3A_1979 = arith.constant 4 : i32
      %shift_right_logical3A_1980 = vector.broadcast %shift_right_logical3A_1979 : i32 to vector<16xi32>
      %shift_right_logical3A_1981 = arith.shrui %get3A_1978, %shift_right_logical3A_1980 : vector<16xi32>
      %and3A_1982 = arith.constant 15 : i32
      %and3A_1983 = vector.broadcast %and3A_1982 : i32 to vector<16xi32>
      %and3A_1984 = arith.andi %get3A_1978, %and3A_1983 : vector<16xi32>
      tpu.vector_store_idx %arg12[%shift_right_logical3A_1981, %and3A_1984], %broadcast_in_dim3A_3 {add = true} : memref<640x16xf32, #tpu.memory_space<vmem>>[vector<16xi32>, vector<16xi32>], vector<16xf32>,
      %get3A_1985 = arith.constant 20 : i32
      %get3A_1986 = arith.index_cast %get3A_1985 : i32 to index
      %get3A_1987 = arith.constant 64 : index
      %get3A_1988 = tpu.vector_load %arg8[%get3A_1986, %get3A_1987] {strides = array<i32>} : memref<25x80xi32, #tpu.memory_space<vmem>>, vector<16xi32>,
      %shift_right_logical3A_1989 = arith.constant 4 : i32
      %shift_right_logical3A_1990 = vector.broadcast %shift_right_logical3A_1989 : i32 to vector<16xi32>
      %shift_right_logical3A_1991 = arith.shrui %get3A_1988, %shift_right_logical3A_1990 : vector<16xi32>
      %and3A_1992 = arith.constant 15 : i32
      %and3A_1993 = vector.broadcast %and3A_1992 : i32 to vector<16xi32>
      %and3A_1994 = arith.andi %get3A_1988, %and3A_1993 : vector<16xi32>
      tpu.vector_store_idx %arg12[%shift_right_logical3A_1991, %and3A_1994], %broadcast_in_dim3A_3 {add = true} : memref<640x16xf32, #tpu.memory_space<vmem>>[vector<16xi32>, vector<16xi32>], vector<16xf32>,
      %dma_wait3A_1995 = arith.constant 20 : i32
      %dma_wait3A_1996 = arith.constant 0 : i32
      %dma_wait3A_1997 = tpu.memref_slice %arg8[%dma_wait3A_1995, %dma_wait3A_1996] : memref<25x80xi32, #tpu.memory_space<vmem>> -> memref<1x80xi32, #tpu.memory_space<vmem>>
      %dma_wait3A_1998 = tpu.memref_squeeze %dma_wait3A_1997 : memref<1x80xi32, #tpu.memory_space<vmem>> -> memref<80xi32, #tpu.memory_space<vmem>>
      %dma_wait3A_1999 = arith.constant 0 : i32
      %dma_wait3A_2000 = arith.constant 0 : i32
      %dma_wait3A_2001 = tpu.memref_slice %arg14[%dma_wait3A_1999, %dma_wait3A_2000] : memref<10240x128xf32, #tpu.memory_space<vmem_shared>> -> memref<10240x128xf32, #tpu.memory_space<vmem_shared>>
      tpu.wait_indirect_dma semaphore(%arg21 : memref<!tpu.dma_semaphore, #tpu.memory_space<semaphore_mem>>) src(%arg11 : memref<80x128xf32, #tpu.memory_space<vmem>>) dst(%dma_wait3A_2001 : memref<10240x128xf32, #tpu.memory_space<vmem_shared>>)
      %dma_start3A_2002 = arith.constant 23 : i32
      %dma_start3A_2003 = arith.constant 0 : i32
      %dma_start3A_2004 = tpu.memref_slice %arg7[%dma_start3A_2002, %dma_start3A_2003] : memref<25x80xi32, #tpu.memory_space<vmem>> -> memref<1x80xi32, #tpu.memory_space<vmem>>
      %dma_start3A_2005 = tpu.memref_squeeze %dma_start3A_2004 : memref<1x80xi32, #tpu.memory_space<vmem>> -> memref<80xi32, #tpu.memory_space<vmem>>
      %dma_start3A_2006 = arith.constant 0 : i32
      %dma_start3A_2007 = arith.constant 0 : i32
      %dma_start3A_2008 = tpu.memref_slice %arg4[%dma_start3A_2006, %dma_start3A_2007] : memref<10000x128xf32, #tpu.memory_space<hbm>> -> memref<10000x128xf32, #tpu.memory_space<hbm>>
      tpu.enqueue_indirect_dma source(%dma_start3A_2008 : memref<10000x128xf32, #tpu.memory_space<hbm>>) target(%arg11 : memref<80x128xf32, #tpu.memory_space<vmem>>) offsets(%dma_start3A_2005 : memref<80xi32, #tpu.memory_space<vmem>>) semaphore(%arg18 : memref<!tpu.dma_semaphore, #tpu.memory_space<semaphore_mem>>)
      %dma_wait3A_2009 = arith.constant 21 : i32
      %dma_wait3A_2010 = arith.constant 0 : i32
      %dma_wait3A_2011 = tpu.memref_slice %arg7[%dma_wait3A_2009, %dma_wait3A_2010] : memref<25x80xi32, #tpu.memory_space<vmem>> -> memref<1x80xi32, #tpu.memory_space<vmem>>
      %dma_wait3A_2012 = tpu.memref_squeeze %dma_wait3A_2011 : memref<1x80xi32, #tpu.memory_space<vmem>> -> memref<80xi32, #tpu.memory_space<vmem>>
      %dma_wait3A_2013 = arith.constant 0 : i32
      %dma_wait3A_2014 = arith.constant 0 : i32
      %dma_wait3A_2015 = tpu.memref_slice %arg4[%dma_wait3A_2013, %dma_wait3A_2014] : memref<10000x128xf32, #tpu.memory_space<hbm>> -> memref<10000x128xf32, #tpu.memory_space<hbm>>
      tpu.wait_indirect_dma semaphore(%arg16 : memref<!tpu.dma_semaphore, #tpu.memory_space<semaphore_mem>>) src(%dma_wait3A_2015 : memref<10000x128xf32, #tpu.memory_space<hbm>>) dst(%arg9 : memref<80x128xf32, #tpu.memory_space<vmem>>)
      %dma_start3A_2016 = arith.constant 21 : i32
      %dma_start3A_2017 = arith.constant 0 : i32
      %dma_start3A_2018 = tpu.memref_slice %arg8[%dma_start3A_2016, %dma_start3A_2017] : memref<25x80xi32, #tpu.memory_space<vmem>> -> memref<1x80xi32, #tpu.memory_space<vmem>>
      %dma_start3A_2019 = tpu.memref_squeeze %dma_start3A_2018 : memref<1x80xi32, #tpu.memory_space<vmem>> -> memref<80xi32, #tpu.memory_space<vmem>>
      %dma_start3A_2020 = arith.constant 0 : i32
      %dma_start3A_2021 = arith.constant 0 : i32
      %dma_start3A_2022 = tpu.memref_slice %arg14[%dma_start3A_2020, %dma_start3A_2021] : memref<10240x128xf32, #tpu.memory_space<vmem_shared>> -> memref<10240x128xf32, #tpu.memory_space<vmem_shared>>
      tpu.enqueue_indirect_dma source(%arg9 : memref<80x128xf32, #tpu.memory_space<vmem>>) target(%dma_start3A_2022 : memref<10240x128xf32, #tpu.memory_space<vmem_shared>>) offsets(%dma_start3A_2019 : memref<80xi32, #tpu.memory_space<vmem>>) semaphore(%arg19 : memref<!tpu.dma_semaphore, #tpu.memory_space<semaphore_mem>>) {add = true}
      %get3A_2023 = arith.constant 21 : i32
      %get3A_2024 = arith.index_cast %get3A_2023 : i32 to index
      %get3A_2025 = arith.constant 0 : index
      %get3A_2026 = tpu.vector_load %arg8[%get3A_2024, %get3A_2025] {strides = array<i32>} : memref<25x80xi32, #tpu.memory_space<vmem>>, vector<16xi32>,
      %shift_right_logical3A_2027 = arith.constant 4 : i32
      %shift_right_logical3A_2028 = vector.broadcast %shift_right_logical3A_2027 : i32 to vector<16xi32>
      %shift_right_logical3A_2029 = arith.shrui %get3A_2026, %shift_right_logical3A_2028 : vector<16xi32>
      %and3A_2030 = arith.constant 15 : i32
      %and3A_2031 = vector.broadcast %and3A_2030 : i32 to vector<16xi32>
      %and3A_2032 = arith.andi %get3A_2026, %and3A_2031 : vector<16xi32>
      tpu.vector_store_idx %arg12[%shift_right_logical3A_2029, %and3A_2032], %broadcast_in_dim3A_3 {add = true} : memref<640x16xf32, #tpu.memory_space<vmem>>[vector<16xi32>, vector<16xi32>], vector<16xf32>,
      %get3A_2033 = arith.constant 21 : i32
      %get3A_2034 = arith.index_cast %get3A_2033 : i32 to index
      %get3A_2035 = arith.constant 16 : index
      %get3A_2036 = tpu.vector_load %arg8[%get3A_2034, %get3A_2035] {strides = array<i32>} : memref<25x80xi32, #tpu.memory_space<vmem>>, vector<16xi32>,
      %shift_right_logical3A_2037 = arith.constant 4 : i32
      %shift_right_logical3A_2038 = vector.broadcast %shift_right_logical3A_2037 : i32 to vector<16xi32>
      %shift_right_logical3A_2039 = arith.shrui %get3A_2036, %shift_right_logical3A_2038 : vector<16xi32>
      %and3A_2040 = arith.constant 15 : i32
      %and3A_2041 = vector.broadcast %and3A_2040 : i32 to vector<16xi32>
      %and3A_2042 = arith.andi %get3A_2036, %and3A_2041 : vector<16xi32>
      tpu.vector_store_idx %arg12[%shift_right_logical3A_2039, %and3A_2042], %broadcast_in_dim3A_3 {add = true} : memref<640x16xf32, #tpu.memory_space<vmem>>[vector<16xi32>, vector<16xi32>], vector<16xf32>,
      %get3A_2043 = arith.constant 21 : i32
      %get3A_2044 = arith.index_cast %get3A_2043 : i32 to index
      %get3A_2045 = arith.constant 32 : index
      %get3A_2046 = tpu.vector_load %arg8[%get3A_2044, %get3A_2045] {strides = array<i32>} : memref<25x80xi32, #tpu.memory_space<vmem>>, vector<16xi32>,
      %shift_right_logical3A_2047 = arith.constant 4 : i32
      %shift_right_logical3A_2048 = vector.broadcast %shift_right_logical3A_2047 : i32 to vector<16xi32>
      %shift_right_logical3A_2049 = arith.shrui %get3A_2046, %shift_right_logical3A_2048 : vector<16xi32>
      %and3A_2050 = arith.constant 15 : i32
      %and3A_2051 = vector.broadcast %and3A_2050 : i32 to vector<16xi32>
      %and3A_2052 = arith.andi %get3A_2046, %and3A_2051 : vector<16xi32>
      tpu.vector_store_idx %arg12[%shift_right_logical3A_2049, %and3A_2052], %broadcast_in_dim3A_3 {add = true} : memref<640x16xf32, #tpu.memory_space<vmem>>[vector<16xi32>, vector<16xi32>], vector<16xf32>,
      %get3A_2053 = arith.constant 21 : i32
      %get3A_2054 = arith.index_cast %get3A_2053 : i32 to index
      %get3A_2055 = arith.constant 48 : index
      %get3A_2056 = tpu.vector_load %arg8[%get3A_2054, %get3A_2055] {strides = array<i32>} : memref<25x80xi32, #tpu.memory_space<vmem>>, vector<16xi32>,
      %shift_right_logical3A_2057 = arith.constant 4 : i32
      %shift_right_logical3A_2058 = vector.broadcast %shift_right_logical3A_2057 : i32 to vector<16xi32>
      %shift_right_logical3A_2059 = arith.shrui %get3A_2056, %shift_right_logical3A_2058 : vector<16xi32>
      %and3A_2060 = arith.constant 15 : i32
      %and3A_2061 = vector.broadcast %and3A_2060 : i32 to vector<16xi32>
      %and3A_2062 = arith.andi %get3A_2056, %and3A_2061 : vector<16xi32>
      tpu.vector_store_idx %arg12[%shift_right_logical3A_2059, %and3A_2062], %broadcast_in_dim3A_3 {add = true} : memref<640x16xf32, #tpu.memory_space<vmem>>[vector<16xi32>, vector<16xi32>], vector<16xf32>,
      %get3A_2063 = arith.constant 21 : i32
      %get3A_2064 = arith.index_cast %get3A_2063 : i32 to index
      %get3A_2065 = arith.constant 64 : index
      %get3A_2066 = tpu.vector_load %arg8[%get3A_2064, %get3A_2065] {strides = array<i32>} : memref<25x80xi32, #tpu.memory_space<vmem>>, vector<16xi32>,
      %shift_right_logical3A_2067 = arith.constant 4 : i32
      %shift_right_logical3A_2068 = vector.broadcast %shift_right_logical3A_2067 : i32 to vector<16xi32>
      %shift_right_logical3A_2069 = arith.shrui %get3A_2066, %shift_right_logical3A_2068 : vector<16xi32>
      %and3A_2070 = arith.constant 15 : i32
      %and3A_2071 = vector.broadcast %and3A_2070 : i32 to vector<16xi32>
      %and3A_2072 = arith.andi %get3A_2066, %and3A_2071 : vector<16xi32>
      tpu.vector_store_idx %arg12[%shift_right_logical3A_2069, %and3A_2072], %broadcast_in_dim3A_3 {add = true} : memref<640x16xf32, #tpu.memory_space<vmem>>[vector<16xi32>, vector<16xi32>], vector<16xf32>,
      %dma_wait3A_2073 = arith.constant 21 : i32
      %dma_wait3A_2074 = arith.constant 0 : i32
      %dma_wait3A_2075 = tpu.memref_slice %arg8[%dma_wait3A_2073, %dma_wait3A_2074] : memref<25x80xi32, #tpu.memory_space<vmem>> -> memref<1x80xi32, #tpu.memory_space<vmem>>
      %dma_wait3A_2076 = tpu.memref_squeeze %dma_wait3A_2075 : memref<1x80xi32, #tpu.memory_space<vmem>> -> memref<80xi32, #tpu.memory_space<vmem>>
      %dma_wait3A_2077 = arith.constant 0 : i32
      %dma_wait3A_2078 = arith.constant 0 : i32
      %dma_wait3A_2079 = tpu.memref_slice %arg14[%dma_wait3A_2077, %dma_wait3A_2078] : memref<10240x128xf32, #tpu.memory_space<vmem_shared>> -> memref<10240x128xf32, #tpu.memory_space<vmem_shared>>
      tpu.wait_indirect_dma semaphore(%arg19 : memref<!tpu.dma_semaphore, #tpu.memory_space<semaphore_mem>>) src(%arg9 : memref<80x128xf32, #tpu.memory_space<vmem>>) dst(%dma_wait3A_2079 : memref<10240x128xf32, #tpu.memory_space<vmem_shared>>)
      %dma_start3A_2080 = arith.constant 24 : i32
      %dma_start3A_2081 = arith.constant 0 : i32
      %dma_start3A_2082 = tpu.memref_slice %arg7[%dma_start3A_2080, %dma_start3A_2081] : memref<25x80xi32, #tpu.memory_space<vmem>> -> memref<1x80xi32, #tpu.memory_space<vmem>>
      %dma_start3A_2083 = tpu.memref_squeeze %dma_start3A_2082 : memref<1x80xi32, #tpu.memory_space<vmem>> -> memref<80xi32, #tpu.memory_space<vmem>>
      %dma_start3A_2084 = arith.constant 0 : i32
      %dma_start3A_2085 = arith.constant 0 : i32
      %dma_start3A_2086 = tpu.memref_slice %arg4[%dma_start3A_2084, %dma_start3A_2085] : memref<10000x128xf32, #tpu.memory_space<hbm>> -> memref<10000x128xf32, #tpu.memory_space<hbm>>
      tpu.enqueue_indirect_dma source(%dma_start3A_2086 : memref<10000x128xf32, #tpu.memory_space<hbm>>) target(%arg9 : memref<80x128xf32, #tpu.memory_space<vmem>>) offsets(%dma_start3A_2083 : memref<80xi32, #tpu.memory_space<vmem>>) semaphore(%arg16 : memref<!tpu.dma_semaphore, #tpu.memory_space<semaphore_mem>>)
      %dma_wait3A_2087 = arith.constant 22 : i32
      %dma_wait3A_2088 = arith.constant 0 : i32
      %dma_wait3A_2089 = tpu.memref_slice %arg7[%dma_wait3A_2087, %dma_wait3A_2088] : memref<25x80xi32, #tpu.memory_space<vmem>> -> memref<1x80xi32, #tpu.memory_space<vmem>>
      %dma_wait3A_2090 = tpu.memref_squeeze %dma_wait3A_2089 : memref<1x80xi32, #tpu.memory_space<vmem>> -> memref<80xi32, #tpu.memory_space<vmem>>
      %dma_wait3A_2091 = arith.constant 0 : i32
      %dma_wait3A_2092 = arith.constant 0 : i32
      %dma_wait3A_2093 = tpu.memref_slice %arg4[%dma_wait3A_2091, %dma_wait3A_2092] : memref<10000x128xf32, #tpu.memory_space<hbm>> -> memref<10000x128xf32, #tpu.memory_space<hbm>>
      tpu.wait_indirect_dma semaphore(%arg17 : memref<!tpu.dma_semaphore, #tpu.memory_space<semaphore_mem>>) src(%dma_wait3A_2093 : memref<10000x128xf32, #tpu.memory_space<hbm>>) dst(%arg10 : memref<80x128xf32, #tpu.memory_space<vmem>>)
      %dma_start3A_2094 = arith.constant 22 : i32
      %dma_start3A_2095 = arith.constant 0 : i32
      %dma_start3A_2096 = tpu.memref_slice %arg8[%dma_start3A_2094, %dma_start3A_2095] : memref<25x80xi32, #tpu.memory_space<vmem>> -> memref<1x80xi32, #tpu.memory_space<vmem>>
      %dma_start3A_2097 = tpu.memref_squeeze %dma_start3A_2096 : memref<1x80xi32, #tpu.memory_space<vmem>> -> memref<80xi32, #tpu.memory_space<vmem>>
      %dma_start3A_2098 = arith.constant 0 : i32
      %dma_start3A_2099 = arith.constant 0 : i32
      %dma_start3A_2100 = tpu.memref_slice %arg14[%dma_start3A_2098, %dma_start3A_2099] : memref<10240x128xf32, #tpu.memory_space<vmem_shared>> -> memref<10240x128xf32, #tpu.memory_space<vmem_shared>>
      tpu.enqueue_indirect_dma source(%arg10 : memref<80x128xf32, #tpu.memory_space<vmem>>) target(%dma_start3A_2100 : memref<10240x128xf32, #tpu.memory_space<vmem_shared>>) offsets(%dma_start3A_2097 : memref<80xi32, #tpu.memory_space<vmem>>) semaphore(%arg20 : memref<!tpu.dma_semaphore, #tpu.memory_space<semaphore_mem>>) {add = true}
      %get3A_2101 = arith.constant 22 : i32
      %get3A_2102 = arith.index_cast %get3A_2101 : i32 to index
      %get3A_2103 = arith.constant 0 : index
      %get3A_2104 = tpu.vector_load %arg8[%get3A_2102, %get3A_2103] {strides = array<i32>} : memref<25x80xi32, #tpu.memory_space<vmem>>, vector<16xi32>,
      %shift_right_logical3A_2105 = arith.constant 4 : i32
      %shift_right_logical3A_2106 = vector.broadcast %shift_right_logical3A_2105 : i32 to vector<16xi32>
      %shift_right_logical3A_2107 = arith.shrui %get3A_2104, %shift_right_logical3A_2106 : vector<16xi32>
      %and3A_2108 = arith.constant 15 : i32
      %and3A_2109 = vector.broadcast %and3A_2108 : i32 to vector<16xi32>
      %and3A_2110 = arith.andi %get3A_2104, %and3A_2109 : vector<16xi32>
      tpu.vector_store_idx %arg12[%shift_right_logical3A_2107, %and3A_2110], %broadcast_in_dim3A_3 {add = true} : memref<640x16xf32, #tpu.memory_space<vmem>>[vector<16xi32>, vector<16xi32>], vector<16xf32>,
      %get3A_2111 = arith.constant 22 : i32
      %get3A_2112 = arith.index_cast %get3A_2111 : i32 to index
      %get3A_2113 = arith.constant 16 : index
      %get3A_2114 = tpu.vector_load %arg8[%get3A_2112, %get3A_2113] {strides = array<i32>} : memref<25x80xi32, #tpu.memory_space<vmem>>, vector<16xi32>,
      %shift_right_logical3A_2115 = arith.constant 4 : i32
      %shift_right_logical3A_2116 = vector.broadcast %shift_right_logical3A_2115 : i32 to vector<16xi32>
      %shift_right_logical3A_2117 = arith.shrui %get3A_2114, %shift_right_logical3A_2116 : vector<16xi32>
      %and3A_2118 = arith.constant 15 : i32
      %and3A_2119 = vector.broadcast %and3A_2118 : i32 to vector<16xi32>
      %and3A_2120 = arith.andi %get3A_2114, %and3A_2119 : vector<16xi32>
      tpu.vector_store_idx %arg12[%shift_right_logical3A_2117, %and3A_2120], %broadcast_in_dim3A_3 {add = true} : memref<640x16xf32, #tpu.memory_space<vmem>>[vector<16xi32>, vector<16xi32>], vector<16xf32>,
      %get3A_2121 = arith.constant 22 : i32
      %get3A_2122 = arith.index_cast %get3A_2121 : i32 to index
      %get3A_2123 = arith.constant 32 : index
      %get3A_2124 = tpu.vector_load %arg8[%get3A_2122, %get3A_2123] {strides = array<i32>} : memref<25x80xi32, #tpu.memory_space<vmem>>, vector<16xi32>,
      %shift_right_logical3A_2125 = arith.constant 4 : i32
      %shift_right_logical3A_2126 = vector.broadcast %shift_right_logical3A_2125 : i32 to vector<16xi32>
      %shift_right_logical3A_2127 = arith.shrui %get3A_2124, %shift_right_logical3A_2126 : vector<16xi32>
      %and3A_2128 = arith.constant 15 : i32
      %and3A_2129 = vector.broadcast %and3A_2128 : i32 to vector<16xi32>
      %and3A_2130 = arith.andi %get3A_2124, %and3A_2129 : vector<16xi32>
      tpu.vector_store_idx %arg12[%shift_right_logical3A_2127, %and3A_2130], %broadcast_in_dim3A_3 {add = true} : memref<640x16xf32, #tpu.memory_space<vmem>>[vector<16xi32>, vector<16xi32>], vector<16xf32>,
      %get3A_2131 = arith.constant 22 : i32
      %get3A_2132 = arith.index_cast %get3A_2131 : i32 to index
      %get3A_2133 = arith.constant 48 : index
      %get3A_2134 = tpu.vector_load %arg8[%get3A_2132, %get3A_2133] {strides = array<i32>} : memref<25x80xi32, #tpu.memory_space<vmem>>, vector<16xi32>,
      %shift_right_logical3A_2135 = arith.constant 4 : i32
      %shift_right_logical3A_2136 = vector.broadcast %shift_right_logical3A_2135 : i32 to vector<16xi32>
      %shift_right_logical3A_2137 = arith.shrui %get3A_2134, %shift_right_logical3A_2136 : vector<16xi32>
      %and3A_2138 = arith.constant 15 : i32
      %and3A_2139 = vector.broadcast %and3A_2138 : i32 to vector<16xi32>
      %and3A_2140 = arith.andi %get3A_2134, %and3A_2139 : vector<16xi32>
      tpu.vector_store_idx %arg12[%shift_right_logical3A_2137, %and3A_2140], %broadcast_in_dim3A_3 {add = true} : memref<640x16xf32, #tpu.memory_space<vmem>>[vector<16xi32>, vector<16xi32>], vector<16xf32>,
      %get3A_2141 = arith.constant 22 : i32
      %get3A_2142 = arith.index_cast %get3A_2141 : i32 to index
      %get3A_2143 = arith.constant 64 : index
      %get3A_2144 = tpu.vector_load %arg8[%get3A_2142, %get3A_2143] {strides = array<i32>} : memref<25x80xi32, #tpu.memory_space<vmem>>, vector<16xi32>,
      %shift_right_logical3A_2145 = arith.constant 4 : i32
      %shift_right_logical3A_2146 = vector.broadcast %shift_right_logical3A_2145 : i32 to vector<16xi32>
      %shift_right_logical3A_2147 = arith.shrui %get3A_2144, %shift_right_logical3A_2146 : vector<16xi32>
      %and3A_2148 = arith.constant 15 : i32
      %and3A_2149 = vector.broadcast %and3A_2148 : i32 to vector<16xi32>
      %and3A_2150 = arith.andi %get3A_2144, %and3A_2149 : vector<16xi32>
      tpu.vector_store_idx %arg12[%shift_right_logical3A_2147, %and3A_2150], %broadcast_in_dim3A_3 {add = true} : memref<640x16xf32, #tpu.memory_space<vmem>>[vector<16xi32>, vector<16xi32>], vector<16xf32>,
      %dma_wait3A_2151 = arith.constant 23 : i32
      %dma_wait3A_2152 = arith.constant 0 : i32
      %dma_wait3A_2153 = tpu.memref_slice %arg7[%dma_wait3A_2151, %dma_wait3A_2152] : memref<25x80xi32, #tpu.memory_space<vmem>> -> memref<1x80xi32, #tpu.memory_space<vmem>>
      %dma_wait3A_2154 = tpu.memref_squeeze %dma_wait3A_2153 : memref<1x80xi32, #tpu.memory_space<vmem>> -> memref<80xi32, #tpu.memory_space<vmem>>
      %dma_wait3A_2155 = arith.constant 0 : i32
      %dma_wait3A_2156 = arith.constant 0 : i32
      %dma_wait3A_2157 = tpu.memref_slice %arg4[%dma_wait3A_2155, %dma_wait3A_2156] : memref<10000x128xf32, #tpu.memory_space<hbm>> -> memref<10000x128xf32, #tpu.memory_space<hbm>>
      tpu.wait_indirect_dma semaphore(%arg18 : memref<!tpu.dma_semaphore, #tpu.memory_space<semaphore_mem>>) src(%dma_wait3A_2157 : memref<10000x128xf32, #tpu.memory_space<hbm>>) dst(%arg11 : memref<80x128xf32, #tpu.memory_space<vmem>>)
      %dma_start3A_2158 = arith.constant 23 : i32
      %dma_start3A_2159 = arith.constant 0 : i32
      %dma_start3A_2160 = tpu.memref_slice %arg8[%dma_start3A_2158, %dma_start3A_2159] : memref<25x80xi32, #tpu.memory_space<vmem>> -> memref<1x80xi32, #tpu.memory_space<vmem>>
      %dma_start3A_2161 = tpu.memref_squeeze %dma_start3A_2160 : memref<1x80xi32, #tpu.memory_space<vmem>> -> memref<80xi32, #tpu.memory_space<vmem>>
      %dma_start3A_2162 = arith.constant 0 : i32
      %dma_start3A_2163 = arith.constant 0 : i32
      %dma_start3A_2164 = tpu.memref_slice %arg14[%dma_start3A_2162, %dma_start3A_2163] : memref<10240x128xf32, #tpu.memory_space<vmem_shared>> -> memref<10240x128xf32, #tpu.memory_space<vmem_shared>>
      tpu.enqueue_indirect_dma source(%arg11 : memref<80x128xf32, #tpu.memory_space<vmem>>) target(%dma_start3A_2164 : memref<10240x128xf32, #tpu.memory_space<vmem_shared>>) offsets(%dma_start3A_2161 : memref<80xi32, #tpu.memory_space<vmem>>) semaphore(%arg21 : memref<!tpu.dma_semaphore, #tpu.memory_space<semaphore_mem>>) {add = true}
      %get3A_2165 = arith.constant 23 : i32
      %get3A_2166 = arith.index_cast %get3A_2165 : i32 to index
      %get3A_2167 = arith.constant 0 : index
      %get3A_2168 = tpu.vector_load %arg8[%get3A_2166, %get3A_2167] {strides = array<i32>} : memref<25x80xi32, #tpu.memory_space<vmem>>, vector<16xi32>,
      %shift_right_logical3A_2169 = arith.constant 4 : i32
      %shift_right_logical3A_2170 = vector.broadcast %shift_right_logical3A_2169 : i32 to vector<16xi32>
      %shift_right_logical3A_2171 = arith.shrui %get3A_2168, %shift_right_logical3A_2170 : vector<16xi32>
      %and3A_2172 = arith.constant 15 : i32
      %and3A_2173 = vector.broadcast %and3A_2172 : i32 to vector<16xi32>
      %and3A_2174 = arith.andi %get3A_2168, %and3A_2173 : vector<16xi32>
      tpu.vector_store_idx %arg12[%shift_right_logical3A_2171, %and3A_2174], %broadcast_in_dim3A_3 {add = true} : memref<640x16xf32, #tpu.memory_space<vmem>>[vector<16xi32>, vector<16xi32>], vector<16xf32>,
      %get3A_2175 = arith.constant 23 : i32
      %get3A_2176 = arith.index_cast %get3A_2175 : i32 to index
      %get3A_2177 = arith.constant 16 : index
      %get3A_2178 = tpu.vector_load %arg8[%get3A_2176, %get3A_2177] {strides = array<i32>} : memref<25x80xi32, #tpu.memory_space<vmem>>, vector<16xi32>,
      %shift_right_logical3A_2179 = arith.constant 4 : i32
      %shift_right_logical3A_2180 = vector.broadcast %shift_right_logical3A_2179 : i32 to vector<16xi32>
      %shift_right_logical3A_2181 = arith.shrui %get3A_2178, %shift_right_logical3A_2180 : vector<16xi32>
      %and3A_2182 = arith.constant 15 : i32
      %and3A_2183 = vector.broadcast %and3A_2182 : i32 to vector<16xi32>
      %and3A_2184 = arith.andi %get3A_2178, %and3A_2183 : vector<16xi32>
      tpu.vector_store_idx %arg12[%shift_right_logical3A_2181, %and3A_2184], %broadcast_in_dim3A_3 {add = true} : memref<640x16xf32, #tpu.memory_space<vmem>>[vector<16xi32>, vector<16xi32>], vector<16xf32>,
      %get3A_2185 = arith.constant 23 : i32
      %get3A_2186 = arith.index_cast %get3A_2185 : i32 to index
      %get3A_2187 = arith.constant 32 : index
      %get3A_2188 = tpu.vector_load %arg8[%get3A_2186, %get3A_2187] {strides = array<i32>} : memref<25x80xi32, #tpu.memory_space<vmem>>, vector<16xi32>,
      %shift_right_logical3A_2189 = arith.constant 4 : i32
      %shift_right_logical3A_2190 = vector.broadcast %shift_right_logical3A_2189 : i32 to vector<16xi32>
      %shift_right_logical3A_2191 = arith.shrui %get3A_2188, %shift_right_logical3A_2190 : vector<16xi32>
      %and3A_2192 = arith.constant 15 : i32
      %and3A_2193 = vector.broadcast %and3A_2192 : i32 to vector<16xi32>
      %and3A_2194 = arith.andi %get3A_2188, %and3A_2193 : vector<16xi32>
      tpu.vector_store_idx %arg12[%shift_right_logical3A_2191, %and3A_2194], %broadcast_in_dim3A_3 {add = true} : memref<640x16xf32, #tpu.memory_space<vmem>>[vector<16xi32>, vector<16xi32>], vector<16xf32>,
      %get3A_2195 = arith.constant 23 : i32
      %get3A_2196 = arith.index_cast %get3A_2195 : i32 to index
      %get3A_2197 = arith.constant 48 : index
      %get3A_2198 = tpu.vector_load %arg8[%get3A_2196, %get3A_2197] {strides = array<i32>} : memref<25x80xi32, #tpu.memory_space<vmem>>, vector<16xi32>,
      %shift_right_logical3A_2199 = arith.constant 4 : i32
      %shift_right_logical3A_2200 = vector.broadcast %shift_right_logical3A_2199 : i32 to vector<16xi32>
      %shift_right_logical3A_2201 = arith.shrui %get3A_2198, %shift_right_logical3A_2200 : vector<16xi32>
      %and3A_2202 = arith.constant 15 : i32
      %and3A_2203 = vector.broadcast %and3A_2202 : i32 to vector<16xi32>
      %and3A_2204 = arith.andi %get3A_2198, %and3A_2203 : vector<16xi32>
      tpu.vector_store_idx %arg12[%shift_right_logical3A_2201, %and3A_2204], %broadcast_in_dim3A_3 {add = true} : memref<640x16xf32, #tpu.memory_space<vmem>>[vector<16xi32>, vector<16xi32>], vector<16xf32>,
      %get3A_2205 = arith.constant 23 : i32
      %get3A_2206 = arith.index_cast %get3A_2205 : i32 to index
      %get3A_2207 = arith.constant 64 : index
      %get3A_2208 = tpu.vector_load %arg8[%get3A_2206, %get3A_2207] {strides = array<i32>} : memref<25x80xi32, #tpu.memory_space<vmem>>, vector<16xi32>,
      %shift_right_logical3A_2209 = arith.constant 4 : i32
      %shift_right_logical3A_2210 = vector.broadcast %shift_right_logical3A_2209 : i32 to vector<16xi32>
      %shift_right_logical3A_2211 = arith.shrui %get3A_2208, %shift_right_logical3A_2210 : vector<16xi32>
      %and3A_2212 = arith.constant 15 : i32
      %and3A_2213 = vector.broadcast %and3A_2212 : i32 to vector<16xi32>
      %and3A_2214 = arith.andi %get3A_2208, %and3A_2213 : vector<16xi32>
      tpu.vector_store_idx %arg12[%shift_right_logical3A_2211, %and3A_2214], %broadcast_in_dim3A_3 {add = true} : memref<640x16xf32, #tpu.memory_space<vmem>>[vector<16xi32>, vector<16xi32>], vector<16xf32>,
      %dma_wait3A_2215 = arith.constant 24 : i32
      %dma_wait3A_2216 = arith.constant 0 : i32
      %dma_wait3A_2217 = tpu.memref_slice %arg7[%dma_wait3A_2215, %dma_wait3A_2216] : memref<25x80xi32, #tpu.memory_space<vmem>> -> memref<1x80xi32, #tpu.memory_space<vmem>>
      %dma_wait3A_2218 = tpu.memref_squeeze %dma_wait3A_2217 : memref<1x80xi32, #tpu.memory_space<vmem>> -> memref<80xi32, #tpu.memory_space<vmem>>
      %dma_wait3A_2219 = arith.constant 0 : i32
      %dma_wait3A_2220 = arith.constant 0 : i32
      %dma_wait3A_2221 = tpu.memref_slice %arg4[%dma_wait3A_2219, %dma_wait3A_2220] : memref<10000x128xf32, #tpu.memory_space<hbm>> -> memref<10000x128xf32, #tpu.memory_space<hbm>>
      tpu.wait_indirect_dma semaphore(%arg16 : memref<!tpu.dma_semaphore, #tpu.memory_space<semaphore_mem>>) src(%dma_wait3A_2221 : memref<10000x128xf32, #tpu.memory_space<hbm>>) dst(%arg9 : memref<80x128xf32, #tpu.memory_space<vmem>>)
      %dma_start3A_2222 = arith.constant 24 : i32
      %dma_start3A_2223 = arith.constant 0 : i32
      %dma_start3A_2224 = tpu.memref_slice %arg8[%dma_start3A_2222, %dma_start3A_2223] : memref<25x80xi32, #tpu.memory_space<vmem>> -> memref<1x80xi32, #tpu.memory_space<vmem>>
      %dma_start3A_2225 = tpu.memref_squeeze %dma_start3A_2224 : memref<1x80xi32, #tpu.memory_space<vmem>> -> memref<80xi32, #tpu.memory_space<vmem>>
      %dma_start3A_2226 = arith.constant 0 : i32
      %dma_start3A_2227 = arith.constant 0 : i32
      %dma_start3A_2228 = tpu.memref_slice %arg14[%dma_start3A_2226, %dma_start3A_2227] : memref<10240x128xf32, #tpu.memory_space<vmem_shared>> -> memref<10240x128xf32, #tpu.memory_space<vmem_shared>>
      tpu.enqueue_indirect_dma source(%arg9 : memref<80x128xf32, #tpu.memory_space<vmem>>) target(%dma_start3A_2228 : memref<10240x128xf32, #tpu.memory_space<vmem_shared>>) offsets(%dma_start3A_2225 : memref<80xi32, #tpu.memory_space<vmem>>) semaphore(%arg19 : memref<!tpu.dma_semaphore, #tpu.memory_space<semaphore_mem>>) {add = true}
      %get3A_2229 = arith.constant 24 : i32
      %get3A_2230 = arith.index_cast %get3A_2229 : i32 to index
      %get3A_2231 = arith.constant 0 : index
      %get3A_2232 = tpu.vector_load %arg8[%get3A_2230, %get3A_2231] {strides = array<i32>} : memref<25x80xi32, #tpu.memory_space<vmem>>, vector<16xi32>,
      %shift_right_logical3A_2233 = arith.constant 4 : i32
      %shift_right_logical3A_2234 = vector.broadcast %shift_right_logical3A_2233 : i32 to vector<16xi32>
      %shift_right_logical3A_2235 = arith.shrui %get3A_2232, %shift_right_logical3A_2234 : vector<16xi32>
      %and3A_2236 = arith.constant 15 : i32
      %and3A_2237 = vector.broadcast %and3A_2236 : i32 to vector<16xi32>
      %and3A_2238 = arith.andi %get3A_2232, %and3A_2237 : vector<16xi32>
      tpu.vector_store_idx %arg12[%shift_right_logical3A_2235, %and3A_2238], %broadcast_in_dim3A_3 {add = true} : memref<640x16xf32, #tpu.memory_space<vmem>>[vector<16xi32>, vector<16xi32>], vector<16xf32>,
      %get3A_2239 = arith.constant 24 : i32
      %get3A_2240 = arith.index_cast %get3A_2239 : i32 to index
      %get3A_2241 = arith.constant 16 : index
      %get3A_2242 = tpu.vector_load %arg8[%get3A_2240, %get3A_2241] {strides = array<i32>} : memref<25x80xi32, #tpu.memory_space<vmem>>, vector<16xi32>,
      %shift_right_logical3A_2243 = arith.constant 4 : i32
      %shift_right_logical3A_2244 = vector.broadcast %shift_right_logical3A_2243 : i32 to vector<16xi32>
      %shift_right_logical3A_2245 = arith.shrui %get3A_2242, %shift_right_logical3A_2244 : vector<16xi32>
      %and3A_2246 = arith.constant 15 : i32
      %and3A_2247 = vector.broadcast %and3A_2246 : i32 to vector<16xi32>
      %and3A_2248 = arith.andi %get3A_2242, %and3A_2247 : vector<16xi32>
      tpu.vector_store_idx %arg12[%shift_right_logical3A_2245, %and3A_2248], %broadcast_in_dim3A_3 {add = true} : memref<640x16xf32, #tpu.memory_space<vmem>>[vector<16xi32>, vector<16xi32>], vector<16xf32>,
      %get3A_2249 = arith.constant 24 : i32
      %get3A_2250 = arith.index_cast %get3A_2249 : i32 to index
      %get3A_2251 = arith.constant 32 : index
      %get3A_2252 = tpu.vector_load %arg8[%get3A_2250, %get3A_2251] {strides = array<i32>} : memref<25x80xi32, #tpu.memory_space<vmem>>, vector<16xi32>,
      %shift_right_logical3A_2253 = arith.constant 4 : i32
      %shift_right_logical3A_2254 = vector.broadcast %shift_right_logical3A_2253 : i32 to vector<16xi32>
      %shift_right_logical3A_2255 = arith.shrui %get3A_2252, %shift_right_logical3A_2254 : vector<16xi32>
      %and3A_2256 = arith.constant 15 : i32
      %and3A_2257 = vector.broadcast %and3A_2256 : i32 to vector<16xi32>
      %and3A_2258 = arith.andi %get3A_2252, %and3A_2257 : vector<16xi32>
      tpu.vector_store_idx %arg12[%shift_right_logical3A_2255, %and3A_2258], %broadcast_in_dim3A_3 {add = true} : memref<640x16xf32, #tpu.memory_space<vmem>>[vector<16xi32>, vector<16xi32>], vector<16xf32>,
      %get3A_2259 = arith.constant 24 : i32
      %get3A_2260 = arith.index_cast %get3A_2259 : i32 to index
      %get3A_2261 = arith.constant 48 : index
      %get3A_2262 = tpu.vector_load %arg8[%get3A_2260, %get3A_2261] {strides = array<i32>} : memref<25x80xi32, #tpu.memory_space<vmem>>, vector<16xi32>,
      %shift_right_logical3A_2263 = arith.constant 4 : i32
      %shift_right_logical3A_2264 = vector.broadcast %shift_right_logical3A_2263 : i32 to vector<16xi32>
      %shift_right_logical3A_2265 = arith.shrui %get3A_2262, %shift_right_logical3A_2264 : vector<16xi32>
      %and3A_2266 = arith.constant 15 : i32
      %and3A_2267 = vector.broadcast %and3A_2266 : i32 to vector<16xi32>
      %and3A_2268 = arith.andi %get3A_2262, %and3A_2267 : vector<16xi32>
      tpu.vector_store_idx %arg12[%shift_right_logical3A_2265, %and3A_2268], %broadcast_in_dim3A_3 {add = true} : memref<640x16xf32, #tpu.memory_space<vmem>>[vector<16xi32>, vector<16xi32>], vector<16xf32>,
      %get3A_2269 = arith.constant 24 : i32
      %get3A_2270 = arith.index_cast %get3A_2269 : i32 to index
      %get3A_2271 = arith.constant 64 : index
      %get3A_2272 = tpu.vector_load %arg8[%get3A_2270, %get3A_2271] {strides = array<i32>} : memref<25x80xi32, #tpu.memory_space<vmem>>, vector<16xi32>,
      %shift_right_logical3A_2273 = arith.constant 4 : i32
      %shift_right_logical3A_2274 = vector.broadcast %shift_right_logical3A_2273 : i32 to vector<16xi32>
      %shift_right_logical3A_2275 = arith.shrui %get3A_2272, %shift_right_logical3A_2274 : vector<16xi32>
      %and3A_2276 = arith.constant 15 : i32
      %and3A_2277 = vector.broadcast %and3A_2276 : i32 to vector<16xi32>
      %and3A_2278 = arith.andi %get3A_2272, %and3A_2277 : vector<16xi32>
      tpu.vector_store_idx %arg12[%shift_right_logical3A_2275, %and3A_2278], %broadcast_in_dim3A_3 {add = true} : memref<640x16xf32, #tpu.memory_space<vmem>>[vector<16xi32>, vector<16xi32>], vector<16xf32>,
      %dma_wait3A_2279 = arith.constant 24 : i32
      %dma_wait3A_2280 = arith.constant 0 : i32
      %dma_wait3A_2281 = tpu.memref_slice %arg8[%dma_wait3A_2279, %dma_wait3A_2280] : memref<25x80xi32, #tpu.memory_space<vmem>> -> memref<1x80xi32, #tpu.memory_space<vmem>>
      %dma_wait3A_2282 = tpu.memref_squeeze %dma_wait3A_2281 : memref<1x80xi32, #tpu.memory_space<vmem>> -> memref<80xi32, #tpu.memory_space<vmem>>
      %dma_wait3A_2283 = arith.constant 0 : i32
      %dma_wait3A_2284 = arith.constant 0 : i32
      %dma_wait3A_2285 = tpu.memref_slice %arg14[%dma_wait3A_2283, %dma_wait3A_2284] : memref<10240x128xf32, #tpu.memory_space<vmem_shared>> -> memref<10240x128xf32, #tpu.memory_space<vmem_shared>>
      tpu.wait_indirect_dma semaphore(%arg19 : memref<!tpu.dma_semaphore, #tpu.memory_space<semaphore_mem>>) src(%arg9 : memref<80x128xf32, #tpu.memory_space<vmem>>) dst(%dma_wait3A_2285 : memref<10240x128xf32, #tpu.memory_space<vmem_shared>>)
      %dma_wait3A_2286 = arith.constant 22 : i32
      %dma_wait3A_2287 = arith.constant 0 : i32
      %dma_wait3A_2288 = tpu.memref_slice %arg8[%dma_wait3A_2286, %dma_wait3A_2287] : memref<25x80xi32, #tpu.memory_space<vmem>> -> memref<1x80xi32, #tpu.memory_space<vmem>>
      %dma_wait3A_2289 = tpu.memref_squeeze %dma_wait3A_2288 : memref<1x80xi32, #tpu.memory_space<vmem>> -> memref<80xi32, #tpu.memory_space<vmem>>
      %dma_wait3A_2290 = arith.constant 0 : i32
      %dma_wait3A_2291 = arith.constant 0 : i32
      %dma_wait3A_2292 = tpu.memref_slice %arg14[%dma_wait3A_2290, %dma_wait3A_2291] : memref<10240x128xf32, #tpu.memory_space<vmem_shared>> -> memref<10240x128xf32, #tpu.memory_space<vmem_shared>>
      tpu.wait_indirect_dma semaphore(%arg20 : memref<!tpu.dma_semaphore, #tpu.memory_space<semaphore_mem>>) src(%arg10 : memref<80x128xf32, #tpu.memory_space<vmem>>) dst(%dma_wait3A_2292 : memref<10240x128xf32, #tpu.memory_space<vmem_shared>>)
      %dma_wait3A_2293 = arith.constant 23 : i32
      %dma_wait3A_2294 = arith.constant 0 : i32
      %dma_wait3A_2295 = tpu.memref_slice %arg8[%dma_wait3A_2293, %dma_wait3A_2294] : memref<25x80xi32, #tpu.memory_space<vmem>> -> memref<1x80xi32, #tpu.memory_space<vmem>>
      %dma_wait3A_2296 = tpu.memref_squeeze %dma_wait3A_2295 : memref<1x80xi32, #tpu.memory_space<vmem>> -> memref<80xi32, #tpu.memory_space<vmem>>
      %dma_wait3A_2297 = arith.constant 0 : i32
      %dma_wait3A_2298 = arith.constant 0 : i32
      %dma_wait3A_2299 = tpu.memref_slice %arg14[%dma_wait3A_2297, %dma_wait3A_2298] : memref<10240x128xf32, #tpu.memory_space<vmem_shared>> -> memref<10240x128xf32, #tpu.memory_space<vmem_shared>>
      tpu.wait_indirect_dma semaphore(%arg21 : memref<!tpu.dma_semaphore, #tpu.memory_space<semaphore_mem>>) src(%arg11 : memref<80x128xf32, #tpu.memory_space<vmem>>) dst(%dma_wait3A_2299 : memref<10240x128xf32, #tpu.memory_space<vmem_shared>>)
    }
    %scan3A_333 = arith.constant 5 : i32
    %run_scoped3A = arith.constant 0 : i32
    "tpu.region"() ({
      %run_scoped3A_350 = tpu.sem_alloc : memref<!tpu.dma_semaphore, #tpu.memory_space<semaphore_mem>>
      %dma_start3A = arith.constant 0 : i32
      %dma_start3A_351 = arith.constant 0 : i32
      %dma_start3A_352 = tpu.memref_slice %arg12[%dma_start3A, %dma_start3A_351] : memref<640x16xf32, #tpu.memory_space<vmem>> -> memref<80x16xf32, #tpu.memory_space<vmem>>
      %dma_start3A_353 = arith.constant 0 : i32
      %dma_start3A_354 = tpu.memref_slice %arg13[%run_scoped3A, %dma_start3A_353] : memref<8x80xi32, #tpu.memory_space<vmem>> -> memref<1x80xi32, #tpu.memory_space<vmem>>
      %dma_start3A_355 = tpu.memref_squeeze %dma_start3A_354 : memref<1x80xi32, #tpu.memory_space<vmem>> -> memref<80xi32, #tpu.memory_space<vmem>>
      %dma_start3A_356 = arith.constant 0 : i32
      %dma_start3A_357 = arith.constant 0 : i32
      %dma_start3A_358 = tpu.memref_slice %arg15[%dma_start3A_356, %dma_start3A_357] : memref<640x16xf32, #tpu.memory_space<vmem_shared>> -> memref<640x16xf32, #tpu.memory_space<vmem_shared>>
      tpu.enqueue_indirect_dma source(%dma_start3A_352 : memref<80x16xf32, #tpu.memory_space<vmem>>) target(%dma_start3A_358 : memref<640x16xf32, #tpu.memory_space<vmem_shared>>) offsets(%dma_start3A_355 : memref<80xi32, #tpu.memory_space<vmem>>) semaphore(%run_scoped3A_350 : memref<!tpu.dma_semaphore, #tpu.memory_space<semaphore_mem>>) {add = true}
      %dma_wait3A = arith.constant 0 : i32
      %dma_wait3A_359 = arith.constant 0 : i32
      %dma_wait3A_360 = tpu.memref_slice %arg12[%dma_wait3A, %dma_wait3A_359] : memref<640x16xf32, #tpu.memory_space<vmem>> -> memref<80x16xf32, #tpu.memory_space<vmem>>
      %dma_wait3A_361 = arith.constant 0 : i32
      %dma_wait3A_362 = tpu.memref_slice %arg13[%run_scoped3A, %dma_wait3A_361] : memref<8x80xi32, #tpu.memory_space<vmem>> -> memref<1x80xi32, #tpu.memory_space<vmem>>
      %dma_wait3A_363 = tpu.memref_squeeze %dma_wait3A_362 : memref<1x80xi32, #tpu.memory_space<vmem>> -> memref<80xi32, #tpu.memory_space<vmem>>
      %dma_wait3A_364 = arith.constant 0 : i32
      %dma_wait3A_365 = arith.constant 0 : i32
      %dma_wait3A_366 = tpu.memref_slice %arg15[%dma_wait3A_364, %dma_wait3A_365] : memref<640x16xf32, #tpu.memory_space<vmem_shared>> -> memref<640x16xf32, #tpu.memory_space<vmem_shared>>
      tpu.wait_indirect_dma semaphore(%run_scoped3A_350 : memref<!tpu.dma_semaphore, #tpu.memory_space<semaphore_mem>>) src(%dma_wait3A_360 : memref<80x16xf32, #tpu.memory_space<vmem>>) dst(%dma_wait3A_366 : memref<640x16xf32, #tpu.memory_space<vmem_shared>>)
      tpu.yield
    }) : () -> ()
    %run_scoped3A_334 = arith.constant 1 : i32
    "tpu.region"() ({
      %run_scoped3A_350 = tpu.sem_alloc : memref<!tpu.dma_semaphore, #tpu.memory_space<semaphore_mem>>
      %dma_start3A = arith.constant 80 : i32
      %dma_start3A_351 = arith.constant 0 : i32
      %dma_start3A_352 = tpu.memref_slice %arg12[%dma_start3A, %dma_start3A_351] : memref<640x16xf32, #tpu.memory_space<vmem>> -> memref<80x16xf32, #tpu.memory_space<vmem>>
      %dma_start3A_353 = arith.constant 0 : i32
      %dma_start3A_354 = tpu.memref_slice %arg13[%run_scoped3A_334, %dma_start3A_353] : memref<8x80xi32, #tpu.memory_space<vmem>> -> memref<1x80xi32, #tpu.memory_space<vmem>>
      %dma_start3A_355 = tpu.memref_squeeze %dma_start3A_354 : memref<1x80xi32, #tpu.memory_space<vmem>> -> memref<80xi32, #tpu.memory_space<vmem>>
      %dma_start3A_356 = arith.constant 0 : i32
      %dma_start3A_357 = arith.constant 0 : i32
      %dma_start3A_358 = tpu.memref_slice %arg15[%dma_start3A_356, %dma_start3A_357] : memref<640x16xf32, #tpu.memory_space<vmem_shared>> -> memref<640x16xf32, #tpu.memory_space<vmem_shared>>
      tpu.enqueue_indirect_dma source(%dma_start3A_352 : memref<80x16xf32, #tpu.memory_space<vmem>>) target(%dma_start3A_358 : memref<640x16xf32, #tpu.memory_space<vmem_shared>>) offsets(%dma_start3A_355 : memref<80xi32, #tpu.memory_space<vmem>>) semaphore(%run_scoped3A_350 : memref<!tpu.dma_semaphore, #tpu.memory_space<semaphore_mem>>) {add = true}
      %dma_wait3A = arith.constant 80 : i32
      %dma_wait3A_359 = arith.constant 0 : i32
      %dma_wait3A_360 = tpu.memref_slice %arg12[%dma_wait3A, %dma_wait3A_359] : memref<640x16xf32, #tpu.memory_space<vmem>> -> memref<80x16xf32, #tpu.memory_space<vmem>>
      %dma_wait3A_361 = arith.constant 0 : i32
      %dma_wait3A_362 = tpu.memref_slice %arg13[%run_scoped3A_334, %dma_wait3A_361] : memref<8x80xi32, #tpu.memory_space<vmem>> -> memref<1x80xi32, #tpu.memory_space<vmem>>
      %dma_wait3A_363 = tpu.memref_squeeze %dma_wait3A_362 : memref<1x80xi32, #tpu.memory_space<vmem>> -> memref<80xi32, #tpu.memory_space<vmem>>
      %dma_wait3A_364 = arith.constant 0 : i32
      %dma_wait3A_365 = arith.constant 0 : i32
      %dma_wait3A_366 = tpu.memref_slice %arg15[%dma_wait3A_364, %dma_wait3A_365] : memref<640x16xf32, #tpu.memory_space<vmem_shared>> -> memref<640x16xf32, #tpu.memory_space<vmem_shared>>
      tpu.wait_indirect_dma semaphore(%run_scoped3A_350 : memref<!tpu.dma_semaphore, #tpu.memory_space<semaphore_mem>>) src(%dma_wait3A_360 : memref<80x16xf32, #tpu.memory_space<vmem>>) dst(%dma_wait3A_366 : memref<640x16xf32, #tpu.memory_space<vmem_shared>>)
      tpu.yield
    }) : () -> ()
    %run_scoped3A_335 = arith.constant 2 : i32
    "tpu.region"() ({
      %run_scoped3A_350 = tpu.sem_alloc : memref<!tpu.dma_semaphore, #tpu.memory_space<semaphore_mem>>
      %dma_start3A = arith.constant 160 : i32
      %dma_start3A_351 = arith.constant 0 : i32
      %dma_start3A_352 = tpu.memref_slice %arg12[%dma_start3A, %dma_start3A_351] : memref<640x16xf32, #tpu.memory_space<vmem>> -> memref<80x16xf32, #tpu.memory_space<vmem>>
      %dma_start3A_353 = arith.constant 0 : i32
      %dma_start3A_354 = tpu.memref_slice %arg13[%run_scoped3A_335, %dma_start3A_353] : memref<8x80xi32, #tpu.memory_space<vmem>> -> memref<1x80xi32, #tpu.memory_space<vmem>>
      %dma_start3A_355 = tpu.memref_squeeze %dma_start3A_354 : memref<1x80xi32, #tpu.memory_space<vmem>> -> memref<80xi32, #tpu.memory_space<vmem>>
      %dma_start3A_356 = arith.constant 0 : i32
      %dma_start3A_357 = arith.constant 0 : i32
      %dma_start3A_358 = tpu.memref_slice %arg15[%dma_start3A_356, %dma_start3A_357] : memref<640x16xf32, #tpu.memory_space<vmem_shared>> -> memref<640x16xf32, #tpu.memory_space<vmem_shared>>
      tpu.enqueue_indirect_dma source(%dma_start3A_352 : memref<80x16xf32, #tpu.memory_space<vmem>>) target(%dma_start3A_358 : memref<640x16xf32, #tpu.memory_space<vmem_shared>>) offsets(%dma_start3A_355 : memref<80xi32, #tpu.memory_space<vmem>>) semaphore(%run_scoped3A_350 : memref<!tpu.dma_semaphore, #tpu.memory_space<semaphore_mem>>) {add = true}
      %dma_wait3A = arith.constant 160 : i32
      %dma_wait3A_359 = arith.constant 0 : i32
      %dma_wait3A_360 = tpu.memref_slice %arg12[%dma_wait3A, %dma_wait3A_359] : memref<640x16xf32, #tpu.memory_space<vmem>> -> memref<80x16xf32, #tpu.memory_space<vmem>>
      %dma_wait3A_361 = arith.constant 0 : i32
      %dma_wait3A_362 = tpu.memref_slice %arg13[%run_scoped3A_335, %dma_wait3A_361] : memref<8x80xi32, #tpu.memory_space<vmem>> -> memref<1x80xi32, #tpu.memory_space<vmem>>
      %dma_wait3A_363 = tpu.memref_squeeze %dma_wait3A_362 : memref<1x80xi32, #tpu.memory_space<vmem>> -> memref<80xi32, #tpu.memory_space<vmem>>
      %dma_wait3A_364 = arith.constant 0 : i32
      %dma_wait3A_365 = arith.constant 0 : i32
      %dma_wait3A_366 = tpu.memref_slice %arg15[%dma_wait3A_364, %dma_wait3A_365] : memref<640x16xf32, #tpu.memory_space<vmem_shared>> -> memref<640x16xf32, #tpu.memory_space<vmem_shared>>
      tpu.wait_indirect_dma semaphore(%run_scoped3A_350 : memref<!tpu.dma_semaphore, #tpu.memory_space<semaphore_mem>>) src(%dma_wait3A_360 : memref<80x16xf32, #tpu.memory_space<vmem>>) dst(%dma_wait3A_366 : memref<640x16xf32, #tpu.memory_space<vmem_shared>>)
      tpu.yield
    }) : () -> ()
    %run_scoped3A_336 = arith.constant 3 : i32
    "tpu.region"() ({
      %run_scoped3A_350 = tpu.sem_alloc : memref<!tpu.dma_semaphore, #tpu.memory_space<semaphore_mem>>
      %dma_start3A = arith.constant 240 : i32
      %dma_start3A_351 = arith.constant 0 : i32
      %dma_start3A_352 = tpu.memref_slice %arg12[%dma_start3A, %dma_start3A_351] : memref<640x16xf32, #tpu.memory_space<vmem>> -> memref<80x16xf32, #tpu.memory_space<vmem>>
      %dma_start3A_353 = arith.constant 0 : i32
      %dma_start3A_354 = tpu.memref_slice %arg13[%run_scoped3A_336, %dma_start3A_353] : memref<8x80xi32, #tpu.memory_space<vmem>> -> memref<1x80xi32, #tpu.memory_space<vmem>>
      %dma_start3A_355 = tpu.memref_squeeze %dma_start3A_354 : memref<1x80xi32, #tpu.memory_space<vmem>> -> memref<80xi32, #tpu.memory_space<vmem>>
      %dma_start3A_356 = arith.constant 0 : i32
      %dma_start3A_357 = arith.constant 0 : i32
      %dma_start3A_358 = tpu.memref_slice %arg15[%dma_start3A_356, %dma_start3A_357] : memref<640x16xf32, #tpu.memory_space<vmem_shared>> -> memref<640x16xf32, #tpu.memory_space<vmem_shared>>
      tpu.enqueue_indirect_dma source(%dma_start3A_352 : memref<80x16xf32, #tpu.memory_space<vmem>>) target(%dma_start3A_358 : memref<640x16xf32, #tpu.memory_space<vmem_shared>>) offsets(%dma_start3A_355 : memref<80xi32, #tpu.memory_space<vmem>>) semaphore(%run_scoped3A_350 : memref<!tpu.dma_semaphore, #tpu.memory_space<semaphore_mem>>) {add = true}
      %dma_wait3A = arith.constant 240 : i32
      %dma_wait3A_359 = arith.constant 0 : i32
      %dma_wait3A_360 = tpu.memref_slice %arg12[%dma_wait3A, %dma_wait3A_359] : memref<640x16xf32, #tpu.memory_space<vmem>> -> memref<80x16xf32, #tpu.memory_space<vmem>>
      %dma_wait3A_361 = arith.constant 0 : i32
      %dma_wait3A_362 = tpu.memref_slice %arg13[%run_scoped3A_336, %dma_wait3A_361] : memref<8x80xi32, #tpu.memory_space<vmem>> -> memref<1x80xi32, #tpu.memory_space<vmem>>
      %dma_wait3A_363 = tpu.memref_squeeze %dma_wait3A_362 : memref<1x80xi32, #tpu.memory_space<vmem>> -> memref<80xi32, #tpu.memory_space<vmem>>
      %dma_wait3A_364 = arith.constant 0 : i32
      %dma_wait3A_365 = arith.constant 0 : i32
      %dma_wait3A_366 = tpu.memref_slice %arg15[%dma_wait3A_364, %dma_wait3A_365] : memref<640x16xf32, #tpu.memory_space<vmem_shared>> -> memref<640x16xf32, #tpu.memory_space<vmem_shared>>
      tpu.wait_indirect_dma semaphore(%run_scoped3A_350 : memref<!tpu.dma_semaphore, #tpu.memory_space<semaphore_mem>>) src(%dma_wait3A_360 : memref<80x16xf32, #tpu.memory_space<vmem>>) dst(%dma_wait3A_366 : memref<640x16xf32, #tpu.memory_space<vmem_shared>>)
      tpu.yield
    }) : () -> ()
    %run_scoped3A_337 = arith.constant 4 : i32
    "tpu.region"() ({
      %run_scoped3A_350 = tpu.sem_alloc : memref<!tpu.dma_semaphore, #tpu.memory_space<semaphore_mem>>
      %dma_start3A = arith.constant 320 : i32
      %dma_start3A_351 = arith.constant 0 : i32
      %dma_start3A_352 = tpu.memref_slice %arg12[%dma_start3A, %dma_start3A_351] : memref<640x16xf32, #tpu.memory_space<vmem>> -> memref<80x16xf32, #tpu.memory_space<vmem>>
      %dma_start3A_353 = arith.constant 0 : i32
      %dma_start3A_354 = tpu.memref_slice %arg13[%run_scoped3A_337, %dma_start3A_353] : memref<8x80xi32, #tpu.memory_space<vmem>> -> memref<1x80xi32, #tpu.memory_space<vmem>>
      %dma_start3A_355 = tpu.memref_squeeze %dma_start3A_354 : memref<1x80xi32, #tpu.memory_space<vmem>> -> memref<80xi32, #tpu.memory_space<vmem>>
      %dma_start3A_356 = arith.constant 0 : i32
      %dma_start3A_357 = arith.constant 0 : i32
      %dma_start3A_358 = tpu.memref_slice %arg15[%dma_start3A_356, %dma_start3A_357] : memref<640x16xf32, #tpu.memory_space<vmem_shared>> -> memref<640x16xf32, #tpu.memory_space<vmem_shared>>
      tpu.enqueue_indirect_dma source(%dma_start3A_352 : memref<80x16xf32, #tpu.memory_space<vmem>>) target(%dma_start3A_358 : memref<640x16xf32, #tpu.memory_space<vmem_shared>>) offsets(%dma_start3A_355 : memref<80xi32, #tpu.memory_space<vmem>>) semaphore(%run_scoped3A_350 : memref<!tpu.dma_semaphore, #tpu.memory_space<semaphore_mem>>) {add = true}
      %dma_wait3A = arith.constant 320 : i32
      %dma_wait3A_359 = arith.constant 0 : i32
      %dma_wait3A_360 = tpu.memref_slice %arg12[%dma_wait3A, %dma_wait3A_359] : memref<640x16xf32, #tpu.memory_space<vmem>> -> memref<80x16xf32, #tpu.memory_space<vmem>>
      %dma_wait3A_361 = arith.constant 0 : i32
      %dma_wait3A_362 = tpu.memref_slice %arg13[%run_scoped3A_337, %dma_wait3A_361] : memref<8x80xi32, #tpu.memory_space<vmem>> -> memref<1x80xi32, #tpu.memory_space<vmem>>
      %dma_wait3A_363 = tpu.memref_squeeze %dma_wait3A_362 : memref<1x80xi32, #tpu.memory_space<vmem>> -> memref<80xi32, #tpu.memory_space<vmem>>
      %dma_wait3A_364 = arith.constant 0 : i32
      %dma_wait3A_365 = arith.constant 0 : i32
      %dma_wait3A_366 = tpu.memref_slice %arg15[%dma_wait3A_364, %dma_wait3A_365] : memref<640x16xf32, #tpu.memory_space<vmem_shared>> -> memref<640x16xf32, #tpu.memory_space<vmem_shared>>
      tpu.wait_indirect_dma semaphore(%run_scoped3A_350 : memref<!tpu.dma_semaphore, #tpu.memory_space<semaphore_mem>>) src(%dma_wait3A_360 : memref<80x16xf32, #tpu.memory_space<vmem>>) dst(%dma_wait3A_366 : memref<640x16xf32, #tpu.memory_space<vmem_shared>>)
      tpu.yield
    }) : () -> ()
    %run_scoped3A_338 = arith.constant 5 : i32
    "tpu.region"() ({
      %run_scoped3A_350 = tpu.sem_alloc : memref<!tpu.dma_semaphore, #tpu.memory_space<semaphore_mem>>
      %dma_start3A = arith.constant 400 : i32
      %dma_start3A_351 = arith.constant 0 : i32
      %dma_start3A_352 = tpu.memref_slice %arg12[%dma_start3A, %dma_start3A_351] : memref<640x16xf32, #tpu.memory_space<vmem>> -> memref<80x16xf32, #tpu.memory_space<vmem>>
      %dma_start3A_353 = arith.constant 0 : i32
      %dma_start3A_354 = tpu.memref_slice %arg13[%run_scoped3A_338, %dma_start3A_353] : memref<8x80xi32, #tpu.memory_space<vmem>> -> memref<1x80xi32, #tpu.memory_space<vmem>>
      %dma_start3A_355 = tpu.memref_squeeze %dma_start3A_354 : memref<1x80xi32, #tpu.memory_space<vmem>> -> memref<80xi32, #tpu.memory_space<vmem>>
      %dma_start3A_356 = arith.constant 0 : i32
      %dma_start3A_357 = arith.constant 0 : i32
      %dma_start3A_358 = tpu.memref_slice %arg15[%dma_start3A_356, %dma_start3A_357] : memref<640x16xf32, #tpu.memory_space<vmem_shared>> -> memref<640x16xf32, #tpu.memory_space<vmem_shared>>
      tpu.enqueue_indirect_dma source(%dma_start3A_352 : memref<80x16xf32, #tpu.memory_space<vmem>>) target(%dma_start3A_358 : memref<640x16xf32, #tpu.memory_space<vmem_shared>>) offsets(%dma_start3A_355 : memref<80xi32, #tpu.memory_space<vmem>>) semaphore(%run_scoped3A_350 : memref<!tpu.dma_semaphore, #tpu.memory_space<semaphore_mem>>) {add = true}
      %dma_wait3A = arith.constant 400 : i32
      %dma_wait3A_359 = arith.constant 0 : i32
      %dma_wait3A_360 = tpu.memref_slice %arg12[%dma_wait3A, %dma_wait3A_359] : memref<640x16xf32, #tpu.memory_space<vmem>> -> memref<80x16xf32, #tpu.memory_space<vmem>>
      %dma_wait3A_361 = arith.constant 0 : i32
      %dma_wait3A_362 = tpu.memref_slice %arg13[%run_scoped3A_338, %dma_wait3A_361] : memref<8x80xi32, #tpu.memory_space<vmem>> -> memref<1x80xi32, #tpu.memory_space<vmem>>
      %dma_wait3A_363 = tpu.memref_squeeze %dma_wait3A_362 : memref<1x80xi32, #tpu.memory_space<vmem>> -> memref<80xi32, #tpu.memory_space<vmem>>
      %dma_wait3A_364 = arith.constant 0 : i32
      %dma_wait3A_365 = arith.constant 0 : i32
      %dma_wait3A_366 = tpu.memref_slice %arg15[%dma_wait3A_364, %dma_wait3A_365] : memref<640x16xf32, #tpu.memory_space<vmem_shared>> -> memref<640x16xf32, #tpu.memory_space<vmem_shared>>
      tpu.wait_indirect_dma semaphore(%run_scoped3A_350 : memref<!tpu.dma_semaphore, #tpu.memory_space<semaphore_mem>>) src(%dma_wait3A_360 : memref<80x16xf32, #tpu.memory_space<vmem>>) dst(%dma_wait3A_366 : memref<640x16xf32, #tpu.memory_space<vmem_shared>>)
      tpu.yield
    }) : () -> ()
    %run_scoped3A_339 = arith.constant 6 : i32
    "tpu.region"() ({
      %run_scoped3A_350 = tpu.sem_alloc : memref<!tpu.dma_semaphore, #tpu.memory_space<semaphore_mem>>
      %dma_start3A = arith.constant 480 : i32
      %dma_start3A_351 = arith.constant 0 : i32
      %dma_start3A_352 = tpu.memref_slice %arg12[%dma_start3A, %dma_start3A_351] : memref<640x16xf32, #tpu.memory_space<vmem>> -> memref<80x16xf32, #tpu.memory_space<vmem>>
      %dma_start3A_353 = arith.constant 0 : i32
      %dma_start3A_354 = tpu.memref_slice %arg13[%run_scoped3A_339, %dma_start3A_353] : memref<8x80xi32, #tpu.memory_space<vmem>> -> memref<1x80xi32, #tpu.memory_space<vmem>>
      %dma_start3A_355 = tpu.memref_squeeze %dma_start3A_354 : memref<1x80xi32, #tpu.memory_space<vmem>> -> memref<80xi32, #tpu.memory_space<vmem>>
      %dma_start3A_356 = arith.constant 0 : i32
      %dma_start3A_357 = arith.constant 0 : i32
      %dma_start3A_358 = tpu.memref_slice %arg15[%dma_start3A_356, %dma_start3A_357] : memref<640x16xf32, #tpu.memory_space<vmem_shared>> -> memref<640x16xf32, #tpu.memory_space<vmem_shared>>
      tpu.enqueue_indirect_dma source(%dma_start3A_352 : memref<80x16xf32, #tpu.memory_space<vmem>>) target(%dma_start3A_358 : memref<640x16xf32, #tpu.memory_space<vmem_shared>>) offsets(%dma_start3A_355 : memref<80xi32, #tpu.memory_space<vmem>>) semaphore(%run_scoped3A_350 : memref<!tpu.dma_semaphore, #tpu.memory_space<semaphore_mem>>) {add = true}
      %dma_wait3A = arith.constant 480 : i32
      %dma_wait3A_359 = arith.constant 0 : i32
      %dma_wait3A_360 = tpu.memref_slice %arg12[%dma_wait3A, %dma_wait3A_359] : memref<640x16xf32, #tpu.memory_space<vmem>> -> memref<80x16xf32, #tpu.memory_space<vmem>>
      %dma_wait3A_361 = arith.constant 0 : i32
      %dma_wait3A_362 = tpu.memref_slice %arg13[%run_scoped3A_339, %dma_wait3A_361] : memref<8x80xi32, #tpu.memory_space<vmem>> -> memref<1x80xi32, #tpu.memory_space<vmem>>
      %dma_wait3A_363 = tpu.memref_squeeze %dma_wait3A_362 : memref<1x80xi32, #tpu.memory_space<vmem>> -> memref<80xi32, #tpu.memory_space<vmem>>
      %dma_wait3A_364 = arith.constant 0 : i32
      %dma_wait3A_365 = arith.constant 0 : i32
      %dma_wait3A_366 = tpu.memref_slice %arg15[%dma_wait3A_364, %dma_wait3A_365] : memref<640x16xf32, #tpu.memory_space<vmem_shared>> -> memref<640x16xf32, #tpu.memory_space<vmem_shared>>
      tpu.wait_indirect_dma semaphore(%run_scoped3A_350 : memref<!tpu.dma_semaphore, #tpu.memory_space<semaphore_mem>>) src(%dma_wait3A_360 : memref<80x16xf32, #tpu.memory_space<vmem>>) dst(%dma_wait3A_366 : memref<640x16xf32, #tpu.memory_space<vmem_shared>>)
      tpu.yield
    }) : () -> ()
    %run_scoped3A_340 = arith.constant 7 : i32
    "tpu.region"() ({
      %run_scoped3A_350 = tpu.sem_alloc : memref<!tpu.dma_semaphore, #tpu.memory_space<semaphore_mem>>
      %dma_start3A = arith.constant 560 : i32
      %dma_start3A_351 = arith.constant 0 : i32
      %dma_start3A_352 = tpu.memref_slice %arg12[%dma_start3A, %dma_start3A_351] : memref<640x16xf32, #tpu.memory_space<vmem>> -> memref<80x16xf32, #tpu.memory_space<vmem>>
      %dma_start3A_353 = arith.constant 0 : i32
      %dma_start3A_354 = tpu.memref_slice %arg13[%run_scoped3A_340, %dma_start3A_353] : memref<8x80xi32, #tpu.memory_space<vmem>> -> memref<1x80xi32, #tpu.memory_space<vmem>>
      %dma_start3A_355 = tpu.memref_squeeze %dma_start3A_354 : memref<1x80xi32, #tpu.memory_space<vmem>> -> memref<80xi32, #tpu.memory_space<vmem>>
      %dma_start3A_356 = arith.constant 0 : i32
      %dma_start3A_357 = arith.constant 0 : i32
      %dma_start3A_358 = tpu.memref_slice %arg15[%dma_start3A_356, %dma_start3A_357] : memref<640x16xf32, #tpu.memory_space<vmem_shared>> -> memref<640x16xf32, #tpu.memory_space<vmem_shared>>
      tpu.enqueue_indirect_dma source(%dma_start3A_352 : memref<80x16xf32, #tpu.memory_space<vmem>>) target(%dma_start3A_358 : memref<640x16xf32, #tpu.memory_space<vmem_shared>>) offsets(%dma_start3A_355 : memref<80xi32, #tpu.memory_space<vmem>>) semaphore(%run_scoped3A_350 : memref<!tpu.dma_semaphore, #tpu.memory_space<semaphore_mem>>) {add = true}
      %dma_wait3A = arith.constant 560 : i32
      %dma_wait3A_359 = arith.constant 0 : i32
      %dma_wait3A_360 = tpu.memref_slice %arg12[%dma_wait3A, %dma_wait3A_359] : memref<640x16xf32, #tpu.memory_space<vmem>> -> memref<80x16xf32, #tpu.memory_space<vmem>>
      %dma_wait3A_361 = arith.constant 0 : i32
      %dma_wait3A_362 = tpu.memref_slice %arg13[%run_scoped3A_340, %dma_wait3A_361] : memref<8x80xi32, #tpu.memory_space<vmem>> -> memref<1x80xi32, #tpu.memory_space<vmem>>
      %dma_wait3A_363 = tpu.memref_squeeze %dma_wait3A_362 : memref<1x80xi32, #tpu.memory_space<vmem>> -> memref<80xi32, #tpu.memory_space<vmem>>
      %dma_wait3A_364 = arith.constant 0 : i32
      %dma_wait3A_365 = arith.constant 0 : i32
      %dma_wait3A_366 = tpu.memref_slice %arg15[%dma_wait3A_364, %dma_wait3A_365] : memref<640x16xf32, #tpu.memory_space<vmem_shared>> -> memref<640x16xf32, #tpu.memory_space<vmem_shared>>
      tpu.wait_indirect_dma semaphore(%run_scoped3A_350 : memref<!tpu.dma_semaphore, #tpu.memory_space<semaphore_mem>>) src(%dma_wait3A_360 : memref<80x16xf32, #tpu.memory_space<vmem>>) dst(%dma_wait3A_366 : memref<640x16xf32, #tpu.memory_space<vmem_shared>>)
      tpu.yield
    }) : () -> ()
    %barrier3A_341 = arith.constant 0 : index
    tpu.barrier barrier_id(%barrier3A_341)
    %mul3A_342 = arith.constant 640 : i32
    %mul3A_343 = arith.muli %arg1, %mul3A_342 : i32
    %mul3A_344 = arith.constant 640 : i32
    %mul3A_345 = arith.muli %arg1, %mul3A_344 : i32
    "tpu.region"() ({
      %run_scoped3A_350 = tpu.sem_alloc : memref<!tpu.dma_semaphore, #tpu.memory_space<semaphore_mem>>
      %dma_start3A = arith.constant 0 : i32
      %dma_start3A_351 = tpu.memref_slice %arg5[%arg0, %mul3A_345, %dma_start3A] : memref<2x10240x128xf32, #tpu.memory_space<hbm>> -> memref<1x640x128xf32, #tpu.memory_space<hbm>>
      %dma_start3A_352 = tpu.memref_squeeze %dma_start3A_351 : memref<1x640x128xf32, #tpu.memory_space<hbm>> -> memref<640x128xf32, #tpu.memory_space<hbm>>
      %dma_start3A_353 = arith.constant 0 : i32
      %dma_start3A_354 = tpu.memref_slice %arg14[%mul3A_343, %dma_start3A_353] : memref<10240x128xf32, #tpu.memory_space<vmem_shared>> -> memref<640x128xf32, #tpu.memory_space<vmem_shared>>
      tpu.enqueue_dma source(%dma_start3A_354 : memref<640x128xf32, #tpu.memory_space<vmem_shared>>) target(%dma_start3A_352 : memref<640x128xf32, #tpu.memory_space<hbm>>) target_semaphore(%run_scoped3A_350 : memref<!tpu.dma_semaphore, #tpu.memory_space<semaphore_mem>>)
      %dma_wait3A = arith.constant 0 : i32
      %dma_wait3A_355 = tpu.memref_slice %arg5[%arg0, %mul3A_345, %dma_wait3A] : memref<2x10240x128xf32, #tpu.memory_space<hbm>> -> memref<1x640x128xf32, #tpu.memory_space<hbm>>
      %dma_wait3A_356 = tpu.memref_squeeze %dma_wait3A_355 : memref<1x640x128xf32, #tpu.memory_space<hbm>> -> memref<640x128xf32, #tpu.memory_space<hbm>>
      %dma_wait3A_357 = arith.constant 0 : i32
      %dma_wait3A_358 = tpu.memref_slice %arg14[%mul3A_343, %dma_wait3A_357] : memref<10240x128xf32, #tpu.memory_space<vmem_shared>> -> memref<640x128xf32, #tpu.memory_space<vmem_shared>>
      tpu.wait_dma2 semaphore(%run_scoped3A_350 : memref<!tpu.dma_semaphore, #tpu.memory_space<semaphore_mem>>) src(%dma_wait3A_358 : memref<640x128xf32, #tpu.memory_space<vmem_shared>>) dst(%dma_wait3A_356 : memref<640x128xf32, #tpu.memory_space<hbm>>)
      tpu.yield
    }) : () -> ()
    %mul3A_346 = arith.constant 40 : i32
    %mul3A_347 = arith.muli %arg1, %mul3A_346 : i32
    %mul3A_348 = arith.constant 40 : i32
    %mul3A_349 = arith.muli %arg1, %mul3A_348 : i32
    "tpu.region"() ({
      %run_scoped3A_350 = tpu.sem_alloc : memref<!tpu.dma_semaphore, #tpu.memory_space<semaphore_mem>>
      %dma_start3A = arith.constant 0 : i32
      %dma_start3A_351 = tpu.memref_slice %arg6[%arg0, %mul3A_349, %dma_start3A] : memref<2x640x16xf32, #tpu.memory_space<hbm>> -> memref<1x40x16xf32, #tpu.memory_space<hbm>>
      %dma_start3A_352 = tpu.memref_squeeze %dma_start3A_351 : memref<1x40x16xf32, #tpu.memory_space<hbm>> -> memref<40x16xf32, #tpu.memory_space<hbm>>
      %dma_start3A_353 = arith.constant 0 : i32
      %dma_start3A_354 = tpu.memref_slice %arg15[%mul3A_347, %dma_start3A_353] : memref<640x16xf32, #tpu.memory_space<vmem_shared>> -> memref<40x16xf32, #tpu.memory_space<vmem_shared>>
      tpu.enqueue_dma source(%dma_start3A_354 : memref<40x16xf32, #tpu.memory_space<vmem_shared>>) target(%dma_start3A_352 : memref<40x16xf32, #tpu.memory_space<hbm>>) target_semaphore(%run_scoped3A_350 : memref<!tpu.dma_semaphore, #tpu.memory_space<semaphore_mem>>)
      %dma_wait3A = arith.constant 0 : i32
      %dma_wait3A_355 = tpu.memref_slice %arg6[%arg0, %mul3A_349, %dma_wait3A] : memref<2x640x16xf32, #tpu.memory_space<hbm>> -> memref<1x40x16xf32, #tpu.memory_space<hbm>>
      %dma_wait3A_356 = tpu.memref_squeeze %dma_wait3A_355 : memref<1x40x16xf32, #tpu.memory_space<hbm>> -> memref<40x16xf32, #tpu.memory_space<hbm>>
      %dma_wait3A_357 = arith.constant 0 : i32
      %dma_wait3A_358 = tpu.memref_slice %arg15[%mul3A_347, %dma_wait3A_357] : memref<640x16xf32, #tpu.memory_space<vmem_shared>> -> memref<40x16xf32, #tpu.memory_space<vmem_shared>>
      tpu.wait_dma2 semaphore(%run_scoped3A_350 : memref<!tpu.dma_semaphore, #tpu.memory_space<semaphore_mem>>) src(%dma_wait3A_358 : memref<40x16xf32, #tpu.memory_space<vmem_shared>>) dst(%dma_wait3A_356 : memref<40x16xf32, #tpu.memory_space<hbm>>)
      tpu.yield
    }) : () -> ()
    return
  }
}

module attributes {stable_mosaic.version = 14 : i64} {
  func.func @_tc_body(%arg0: i32, %arg1: memref<2x1024x128xf32, #tpu.memory_space<vmem>>, %arg2: memref<2x1x1x1024xf32, #tpu.memory_space<vmem>>, %arg3: memref<1x1x1024xi32, #tpu.memory_space<vmem>>, %arg4: memref<128x128xf32, #tpu.memory_space<vmem>>, %arg5: memref<1x128xf32, #tpu.memory_space<vmem>>, %arg6: memref<128x128xf32, #tpu.memory_space<vmem>>, %arg7: memref<1x128xf32, #tpu.memory_space<vmem>>, %arg8: memref<128x128xf32, #tpu.memory_space<vmem>>, %arg9: memref<1x128xf32, #tpu.memory_space<vmem>>, %arg10: memref<128x128xf32, #tpu.memory_space<vmem>>, %arg11: memref<1x128xf32, #tpu.memory_space<vmem>>, %arg12: memref<64x128xf32, #tpu.memory_space<vmem>>, %arg13: memref<64x1xf32, #tpu.memory_space<vmem>>, %arg14: memref<128x128xf32, #tpu.memory_space<vmem>>, %arg15: memref<1x128xf32, #tpu.memory_space<vmem>>) attributes {dimension_semantics = [#tpu.dimension_semantics<arbitrary>], iteration_bounds = array<i64: 10>, scalar_prefetch = 0 : i64, scratch_operands = 2 : i64, tpu.core_type = #tpu.core_type<tc>, window_params = [{transform_indices = @transform_0, window_bounds = array<i64: 2, 1024, 128>}, {transform_indices = @transform_1, window_bounds = array<i64: 2, 1, 1, 1024>}, {transform_indices = @transform_2, window_bounds = array<i64: 1, 1, 1024>}, {pipeline_mode = #tpu.pipeline_mode<synchronous>, transform_indices = @transform_3, window_bounds = array<i64: 128, 128>}, {pipeline_mode = #tpu.pipeline_mode<synchronous>, transform_indices = @transform_4, window_bounds = array<i64: 1, 128>}, {pipeline_mode = #tpu.pipeline_mode<synchronous>, transform_indices = @transform_5, window_bounds = array<i64: 128, 128>}, {pipeline_mode = #tpu.pipeline_mode<synchronous>, transform_indices = @transform_6, window_bounds = array<i64: 1, 128>}, {pipeline_mode = #tpu.pipeline_mode<synchronous>, transform_indices = @transform_7, window_bounds = array<i64: 128, 128>}, {pipeline_mode = #tpu.pipeline_mode<synchronous>, transform_indices = @transform_8, window_bounds = array<i64: 1, 128>}, {pipeline_mode = #tpu.pipeline_mode<synchronous>, transform_indices = @transform_9, window_bounds = array<i64: 128, 128>}, {pipeline_mode = #tpu.pipeline_mode<synchronous>, transform_indices = @transform_10, window_bounds = array<i64: 1, 128>}, {pipeline_mode = #tpu.pipeline_mode<synchronous>, transform_indices = @transform_11, window_bounds = array<i64: 64, 128>}, {pipeline_mode = #tpu.pipeline_mode<synchronous>, transform_indices = @transform_12, window_bounds = array<i64: 64, 1>}]} {
    %eq3A = arith.constant 0 : i32
    %eq3A_0 = arith.cmpi eq, %arg0, %eq3A : i32
    %convert_element_type3A = arith.extui %eq3A_0 : i1 to i32
    %cond3A = arith.constant 0 : i32
    %cond3A_1 = arith.cmpi ne, %convert_element_type3A, %cond3A : i32
    scf.if %cond3A_1 {
      %broadcast_in_dim3A_73 = arith.constant 0.000000e+00 : f32
      %broadcast_in_dim3A_74 = vector.broadcast %broadcast_in_dim3A_73 : f32 to vector<128x128xf32>
      %swap3A_75 = arith.constant 0 : index
      %swap3A_76 = arith.constant 0 : index
      %swap3A_77 = vector.load %arg14[%swap3A_75, %swap3A_76] : memref<128x128xf32, #tpu.memory_space<vmem>>, vector<128x128xf32>
      tpu.vector_store %arg14[%swap3A_75, %swap3A_76], %broadcast_in_dim3A_74 {strides = array<i32>} : memref<128x128xf32, #tpu.memory_space<vmem>>, vector<128x128xf32>,
      %broadcast_in_dim3A_78 = arith.constant 0.000000e+00 : f32
      %broadcast_in_dim3A_79 = vector.broadcast %broadcast_in_dim3A_78 : f32 to vector<1x128xf32>
      %swap3A_80 = arith.constant 0 : index
      %swap3A_81 = arith.constant 0 : index
      %swap3A_82 = vector.load %arg15[%swap3A_80, %swap3A_81] : memref<1x128xf32, #tpu.memory_space<vmem>>, vector<1x128xf32>
      tpu.vector_store %arg15[%swap3A_80, %swap3A_81], %broadcast_in_dim3A_79 {strides = array<i32>} : memref<1x128xf32, #tpu.memory_space<vmem>>, vector<1x128xf32>,
    } else {
    }
    %get3A = arith.constant 0 : index
    %get3A_2 = arith.constant 0 : index
    %get3A_3 = arith.constant 0 : index
    %get3A_4 = vector.load %arg1[%get3A, %get3A_2, %get3A_3] : memref<2x1024x128xf32, #tpu.memory_space<vmem>>, vector<1x1024x128xf32>
    %get3A_5 = vector.shape_cast %get3A_4 : vector<1x1024x128xf32> to vector<1024x128xf32>
    %get3A_6 = arith.constant 1 : index
    %get3A_7 = arith.constant 0 : index
    %get3A_8 = arith.constant 0 : index
    %get3A_9 = vector.load %arg1[%get3A_6, %get3A_7, %get3A_8] : memref<2x1024x128xf32, #tpu.memory_space<vmem>>, vector<1x1024x128xf32>
    %get3A_10 = vector.shape_cast %get3A_9 : vector<1x1024x128xf32> to vector<1024x128xf32>
    %add3A = arith.addf %get3A_5, %get3A_10 : vector<1024x128xf32>
    %get3A_11 = arith.constant 0 : index
    %get3A_12 = arith.constant 0 : index
    %get3A_13 = arith.constant 0 : index
    %get3A_14 = arith.constant 0 : index
    %get3A_15 = vector.load %arg2[%get3A_11, %get3A_12, %get3A_13, %get3A_14] : memref<2x1x1x1024xf32, #tpu.memory_space<vmem>>, vector<1x1x1x1024xf32>
    %get3A_16 = vector.shape_cast %get3A_15 : vector<1x1x1x1024xf32> to vector<1024xf32>
    %get3A_17 = arith.constant 1 : index
    %get3A_18 = arith.constant 0 : index
    %get3A_19 = arith.constant 0 : index
    %get3A_20 = arith.constant 0 : index
    %get3A_21 = vector.load %arg2[%get3A_17, %get3A_18, %get3A_19, %get3A_20] : memref<2x1x1x1024xf32, #tpu.memory_space<vmem>>, vector<1x1x1x1024xf32>
    %get3A_22 = vector.shape_cast %get3A_21 : vector<1x1x1x1024xf32> to vector<1024xf32>
    %add3A_23 = arith.addf %get3A_16, %get3A_22 : vector<1024xf32>
    %max3A = arith.constant 1.000000e+00 : f32
    %max3A_24 = vector.broadcast %max3A : f32 to vector<1024xf32>
    %max3A_25 = arith.maximumf %add3A_23, %max3A_24 : vector<1024xf32>
    %div3A = arith.constant 1.000000e+00 : f32
    %div3A_26 = vector.broadcast %div3A : f32 to vector<1024xf32>
    %div3A_27 = arith.divf %div3A_26, %max3A_25 : vector<1024xf32>
    %broadcast_in_dim3A = vector.shape_cast %div3A_27 : vector<1024xf32> to vector<1024x1xf32>
    %mul3A = vector.broadcast %broadcast_in_dim3A : vector<1024x1xf32> to vector<1024x128xf32>
    %mul3A_28 = arith.mulf %add3A, %mul3A : vector<1024x128xf32>
    %get3A_29 = arith.constant 0 : index
    %get3A_30 = arith.constant 0 : index
    %get3A_31 = vector.load %arg4[%get3A_29, %get3A_30] : memref<128x128xf32, #tpu.memory_space<vmem>>, vector<128x128xf32>
    %dot_general3A = arith.constant dense<0.000000e+00> : vector<1024x128xf32>
    %dot_general3A_32 = tpu.matmul %mul3A_28, %get3A_31, %dot_general3A {dimension_numbers = #tpu.dot_dimension_numbers<[1], [0], [0], [1], [0, 0, 1, 1], [], []>, transpose_lhs_hint = false} : vector<1024x128xf32>, vector<128x128xf32>, vector<1024x128xf32> -> vector<1024x128xf32>
    %get3A_33 = arith.constant 0 : index
    %get3A_34 = arith.constant 0 : index
    %get3A_35 = vector.load %arg5[%get3A_33, %get3A_34] : memref<1x128xf32, #tpu.memory_space<vmem>>, vector<1x128xf32>
    %add3A_36 = vector.broadcast %get3A_35 : vector<1x128xf32> to vector<1024x128xf32>
    %add3A_37 = arith.addf %dot_general3A_32, %add3A_36 : vector<1024x128xf32>
    %max3A_38 = arith.constant 0.000000e+00 : f32
    %max3A_39 = vector.broadcast %max3A_38 : f32 to vector<1024x128xf32>
    %max3A_40 = arith.maximumf %add3A_37, %max3A_39 : vector<1024x128xf32>
    %get3A_41 = arith.constant 0 : index
    %get3A_42 = arith.constant 0 : index
    %get3A_43 = arith.constant 0 : index
    %get3A_44 = vector.load %arg3[%get3A_41, %get3A_42, %get3A_43] : memref<1x1x1024xi32, #tpu.memory_space<vmem>>, vector<1x1x1024xi32>
    %get3A_45 = vector.shape_cast %get3A_44 : vector<1x1x1024xi32> to vector<1024xi32>
    %iota3A = tpu.iota {dimensions = array<i32: 1>} : vector<1024x128xi32>
    %broadcast_in_dim3A_46 = vector.shape_cast %get3A_45 : vector<1024xi32> to vector<1024x1xi32>
    %eq3A_47 = vector.broadcast %broadcast_in_dim3A_46 : vector<1024x1xi32> to vector<1024x128xi32>
    %eq3A_48 = arith.cmpi eq, %eq3A_47, %iota3A : vector<1024x128xi32>
    %convert_element_type3A_49 = arith.extui %eq3A_48 : vector<1024x128xi1> to vector<1024x128xi32>
    %convert_element_type3A_50 = arith.sitofp %convert_element_type3A_49 : vector<1024x128xi32> to vector<1024x128xf32>
    %get3A_51 = arith.constant 0 : index
    %get3A_52 = arith.constant 0 : index
    %get3A_53 = vector.load %arg14[%get3A_51, %get3A_52] : memref<128x128xf32, #tpu.memory_space<vmem>>, vector<128x128xf32>
    %dot_general3A_54 = arith.constant dense<0.000000e+00> : vector<128x128xf32>
    %dot_general3A_55 = tpu.matmul %convert_element_type3A_50, %max3A_40, %dot_general3A_54 {dimension_numbers = #tpu.dot_dimension_numbers<[0], [0], [1], [1], [0, 1, 1, 1], [], []>, precision = #tpu.contract_precision<fp32>, transpose_lhs_hint = false} : vector<1024x128xf32>, vector<1024x128xf32>, vector<128x128xf32> -> vector<128x128xf32>
    %add3A_56 = arith.addf %get3A_53, %dot_general3A_55 : vector<128x128xf32>
    %swap3A = arith.constant 0 : index
    %swap3A_57 = arith.constant 0 : index
    %swap3A_58 = vector.load %arg14[%swap3A, %swap3A_57] : memref<128x128xf32, #tpu.memory_space<vmem>>, vector<128x128xf32>
    tpu.vector_store %arg14[%swap3A, %swap3A_57], %add3A_56 {strides = array<i32>} : memref<128x128xf32, #tpu.memory_space<vmem>>, vector<128x128xf32>,
    %get3A_59 = arith.constant 0 : index
    %get3A_60 = arith.constant 0 : index
    %get3A_61 = vector.load %arg15[%get3A_59, %get3A_60] : memref<1x128xf32, #tpu.memory_space<vmem>>, vector<1x128xf32>
    %reduce_sum3A = arith.constant dense<0.000000e+00> : vector<128xf32>
    %reduce_sum3A_62 = vector.multi_reduction <add>, %convert_element_type3A_50, %reduce_sum3A [0] : vector<1024x128xf32> to vector<128xf32>
    %broadcast_in_dim3A_63 = vector.shape_cast %reduce_sum3A_62 : vector<128xf32> to vector<1x128xf32>
    %add3A_64 = arith.addf %get3A_61, %broadcast_in_dim3A_63 : vector<1x128xf32>
    %swap3A_65 = arith.constant 0 : index
    %swap3A_66 = arith.constant 0 : index
    %swap3A_67 = vector.load %arg15[%swap3A_65, %swap3A_66] : memref<1x128xf32, #tpu.memory_space<vmem>>, vector<1x128xf32>
    tpu.vector_store %arg15[%swap3A_65, %swap3A_66], %add3A_64 {strides = array<i32>} : memref<1x128xf32, #tpu.memory_space<vmem>>, vector<1x128xf32>,
    %eq3A_68 = arith.constant 9 : i32
    %eq3A_69 = arith.cmpi eq, %arg0, %eq3A_68 : i32
    %convert_element_type3A_70 = arith.extui %eq3A_69 : i1 to i32
    %cond3A_71 = arith.constant 0 : i32
    %cond3A_72 = arith.cmpi ne, %convert_element_type3A_70, %cond3A_71 : i32
    scf.if %cond3A_72 {
      %get3A_73 = arith.constant 0 : index
      %get3A_74 = arith.constant 0 : index
      %get3A_75 = vector.load %arg15[%get3A_73, %get3A_74] : memref<1x128xf32, #tpu.memory_space<vmem>>, vector<1x128xf32>
      %get3A_76 = vector.shape_cast %get3A_75 : vector<1x128xf32> to vector<128xf32>
      %max3A_77 = arith.constant 1.000000e+00 : f32
      %max3A_78 = vector.broadcast %max3A_77 : f32 to vector<128xf32>
      %max3A_79 = arith.maximumf %get3A_76, %max3A_78 : vector<128xf32>
      %get3A_80 = arith.constant 0 : index
      %get3A_81 = arith.constant 0 : index
      %get3A_82 = vector.load %arg14[%get3A_80, %get3A_81] : memref<128x128xf32, #tpu.memory_space<vmem>>, vector<128x128xf32>
      %div3A_83 = arith.constant 1.000000e+00 : f32
      %div3A_84 = vector.broadcast %div3A_83 : f32 to vector<128xf32>
      %div3A_85 = arith.divf %div3A_84, %max3A_79 : vector<128xf32>
      %broadcast_in_dim3A_86 = vector.shape_cast %div3A_85 : vector<128xf32> to vector<128x1xf32>
      %mul3A_87 = vector.broadcast %broadcast_in_dim3A_86 : vector<128x1xf32> to vector<128x128xf32>
      %mul3A_88 = arith.mulf %get3A_82, %mul3A_87 : vector<128x128xf32>
      %get3A_89 = arith.constant 0 : index
      %get3A_90 = arith.constant 0 : index
      %get3A_91 = vector.load %arg6[%get3A_89, %get3A_90] : memref<128x128xf32, #tpu.memory_space<vmem>>, vector<128x128xf32>
      %dot_general3A_92 = arith.constant dense<0.000000e+00> : vector<128x128xf32>
      %dot_general3A_93 = tpu.matmul %mul3A_88, %get3A_91, %dot_general3A_92 {dimension_numbers = #tpu.dot_dimension_numbers<[1], [0], [0], [1], [0, 0, 1, 1], [], []>, transpose_lhs_hint = false} : vector<128x128xf32>, vector<128x128xf32>, vector<128x128xf32> -> vector<128x128xf32>
      %get3A_94 = arith.constant 0 : index
      %get3A_95 = arith.constant 0 : index
      %get3A_96 = vector.load %arg7[%get3A_94, %get3A_95] : memref<1x128xf32, #tpu.memory_space<vmem>>, vector<1x128xf32>
      %add3A_97 = vector.broadcast %get3A_96 : vector<1x128xf32> to vector<128x128xf32>
      %add3A_98 = arith.addf %dot_general3A_93, %add3A_97 : vector<128x128xf32>
      %max3A_99 = arith.constant 0.000000e+00 : f32
      %max3A_100 = vector.broadcast %max3A_99 : f32 to vector<128x128xf32>
      %max3A_101 = arith.maximumf %add3A_98, %max3A_100 : vector<128x128xf32>
      %get3A_102 = arith.constant 0 : index
      %get3A_103 = arith.constant 0 : index
      %get3A_104 = vector.load %arg8[%get3A_102, %get3A_103] : memref<128x128xf32, #tpu.memory_space<vmem>>, vector<128x128xf32>
      %dot_general3A_105 = arith.constant dense<0.000000e+00> : vector<128x128xf32>
      %dot_general3A_106 = tpu.matmul %max3A_101, %get3A_104, %dot_general3A_105 {dimension_numbers = #tpu.dot_dimension_numbers<[1], [0], [0], [1], [0, 0, 1, 1], [], []>, transpose_lhs_hint = false} : vector<128x128xf32>, vector<128x128xf32>, vector<128x128xf32> -> vector<128x128xf32>
      %get3A_107 = arith.constant 0 : index
      %get3A_108 = arith.constant 0 : index
      %get3A_109 = vector.load %arg9[%get3A_107, %get3A_108] : memref<1x128xf32, #tpu.memory_space<vmem>>, vector<1x128xf32>
      %add3A_110 = vector.broadcast %get3A_109 : vector<1x128xf32> to vector<128x128xf32>
      %add3A_111 = arith.addf %dot_general3A_106, %add3A_110 : vector<128x128xf32>
      %max3A_112 = arith.constant 0.000000e+00 : f32
      %max3A_113 = vector.broadcast %max3A_112 : f32 to vector<128x128xf32>
      %max3A_114 = arith.maximumf %add3A_111, %max3A_113 : vector<128x128xf32>
      %get3A_115 = arith.constant 0 : index
      %get3A_116 = arith.constant 0 : index
      %get3A_117 = vector.load %arg10[%get3A_115, %get3A_116] : memref<128x128xf32, #tpu.memory_space<vmem>>, vector<128x128xf32>
      %dot_general3A_118 = arith.constant dense<0.000000e+00> : vector<128x128xf32>
      %dot_general3A_119 = tpu.matmul %max3A_114, %get3A_117, %dot_general3A_118 {dimension_numbers = #tpu.dot_dimension_numbers<[1], [0], [0], [1], [0, 0, 1, 1], [], []>, transpose_lhs_hint = false} : vector<128x128xf32>, vector<128x128xf32>, vector<128x128xf32> -> vector<128x128xf32>
      %get3A_120 = arith.constant 0 : index
      %get3A_121 = arith.constant 0 : index
      %get3A_122 = vector.load %arg11[%get3A_120, %get3A_121] : memref<1x128xf32, #tpu.memory_space<vmem>>, vector<1x128xf32>
      %add3A_123 = vector.broadcast %get3A_122 : vector<1x128xf32> to vector<128x128xf32>
      %add3A_124 = arith.addf %dot_general3A_119, %add3A_123 : vector<128x128xf32>
      %slice3A = vector.extract_strided_slice %mul3A_88 {offsets = [0, 0], sizes = [64, 128], strides = [1, 1]} : vector<128x128xf32> to vector<64x128xf32>
      %swap3A_125 = arith.constant 0 : index
      %swap3A_126 = arith.constant 0 : index
      %swap3A_127 = vector.load %arg12[%swap3A_125, %swap3A_126] : memref<64x128xf32, #tpu.memory_space<vmem>>, vector<64x128xf32>
      tpu.vector_store %arg12[%swap3A_125, %swap3A_126], %slice3A {strides = array<i32>} : memref<64x128xf32, #tpu.memory_space<vmem>>, vector<64x128xf32>,
      %slice3A_128 = vector.extract_strided_slice %add3A_124 {offsets = [0, 0], sizes = [64, 1], strides = [1, 1]} : vector<128x128xf32> to vector<64x1xf32>
      %swap3A_129 = arith.constant 0 : index
      %swap3A_130 = arith.constant 0 : index
      %swap3A_131 = vector.load %arg13[%swap3A_129, %swap3A_130] : memref<64x1xf32, #tpu.memory_space<vmem>>, vector<64x1xf32>
      tpu.vector_store %arg13[%swap3A_129, %swap3A_130], %slice3A_128 {strides = array<i32>} : memref<64x1xf32, #tpu.memory_space<vmem>>, vector<64x1xf32>,
    } else {
    }
    return
  }
  func.func @transform_0(%arg0: i32) -> (i32, i32, i32) {
    %c0_i32 = arith.constant 0 : i32
    %c0_i32_0 = arith.constant 0 : i32
    %c0_i32_1 = arith.constant 0 : i32
    return %c0_i32, %arg0, %c0_i32_0 : i32, i32, i32
  }
  func.func @transform_1(%arg0: i32) -> (i32, i32, i32, i32) {
    %c0_i32 = arith.constant 0 : i32
    %c0_i32_0 = arith.constant 0 : i32
    %c0_i32_1 = arith.constant 0 : i32
    %c0_i32_2 = arith.constant 0 : i32
    return %c0_i32, %arg0, %c0_i32_0, %c0_i32_1 : i32, i32, i32, i32
  }
  func.func @transform_2(%arg0: i32) -> (i32, i32, i32) {
    %c0_i32 = arith.constant 0 : i32
    %c0_i32_0 = arith.constant 0 : i32
    %c0_i32_1 = arith.constant 0 : i32
    return %arg0, %c0_i32, %c0_i32_0 : i32, i32, i32
  }
  func.func @transform_3(%arg0: i32) -> (i32, i32) {
    %c0_i32 = arith.constant 0 : i32
    %c0_i32_0 = arith.constant 0 : i32
    %c0_i32_1 = arith.constant 0 : i32
    return %c0_i32, %c0_i32_0 : i32, i32
  }
  func.func @transform_4(%arg0: i32) -> (i32, i32) {
    %c0_i32 = arith.constant 0 : i32
    %c0_i32_0 = arith.constant 0 : i32
    %c0_i32_1 = arith.constant 0 : i32
    return %c0_i32, %c0_i32_0 : i32, i32
  }
  func.func @transform_5(%arg0: i32) -> (i32, i32) {
    %c0_i32 = arith.constant 0 : i32
    %c0_i32_0 = arith.constant 0 : i32
    %c0_i32_1 = arith.constant 0 : i32
    return %c0_i32, %c0_i32_0 : i32, i32
  }
  func.func @transform_6(%arg0: i32) -> (i32, i32) {
    %c0_i32 = arith.constant 0 : i32
    %c0_i32_0 = arith.constant 0 : i32
    %c0_i32_1 = arith.constant 0 : i32
    return %c0_i32, %c0_i32_0 : i32, i32
  }
  func.func @transform_7(%arg0: i32) -> (i32, i32) {
    %c0_i32 = arith.constant 0 : i32
    %c0_i32_0 = arith.constant 0 : i32
    %c0_i32_1 = arith.constant 0 : i32
    return %c0_i32, %c0_i32_0 : i32, i32
  }
  func.func @transform_8(%arg0: i32) -> (i32, i32) {
    %c0_i32 = arith.constant 0 : i32
    %c0_i32_0 = arith.constant 0 : i32
    %c0_i32_1 = arith.constant 0 : i32
    return %c0_i32, %c0_i32_0 : i32, i32
  }
  func.func @transform_9(%arg0: i32) -> (i32, i32) {
    %c0_i32 = arith.constant 0 : i32
    %c0_i32_0 = arith.constant 0 : i32
    %c0_i32_1 = arith.constant 0 : i32
    return %c0_i32, %c0_i32_0 : i32, i32
  }
  func.func @transform_10(%arg0: i32) -> (i32, i32) {
    %c0_i32 = arith.constant 0 : i32
    %c0_i32_0 = arith.constant 0 : i32
    %c0_i32_1 = arith.constant 0 : i32
    return %c0_i32, %c0_i32_0 : i32, i32
  }
  func.func @transform_11(%arg0: i32) -> (i32, i32) {
    %c0_i32 = arith.constant 0 : i32
    %c0_i32_0 = arith.constant 0 : i32
    %c0_i32_1 = arith.constant 0 : i32
    return %c0_i32, %c0_i32_0 : i32, i32
  }
  func.func @transform_12(%arg0: i32) -> (i32, i32) {
    %c0_i32 = arith.constant 0 : i32
    %c0_i32_0 = arith.constant 0 : i32
    %c0_i32_1 = arith.constant 0 : i32
    return %c0_i32, %c0_i32_0 : i32, i32
  }
}

</mosaic_0001>

<sc_bundles>
// kernel: kernel.4.cloned.1.call-start
scs
__scs_entry_jumppad:
0x0: {  	(pc) =	sbr.rel $0x88, $3  }
0x1: {  	(tag) =	ssettag $0x0;
	lr =	simm.s32 $0x1  }
0x2: {  	[smem:$0x3F96] =	sst lr;
	_ =	strace $0xD0000000  }
0x3: {  	_ = 	snop  }
0x4: {  	_ = 	snop  }
0x5: {  	_ = 	snop  }
0x6: {  	_ = 	snop  }
0x7: {  	_ = 	snop  }
__scs_overlays_trampoline_lowered:
0x8: {  	[smem:$0x3FA5] =	sst s0  }
0x9: {  	[smem:$0x3FA6] =	sst s1  }
0xa: {  	[smem:$0x3FA7] =	sst s2  }
0xb: {  	[smem:$0x3FA8] =	sst s3  }
0xc: {  	[smem:$0x3FA9] =	sst s4  }
0xd: {  	[smem:$0x3FAA] =	sst s5  }
0xe: {  	[smem:$0x3FAB] =	sst s6  }
0xf: {  	[smem:$0x3FAC] =	sst s7  }
0x10: {  	[smem:$0x3FAD] =	sst s8  }
0x11: {  	[smem:$0x3FAE] =	sst s9;
	s0 =	simm.s32 @!p0 $0x0  }
0x12: {  	s1 =	sld [smem:$0x3F94];
	s0 =	simm.s32 @p0 $0x1  }
0x13: {  	[smem:$0x3FAF] =	sst s0;
	s0 =	simm.s32 @!p1 $0x0  }
0x14: {  	s2 =	sld [smem:$0x3F93];
	s0 =	simm.s32 @p1 $0x1  }
0x15: {  	[smem:$0x3FB0] =	sst s0;
	s0 =	simm.s32 @!p2 $0x0  }
0x16: {  	s3 =	sld [smem:$0x3FDB];
	s0 =	simm.s32 @p2 $0x1  }
0x17: {  	s4 =	simm.s32 $0x1BF5;
	[smem:$0x3FB2] =	sst s0  }
0x18: {  	s0 =	sld [smem:$0x3F95];
	_ =	swait.ge [sflag:s4], $0x0  }
0x19: {  	s7 =	sld [smem:$0x3F96]  }
0x1a: {  	s8 =	sadd.s32 $0xFFFFE003, lr  }
0x1b: {  	s9 =	sadd.s32 $0xFFFFFEF7, lr;
	s5 =	simm.s32 $0xFFFFFFFF;
	p2 =	slt.u32 s8, $0xFFFFF086  }
0x1c: {  	p1 =	slt.u32 s9, $0xF7A;
	s5 =	simm.s32 @!p2 $0x0  }
0x1d: {  	s5 =	simm.s32 @p1 $0x1;
	p0 =	seq.s32 s7, s2  }
0x1e: {  	s7 =	smul.u32 @!p0 $0xF7A, s2;
	p2 =	seq.s32 @!p0 s5, $0x0  }
0x1f: {  	s9 =	smul.u32 $0xF7A, s1;
	s8 =	simm.s32 @!p0 $0x1BF5;
	p2 =	por !p2, p0  }
0x20: {  	[sflag:s8] =	ssyncset.s32 @!p0 $0xFFFFF086;
	s6 =	sadd.s32 @!p0 s3, s7;
	s7 =	simm.s32 @!p0 $0x108  }
0x21: {  	s3 =	sadd.s32 s3, s9;
	s6 =	sadd.s32 @!p0 $0x88, s6;
	s7 =	simm.s32 @p2 $0x1082  }
0x22: {  	[simem:s7], [sflag:s8] =	dma.local @!p0 [hbm:s6], $0xF7A  }
0x23: {  	s9 =	sor.u32 $0xD0000000, s2;
	s6 =	simm.s32 $0x108;
	_ =	swait.ge @!p0 [sflag:s8], $0x0  }
0x24: {  	s3 =	sadd.s32 $0x88, s3;
	s6 =	simm.s32 @!p1 $0x1082;
	[sflag:s4] =	ssyncset.s32 $0xFFFFF086  }
0x25: {  	[simem:s6], [sflag:s4] =	dma.local [hbm:s3], $0xF7A  }
0x26: {  	[smem:$0x3F96] =	sst s1;
	(tag) =	ssettag s2;
	_ =	strace s9  }
0x27: {  	s1 =	sld [smem:$0x3FA6]  }
0x28: {  	s2 =	sld [smem:$0x3FA7]  }
0x29: {  	s4 =	sld [smem:$0x3FA9]  }
0x2a: {  	p0 =	seq.s32 s5, $0x0;
	s5 =	sld [smem:$0x3FAA]  }
0x2b: {  	s6 =	sld [smem:$0x3FAB]  }
0x2c: {  	s7 =	sld [smem:$0x3FAC]  }
0x2d: {  	s3 =	simm.s32 $0x108;
	s8 =	sld [smem:$0x3FAD]  }
0x2e: {  	s3 =	simm.s32 @!p0 $0x1082;
	s9 =	sld [smem:$0x3FAE]  }
0x2f: {  	lr =	sadd.s32 s0, s3;
	s0 =	sld [smem:$0x3FA5]  }
0x30: {  	s3 =	sld [smem:$0x3FA8]  }
0x31: {  	[smem:$0x3FB1] =	sst s10  }
0x32: {  	s10 =	sld [smem:$0x3FAF];
	_ =	sdelay $0x3  }
0x33: {  	p0 =	seq.s32 s10, $0x1;
	s10 =	sld [smem:$0x3FB1];
	_ =	sdelay $0x3  }
0x34: {  	[smem:$0x3FB1] =	sst s10  }
0x35: {  	s10 =	sld [smem:$0x3FB0];
	_ =	sdelay $0x3  }
0x36: {  	p1 =	seq.s32 s10, $0x1;
	s10 =	sld [smem:$0x3FB1];
	_ =	sdelay $0x3  }
0x37: {  	[smem:$0x3FB1] =	sst s10  }
0x38: {  	s10 =	sld [smem:$0x3FB2]  }
0x39: {  	_ = 	snop;
	(pc) =	sbr.ind lr, $3  }
0x3a: {  	_ = 	snop  }
0x3b: {  	_ = 	snop  }
0x3c: {  	p2 =	seq.s32 s10, $0x1;
	s10 =	sld [smem:$0x3FB1]  }
0x3d: {  	_ =	shalt  }
0x3e: {  	_ =	shalt  }
0x3f: {  	_ =	shalt  }
0x40: {  	_ =	shalt  }
0x41: {  	_ =	shalt  }
0x42: {  	_ =	shalt  }
0x43: {  	_ =	shalt  }
0x44: {  	_ =	shalt  }
0x45: {  	_ =	shalt  }
0x46: {  	_ =	shalt  }
0x47: {  	_ =	shalt  }
0x48: {  	_ =	shalt  }
0x49: {  	_ =	shalt  }
0x4a: {  	_ =	shalt  }
0x4b: {  	_ =	shalt  }
0x4c: {  	_ =	shalt  }
0x4d: {  	_ =	shalt  }
0x4e: {  	_ =	shalt  }
0x4f: {  	_ =	shalt  }
0x50: {  	_ =	shalt  }
0x51: {  	_ =	shalt  }
0x52: {  	_ =	shalt  }
0x53: {  	_ =	shalt  }
0x54: {  	_ =	shalt  }
0x55: {  	_ =	shalt  }
0x56: {  	_ =	shalt  }
0x57: {  	_ =	shalt  }
0x58: {  	_ =	shalt  }
0x59: {  	_ =	shalt  }
0x5a: {  	_ =	shalt  }
0x5b: {  	_ =	shalt  }
0x5c: {  	_ =	shalt  }
0x5d: {  	_ =	shalt  }
0x5e: {  	_ =	shalt  }
0x5f: {  	_ =	shalt  }
0x60: {  	_ =	shalt  }
0x61: {  	_ =	shalt  }
0x62: {  	_ =	shalt  }
0x63: {  	_ =	shalt  }
0x64: {  	_ =	shalt  }
0x65: {  	_ =	shalt  }
0x66: {  	_ =	shalt  }
0x67: {  	_ =	shalt  }
0x68: {  	_ =	shalt  }
0x69: {  	_ =	shalt  }
0x6a: {  	_ =	shalt  }
0x6b: {  	_ =	shalt  }
0x6c: {  	_ =	shalt  }
0x6d: {  	_ =	shalt  }
0x6e: {  	_ =	shalt  }
0x6f: {  	_ =	shalt  }
0x70: {  	_ =	shalt  }
0x71: {  	_ =	shalt  }
0x72: {  	_ =	shalt  }
0x73: {  	_ =	shalt  }
0x74: {  	_ =	shalt  }
0x75: {  	_ =	shalt  }
0x76: {  	_ =	shalt  }
0x77: {  	_ =	shalt  }
0x78: {  	_ =	shalt  }
0x79: {  	_ =	shalt  }
0x7a: {  	_ =	shalt  }
0x7b: {  	_ =	shalt  }
0x7c: {  	_ =	shalt  }
0x7d: {  	_ =	shalt  }
0x7e: {  	_ =	shalt  }
0x7f: {  	_ =	shalt  }
0x80: {  	_ =	shalt  }
0x81: {  	_ =	shalt  }
0x82: {  	_ =	shalt  }
0x83: {  	_ =	shalt  }
0x84: {  	_ =	shalt  }
0x85: {  	_ =	shalt  }
0x86: {  	_ =	shalt  }
0x87: {  	_ =	shalt  }
.Lfunc_end0:
.L_simem_size_0:
called_computation_lowered:
.L_overlay_start_0:
0x88: {  	s2 =	sld [smem:$0x3FD9]  }
0x89: {  	s3 =	sld [smem:$0x3FFE];
	_ =	sdelay $0x1  }
0x8a: {  	s1 =	srdreg.scid  }
0x8b: {  	s0 =	sand.u32 $0x1, s1  }
0x8c: {  	s17 =	sshll.u32 s0, $0xA;
	s2 =	sadd.s32 s3, s2  }
0x8d: {  	s2 =	sadd.s32 s2, s17  }
0x8e: {  	[smem:$0x3FBD] =	sst s2  }
0x8f: {  	_ = 	snop  }
0x90: {  	s2 =	sld [smem:$0x3FC9];
	(tm) =	ssettm $0x1  }
0x91: {  	s18 =	sld [smem:$0x3FFB];
	_ =	sdelay $0x3  }
0x92: {  	_ =	strace s18  }
0x93: {  	s3 =	sld [smem:$0x3FFC];
	_ =	sdelay $0x3  }
0x94: {  	_ =	strace s3  }
0x95: {  	s3 =	sld [smem:$0x3FFD];
	_ =	sdelay $0x3  }
0x96: {  	_ =	strace s3  }
0x97: {  	_ =	strace $0x8FFFFFFF  }
0x98: {  	s19 =	sld [smem:$0x3FDB];
	_ =	sdelay $0x1  }
0x99: {  	s4 =	simm.s32 $_scs_section_size  }
0x9a: {  	s5 =	simm.s32 $_size__tile_overlayer_lowered;
	s6 =	simm.s32 $_tile_overlayer_lowered  }
0x9b: {  	s22 =	simm.s32 $0x1BFF;
	s21 =	sshll.u32 s6, $0x1;
	s3 =	sadd.s32 s4, s19  }
0x9c: {  	s7 =	simm.s32 $0x0;
	s20 =	sshll.u32 s5, $0x1;
	s5 =	sadd.s32 s21, s3  }
0x9d: {  	[timem:s7], [sflag:s22] =	dma.local [hbm:s5], s20  }
0x9e: {  	_ =	swait.ge [sflag:s22], s20  }
0x9f: {  	s4 =	ssub.s32 $0x0, s20;
	[sflag:s22] =	ssyncset.done $0x0  }
0xa0: {  	[sflag:s22] =	ssyncadd.s32 s4;
	_ =	sdelay $0x1  }
0xa1: {  	s23 =	simm.s32 $0x1B8B  }
0xa2: {  	_ =	swait.ge [sflag:s23], $0x1  }
0xa3: {  	[sflag:s23] =	ssyncset.done $0x0  }
0xa4: {  	s25 =	simm.s32 $0x1B8E;
	s24 =	sld [smem:$0x3FFE];
	[sflag:s23] =	ssyncadd.s32 $0xFFFFFFFF  }
0xa5: {  	s26 =	simm.s32 $execute0_lowered;
	[smem:$0x3FD2] =	sst s25  }
0xa6: {  	s5 =	sshll.u32 s26, $0x1;
	_ =	strace $0x80000046;
	[dreg:$0x1] =	wrdreg $0xFFFFFFFF  }
0xa7: {  	s28 =	simm.s32 $_size_execute0_lowered;
	s3 =	sadd.s32 s3, s5;
	[dreg:$0x0] =	wrdreg $0x0  }
0xa8: {  	s5 =	sshll.u32 s28, $0x1;
	[dreg:$0x2] =	wrdreg s3  }
0xa9: {  	[dreg:$0x3] =	wrdreg s5  }
0xaa: {  	[dreg:$0x4] =	wrdreg $0xC0  }
0xab: {  	_ =	task [dreg:s7], $0x5FFFF  }
0xac: {  	[dreg:$0x1] =	wrdreg $0xFFFFFFFF  }
0xad: {  	[dreg:$0x0] =	wrdreg $0x60  }
0xae: {  	[dreg:$0x2] =	wrdreg s24  }
0xaf: {  	[dreg:$0x3] =	wrdreg s2  }
0xb0: {  	[dreg:$0x4] =	wrdreg $0xB2200  }
0xb1: {  	[dreg:$0x5] =	wrdreg $0x1F2200  }
0xb2: {  	[dreg:$0x6] =	wrdreg $0x9  }
0xb3: {  	_ =	task.clear_ibuf [dreg:s7], $0x7FFFF;
	_ =	strace $0x90000046  }
0xb4: {  	s29 =	simm.s32 $0x9;
	_ =	strace $0x80000048  }
0xb5: {  	_ =	swait.ge [sflag:s29], $0x1  }
0xb6: {  	[sflag:s29] =	ssyncadd.s32 $0xFFFFFFFF  }
0xb7: {  	_ =	strace $0x90000048  }
0xb8: {  	_ =	sfence  }
0xb9: {  	s30 =	sld [smem:$0x0];
	_ =	sdelay $0x2  }
0xba: {  	s31 =	sshll.u32 s1, $0xD;
	s1 =	sshrl.u32 s1, $0x2  }
0xbb: {  	s3 =	sand.u32 $0x4000, s31;
	s1 =	sadd.s32 s1, s30  }
0xbc: {  	s0 =	sor.u32 s3, s0;
	s1 =	sshll.u32 s1, $0x11  }
0xbd: {  	s0 =	sor.u32 s1, s0  }
0xbe: {  	s0 =	sadd.s32 $0x8F2B, s0  }
0xbf: {  	[sflag:s0] =	ssyncadd.remote.s32 $0x1  }
0xc0: {  	_ =	sfence.sel $0xFFFF  }
0xc1: {  	[dreg:$0x0] =	wrdreg $0xFFFFFFFF;
	(pc) =	sbr.abs _section_cstart, $3  }
0xc2: {  	[dreg:$0x1] =	wrdreg $0xFFFFFFFF  }
0xc3: {  	_ =	task.clear_ibuf [dreg:s7], $0x2FFFF;
	_ =	strace $0x9FFFFFFF  }
0xc4: {  	(tm) =	ssettm $0x7FFFFFFF  }
0xc5: {  	_ =	shalt  }
tec
execute0_lowered:
.L_overlay_start_1:
0x0: {  	(tag) =	ssettag $0x1  }
0x1: {  	s0 =	srdreg.scid;
	s11 =	stileid.u32  }
0x2: {  	s1 =	rddreg [dreg:$0x0];
	s6 =	sand.u32 $0x1, s0;
	s5 =	smul.u32 $0x2710, s11  }
0x3: {  	s2 =	rddreg [dreg:$0x1];
	s0 =	smul.u32 $0x27100, s6  }
0x4: {  	s3 =	rddreg [dreg:$0x2]  }
0x5: {  	s4 =	rddreg [dreg:$0x3];
	s0 =	sadd.s32 s5, s0;
	s5 =	simm.s32 $0x0  }
0x6: {  	s12 =	simm.s32 $0xA0;
	[smem:$0x7FF] =	sst s5  }
0x7: {  	s13 =	simm.s32 $0xF0;
	_ =	strace $0x80000047;
	[dreg:$0x7] =	wrdreg s12  }
0x8: {  	s14 =	simm.s32 $0x820;
	[dreg:$0x8] =	wrdreg s13  }
0x9: {  	s15 =	simm.s32 $0x140;
	[dreg:$0x9] =	wrdreg s14  }
0xa: {  	s16 =	simm.s32 $0x870;
	[dreg:$0xa] =	wrdreg s15  }
0xb: {  	s10 =	simm.s32 $0x190;
	[dreg:$0xb] =	wrdreg s16  }
0xc: {  	s17 =	simm.s32 $0x8C0;
	[dreg:$0xc] =	wrdreg s10  }
0xd: {  	s18 =	simm.s32 $0x1E0;
	[dreg:$0xd] =	wrdreg s17  }
0xe: {  	s19 =	simm.s32 $0x910;
	[dreg:$0xe] =	wrdreg s18  }
0xf: {  	s20 =	simm.s32 $0x230;
	[dreg:$0xf] =	wrdreg s19  }
0x10: {  	s21 =	simm.s32 $0x960;
	[dreg:$0x10] =	wrdreg s20  }
0x11: {  	s22 =	simm.s32 $0x280;
	[dreg:$0x11] =	wrdreg s21  }
0x12: {  	s24 =	simm.s32 $0x9B0;
	[dreg:$0x12] =	wrdreg s22  }
0x13: {  	s25 =	simm.s32 $0x2D0;
	[dreg:$0x13] =	wrdreg s24  }
0x14: {  	[dreg:$0x14] =	wrdreg s25;
	s12 =	simm.s32 $0xA00  }
0x15: {  	s13 =	simm.s32 $0x320;
	[dreg:$0x15] =	wrdreg s12  }
0x16: {  	s28 =	simm.s32 $0x2;
	s15 =	simm.s32 $0xA50;
	[dreg:$0x16] =	wrdreg s13  }
0x17: {  	s29 =	simm.s32 $0x5;
	s16 =	simm.s32 $0x370;
	[dreg:$0x17] =	wrdreg s15  }
0x18: {  	s30 =	simm.s32 $0x3;
	s18 =	simm.s32 $0xAA0;
	[dreg:$0x18] =	wrdreg s16  }
0x19: {  	s26 =	smul.u32 $0x50000, s11;
	s20 =	simm.s32 $0x3C0;
	[dreg:$0x19] =	wrdreg s18  }
0x1a: {  	s0 =	sshrl.u32 s0, $0x3;
	s22 =	simm.s32 $0xAF0;
	[dreg:$0x1a] =	wrdreg s20  }
0x1b: {  	s0 =	sadd.s32 s0, s1;
	s24 =	simm.s32 $0x410;
	[dreg:$0x1b] =	wrdreg s22  }
0x1c: {  	s14 =	sshrl.u32 s26, $0x2;
	s26 =	simm.s32 $0xB40;
	[dreg:$0x1c] =	wrdreg s24  }
0x1d: {  	s8 =	smul.u32 $0x140000, s6;
	s7 =	sadd.s32 $0x1600, s0;
	[dreg:$0x1d] =	wrdreg s26  }
0x1e: {  	s9 =	smul.u32 $0x2800, s6;
	s0 =	sadd.s32 $0xB400, s0;
	[dreg:$0x5] =	wrdreg s7  }
0x1f: {  	s6 =	ssub.s32 $0x2, s6;
	s13 =	simm.s32 $0x460;
	[dreg:$0x6] =	wrdreg s0  }
0x20: {  	s23 =	sshrl.u32 s6, $0x1;
	s15 =	simm.s32 $0x4B0;
	[dreg:$0x1e] =	wrdreg s13  }
0x21: {  	s6 =	ssub.s32 s6, s23;
	s16 =	simm.s32 $0xBE0;
	[smem:$0x7F1] =	sst s15  }
0x22: {  	s31 =	simm.s32 $0x6;
	s18 =	smax.u32 s6, $0x1;
	[smem:$0x7F2] =	sst s16  }
0x23: {  	p0 =	sne.s32 s11, $0x0;
	s20 =	simm.s32 $0x550;
	[smem:$0x7F3] =	sst s18  }
0x24: {  	s10 =	simm.s32 $0x730;
	s22 =	simm.s32 $0x5A0;
	[smem:$0x7F6] =	sst s20  }
0x25: {  	s24 =	simm.s32 $0x5F0;
	s7 =	smul.u32 $0x14000, s11;
	[smem:$0x7F8] =	sst s22  }
0x26: {  	s26 =	simm.s32 $0x640;
	s0 =	smul.u32 $0x280, s11;
	[smem:$0x7FA] =	sst s24  }
0x27: {  	s18 =	simm.s32 $0x7;
	[smem:$0x7FC] =	sst s26;
	s8 =	sadd.s32 s7, s8  }
0x28: {  	s9 =	sadd.s32 s0, s9;
	s7 =	sadd.s32 s7, s3;
	s0 =	sadd.s32 s0, s4  }
0x29: {  	s8 =	sshrl.u32 s8, $0x3;
	s9 =	sshrl.u32 s9, $0x3;
	[smem:$0x7E7] =	sst s7  }
0x2a: {  	s0 =	sshrl.u32 s0, $0x3;
	s8 =	sadd.s32 s8, s1;
	s1 =	sadd.s32 s9, s1  }
0x2b: {  	s9 =	sadd.s32 s14, s3;
	s14 =	simm.s32 $0xB90;
	[smem:$0x7FD] =	sst s0  }
0x2c: {  	s20 =	simm.s32 $0x50;
	s17 =	sadd.s32 $0x2800, s9;
	[dreg:$0x1f] =	wrdreg s14  }
0x2d: {  	s22 =	simm.s32 $0x5FA0;
	s19 =	sadd.s32 $0x5000, s9;
	[smem:$0x7E8] =	sst s17  }
0x2e: {  	v0 =	vlaneseq.u32;
	v1 =	vimm.f32 $0.0e+00;
	v41 =	vimm.f32 $1.000000000e+00;
	s24 =	simm.s32 $0x87A0;
	s21 =	sadd.s32 $0x7800, s9;
	[smem:$0x7E9] =	sst s19  }
0x2f: {  	v2 =	vor.u32 $0x10, v0;
	v3 =	vor.u32 $0x20, v0;
	v4 =	vor.u32 $0x30, v0;
	s26 =	simm.s32 $0x4;
	s23 =	sadd.s32 $0xA000, s9;
	[smem:$0x7EA] =	sst s21  }
0x30: {  	v5 =	vor.u32 $0x40, v0;
	v6 =	vor.u32 $0x50, v0;
	v7 =	vor.u32 $0x60, v0;
	s11 =	simm.s32 $0xE60;
	s25 =	sadd.s32 $0xC800, s9;
	[smem:$0x7EB] =	sst s23  }
0x31: {  	v8 =	vor.u32 $0x70, v0;
	v9 =	vor.u32 $0x80, v0;
	v10 =	vor.u32 $0x90, v0;
	s13 =	simm.s32 $0xEB0;
	s12 =	sadd.s32 $0xF000, s9;
	[smem:$0x7EC] =	sst s25  }
0x32: {  	v11 =	vor.u32 $0xA0, v0;
	v12 =	vor.u32 $0xB0, v0;
	v13 =	vor.u32 $0xC0, v0;
	s15 =	simm.s32 $0xF50;
	s9 =	sadd.s32 $0x11800, s9;
	[smem:$0x7ED] =	sst s12  }
0x33: {  	v14 =	vor.u32 $0xD0, v0;
	v15 =	vor.u32 $0xE0, v0;
	v16 =	vor.u32 $0xF0, v0;
	s16 =	simm.s32 $0x0;
	s8 =	sadd.s32 $0x15200, s8;
	[smem:$0x7EE] =	sst s9  }
0x34: {  	v17 =	vor.u32 $0x100, v0;
	v18 =	vor.u32 $0x110, v0;
	v19 =	vor.u32 $0x120, v0;
	s7 =	simm.s32 $0xDC0;
	s1 =	sadd.s32 $0x65200, s1;
	[smem:$0x7EF] =	sst s8  }
0x35: {  	v20 =	vor.u32 $0x130, v0;
	v21 =	vor.u32 $0x140, v0;
	v22 =	vor.u32 $0x150, v0;
	s0 =	simm.s32 $0x690;
	s14 =	simm.s32 $0xF00;
	[smem:$0x7F0] =	sst s1  }
0x36: {  	v23 =	vor.u32 $0x160, v0;
	v24 =	vor.u32 $0x170, v0;
	v25 =	vor.u32 $0x180, v0;
	s17 =	simm.s32 $0x500;
	s19 =	simm.s32 $0xC30;
	s21 =	simm.s32 $0xC80  }
0x37: {  	v26 =	vor.u32 $0x190, v0;
	v27 =	vor.u32 $0x1A0, v0;
	v28 =	vor.u32 $0x1B0, v0;
	s23 =	simm.s32 $0xCD0;
	s25 =	simm.s32 $0xD20;
	[smem:$0x7F4] =	sst s17  }
0x38: {  	v29 =	vor.u32 $0x1C0, v0;
	v30 =	vor.u32 $0x1D0, v0;
	v31 =	vor.u32 $0x1E0, v0;
	s1 =	simm.s32 $0xD70;
	s8 =	simm.s32 $0x6E0;
	[smem:$0x7F5] =	sst s19  }
0x39: {  	v32 =	vor.u32 $0x1F0, v0;
	v33 =	vor.u32 $0x200, v0;
	v34 =	vor.u32 $0x210, v0;
	s9 =	simm.s32 $0xE10;
	s12 =	simm.s32 $0x780;
	[smem:$0x7F7] =	sst s21  }
0x3a: {  	v35 =	vor.u32 $0x220, v0;
	v36 =	vor.u32 $0x230, v0;
	v37 =	vor.u32 $0x240, v0;
	s17 =	simm.s32 $0xFA0;
	s19 =	simm.s32 $0x7D0;
	[smem:$0x7F9] =	sst s23  }
0x3b: {  	v38 =	vor.u32 $0x250, v0;
	v39 =	vor.u32 $0x260, v0;
	v40 =	vor.u32 $0x270, v0;
	s21 =	simm.s32 $0x37A0;
	[smem:$0x7FB] =	sst s25;
	s23 =	simm.s32 $0x1  }
.LBB2_1:
0x3c: {  	s25 =	simm.s32 $0x0;
	s6 =	simm.s32 $0x200  }
.LBB2_2:
0x3d: {  	p1 =	sne.s32 s6, $0x9E00;
	[tilespmem:s25+$0x1010] =	vst v1  }
0x3e: {  	[tilespmem:s25+$0xFA0] =	vst v1  }
0x3f: {  	[tilespmem:s25+$0xFB0] =	vst v1  }
.Ltmp0:
0x40: {  	[tilespmem:s25+$0xFC0] =	vst v1;
	(pc) =	sbr.rel @p1 .LBB2_2-.Ltmp0, $4  }
0x41: {  	[tilespmem:s25+$0xFD0] =	vst v1  }
0x42: {  	[tilespmem:s25+$0xFE0] =	vst v1  }
0x43: {  	[tilespmem:s25+$0xFF0] =	vst v1  }
0x44: {  	[tilespmem:s25+$0x1000] =	vst v1;
	s25 =	sshra.s32 s6, $0x2;
	s6 =	sadd.s32 $0x200, s6  }
0x45: {  	[tilespmem:s25+$0x1010] =	vst v1  }
0x46: {  	[tilespmem:s25+$0xFA0] =	vst v1  }
0x47: {  	[tilespmem:s25+$0xFB0] =	vst v1  }
0x48: {  	[tilespmem:s25+$0xFC0] =	vst v1  }
0x49: {  	[tilespmem:s25+$0xFD0] =	vst v1  }
0x4a: {  	[tilespmem:s25+$0xFE0] =	vst v1  }
0x4b: {  	[tilespmem:s25+$0xFF0] =	vst v1  }
0x4c: {  	[tilespmem:s25+$0x1000] =	vst v1;
	s6 =	simm.s32 $0x40;
	s25 =	simm.s32 $0x0  }
.LBB2_4:
0x4d: {  	p1 =	sne.s32 s6, $0x9FC0;
	[tilespmem:s25+$0x87A0] =	vst v1;
	s25 =	smov.u32 s6;
	s6 =	sadd.s32 $0x40, s6  }
.Ltmp1:
0x4e: {  	(pc) =	sbr.rel @p1 .LBB2_4-.Ltmp1, $2  }
0x4f: {  	_ =	sdelay $0x2  }
0x50: {  	s25 =	sshra.s32 s25, $0x2  }
0x51: {  	[tilespmem:s25+$0x87A0] =	vst v1  }
0x52: {  	[tilespmem:$0xAFA0] =	vst v0  }
0x53: {  	[tilespmem:$0xAFB0] =	vst v2  }
0x54: {  	[tilespmem:$0xAFC0] =	vst v3  }
0x55: {  	[tilespmem:$0xAFD0] =	vst v4  }
0x56: {  	[tilespmem:$0xAFE0] =	vst v5  }
0x57: {  	[tilespmem:$0xAFF0] =	vst v6  }
0x58: {  	[tilespmem:$0xB000] =	vst v7  }
0x59: {  	[tilespmem:$0xB010] =	vst v8  }
0x5a: {  	[tilespmem:$0xB020] =	vst v9  }
0x5b: {  	[tilespmem:$0xB030] =	vst v10  }
0x5c: {  	[tilespmem:$0xB040] =	vst v11  }
0x5d: {  	[tilespmem:$0xB050] =	vst v12  }
0x5e: {  	[tilespmem:$0xB060] =	vst v13  }
0x5f: {  	[tilespmem:$0xB070] =	vst v14  }
0x60: {  	[tilespmem:$0xB080] =	vst v15  }
0x61: {  	[tilespmem:$0xB090] =	vst v16  }
0x62: {  	[tilespmem:$0xB0A0] =	vst v17  }
0x63: {  	[tilespmem:$0xB0B0] =	vst v18  }
0x64: {  	[tilespmem:$0xB0C0] =	vst v19  }
0x65: {  	[tilespmem:$0xB0D0] =	vst v20  }
0x66: {  	[tilespmem:$0xB0E0] =	vst v21  }
0x67: {  	[tilespmem:$0xB0F0] =	vst v22  }
0x68: {  	[tilespmem:$0xB100] =	vst v23  }
0x69: {  	[tilespmem:$0xB110] =	vst v24  }
0x6a: {  	[tilespmem:$0xB120] =	vst v25  }
0x6b: {  	[tilespmem:$0xB130] =	vst v26  }
0x6c: {  	[tilespmem:$0xB140] =	vst v27  }
0x6d: {  	[tilespmem:$0xB150] =	vst v28  }
0x6e: {  	[tilespmem:$0xB160] =	vst v29  }
0x6f: {  	[tilespmem:$0xB170] =	vst v30  }
0x70: {  	[tilespmem:$0xB180] =	vst v31  }
0x71: {  	[tilespmem:$0xB190] =	vst v32  }
0x72: {  	[tilespmem:$0xB1A0] =	vst v33  }
0x73: {  	[tilespmem:$0xB1B0] =	vst v34  }
0x74: {  	[tilespmem:$0xB1C0] =	vst v35  }
0x75: {  	[tilespmem:$0xB1D0] =	vst v36  }
0x76: {  	[tilespmem:$0xB1E0] =	vst v37  }
0x77: {  	s6 =	sld [smem:$0x7E7];
	[tilespmem:$0xB1F0] =	vst v38  }
0x78: {  	[tilespmem:$0xB200] =	vst v39  }
0x79: {  	[tilespmem:$0xB210] =	vst v40  }
0x7a: {  	[spmem:s6] =	stream.linear.scatter [tilespmem:s17], [sflag:$0x7], $0x2800, $0x38;
	[tilespmem:$0x1F4A0] =	vst v63  }
0x7b: {  	_ =	swait.ge [sflag:s18], $0x2800  }
0x7c: {  	s25 =	sld [smem:$0x7E8]  }
0x7d: {  	[sflag:s18] =	ssyncset.done $0x0  }
0x7e: {  	[sflag:s18] =	ssyncadd.s32 $0xFFFFD800  }
0x7f: {  	[spmem:s25] =	stream.linear.scatter [tilespmem:s17], [sflag:$0x7], $0x2800, $0x38;
	[tilespmem:$0x1F4A0] =	vst v63  }
0x80: {  	_ =	swait.ge [sflag:s18], $0x2800  }
0x81: {  	s4 =	sld [smem:$0x7E9]  }
0x82: {  	[sflag:s18] =	ssyncset.done $0x0  }
0x83: {  	[sflag:s18] =	ssyncadd.s32 $0xFFFFD800  }
0x84: {  	[spmem:s4] =	stream.linear.scatter [tilespmem:s17], [sflag:$0x7], $0x2800, $0x38;
	[tilespmem:$0x1F4A0] =	vst v63  }
0x85: {  	_ =	swait.ge [sflag:s18], $0x2800  }
0x86: {  	s25 =	sld [smem:$0x7EA]  }
0x87: {  	[sflag:s18] =	ssyncset.done $0x0  }
0x88: {  	[sflag:s18] =	ssyncadd.s32 $0xFFFFD800  }
0x89: {  	[spmem:s25] =	stream.linear.scatter [tilespmem:s17], [sflag:$0x7], $0x2800, $0x38;
	[tilespmem:$0x1F4A0] =	vst v63  }
0x8a: {  	_ =	swait.ge [sflag:s18], $0x2800  }
0x8b: {  	s4 =	sld [smem:$0x7EB]  }
0x8c: {  	[sflag:s18] =	ssyncset.done $0x0  }
0x8d: {  	[sflag:s18] =	ssyncadd.s32 $0xFFFFD800  }
0x8e: {  	[spmem:s4] =	stream.linear.scatter [tilespmem:s17], [sflag:$0x7], $0x2800, $0x38;
	[tilespmem:$0x1F4A0] =	vst v63  }
0x8f: {  	_ =	swait.ge [sflag:s18], $0x2800  }
0x90: {  	s25 =	sld [smem:$0x7EC]  }
0x91: {  	[sflag:s18] =	ssyncset.done $0x0  }
0x92: {  	[sflag:s18] =	ssyncadd.s32 $0xFFFFD800  }
0x93: {  	[spmem:s25] =	stream.linear.scatter [tilespmem:s17], [sflag:$0x7], $0x2800, $0x38;
	[tilespmem:$0x1F4A0] =	vst v63  }
0x94: {  	_ =	swait.ge [sflag:s18], $0x2800  }
0x95: {  	s4 =	sld [smem:$0x7ED]  }
0x96: {  	[sflag:s18] =	ssyncset.done $0x0  }
0x97: {  	[sflag:s18] =	ssyncadd.s32 $0xFFFFD800  }
0x98: {  	[spmem:s4] =	stream.linear.scatter [tilespmem:s17], [sflag:$0x7], $0x2800, $0x38;
	[tilespmem:$0x1F4A0] =	vst v63  }
0x99: {  	_ =	swait.ge [sflag:s18], $0x2800  }
0x9a: {  	s25 =	sld [smem:$0x7EE]  }
0x9b: {  	[sflag:s18] =	ssyncset.done $0x0  }
0x9c: {  	[sflag:s18] =	ssyncadd.s32 $0xFFFFD800  }
0x9d: {  	[spmem:s25] =	stream.linear.scatter [tilespmem:s17], [sflag:$0x7], $0x2800, $0x38;
	[tilespmem:$0x1F4A0] =	vst v63  }
0x9e: {  	_ =	swait.ge [sflag:s18], $0x2800  }
0x9f: {  	[sflag:s18] =	ssyncset.done $0x0  }
0xa0: {  	[sflag:s18] =	ssyncadd.s32 $0xFFFFD800  }
0xa1: {  	s6 =	simm.s32 @!p0 $0x87A0;
	s4 =	rddreg [dreg:$0x3]  }
0xa2: {  	[spmem:s4] =	stream.linear.scatter @!p0 [tilespmem:s6], [sflag:$0x7], $0x2800, $0x38;
	[tilespmem:$0x1F4A0] =	vst v63  }
0xa3: {  	s6 =	simm.s32 @!p0 $0x7  }
0xa4: {  	_ =	swait.ge @!p0 [sflag:s6], $0x2800  }
0xa5: {  	[sflag:s6] =	ssyncset.done @!p0 $0x0  }
0xa6: {  	[sflag:s6] =	ssyncadd.s32 @!p0 $0xFFFFD800  }
0xa7: {  	s25 =	simm.s32 $0x0;
	[bflag:$0x0] =	sbarrier.arrive $0xFFFF  }
.LBB2_6:
0xa8: {  	s6 =	rddreg [dreg:$0x6]  }
0xa9: {  	s6 =	sadd.s32 s25, s6  }
0xaa: {  	[tilespmem:s5], [sflag:$0x7] =	stream.linear.gather [hbm4b:s6+s5], $0x7D0, $0x38;
	[tilespmem:$0x1F4A0] =	vst v63  }
0xab: {  	_ =	swait.ge [sflag:s18], $0x7D0  }
0xac: {  	s4 =	rddreg [dreg:$0x5];
	[sflag:s18] =	ssyncset.done $0x0  }
0xad: {  	[sflag:s18] =	ssyncadd.s32 $0xFFFFF830;
	s6 =	sadd.s32 s25, s4  }
0xae: {  	[tilespmem:s19], [sflag:$0x7] =	stream.linear.gather [hbm4b:s6+s5], $0x7D0, $0x38;
	[tilespmem:$0x1F4A0] =	vst v63  }
0xaf: {  	_ =	swait.ge [sflag:s18], $0x7D0  }
0xb0: {  	[sflag:s18] =	ssyncset.done $0x0  }
0xb1: {  	[sflag:s18] =	ssyncadd.s32 $0xFFFFF830  }
0xb2: {  	[tilespmem:s17], [sflag:$0x1] =	stream.indirect.gather [hbm4b:s2+s20], $0x80, s5, s20, $0xb8;
	[tilespmem:$0x1F4A0] =	vst v63  }
0xb3: {  	_ = 	snop  }
0xb4: {  	[tilespmem:s21], [sflag:$0x2] =	stream.indirect.gather [hbm4b:s2+s20], $0x80, s20, s20, $0xb8;
	[tilespmem:$0x1F4A0] =	vst v63  }
0xb5: {  	s4 =	rddreg [dreg:$0x7]  }
0xb6: {  	[tilespmem:s22], [sflag:$0x3] =	stream.indirect.gather [hbm4b:s2+s20], $0x80, s4, s20, $0xb8;
	[tilespmem:$0x1F4A0] =	vst v63  }
0xb7: {  	_ =	swait.ge [sflag:s23], $0x2800  }
0xb8: {  	[sflag:s23] =	ssyncset.done $0x0  }
0xb9: {  	[sflag:s23] =	ssyncadd.s32 $0xFFFFD800  }
0xba: {  	[spmem:s3] =	stream.indirect.scatter.add.f32 [tilespmem:s17], [sflag:$0x4], $0x80, s19, s20, $0xb8;
	[tilespmem:$0x1F4A0] =	vst v63  }
0xbb: {  	v42 =	vld [tilespmem:$0x7D0];
	_ =	sdelay $0x7  }
0xbc: {  	[tilespmem:v42+s24+$0x0] =	vst.idx.add.f32.msk $0xffff, v41  }
0xbd: {  	v42 =	vld [tilespmem:$0x7E0];
	_ =	sdelay $0x7  }
0xbe: {  	[tilespmem:v42+s24+$0x0] =	vst.idx.add.f32.msk $0xffff, v41  }
0xbf: {  	v42 =	vld [tilespmem:$0x7F0];
	_ =	sdelay $0x7  }
0xc0: {  	[tilespmem:v42+s24+$0x0] =	vst.idx.add.f32.msk $0xffff, v41  }
0xc1: {  	v42 =	vld [tilespmem:$0x800];
	_ =	sdelay $0x7  }
0xc2: {  	[tilespmem:v42+s24+$0x0] =	vst.idx.add.f32.msk $0xffff, v41  }
0xc3: {  	v42 =	vld [tilespmem:$0x810];
	_ =	sdelay $0x7  }
0xc4: {  	[tilespmem:v42+s24+$0x0] =	vst.idx.add.f32.msk $0xffff, v41  }
0xc5: {  	_ =	swait.ge [sflag:s26], $0x2800  }
0xc6: {  	[sflag:s26] =	ssyncset.done $0x0  }
0xc7: {  	s4 =	rddreg [dreg:$0x8];
	[sflag:s26] =	ssyncadd.s32 $0xFFFFD800  }
0xc8: {  	[tilespmem:s17], [sflag:$0x1] =	stream.indirect.gather [hbm4b:s2+s20], $0x80, s4, s20, $0xb8;
	[tilespmem:$0x1F4A0] =	vst v63  }
0xc9: {  	_ =	swait.ge [sflag:s28], $0x2800  }
0xca: {  	[sflag:s28] =	ssyncset.done $0x0  }
0xcb: {  	s4 =	rddreg [dreg:$0x9];
	[sflag:s28] =	ssyncadd.s32 $0xFFFFD800  }
0xcc: {  	[spmem:s3] =	stream.indirect.scatter.add.f32 [tilespmem:s21], [sflag:$0x5], $0x80, s4, s20, $0xb8;
	[tilespmem:$0x1F4A0] =	vst v63  }
0xcd: {  	v59 =	vld [tilespmem:$0x820];
	_ =	sdelay $0x7  }
0xce: {  	[tilespmem:v59+s24+$0x0] =	vst.idx.add.f32.msk $0xffff, v41  }
0xcf: {  	v42 =	vld [tilespmem:$0x830];
	_ =	sdelay $0x7  }
0xd0: {  	[tilespmem:v42+s24+$0x0] =	vst.idx.add.f32.msk $0xffff, v41  }
0xd1: {  	v42 =	vld [tilespmem:$0x840];
	_ =	sdelay $0x7  }
0xd2: {  	[tilespmem:v42+s24+$0x0] =	vst.idx.add.f32.msk $0xffff, v41  }
0xd3: {  	v42 =	vld [tilespmem:$0x850];
	_ =	sdelay $0x7  }
0xd4: {  	[tilespmem:v42+s24+$0x0] =	vst.idx.add.f32.msk $0xffff, v41  }
0xd5: {  	v42 =	vld [tilespmem:$0x860];
	_ =	sdelay $0x7  }
0xd6: {  	[tilespmem:v42+s24+$0x0] =	vst.idx.add.f32.msk $0xffff, v41  }
0xd7: {  	_ =	swait.ge [sflag:s29], $0x2800  }
0xd8: {  	[sflag:s29] =	ssyncset.done $0x0  }
0xd9: {  	s4 =	rddreg [dreg:$0xa];
	[sflag:s29] =	ssyncadd.s32 $0xFFFFD800  }
0xda: {  	[tilespmem:s21], [sflag:$0x2] =	stream.indirect.gather [hbm4b:s2+s20], $0x80, s4, s20, $0xb8;
	[tilespmem:$0x1F4A0] =	vst v63  }
0xdb: {  	_ =	swait.ge [sflag:s30], $0x2800  }
0xdc: {  	[sflag:s30] =	ssyncset.done $0x0  }
0xdd: {  	s4 =	rddreg [dreg:$0xb];
	[sflag:s30] =	ssyncadd.s32 $0xFFFFD800  }
0xde: {  	[spmem:s3] =	stream.indirect.scatter.add.f32 [tilespmem:s22], [sflag:$0x6], $0x80, s4, s20, $0xb8;
	[tilespmem:$0x1F4A0] =	vst v63  }
0xdf: {  	v60 =	vld [tilespmem:$0x870];
	_ =	sdelay $0x7  }
0xe0: {  	[tilespmem:v60+s24+$0x0] =	vst.idx.add.f32.msk $0xffff, v41  }
0xe1: {  	v42 =	vld [tilespmem:$0x880];
	_ =	sdelay $0x7  }
0xe2: {  	[tilespmem:v42+s24+$0x0] =	vst.idx.add.f32.msk $0xffff, v41  }
0xe3: {  	v42 =	vld [tilespmem:$0x890];
	_ =	sdelay $0x7  }
0xe4: {  	[tilespmem:v42+s24+$0x0] =	vst.idx.add.f32.msk $0xffff, v41  }
0xe5: {  	v42 =	vld [tilespmem:$0x8A0];
	_ =	sdelay $0x7  }
0xe6: {  	[tilespmem:v42+s24+$0x0] =	vst.idx.add.f32.msk $0xffff, v41  }
0xe7: {  	v42 =	vld [tilespmem:$0x8B0];
	_ =	sdelay $0x7  }
0xe8: {  	[tilespmem:v42+s24+$0x0] =	vst.idx.add.f32.msk $0xffff, v41  }
0xe9: {  	_ =	swait.ge [sflag:s31], $0x2800  }
0xea: {  	[sflag:s31] =	ssyncset.done $0x0  }
0xeb: {  	s4 =	rddreg [dreg:$0xc];
	[sflag:s31] =	ssyncadd.s32 $0xFFFFD800  }
0xec: {  	[tilespmem:s22], [sflag:$0x3] =	stream.indirect.gather [hbm4b:s2+s20], $0x80, s4, s20, $0xb8;
	[tilespmem:$0x1F4A0] =	vst v63  }
0xed: {  	_ =	swait.ge [sflag:s23], $0x2800  }
0xee: {  	[sflag:s23] =	ssyncset.done $0x0  }
0xef: {  	s4 =	rddreg [dreg:$0xd];
	[sflag:s23] =	ssyncadd.s32 $0xFFFFD800  }
0xf0: {  	[spmem:s3] =	stream.indirect.scatter.add.f32 [tilespmem:s17], [sflag:$0x4], $0x80, s4, s20, $0xb8;
	[tilespmem:$0x1F4A0] =	vst v63  }
0xf1: {  	v61 =	vld [tilespmem:$0x8C0];
	_ =	sdelay $0x7  }
0xf2: {  	[tilespmem:v61+s24+$0x0] =	vst.idx.add.f32.msk $0xffff, v41  }
0xf3: {  	v42 =	vld [tilespmem:$0x8D0];
	_ =	sdelay $0x7  }
0xf4: {  	[tilespmem:v42+s24+$0x0] =	vst.idx.add.f32.msk $0xffff, v41  }
0xf5: {  	v42 =	vld [tilespmem:$0x8E0];
	_ =	sdelay $0x7  }
0xf6: {  	[tilespmem:v42+s24+$0x0] =	vst.idx.add.f32.msk $0xffff, v41  }
0xf7: {  	v42 =	vld [tilespmem:$0x8F0];
	_ =	sdelay $0x7  }
0xf8: {  	[tilespmem:v42+s24+$0x0] =	vst.idx.add.f32.msk $0xffff, v41  }
0xf9: {  	v42 =	vld [tilespmem:$0x900];
	_ =	sdelay $0x7  }
0xfa: {  	[tilespmem:v42+s24+$0x0] =	vst.idx.add.f32.msk $0xffff, v41  }
0xfb: {  	_ =	swait.ge [sflag:s26], $0x2800  }
0xfc: {  	[sflag:s26] =	ssyncset.done $0x0  }
0xfd: {  	s4 =	rddreg [dreg:$0xe];
	[sflag:s26] =	ssyncadd.s32 $0xFFFFD800  }
0xfe: {  	[tilespmem:s17], [sflag:$0x1] =	stream.indirect.gather [hbm4b:s2+s20], $0x80, s4, s20, $0xb8;
	[tilespmem:$0x1F4A0] =	vst v63  }
0xff: {  	_ =	swait.ge [sflag:s28], $0x2800  }
0x100: {  	[sflag:s28] =	ssyncset.done $0x0  }
0x101: {  	s4 =	rddreg [dreg:$0xf];
	[sflag:s28] =	ssyncadd.s32 $0xFFFFD800  }
0x102: {  	[spmem:s3] =	stream.indirect.scatter.add.f32 [tilespmem:s21], [sflag:$0x5], $0x80, s4, s20, $0xb8;
	[tilespmem:$0x1F4A0] =	vst v63  }
0x103: {  	v62 =	vld [tilespmem:$0x910];
	_ =	sdelay $0x7  }
0x104: {  	[tilespmem:v62+s24+$0x0] =	vst.idx.add.f32.msk $0xffff, v41  }
0x105: {  	v42 =	vld [tilespmem:$0x920];
	_ =	sdelay $0x7  }
0x106: {  	[tilespmem:v42+s24+$0x0] =	vst.idx.add.f32.msk $0xffff, v41  }
0x107: {  	v42 =	vld [tilespmem:$0x930];
	_ =	sdelay $0x7  }
0x108: {  	[tilespmem:v42+s24+$0x0] =	vst.idx.add.f32.msk $0xffff, v41  }
0x109: {  	v42 =	vld [tilespmem:$0x940];
	_ =	sdelay $0x7  }
0x10a: {  	[tilespmem:v42+s24+$0x0] =	vst.idx.add.f32.msk $0xffff, v41  }
0x10b: {  	v42 =	vld [tilespmem:$0x950];
	_ =	sdelay $0x7  }
0x10c: {  	[tilespmem:v42+s24+$0x0] =	vst.idx.add.f32.msk $0xffff, v41  }
0x10d: {  	_ =	swait.ge [sflag:s29], $0x2800  }
0x10e: {  	[sflag:s29] =	ssyncset.done $0x0  }
0x10f: {  	s4 =	rddreg [dreg:$0x10];
	[sflag:s29] =	ssyncadd.s32 $0xFFFFD800  }
0x110: {  	[tilespmem:s21], [sflag:$0x2] =	stream.indirect.gather [hbm4b:s2+s20], $0x80, s4, s20, $0xb8;
	[tilespmem:$0x1F4A0] =	vst v63  }
0x111: {  	_ =	swait.ge [sflag:s30], $0x2800  }
0x112: {  	[sflag:s30] =	ssyncset.done $0x0  }
0x113: {  	s4 =	rddreg [dreg:$0x11];
	[sflag:s30] =	ssyncadd.s32 $0xFFFFD800  }
0x114: {  	[spmem:s3] =	stream.indirect.scatter.add.f32 [tilespmem:s22], [sflag:$0x6], $0x80, s4, s20, $0xb8;
	[tilespmem:$0x1F4A0] =	vst v63  }
0x115: {  	v63 =	vld [tilespmem:$0x960];
	_ =	sdelay $0x7  }
0x116: {  	[tilespmem:v63+s24+$0x0] =	vst.idx.add.f32.msk $0xffff, v41  }
0x117: {  	v42 =	vld [tilespmem:$0x970];
	_ =	sdelay $0x7  }
0x118: {  	[tilespmem:v42+s24+$0x0] =	vst.idx.add.f32.msk $0xffff, v41  }
0x119: {  	v42 =	vld [tilespmem:$0x980];
	_ =	sdelay $0x7  }
0x11a: {  	[tilespmem:v42+s24+$0x0] =	vst.idx.add.f32.msk $0xffff, v41  }
0x11b: {  	v42 =	vld [tilespmem:$0x990];
	_ =	sdelay $0x7  }
0x11c: {  	[tilespmem:v42+s24+$0x0] =	vst.idx.add.f32.msk $0xffff, v41  }
0x11d: {  	v42 =	vld [tilespmem:$0x9A0];
	_ =	sdelay $0x7  }
0x11e: {  	[tilespmem:v42+s24+$0x0] =	vst.idx.add.f32.msk $0xffff, v41  }
0x11f: {  	_ =	swait.ge [sflag:s31], $0x2800  }
0x120: {  	[sflag:s31] =	ssyncset.done $0x0  }
0x121: {  	s4 =	rddreg [dreg:$0x12];
	[sflag:s31] =	ssyncadd.s32 $0xFFFFD800  }
0x122: {  	[tilespmem:s22], [sflag:$0x3] =	stream.indirect.gather [hbm4b:s2+s20], $0x80, s4, s20, $0xb8;
	[tilespmem:$0x1F4A0] =	vst v63  }
0x123: {  	_ =	swait.ge [sflag:s23], $0x2800  }
0x124: {  	[sflag:s23] =	ssyncset.done $0x0  }
0x125: {  	s4 =	rddreg [dreg:$0x13];
	[sflag:s23] =	ssyncadd.s32 $0xFFFFD800  }
0x126: {  	[spmem:s3] =	stream.indirect.scatter.add.f32 [tilespmem:s17], [sflag:$0x4], $0x80, s4, s20, $0xb8;
	[tilespmem:$0x1F4A0] =	vst v63  }
0x127: {  	v45 =	vld [tilespmem:$0x9B0];
	_ =	sdelay $0x7  }
0x128: {  	[tilespmem:v45+s24+$0x0] =	vst.idx.add.f32.msk $0xffff, v41  }
0x129: {  	v42 =	vld [tilespmem:$0x9C0];
	_ =	sdelay $0x7  }
0x12a: {  	[tilespmem:v42+s24+$0x0] =	vst.idx.add.f32.msk $0xffff, v41  }
0x12b: {  	v42 =	vld [tilespmem:$0x9D0];
	_ =	sdelay $0x7  }
0x12c: {  	[tilespmem:v42+s24+$0x0] =	vst.idx.add.f32.msk $0xffff, v41  }
0x12d: {  	v42 =	vld [tilespmem:$0x9E0];
	_ =	sdelay $0x7  }
0x12e: {  	[tilespmem:v42+s24+$0x0] =	vst.idx.add.f32.msk $0xffff, v41  }
0x12f: {  	v42 =	vld [tilespmem:$0x9F0];
	_ =	sdelay $0x7  }
0x130: {  	[tilespmem:v42+s24+$0x0] =	vst.idx.add.f32.msk $0xffff, v41  }
0x131: {  	_ =	swait.ge [sflag:s26], $0x2800  }
0x132: {  	[sflag:s26] =	ssyncset.done $0x0  }
0x133: {  	s4 =	rddreg [dreg:$0x14];
	[sflag:s26] =	ssyncadd.s32 $0xFFFFD800  }
0x134: {  	[tilespmem:s17], [sflag:$0x1] =	stream.indirect.gather [hbm4b:s2+s20], $0x80, s4, s20, $0xb8;
	[tilespmem:$0x1F4A0] =	vst v63  }
0x135: {  	_ =	swait.ge [sflag:s28], $0x2800  }
0x136: {  	[sflag:s28] =	ssyncset.done $0x0  }
0x137: {  	s4 =	rddreg [dreg:$0x15];
	[sflag:s28] =	ssyncadd.s32 $0xFFFFD800  }
0x138: {  	[spmem:s3] =	stream.indirect.scatter.add.f32 [tilespmem:s21], [sflag:$0x5], $0x80, s4, s20, $0xb8;
	[tilespmem:$0x1F4A0] =	vst v63  }
0x139: {  	v46 =	vld [tilespmem:$0xA00];
	_ =	sdelay $0x7  }
0x13a: {  	[tilespmem:v46+s24+$0x0] =	vst.idx.add.f32.msk $0xffff, v41  }
0x13b: {  	v42 =	vld [tilespmem:$0xA10];
	_ =	sdelay $0x7  }
0x13c: {  	[tilespmem:v42+s24+$0x0] =	vst.idx.add.f32.msk $0xffff, v41  }
0x13d: {  	v42 =	vld [tilespmem:$0xA20];
	_ =	sdelay $0x7  }
0x13e: {  	[tilespmem:v42+s24+$0x0] =	vst.idx.add.f32.msk $0xffff, v41  }
0x13f: {  	v42 =	vld [tilespmem:$0xA30];
	_ =	sdelay $0x7  }
0x140: {  	[tilespmem:v42+s24+$0x0] =	vst.idx.add.f32.msk $0xffff, v41  }
0x141: {  	v42 =	vld [tilespmem:$0xA40];
	_ =	sdelay $0x7  }
0x142: {  	[tilespmem:v42+s24+$0x0] =	vst.idx.add.f32.msk $0xffff, v41  }
0x143: {  	_ =	swait.ge [sflag:s29], $0x2800  }
0x144: {  	[sflag:s29] =	ssyncset.done $0x0  }
0x145: {  	s4 =	rddreg [dreg:$0x16];
	[sflag:s29] =	ssyncadd.s32 $0xFFFFD800  }
0x146: {  	[tilespmem:s21], [sflag:$0x2] =	stream.indirect.gather [hbm4b:s2+s20], $0x80, s4, s20, $0xb8;
	[tilespmem:$0x1F4A0] =	vst v63  }
0x147: {  	_ =	swait.ge [sflag:s30], $0x2800  }
0x148: {  	[sflag:s30] =	ssyncset.done $0x0  }
0x149: {  	s4 =	rddreg [dreg:$0x17];
	[sflag:s30] =	ssyncadd.s32 $0xFFFFD800  }
0x14a: {  	[spmem:s3] =	stream.indirect.scatter.add.f32 [tilespmem:s22], [sflag:$0x6], $0x80, s4, s20, $0xb8;
	[tilespmem:$0x1F4A0] =	vst v63  }
0x14b: {  	v47 =	vld [tilespmem:$0xA50];
	_ =	sdelay $0x7  }
0x14c: {  	[tilespmem:v47+s24+$0x0] =	vst.idx.add.f32.msk $0xffff, v41  }
0x14d: {  	v42 =	vld [tilespmem:$0xA60];
	_ =	sdelay $0x7  }
0x14e: {  	[tilespmem:v42+s24+$0x0] =	vst.idx.add.f32.msk $0xffff, v41  }
0x14f: {  	v42 =	vld [tilespmem:$0xA70];
	_ =	sdelay $0x7  }
0x150: {  	[tilespmem:v42+s24+$0x0] =	vst.idx.add.f32.msk $0xffff, v41  }
0x151: {  	v42 =	vld [tilespmem:$0xA80];
	_ =	sdelay $0x7  }
0x152: {  	[tilespmem:v42+s24+$0x0] =	vst.idx.add.f32.msk $0xffff, v41  }
0x153: {  	v42 =	vld [tilespmem:$0xA90];
	_ =	sdelay $0x7  }
0x154: {  	[tilespmem:v42+s24+$0x0] =	vst.idx.add.f32.msk $0xffff, v41  }
0x155: {  	_ =	swait.ge [sflag:s31], $0x2800  }
0x156: {  	[sflag:s31] =	ssyncset.done $0x0  }
0x157: {  	s4 =	rddreg [dreg:$0x18];
	[sflag:s31] =	ssyncadd.s32 $0xFFFFD800  }
0x158: {  	[tilespmem:s22], [sflag:$0x3] =	stream.indirect.gather [hbm4b:s2+s20], $0x80, s4, s20, $0xb8;
	[tilespmem:$0x1F4A0] =	vst v63  }
0x159: {  	_ =	swait.ge [sflag:s23], $0x2800  }
0x15a: {  	[sflag:s23] =	ssyncset.done $0x0  }
0x15b: {  	s4 =	rddreg [dreg:$0x19];
	[sflag:s23] =	ssyncadd.s32 $0xFFFFD800  }
0x15c: {  	[spmem:s3] =	stream.indirect.scatter.add.f32 [tilespmem:s17], [sflag:$0x4], $0x80, s4, s20, $0xb8;
	[tilespmem:$0x1F4A0] =	vst v63  }
0x15d: {  	v48 =	vld [tilespmem:$0xAA0];
	_ =	sdelay $0x7  }
0x15e: {  	[tilespmem:v48+s24+$0x0] =	vst.idx.add.f32.msk $0xffff, v41  }
0x15f: {  	v42 =	vld [tilespmem:$0xAB0];
	_ =	sdelay $0x7  }
0x160: {  	[tilespmem:v42+s24+$0x0] =	vst.idx.add.f32.msk $0xffff, v41  }
0x161: {  	v42 =	vld [tilespmem:$0xAC0];
	_ =	sdelay $0x7  }
0x162: {  	[tilespmem:v42+s24+$0x0] =	vst.idx.add.f32.msk $0xffff, v41  }
0x163: {  	v42 =	vld [tilespmem:$0xAD0];
	_ =	sdelay $0x7  }
0x164: {  	[tilespmem:v42+s24+$0x0] =	vst.idx.add.f32.msk $0xffff, v41  }
0x165: {  	v42 =	vld [tilespmem:$0xAE0];
	_ =	sdelay $0x7  }
0x166: {  	[tilespmem:v42+s24+$0x0] =	vst.idx.add.f32.msk $0xffff, v41  }
0x167: {  	_ =	swait.ge [sflag:s26], $0x2800  }
0x168: {  	[sflag:s26] =	ssyncset.done $0x0  }
0x169: {  	s4 =	rddreg [dreg:$0x1a];
	[sflag:s26] =	ssyncadd.s32 $0xFFFFD800  }
0x16a: {  	[tilespmem:s17], [sflag:$0x1] =	stream.indirect.gather [hbm4b:s2+s20], $0x80, s4, s20, $0xb8;
	[tilespmem:$0x1F4A0] =	vst v63  }
0x16b: {  	_ =	swait.ge [sflag:s28], $0x2800  }
0x16c: {  	[sflag:s28] =	ssyncset.done $0x0  }
0x16d: {  	s4 =	rddreg [dreg:$0x1b];
	[sflag:s28] =	ssyncadd.s32 $0xFFFFD800  }
0x16e: {  	[spmem:s3] =	stream.indirect.scatter.add.f32 [tilespmem:s21], [sflag:$0x5], $0x80, s4, s20, $0xb8;
	[tilespmem:$0x1F4A0] =	vst v63  }
0x16f: {  	v49 =	vld [tilespmem:$0xAF0];
	_ =	sdelay $0x7  }
0x170: {  	[tilespmem:v49+s24+$0x0] =	vst.idx.add.f32.msk $0xffff, v41  }
0x171: {  	v42 =	vld [tilespmem:$0xB00];
	_ =	sdelay $0x7  }
0x172: {  	[tilespmem:v42+s24+$0x0] =	vst.idx.add.f32.msk $0xffff, v41  }
0x173: {  	v42 =	vld [tilespmem:$0xB10];
	_ =	sdelay $0x7  }
0x174: {  	[tilespmem:v42+s24+$0x0] =	vst.idx.add.f32.msk $0xffff, v41  }
0x175: {  	v42 =	vld [tilespmem:$0xB20];
	_ =	sdelay $0x7  }
0x176: {  	[tilespmem:v42+s24+$0x0] =	vst.idx.add.f32.msk $0xffff, v41  }
0x177: {  	v42 =	vld [tilespmem:$0xB30];
	_ =	sdelay $0x7  }
0x178: {  	[tilespmem:v42+s24+$0x0] =	vst.idx.add.f32.msk $0xffff, v41  }
0x179: {  	_ =	swait.ge [sflag:s29], $0x2800  }
0x17a: {  	[sflag:s29] =	ssyncset.done $0x0  }
0x17b: {  	s4 =	rddreg [dreg:$0x1c];
	[sflag:s29] =	ssyncadd.s32 $0xFFFFD800  }
0x17c: {  	[tilespmem:s21], [sflag:$0x2] =	stream.indirect.gather [hbm4b:s2+s20], $0x80, s4, s20, $0xb8;
	[tilespmem:$0x1F4A0] =	vst v63  }
0x17d: {  	_ =	swait.ge [sflag:s30], $0x2800  }
0x17e: {  	[sflag:s30] =	ssyncset.done $0x0  }
0x17f: {  	s4 =	rddreg [dreg:$0x1d];
	[sflag:s30] =	ssyncadd.s32 $0xFFFFD800  }
0x180: {  	[spmem:s3] =	stream.indirect.scatter.add.f32 [tilespmem:s22], [sflag:$0x6], $0x80, s4, s20, $0xb8;
	[tilespmem:$0x1F4A0] =	vst v63  }
0x181: {  	v50 =	vld [tilespmem:$0xB40];
	_ =	sdelay $0x7  }
0x182: {  	[tilespmem:v50+s24+$0x0] =	vst.idx.add.f32.msk $0xffff, v41  }
0x183: {  	v42 =	vld [tilespmem:$0xB50];
	_ =	sdelay $0x7  }
0x184: {  	[tilespmem:v42+s24+$0x0] =	vst.idx.add.f32.msk $0xffff, v41  }
0x185: {  	v42 =	vld [tilespmem:$0xB60];
	_ =	sdelay $0x7  }
0x186: {  	[tilespmem:v42+s24+$0x0] =	vst.idx.add.f32.msk $0xffff, v41  }
0x187: {  	v42 =	vld [tilespmem:$0xB70];
	_ =	sdelay $0x7  }
0x188: {  	[tilespmem:v42+s24+$0x0] =	vst.idx.add.f32.msk $0xffff, v41  }
0x189: {  	v42 =	vld [tilespmem:$0xB80];
	_ =	sdelay $0x7  }
0x18a: {  	[tilespmem:v42+s24+$0x0] =	vst.idx.add.f32.msk $0xffff, v41  }
0x18b: {  	_ =	swait.ge [sflag:s31], $0x2800  }
0x18c: {  	[sflag:s31] =	ssyncset.done $0x0  }
0x18d: {  	s4 =	rddreg [dreg:$0x1e];
	[sflag:s31] =	ssyncadd.s32 $0xFFFFD800  }
0x18e: {  	[tilespmem:s22], [sflag:$0x3] =	stream.indirect.gather [hbm4b:s2+s20], $0x80, s4, s20, $0xb8;
	[tilespmem:$0x1F4A0] =	vst v63  }
0x18f: {  	_ =	swait.ge [sflag:s23], $0x2800  }
0x190: {  	[sflag:s23] =	ssyncset.done $0x0  }
0x191: {  	s4 =	rddreg [dreg:$0x1f];
	[sflag:s23] =	ssyncadd.s32 $0xFFFFD800  }
0x192: {  	[spmem:s3] =	stream.indirect.scatter.add.f32 [tilespmem:s17], [sflag:$0x4], $0x80, s4, s20, $0xb8;
	[tilespmem:$0x1F4A0] =	vst v63  }
0x193: {  	v51 =	vld [tilespmem:$0xB90];
	_ =	sdelay $0x7  }
0x194: {  	[tilespmem:v51+s24+$0x0] =	vst.idx.add.f32.msk $0xffff, v41  }
0x195: {  	v42 =	vld [tilespmem:$0xBA0];
	_ =	sdelay $0x7  }
0x196: {  	[tilespmem:v42+s24+$0x0] =	vst.idx.add.f32.msk $0xffff, v41  }
0x197: {  	v42 =	vld [tilespmem:$0xBB0];
	_ =	sdelay $0x7  }
0x198: {  	[tilespmem:v42+s24+$0x0] =	vst.idx.add.f32.msk $0xffff, v41  }
0x199: {  	v42 =	vld [tilespmem:$0xBC0];
	_ =	sdelay $0x7  }
0x19a: {  	[tilespmem:v42+s24+$0x0] =	vst.idx.add.f32.msk $0xffff, v41  }
0x19b: {  	v42 =	vld [tilespmem:$0xBD0];
	_ =	sdelay $0x7  }
0x19c: {  	[tilespmem:v42+s24+$0x0] =	vst.idx.add.f32.msk $0xffff, v41  }
0x19d: {  	_ =	swait.ge [sflag:s26], $0x2800  }
0x19e: {  	s4 =	sld [smem:$0x7F1]  }
0x19f: {  	[sflag:s26] =	ssyncset.done $0x0  }
0x1a0: {  	[sflag:s26] =	ssyncadd.s32 $0xFFFFD800  }
0x1a1: {  	[tilespmem:s17], [sflag:$0x1] =	stream.indirect.gather [hbm4b:s2+s20], $0x80, s4, s20, $0xb8;
	[tilespmem:$0x1F4A0] =	vst v63  }
0x1a2: {  	_ =	swait.ge [sflag:s28], $0x2800  }
0x1a3: {  	s4 =	sld [smem:$0x7F2]  }
0x1a4: {  	[sflag:s28] =	ssyncset.done $0x0  }
0x1a5: {  	[sflag:s28] =	ssyncadd.s32 $0xFFFFD800  }
0x1a6: {  	[spmem:s3] =	stream.indirect.scatter.add.f32 [tilespmem:s21], [sflag:$0x5], $0x80, s4, s20, $0xb8;
	[tilespmem:$0x1F4A0] =	vst v63  }
0x1a7: {  	v52 =	vld [tilespmem:$0xBE0];
	_ =	sdelay $0x7  }
0x1a8: {  	[tilespmem:v52+s24+$0x0] =	vst.idx.add.f32.msk $0xffff, v41  }
0x1a9: {  	v42 =	vld [tilespmem:$0xBF0];
	_ =	sdelay $0x7  }
0x1aa: {  	[tilespmem:v42+s24+$0x0] =	vst.idx.add.f32.msk $0xffff, v41  }
0x1ab: {  	v42 =	vld [tilespmem:$0xC00];
	_ =	sdelay $0x7  }
0x1ac: {  	[tilespmem:v42+s24+$0x0] =	vst.idx.add.f32.msk $0xffff, v41  }
0x1ad: {  	v42 =	vld [tilespmem:$0xC10];
	_ =	sdelay $0x7  }
0x1ae: {  	[tilespmem:v42+s24+$0x0] =	vst.idx.add.f32.msk $0xffff, v41  }
0x1af: {  	v42 =	vld [tilespmem:$0xC20];
	_ =	sdelay $0x7  }
0x1b0: {  	[tilespmem:v42+s24+$0x0] =	vst.idx.add.f32.msk $0xffff, v41  }
0x1b1: {  	_ =	swait.ge [sflag:s29], $0x2800  }
0x1b2: {  	s4 =	sld [smem:$0x7F4]  }
0x1b3: {  	[sflag:s29] =	ssyncset.done $0x0  }
0x1b4: {  	[sflag:s29] =	ssyncadd.s32 $0xFFFFD800  }
0x1b5: {  	[tilespmem:s21], [sflag:$0x2] =	stream.indirect.gather [hbm4b:s2+s20], $0x80, s4, s20, $0xb8;
	[tilespmem:$0x1F4A0] =	vst v63  }
0x1b6: {  	_ =	swait.ge [sflag:s30], $0x2800  }
0x1b7: {  	s4 =	sld [smem:$0x7F5]  }
0x1b8: {  	[sflag:s30] =	ssyncset.done $0x0  }
0x1b9: {  	[sflag:s30] =	ssyncadd.s32 $0xFFFFD800  }
0x1ba: {  	[spmem:s3] =	stream.indirect.scatter.add.f32 [tilespmem:s22], [sflag:$0x6], $0x80, s4, s20, $0xb8;
	[tilespmem:$0x1F4A0] =	vst v63  }
0x1bb: {  	v53 =	vld [tilespmem:$0xC30];
	_ =	sdelay $0x7  }
0x1bc: {  	[tilespmem:v53+s24+$0x0] =	vst.idx.add.f32.msk $0xffff, v41  }
0x1bd: {  	v42 =	vld [tilespmem:$0xC40];
	_ =	sdelay $0x7  }
0x1be: {  	[tilespmem:v42+s24+$0x0] =	vst.idx.add.f32.msk $0xffff, v41  }
0x1bf: {  	v42 =	vld [tilespmem:$0xC50];
	_ =	sdelay $0x7  }
0x1c0: {  	[tilespmem:v42+s24+$0x0] =	vst.idx.add.f32.msk $0xffff, v41  }
0x1c1: {  	v42 =	vld [tilespmem:$0xC60];
	_ =	sdelay $0x7  }
0x1c2: {  	[tilespmem:v42+s24+$0x0] =	vst.idx.add.f32.msk $0xffff, v41  }
0x1c3: {  	v42 =	vld [tilespmem:$0xC70];
	_ =	sdelay $0x7  }
0x1c4: {  	[tilespmem:v42+s24+$0x0] =	vst.idx.add.f32.msk $0xffff, v41  }
0x1c5: {  	_ =	swait.ge [sflag:s31], $0x2800  }
0x1c6: {  	s4 =	sld [smem:$0x7F6]  }
0x1c7: {  	[sflag:s31] =	ssyncset.done $0x0  }
0x1c8: {  	[sflag:s31] =	ssyncadd.s32 $0xFFFFD800  }
0x1c9: {  	[tilespmem:s22], [sflag:$0x3] =	stream.indirect.gather [hbm4b:s2+s20], $0x80, s4, s20, $0xb8;
	[tilespmem:$0x1F4A0] =	vst v63  }
0x1ca: {  	_ =	swait.ge [sflag:s23], $0x2800  }
0x1cb: {  	s4 =	sld [smem:$0x7F7]  }
0x1cc: {  	[sflag:s23] =	ssyncset.done $0x0  }
0x1cd: {  	[sflag:s23] =	ssyncadd.s32 $0xFFFFD800  }
0x1ce: {  	[spmem:s3] =	stream.indirect.scatter.add.f32 [tilespmem:s17], [sflag:$0x4], $0x80, s4, s20, $0xb8;
	[tilespmem:$0x1F4A0] =	vst v63  }
0x1cf: {  	v54 =	vld [tilespmem:$0xC80];
	_ =	sdelay $0x7  }
0x1d0: {  	[tilespmem:v54+s24+$0x0] =	vst.idx.add.f32.msk $0xffff, v41  }
0x1d1: {  	v42 =	vld [tilespmem:$0xC90];
	_ =	sdelay $0x7  }
0x1d2: {  	[tilespmem:v42+s24+$0x0] =	vst.idx.add.f32.msk $0xffff, v41  }
0x1d3: {  	v42 =	vld [tilespmem:$0xCA0];
	_ =	sdelay $0x7  }
0x1d4: {  	[tilespmem:v42+s24+$0x0] =	vst.idx.add.f32.msk $0xffff, v41  }
0x1d5: {  	v42 =	vld [tilespmem:$0xCB0];
	_ =	sdelay $0x7  }
0x1d6: {  	[tilespmem:v42+s24+$0x0] =	vst.idx.add.f32.msk $0xffff, v41  }
0x1d7: {  	v42 =	vld [tilespmem:$0xCC0];
	_ =	sdelay $0x7  }
0x1d8: {  	[tilespmem:v42+s24+$0x0] =	vst.idx.add.f32.msk $0xffff, v41  }
0x1d9: {  	_ =	swait.ge [sflag:s26], $0x2800  }
0x1da: {  	s4 =	sld [smem:$0x7F8]  }
0x1db: {  	[sflag:s26] =	ssyncset.done $0x0  }
0x1dc: {  	[sflag:s26] =	ssyncadd.s32 $0xFFFFD800  }
0x1dd: {  	[tilespmem:s17], [sflag:$0x1] =	stream.indirect.gather [hbm4b:s2+s20], $0x80, s4, s20, $0xb8;
	[tilespmem:$0x1F4A0] =	vst v63  }
0x1de: {  	_ =	swait.ge [sflag:s28], $0x2800  }
0x1df: {  	s4 =	sld [smem:$0x7F9]  }
0x1e0: {  	[sflag:s28] =	ssyncset.done $0x0  }
0x1e1: {  	[sflag:s28] =	ssyncadd.s32 $0xFFFFD800  }
0x1e2: {  	[spmem:s3] =	stream.indirect.scatter.add.f32 [tilespmem:s21], [sflag:$0x5], $0x80, s4, s20, $0xb8;
	[tilespmem:$0x1F4A0] =	vst v63  }
0x1e3: {  	v55 =	vld [tilespmem:$0xCD0];
	_ =	sdelay $0x7  }
0x1e4: {  	[tilespmem:v55+s24+$0x0] =	vst.idx.add.f32.msk $0xffff, v41  }
0x1e5: {  	v42 =	vld [tilespmem:$0xCE0];
	_ =	sdelay $0x7  }
0x1e6: {  	[tilespmem:v42+s24+$0x0] =	vst.idx.add.f32.msk $0xffff, v41  }
0x1e7: {  	v42 =	vld [tilespmem:$0xCF0];
	_ =	sdelay $0x7  }
0x1e8: {  	[tilespmem:v42+s24+$0x0] =	vst.idx.add.f32.msk $0xffff, v41  }
0x1e9: {  	v42 =	vld [tilespmem:$0xD00];
	_ =	sdelay $0x7  }
0x1ea: {  	[tilespmem:v42+s24+$0x0] =	vst.idx.add.f32.msk $0xffff, v41  }
0x1eb: {  	v42 =	vld [tilespmem:$0xD10];
	_ =	sdelay $0x7  }
0x1ec: {  	[tilespmem:v42+s24+$0x0] =	vst.idx.add.f32.msk $0xffff, v41  }
0x1ed: {  	_ =	swait.ge [sflag:s29], $0x2800  }
0x1ee: {  	s4 =	sld [smem:$0x7FA]  }
0x1ef: {  	[sflag:s29] =	ssyncset.done $0x0  }
0x1f0: {  	[sflag:s29] =	ssyncadd.s32 $0xFFFFD800  }
0x1f1: {  	[tilespmem:s21], [sflag:$0x2] =	stream.indirect.gather [hbm4b:s2+s20], $0x80, s4, s20, $0xb8;
	[tilespmem:$0x1F4A0] =	vst v63  }
0x1f2: {  	_ =	swait.ge [sflag:s30], $0x2800  }
0x1f3: {  	s4 =	sld [smem:$0x7FB]  }
0x1f4: {  	[sflag:s30] =	ssyncset.done $0x0  }
0x1f5: {  	[sflag:s30] =	ssyncadd.s32 $0xFFFFD800  }
0x1f6: {  	[spmem:s3] =	stream.indirect.scatter.add.f32 [tilespmem:s22], [sflag:$0x6], $0x80, s4, s20, $0xb8;
	[tilespmem:$0x1F4A0] =	vst v63  }
0x1f7: {  	v56 =	vld [tilespmem:$0xD20];
	_ =	sdelay $0x7  }
0x1f8: {  	[tilespmem:v56+s24+$0x0] =	vst.idx.add.f32.msk $0xffff, v41  }
0x1f9: {  	v42 =	vld [tilespmem:$0xD30];
	_ =	sdelay $0x7  }
0x1fa: {  	[tilespmem:v42+s24+$0x0] =	vst.idx.add.f32.msk $0xffff, v41  }
0x1fb: {  	v42 =	vld [tilespmem:$0xD40];
	_ =	sdelay $0x7  }
0x1fc: {  	[tilespmem:v42+s24+$0x0] =	vst.idx.add.f32.msk $0xffff, v41  }
0x1fd: {  	v42 =	vld [tilespmem:$0xD50];
	_ =	sdelay $0x7  }
0x1fe: {  	[tilespmem:v42+s24+$0x0] =	vst.idx.add.f32.msk $0xffff, v41  }
0x1ff: {  	v42 =	vld [tilespmem:$0xD60];
	_ =	sdelay $0x7  }
0x200: {  	[tilespmem:v42+s24+$0x0] =	vst.idx.add.f32.msk $0xffff, v41  }
0x201: {  	_ =	swait.ge [sflag:s31], $0x2800  }
0x202: {  	s4 =	sld [smem:$0x7FC]  }
0x203: {  	[sflag:s31] =	ssyncset.done $0x0  }
0x204: {  	[sflag:s31] =	ssyncadd.s32 $0xFFFFD800  }
0x205: {  	[tilespmem:s22], [sflag:$0x3] =	stream.indirect.gather [hbm4b:s2+s20], $0x80, s4, s20, $0xb8;
	[tilespmem:$0x1F4A0] =	vst v63  }
0x206: {  	_ =	swait.ge [sflag:s23], $0x2800  }
0x207: {  	[sflag:s23] =	ssyncset.done $0x0  }
0x208: {  	[sflag:s23] =	ssyncadd.s32 $0xFFFFD800  }
0x209: {  	[spmem:s3] =	stream.indirect.scatter.add.f32 [tilespmem:s17], [sflag:$0x4], $0x80, s1, s20, $0xb8;
	[tilespmem:$0x1F4A0] =	vst v63  }
0x20a: {  	v57 =	vld [tilespmem:$0xD70];
	_ =	sdelay $0x7  }
0x20b: {  	[tilespmem:v57+s24+$0x0] =	vst.idx.add.f32.msk $0xffff, v41  }
0x20c: {  	v42 =	vld [tilespmem:$0xD80];
	_ =	sdelay $0x7  }
0x20d: {  	[tilespmem:v42+s24+$0x0] =	vst.idx.add.f32.msk $0xffff, v41  }
0x20e: {  	v42 =	vld [tilespmem:$0xD90];
	_ =	sdelay $0x7  }
0x20f: {  	[tilespmem:v42+s24+$0x0] =	vst.idx.add.f32.msk $0xffff, v41  }
0x210: {  	v42 =	vld [tilespmem:$0xDA0];
	_ =	sdelay $0x7  }
0x211: {  	[tilespmem:v42+s24+$0x0] =	vst.idx.add.f32.msk $0xffff, v41  }
0x212: {  	v42 =	vld [tilespmem:$0xDB0];
	_ =	sdelay $0x7  }
0x213: {  	[tilespmem:v42+s24+$0x0] =	vst.idx.add.f32.msk $0xffff, v41  }
0x214: {  	_ =	swait.ge [sflag:s26], $0x2800  }
0x215: {  	[sflag:s26] =	ssyncset.done $0x0  }
0x216: {  	[sflag:s26] =	ssyncadd.s32 $0xFFFFD800  }
0x217: {  	[tilespmem:s17], [sflag:$0x1] =	stream.indirect.gather [hbm4b:s2+s20], $0x80, s0, s20, $0xb8;
	[tilespmem:$0x1F4A0] =	vst v63  }
0x218: {  	_ =	swait.ge [sflag:s28], $0x2800  }
0x219: {  	[sflag:s28] =	ssyncset.done $0x0  }
0x21a: {  	[sflag:s28] =	ssyncadd.s32 $0xFFFFD800  }
0x21b: {  	[spmem:s3] =	stream.indirect.scatter.add.f32 [tilespmem:s21], [sflag:$0x5], $0x80, s7, s20, $0xb8;
	[tilespmem:$0x1F4A0] =	vst v63  }
0x21c: {  	v58 =	vld [tilespmem:$0xDC0];
	_ =	sdelay $0x7  }
0x21d: {  	[tilespmem:v58+s24+$0x0] =	vst.idx.add.f32.msk $0xffff, v41  }
0x21e: {  	v42 =	vld [tilespmem:$0xDD0];
	_ =	sdelay $0x7  }
0x21f: {  	[tilespmem:v42+s24+$0x0] =	vst.idx.add.f32.msk $0xffff, v41  }
0x220: {  	v42 =	vld [tilespmem:$0xDE0];
	_ =	sdelay $0x7  }
0x221: {  	[tilespmem:v42+s24+$0x0] =	vst.idx.add.f32.msk $0xffff, v41  }
0x222: {  	v42 =	vld [tilespmem:$0xDF0];
	_ =	sdelay $0x7  }
0x223: {  	[tilespmem:v42+s24+$0x0] =	vst.idx.add.f32.msk $0xffff, v41  }
0x224: {  	v42 =	vld [tilespmem:$0xE00];
	_ =	sdelay $0x7  }
0x225: {  	[tilespmem:v42+s24+$0x0] =	vst.idx.add.f32.msk $0xffff, v41  }
0x226: {  	_ =	swait.ge [sflag:s29], $0x2800  }
0x227: {  	[sflag:s29] =	ssyncset.done $0x0  }
0x228: {  	[sflag:s29] =	ssyncadd.s32 $0xFFFFD800  }
0x229: {  	[tilespmem:s21], [sflag:$0x2] =	stream.indirect.gather [hbm4b:s2+s20], $0x80, s8, s20, $0xb8;
	[tilespmem:$0x1F4A0] =	vst v63  }
0x22a: {  	_ =	swait.ge [sflag:s30], $0x2800  }
0x22b: {  	[sflag:s30] =	ssyncset.done $0x0  }
0x22c: {  	[sflag:s30] =	ssyncadd.s32 $0xFFFFD800  }
0x22d: {  	[spmem:s3] =	stream.indirect.scatter.add.f32 [tilespmem:s22], [sflag:$0x6], $0x80, s9, s20, $0xb8;
	[tilespmem:$0x1F4A0] =	vst v63  }
0x22e: {  	v59 =	vld [tilespmem:$0xE10];
	_ =	sdelay $0x7  }
0x22f: {  	[tilespmem:v59+s24+$0x0] =	vst.idx.add.f32.msk $0xffff, v41  }
0x230: {  	v42 =	vld [tilespmem:$0xE20];
	_ =	sdelay $0x7  }
0x231: {  	[tilespmem:v42+s24+$0x0] =	vst.idx.add.f32.msk $0xffff, v41  }
0x232: {  	v42 =	vld [tilespmem:$0xE30];
	_ =	sdelay $0x7  }
0x233: {  	[tilespmem:v42+s24+$0x0] =	vst.idx.add.f32.msk $0xffff, v41  }
0x234: {  	v42 =	vld [tilespmem:$0xE40];
	_ =	sdelay $0x7  }
0x235: {  	[tilespmem:v42+s24+$0x0] =	vst.idx.add.f32.msk $0xffff, v41  }
0x236: {  	v42 =	vld [tilespmem:$0xE50];
	_ =	sdelay $0x7  }
0x237: {  	[tilespmem:v42+s24+$0x0] =	vst.idx.add.f32.msk $0xffff, v41  }
0x238: {  	_ =	swait.ge [sflag:s31], $0x2800  }
0x239: {  	[sflag:s31] =	ssyncset.done $0x0  }
0x23a: {  	[sflag:s31] =	ssyncadd.s32 $0xFFFFD800  }
0x23b: {  	[tilespmem:s22], [sflag:$0x3] =	stream.indirect.gather [hbm4b:s2+s20], $0x80, s10, s20, $0xb8;
	[tilespmem:$0x1F4A0] =	vst v63  }
0x23c: {  	_ =	swait.ge [sflag:s23], $0x2800  }
0x23d: {  	[sflag:s23] =	ssyncset.done $0x0  }
0x23e: {  	[sflag:s23] =	ssyncadd.s32 $0xFFFFD800  }
0x23f: {  	[spmem:s3] =	stream.indirect.scatter.add.f32 [tilespmem:s17], [sflag:$0x4], $0x80, s11, s20, $0xb8;
	[tilespmem:$0x1F4A0] =	vst v63  }
0x240: {  	v60 =	vld [tilespmem:$0xE60];
	_ =	sdelay $0x7  }
0x241: {  	[tilespmem:v60+s24+$0x0] =	vst.idx.add.f32.msk $0xffff, v41  }
0x242: {  	v42 =	vld [tilespmem:$0xE70];
	_ =	sdelay $0x7  }
0x243: {  	[tilespmem:v42+s24+$0x0] =	vst.idx.add.f32.msk $0xffff, v41  }
0x244: {  	v42 =	vld [tilespmem:$0xE80];
	_ =	sdelay $0x7  }
0x245: {  	[tilespmem:v42+s24+$0x0] =	vst.idx.add.f32.msk $0xffff, v41  }
0x246: {  	v42 =	vld [tilespmem:$0xE90];
	_ =	sdelay $0x7  }
0x247: {  	[tilespmem:v42+s24+$0x0] =	vst.idx.add.f32.msk $0xffff, v41  }
0x248: {  	v42 =	vld [tilespmem:$0xEA0];
	_ =	sdelay $0x7  }
0x249: {  	[tilespmem:v42+s24+$0x0] =	vst.idx.add.f32.msk $0xffff, v41  }
0x24a: {  	_ =	swait.ge [sflag:s26], $0x2800  }
0x24b: {  	[sflag:s26] =	ssyncset.done $0x0  }
0x24c: {  	[sflag:s26] =	ssyncadd.s32 $0xFFFFD800  }
0x24d: {  	[tilespmem:s17], [sflag:$0x1] =	stream.indirect.gather [hbm4b:s2+s20], $0x80, s12, s20, $0xb8;
	[tilespmem:$0x1F4A0] =	vst v63  }
0x24e: {  	_ =	swait.ge [sflag:s28], $0x2800  }
0x24f: {  	[sflag:s28] =	ssyncset.done $0x0  }
0x250: {  	[sflag:s28] =	ssyncadd.s32 $0xFFFFD800  }
0x251: {  	[spmem:s3] =	stream.indirect.scatter.add.f32 [tilespmem:s21], [sflag:$0x5], $0x80, s13, s20, $0xb8;
	[tilespmem:$0x1F4A0] =	vst v63  }
0x252: {  	v61 =	vld [tilespmem:$0xEB0];
	_ =	sdelay $0x7  }
0x253: {  	[tilespmem:v61+s24+$0x0] =	vst.idx.add.f32.msk $0xffff, v41  }
0x254: {  	v42 =	vld [tilespmem:$0xEC0];
	_ =	sdelay $0x7  }
0x255: {  	[tilespmem:v42+s24+$0x0] =	vst.idx.add.f32.msk $0xffff, v41  }
0x256: {  	v42 =	vld [tilespmem:$0xED0];
	_ =	sdelay $0x7  }
0x257: {  	[tilespmem:v42+s24+$0x0] =	vst.idx.add.f32.msk $0xffff, v41  }
0x258: {  	v42 =	vld [tilespmem:$0xEE0];
	_ =	sdelay $0x7  }
0x259: {  	[tilespmem:v42+s24+$0x0] =	vst.idx.add.f32.msk $0xffff, v41  }
0x25a: {  	v42 =	vld [tilespmem:$0xEF0];
	_ =	sdelay $0x7  }
0x25b: {  	[tilespmem:v42+s24+$0x0] =	vst.idx.add.f32.msk $0xffff, v41  }
0x25c: {  	_ =	swait.ge [sflag:s30], $0x2800  }
0x25d: {  	[sflag:s30] =	ssyncset.done $0x0  }
0x25e: {  	[sflag:s30] =	ssyncadd.s32 $0xFFFFD800  }
0x25f: {  	[spmem:s3] =	stream.indirect.scatter.add.f32 [tilespmem:s22], [sflag:$0x6], $0x80, s14, s20, $0xb8;
	[tilespmem:$0x1F4A0] =	vst v63  }
0x260: {  	v62 =	vld [tilespmem:$0xF00];
	_ =	sdelay $0x7  }
0x261: {  	[tilespmem:v62+s24+$0x0] =	vst.idx.add.f32.msk $0xffff, v41  }
0x262: {  	v42 =	vld [tilespmem:$0xF10];
	_ =	sdelay $0x7  }
0x263: {  	[tilespmem:v42+s24+$0x0] =	vst.idx.add.f32.msk $0xffff, v41  }
0x264: {  	v42 =	vld [tilespmem:$0xF20];
	_ =	sdelay $0x7  }
0x265: {  	[tilespmem:v42+s24+$0x0] =	vst.idx.add.f32.msk $0xffff, v41  }
0x266: {  	v42 =	vld [tilespmem:$0xF30];
	_ =	sdelay $0x7  }
0x267: {  	[tilespmem:v42+s24+$0x0] =	vst.idx.add.f32.msk $0xffff, v41  }
0x268: {  	v42 =	vld [tilespmem:$0xF40];
	_ =	sdelay $0x7  }
0x269: {  	[tilespmem:v42+s24+$0x0] =	vst.idx.add.f32.msk $0xffff, v41  }
0x26a: {  	_ =	swait.ge [sflag:s23], $0x2800  }
0x26b: {  	[sflag:s23] =	ssyncset.done $0x0  }
0x26c: {  	[sflag:s23] =	ssyncadd.s32 $0xFFFFD800  }
0x26d: {  	[spmem:s3] =	stream.indirect.scatter.add.f32 [tilespmem:s17], [sflag:$0x4], $0x80, s15, s20, $0xb8;
	[tilespmem:$0x1F4A0] =	vst v63  }
0x26e: {  	v63 =	vld [tilespmem:$0xF50];
	_ =	sdelay $0x7  }
0x26f: {  	[tilespmem:v63+s24+$0x0] =	vst.idx.add.f32.msk $0xffff, v41  }
0x270: {  	v42 =	vld [tilespmem:$0xF60];
	_ =	sdelay $0x7  }
0x271: {  	[tilespmem:v42+s24+$0x0] =	vst.idx.add.f32.msk $0xffff, v41  }
0x272: {  	v42 =	vld [tilespmem:$0xF70];
	_ =	sdelay $0x7  }
0x273: {  	[tilespmem:v42+s24+$0x0] =	vst.idx.add.f32.msk $0xffff, v41  }
0x274: {  	v42 =	vld [tilespmem:$0xF80];
	_ =	sdelay $0x7  }
0x275: {  	[tilespmem:v42+s24+$0x0] =	vst.idx.add.f32.msk $0xffff, v41  }
0x276: {  	v42 =	vld [tilespmem:$0xF90];
	_ =	sdelay $0x7  }
0x277: {  	[tilespmem:v42+s24+$0x0] =	vst.idx.add.f32.msk $0xffff, v41  }
0x278: {  	_ =	swait.ge [sflag:s26], $0x2800  }
0x279: {  	[sflag:s26] =	ssyncset.done $0x0  }
0x27a: {  	[sflag:s26] =	ssyncadd.s32 $0xFFFFD800  }
0x27b: {  	p1 =	sne.s32 s25, $0x3E8;
	_ =	swait.ge [sflag:s29], $0x2800  }
.Ltmp2:
0x27c: {  	[sflag:s29] =	ssyncset.done $0x0;
	(pc) =	sbr.rel @p1 .LBB2_6-.Ltmp2, $4  }
0x27d: {  	[sflag:s29] =	ssyncadd.s32 $0xFFFFD800  }
0x27e: {  	_ =	swait.ge [sflag:s31], $0x2800  }
0x27f: {  	[sflag:s31] =	ssyncset.done $0x0  }
0x280: {  	s25 =	sadd.s32 $0xFA, s25;
	[sflag:s31] =	ssyncadd.s32 $0xFFFFD800  }
0x281: {  	s4 =	rddreg [dreg:$0x3];
	s6 =	simm.s32 $0xAFA0  }
0x282: {  	[spmem:s4] =	stream.indirect.scatter.add.f32 [tilespmem:s24], [sflag:$0x7], $0x10, s6, s20, $0xb8;
	[tilespmem:$0x1F4A0] =	vst v63  }
0x283: {  	_ =	swait.ge [sflag:s18], $0x500  }
0x284: {  	[sflag:s18] =	ssyncset.done $0x0  }
0x285: {  	s25 =	simm.s32 $0x8CA0;
	s6 =	simm.s32 $0xAFF0;
	[sflag:s18] =	ssyncadd.s32 $0xFFFFFB00  }
0x286: {  	[spmem:s4] =	stream.indirect.scatter.add.f32 [tilespmem:s25], [sflag:$0x7], $0x10, s6, s20, $0xb8;
	[tilespmem:$0x1F4A0] =	vst v63  }
0x287: {  	_ =	swait.ge [sflag:s18], $0x500  }
0x288: {  	[sflag:s18] =	ssyncset.done $0x0  }
0x289: {  	s6 =	simm.s32 $0xB040;
	s25 =	simm.s32 $0x91A0;
	[sflag:s18] =	ssyncadd.s32 $0xFFFFFB00  }
0x28a: {  	[spmem:s4] =	stream.indirect.scatter.add.f32 [tilespmem:s25], [sflag:$0x7], $0x10, s6, s20, $0xb8;
	[tilespmem:$0x1F4A0] =	vst v63  }
0x28b: {  	_ =	swait.ge [sflag:s18], $0x500  }
0x28c: {  	[sflag:s18] =	ssyncset.done $0x0  }
0x28d: {  	s6 =	simm.s32 $0xB090;
	s25 =	simm.s32 $0x96A0;
	[sflag:s18] =	ssyncadd.s32 $0xFFFFFB00  }
0x28e: {  	[spmem:s4] =	stream.indirect.scatter.add.f32 [tilespmem:s25], [sflag:$0x7], $0x10, s6, s20, $0xb8;
	[tilespmem:$0x1F4A0] =	vst v63  }
0x28f: {  	_ =	swait.ge [sflag:s18], $0x500  }
0x290: {  	[sflag:s18] =	ssyncset.done $0x0  }
0x291: {  	s6 =	simm.s32 $0xB0E0;
	s25 =	simm.s32 $0x9BA0;
	[sflag:s18] =	ssyncadd.s32 $0xFFFFFB00  }
0x292: {  	[spmem:s4] =	stream.indirect.scatter.add.f32 [tilespmem:s25], [sflag:$0x7], $0x10, s6, s20, $0xb8;
	[tilespmem:$0x1F4A0] =	vst v63  }
0x293: {  	_ =	swait.ge [sflag:s18], $0x500  }
0x294: {  	[sflag:s18] =	ssyncset.done $0x0  }
0x295: {  	s6 =	simm.s32 $0xB130;
	s25 =	simm.s32 $0xA0A0;
	[sflag:s18] =	ssyncadd.s32 $0xFFFFFB00  }
0x296: {  	[spmem:s4] =	stream.indirect.scatter.add.f32 [tilespmem:s25], [sflag:$0x7], $0x10, s6, s20, $0xb8;
	[tilespmem:$0x1F4A0] =	vst v63  }
0x297: {  	_ =	swait.ge [sflag:s18], $0x500  }
0x298: {  	[sflag:s18] =	ssyncset.done $0x0  }
0x299: {  	s6 =	simm.s32 $0xB180;
	s25 =	simm.s32 $0xA5A0;
	[sflag:s18] =	ssyncadd.s32 $0xFFFFFB00  }
0x29a: {  	[spmem:s4] =	stream.indirect.scatter.add.f32 [tilespmem:s25], [sflag:$0x7], $0x10, s6, s20, $0xb8;
	[tilespmem:$0x1F4A0] =	vst v63  }
0x29b: {  	_ =	swait.ge [sflag:s18], $0x500  }
0x29c: {  	[sflag:s18] =	ssyncset.done $0x0  }
0x29d: {  	s6 =	simm.s32 $0xB1D0;
	s25 =	simm.s32 $0xAAA0;
	[sflag:s18] =	ssyncadd.s32 $0xFFFFFB00  }
0x29e: {  	[spmem:s4] =	stream.indirect.scatter.add.f32 [tilespmem:s25], [sflag:$0x7], $0x10, s6, s20, $0xb8;
	[tilespmem:$0x1F4A0] =	vst v63  }
0x29f: {  	_ =	swait.ge [sflag:s18], $0x500  }
0x2a0: {  	[sflag:s18] =	ssyncset.done $0x0  }
0x2a1: {  	[sflag:s18] =	ssyncadd.s32 $0xFFFFFB00  }
0x2a2: {  	[bflag:$0x0] =	sbarrier.arrive $0xFFFF  }
0x2a3: {  	s4 =	sld [smem:$0x7E7];
	_ =	sdelay $0x1  }
0x2a4: {  	s25 =	stileid.u32  }
0x2a5: {  	s6 =	sshll.u32 s25, $0x6;
	s25 =	sshrl.u32 s4, $0x3;
	s4 =	sld [smem:$0x7EF]  }
0x2a6: {  	_ = 	snop  }
0x2a7: {  	s6 =	sor.u32 $0x1C07, s6  }
0x2a8: {  	[hbm:s4], [sflag:s6] =	dma.local [spmem:s25], $0x2800  }
0x2a9: {  	_ =	swait.ge [sflag:s18], $0x2800  }
0x2aa: {  	s4 =	sld [smem:$0x7F0]  }
0x2ab: {  	s25 =	sld [smem:$0x7FD]  }
0x2ac: {  	[sflag:s18] =	ssyncset.done $0x0  }
0x2ad: {  	[sflag:s18] =	ssyncadd.s32 $0xFFFFD800  }
0x2ae: {  	[hbm:s4], [sflag:s6] =	dma.local [spmem:s25], $0x50  }
0x2af: {  	_ =	swait.ge [sflag:s18], $0x50  }
0x2b0: {  	s25 =	sld [smem:$0x7F3];
	_ =	sdelay $0x1  }
0x2b1: {  	s16 =	sadd.s32 $0x1, s16  }
0x2b2: {  	p1 =	sne.s32 s16, s25  }
.Ltmp3:
0x2b3: {  	_ = 	snop;
	(pc) =	sbr.rel @p1 .LBB2_1-.Ltmp3, $3  }
0x2b4: {  	_ =	sdelay $0x1  }
0x2b5: {  	[sflag:s18] =	ssyncset.done $0x0  }
0x2b6: {  	[sflag:s18] =	ssyncadd.s32 $0xFFFFFFB0  }
0x2b7: {  	_ =	sfence.sel $0x180000  }
0x2b8: {  	[bflag:$0x0] =	sbarrier.arrive $0xFFFF  }
0x2b9: {  	_ =	strace $0x90000047  }
0x2ba: {  	[bflag:$0x2] =	sbarrier.arrive $0xFFFF  }
0x2bb: {  	s0 =	rddreg [dreg:$0x4]  }
0x2bc: {  	s0 =	sadd.s32 @!p0 $0x100000, s0  }
0x2bd: {  	[sflag:s0] =	ssyncadd.tile.s32 @!p0 $0x1;
	_ =	shalt  }
.Lfunc_end2:
_tile_overlayer_lowered:
.L_overlay_start_2:
0x2be: {  	(tag) =	ssettag $0x2  }
0x2bf: {  	s0 =	rddreg [dreg:$0x0];
	s2 =	stileid.u32  }
0x2c0: {  	s1 =	rddreg [dreg:$0x1];
	p0 =	sne.s32 s2, $0x0  }
0x2c1: {  	s3 =	rddreg [dreg:$0x2];
	[bflag:$0x3] =	sbarrier.arrive $0xFFFF;
	s2 =	simm.s32 @!p0 $0x1C07  }
0x2c2: {  	[timem:s3], [sflag:s2] =	dma.local @!p0 [hbm:s0], s1  }
0x2c3: {  	s0 =	simm.s32 @!p0 $0x7  }
0x2c4: {  	_ =	swait.ge @!p0 [sflag:s0], s1  }
0x2c5: {  	s1 =	ssub.s32 @!p0 $0x0, s1;
	[sflag:s0] =	ssyncset.done @!p0 $0x0  }
0x2c6: {  	[sflag:s0] =	ssyncadd.s32 @!p0 s1  }
0x2c7: {  	[bflag:$0x3] =	sbarrier.arrive $0xFFFF  }
0x2c8: {  	_ =	shalt  }

</sc_bundles>
